<compile_context>
chip_gen: v7x
topology: tpu7x:2x2x1
jax: 0.10.2.dev20260603
libtpu: 0.0.44.dev20260713+nightly
codegen_flags: <defaults>
</compile_context>

<pallas_src>
import functools

import jax
import jax.numpy as jnp
from jax import lax
from jax.experimental import pallas as pl
from jax.experimental.pallas import tpu as pltpu
from jax.experimental.pallas import tpu_sc as plsc

B = 8
N = 8192
S = N // 4
NC, NS, L = 2, 16, 16
GRP = 4
PPT = N // GRP
NCHUNK = PPT // L
OPT = S // GRP
CH = OPT // 4
D = 128
DOUT = 3 + D
FPAD = PPT + L
SPAD = S + L

_mesh = plsc.VectorSubcoreMesh(
    core_axis_name="c", subcore_axis_name="s", num_cores=NC, num_subcores=NS)

_DNUMS = lax.GatherDimensionNumbers(
    offset_dims=(), collapsed_slice_dims=(0,), start_index_map=(0,))


def _perm(v, ix):
    return lax.gather(v, ix[:, None], dimension_numbers=_DNUMS,
                      slice_sizes=(1,),
                      mode=lax.GatherScatterMode.PROMISE_IN_BOUNDS)


def _srl31(x):
    return lax.shift_right_logical(x, 31)


def _combine(av, ai, bv, bi):
    ab = plsc.bitcast(av, jnp.int32)
    bb = plsc.bitcast(bv, jnp.int32)
    g01 = _srl31(ab - bb)
    x = jnp.bitwise_xor(ab, bb)
    eq01 = 1 - jnp.minimum(x, 1)
    l01 = _srl31(bi - ai)
    take01 = jnp.bitwise_or(g01, jnp.bitwise_and(eq01, l01))
    em = -take01
    nem = jnp.bitwise_not(em)
    nv = jnp.bitwise_or(jnp.bitwise_and(ab, nem), jnp.bitwise_and(bb, em))
    ni = jnp.bitwise_or(jnp.bitwise_and(ai, nem), jnp.bitwise_and(bi, em))
    return plsc.bitcast(nv, jnp.float32), ni, em, nem


def _blendf(a, b, em, nem):
    ab = plsc.bitcast(a, jnp.int32)
    bb = plsc.bitcast(b, jnp.int32)
    return plsc.bitcast(
        jnp.bitwise_or(jnp.bitwise_and(ab, nem), jnp.bitwise_and(bb, em)),
        jnp.float32)


@functools.partial(
    pl.kernel,
    out_type=(
        jax.ShapeDtypeStruct((B * S, 3), jnp.float32),
        jax.ShapeDtypeStruct((B * S, DOUT), jnp.float32),
        jax.ShapeDtypeStruct((B * S, D), jnp.float32),
    ),
    mesh=_mesh,
    compiler_params=pltpu.CompilerParams(
        use_tc_tiling_on_sc=False, needs_layout_passes=False),
    scratch_types=dict(
        xl=pltpu.VMEM((PPT,), jnp.float32),
        yl=pltpu.VMEM((PPT,), jnp.float32),
        zl=pltpu.VMEM((PPT,), jnp.float32),
        dists=pltpu.VMEM((PPT,), jnp.float32),
        flags=pltpu.VMEM((FPAD,), jnp.int32),
        pub=pltpu.VMEM((1, 128), jnp.float32),
        combuf=pltpu.VMEM((GRP, 128), jnp.float32),
        sidx=pltpu.VMEM((SPAD,), jnp.int32),
        sidxg=pltpu.VMEM((SPAD,), jnp.int32),
        flagsall=pltpu.VMEM((GRP * PPT,), jnp.int32),
        xyzall=pltpu.VMEM((GRP * 3 * PPT,), jnp.float32),
        pbuf=pltpu.VMEM((CH, D), jnp.float32),
        rbuf=pltpu.VMEM((CH, DOUT), jnp.float32),
        xbuf=pltpu.VMEM((CH, 3), jnp.float32),
        resbuf=pltpu.VMEM((CH, D), jnp.float32),
        comm=pltpu.VMEM_SHARED((NS, 128), jnp.float32),
        shflags=pltpu.VMEM_SHARED((NS * PPT,), jnp.int32),
        shxyz=pltpu.VMEM_SHARED((NS * 3 * PPT,), jnp.float32),
        sem=pltpu.SemaphoreType.DMA,
        sem2=pltpu.SemaphoreType.DMA,
    ),
)
def _sc_grouper(xtf, pts, res, nxyz_o, npts_o, res_o,
                xl, yl, zl, dists, flags, pub, combuf, sidx, sidxg,
                flagsall, xyzall, pbuf, rbuf, xbuf, resbuf,
                comm, shflags, shxyz, sem, sem2):
    c = lax.axis_index("c")
    s = lax.axis_index("s")
    b = c * 4 + s // GRP
    m = s % GRP
    gbase = (s // GRP) * GRP
    base = m * PPT

    iota = lax.iota(jnp.int32, L)
    zero_v = jnp.zeros((L,), jnp.int32)
    ones_i = jnp.ones((L,), jnp.int32)
    base_v = jnp.full((L,), base, jnp.int32)

    xoff = b * 3 * N + base
    pltpu.sync_copy(xtf.at[pl.ds(xoff, PPT)], xl)
    pltpu.sync_copy(xtf.at[pl.ds(xoff + N, PPT)], yl)
    pltpu.sync_copy(xtf.at[pl.ds(xoff + 2 * N, PPT)], zl)
    pltpu.sync_copy(xl, shxyz.at[pl.ds((s * 3 + 0) * PPT, PPT)])
    pltpu.sync_copy(yl, shxyz.at[pl.ds((s * 3 + 1) * PPT, PPT)])
    pltpu.sync_copy(zl, shxyz.at[pl.ds((s * 3 + 2) * PPT, PPT)])

    def init_body(j, _):
        sl = pl.ds(j * L, L)
        dists[sl] = jnp.full((L,), 1e10, jnp.float32)
        flags[sl] = jnp.zeros((L,), jnp.int32)
        return 0
    lax.fori_loop(0, NCHUNK, init_body, 0)
    flags[pl.ds(PPT, L)] = jnp.zeros((L,), jnp.int32)

    cx0 = _perm(xl[pl.ds(0, L)], zero_v)
    cy0 = _perm(yl[pl.ds(0, L)], zero_v)
    cz0 = _perm(zl[pl.ds(0, L)], zero_v)
    pub[0, pl.ds(32, L)] = cx0
    pub[0, pl.ds(48, L)] = cy0
    pub[0, pl.ds(64, L)] = cz0
    pltpu.sync_copy(pub, comm.at[pl.ds(s, 1)])
    plsc.subcore_barrier()
    pltpu.sync_copy(comm.at[pl.ds(gbase, GRP)], combuf)
    plsc.subcore_barrier()
    wcx = combuf[0, pl.ds(32, L)]
    wcy = combuf[0, pl.ds(48, L)]
    wcz = combuf[0, pl.ds(64, L)]
    wi_v = zero_v

    zero_f = jnp.zeros((L,), jnp.float32)

    def step_body(i, carry):
        wi_v, wcx, wcy, wcz = carry
        loc_v = wi_v - base_v
        neg01 = _srl31(loc_v)
        hi01 = _srl31((PPT - 1) - loc_v)
        own01 = jnp.bitwise_and(1 - neg01, 1 - hi01)
        emo = -own01
        addr = jnp.bitwise_or(
            jnp.bitwise_and(loc_v, emo),
            jnp.bitwise_and(jnp.full((L,), PPT, jnp.int32),
                            jnp.bitwise_not(emo)))
        plsc.store_scatter(flags, [addr], ones_i)

        def chunk(j, acc):
            bmax, bidx, bx, by, bz = acc
            sl = pl.ds(j * L, L)
            xv = xl[sl]
            yv = yl[sl]
            zv = zl[sl]
            dx = xv - wcx
            dy = yv - wcy
            dz = zv - wcz
            d = dx * dx + dy * dy
            d = d + dz * dz
            nd = jnp.minimum(dists[sl], d)
            dists[sl] = nd
            gidx = base + j * L + iota
            newmax = jnp.maximum(bmax, nd)
            diff = (plsc.bitcast(newmax, jnp.int32)
                    - plsc.bitcast(bmax, jnp.int32))
            em = -jnp.minimum(diff, 1)
            nem = jnp.bitwise_not(em)
            bidx = jnp.bitwise_or(jnp.bitwise_and(bidx, nem),
                                  jnp.bitwise_and(gidx, em))
            bx = _blendf(bx, xv, em, nem)
            by = _blendf(by, yv, em, nem)
            bz = _blendf(bz, zv, em, nem)
            return (newmax, bidx, bx, by, bz)

        bmax, bidx, bx, by, bz = lax.fori_loop(
            0, NCHUNK, chunk, (zero_f, zero_v, zero_f, zero_f, zero_f))
        for dsh in (1, 2, 4, 8):
            pix = jnp.bitwise_xor(iota, dsh)
            pv = _perm(bmax, pix)
            pi = _perm(bidx, pix)
            px = _perm(bx, pix)
            py = _perm(by, pix)
            pz = _perm(bz, pix)
            bmax, bidx, em, nem = _combine(bmax, bidx, pv, pi)
            bx = _blendf(bx, px, em, nem)
            by = _blendf(by, py, em, nem)
            bz = _blendf(bz, pz, em, nem)
        pub[0, pl.ds(0, L)] = bmax
        pub[0, pl.ds(16, L)] = plsc.bitcast(bidx, jnp.float32)
        pub[0, pl.ds(32, L)] = bx
        pub[0, pl.ds(48, L)] = by
        pub[0, pl.ds(64, L)] = bz
        pltpu.sync_copy(pub, comm.at[pl.ds(s, 1)])
        plsc.subcore_barrier()
        pltpu.sync_copy(comm.at[pl.ds(gbase, GRP)], combuf)
        plsc.subcore_barrier()
        bv = combuf[0, pl.ds(0, L)]
        bi = plsc.bitcast(combuf[0, pl.ds(16, L)], jnp.int32)
        bcx = combuf[0, pl.ds(32, L)]
        bcy = combuf[0, pl.ds(48, L)]
        bcz = combuf[0, pl.ds(64, L)]
        for t in range(1, GRP):
            tv = combuf[t, pl.ds(0, L)]
            ti = plsc.bitcast(combuf[t, pl.ds(16, L)], jnp.int32)
            bv, bi, em, nem = _combine(bv, bi, tv, ti)
            bcx = _blendf(bcx, combuf[t, pl.ds(32, L)], em, nem)
            bcy = _blendf(bcy, combuf[t, pl.ds(48, L)], em, nem)
            bcz = _blendf(bcz, combuf[t, pl.ds(64, L)], em, nem)
        return (bi, bcx, bcy, bcz)

    lax.fori_loop(0, S, step_body, (wi_v, wcx, wcy, wcz))

    pltpu.sync_copy(flags.at[pl.ds(0, PPT)], shflags.at[pl.ds(s * PPT, PPT)])
    plsc.subcore_barrier()
    pltpu.sync_copy(shflags.at[pl.ds(gbase * PPT, GRP * PPT)], flagsall)
    pltpu.sync_copy(shxyz.at[pl.ds(gbase * 3 * PPT, GRP * 3 * PPT)], xyzall)

    boff = jnp.full((L,), b * N, jnp.int32)
    lane15 = jnp.full((L,), 15, jnp.int32)
    sdump = jnp.full((L,), S, jnp.int32)

    def cbody(jc, pos_v):
        sl = pl.ds(jc * L, L)
        fv = flagsall[sl]
        pc = fv
        for dsh in (1, 2, 4, 8):
            sh = _perm(pc, jnp.maximum(iota - dsh, 0))
            ok01 = 1 - _srl31(iota - dsh)
            pc = pc + jnp.bitwise_and(sh, -ok01)
        positions = pos_v + pc - 1
        emf = -fv
        addr = jnp.bitwise_or(
            jnp.bitwise_and(positions, emf),
            jnp.bitwise_and(sdump, jnp.bitwise_not(emf)))
        gidx = jc * L + iota
        plsc.store_scatter(sidx, [addr], gidx)
        plsc.store_scatter(sidxg, [addr], gidx + boff)
        return pos_v + _perm(pc, lane15)

    lax.fori_loop(0, GRP * NCHUNK, cbody, zero_v)

    for ci in range(4):
        obase = m * OPT + ci * CH
        idxg_ref = sidxg.at[pl.ds(obase, CH)]
        cp1 = pltpu.async_copy(pts.at[idxg_ref], pbuf, sem)
        cp2 = pltpu.async_copy(res.at[idxg_ref], resbuf, sem2)
        for q in range(CH // L):
            iv = sidx[pl.ds(obase + q * L, L)]
            tv = lax.shift_right_logical(iv, 11)
            ov = jnp.bitwise_and(iv, PPT - 1)
            fbase = (lax.shift_left(tv, 12) + lax.shift_left(tv, 11)) + ov
            xv = plsc.load_gather(xyzall, [fbase])
            yv = plsc.load_gather(xyzall, [fbase + PPT])
            zv = plsc.load_gather(xyzall, [fbase + 2 * PPT])
            rv = q * L + iota
            plsc.store_scatter(xbuf, [rv, zero_v], xv)
            plsc.store_scatter(xbuf, [rv, ones_i], yv)
            plsc.store_scatter(xbuf, [rv, ones_i + 1], zv)
            plsc.store_scatter(rbuf, [rv, zero_v], xv)
            plsc.store_scatter(rbuf, [rv, ones_i], yv)
            plsc.store_scatter(rbuf, [rv, ones_i + 1], zv)
        cp1.wait()

        def rowbody(r, _):
            rvv = jnp.full((L,), r, jnp.int32)
            for k in range(D // L):
                cv = k * L + iota
                v = plsc.load_gather(pbuf, [rvv, cv])
                plsc.store_scatter(rbuf, [rvv, cv + 3], v)
            return 0
        lax.fori_loop(0, CH, rowbody, 0)
        cp2.wait()

        ob = b * S + obase
        pltpu.sync_copy(xbuf, nxyz_o.at[pl.ds(ob, CH)])
        pltpu.sync_copy(rbuf, npts_o.at[pl.ds(ob, CH)])
        pltpu.sync_copy(resbuf, res_o.at[pl.ds(ob, CH)])


def kernel(xyz, points, points_res):
    xtf = jnp.transpose(xyz, (0, 2, 1)).reshape(-1)
    pts = points.reshape(B * N, D)
    res = points_res.reshape(B * N, D)
    nxyz, npts, resg = _sc_grouper(xtf, pts, res)
    return (nxyz.reshape(B, S, 3),
            npts.reshape(B, S, 1, DOUT),
            resg.reshape(B, S, D))

# --- scband reference (transcript-rebuilt; emitter-appended) ---
"""Pipeline reference for scband-local-grouper-without-knn-81836306858510 (READ-ONLY COPY).

The authoritative reference and input builder live on the scoring server;
editing this copy changes nothing except your own understanding.
"""

import jax, jax.numpy as jnp
import numpy as np

SAMPLE_RATIO = 4
USE_XYZ = True


def furthest_point_sample(xyz, S):
    # Faithful iterative FPS matching pointnet2's furthest_point_sample CUDA kernel:
    # start from index 0, maintain running min squared distance to the sampled set,
    # pick argmax each step.
    B, N, _ = xyz.shape

    def body(i, state):
        idxs, dists, farthest = state
        idxs = idxs.at[:, i].set(farthest)
        centroid = jnp.take_along_axis(xyz, farthest[:, None, None], axis=1)  # [B,1,3]
        d = jnp.sum((xyz - centroid) ** 2, axis=-1)  # [B,N]
        dists = jnp.minimum(dists, d)
        farthest = jnp.argmax(dists, axis=-1).astype(jnp.int32)
        return (idxs, dists, farthest)

    idxs0 = jnp.zeros((B, S), dtype=jnp.int32)
    dists0 = jnp.full((B, N), 1e10, dtype=jnp.float32)
    farthest0 = jnp.zeros((B,), dtype=jnp.int32)
    idxs, _, _ = jax.lax.fori_loop(0, S, body, (idxs0, dists0, farthest0))
    return idxs


def index_points(points, idx):
    # points: [B, N, C]; idx: [B, S] -> [B, S, C]
    return jnp.take_along_axis(points, idx[:, :, None], axis=1)


def setup_inputs(seed: int = 0) -> dict:
    key = jax.random.key(seed)
    k1, k2, k3 = jax.random.split(key, 3)
    xyz = jax.random.normal(k1, (8, 8192, 3), dtype=jnp.float32)
    points = jax.random.normal(k2, (8, 8192, 128), dtype=jnp.float32)
    points_res = jax.random.normal(k3, (8, 8192, 128), dtype=jnp.float32)
    return {"xyz": xyz, "points": points, "points_res": points_res}


def reference(xyz, points, points_res):
    B, N, C = xyz.shape
    S = N // SAMPLE_RATIO
    if S == N:
        new_xyz = xyz
        new_points = points
    else:
        fps_idx = furthest_point_sample(xyz, S)
        fps_idx = jnp.sort(fps_idx, axis=-1)
        new_xyz = index_points(xyz, fps_idx)
        new_points = index_points(points, fps_idx)
        points_res = index_points(points_res, fps_idx)
    if USE_XYZ:
        new_points = jnp.concatenate([new_xyz, new_points], axis=-1)
    return (new_xyz, new_points[:, :, None, :], points_res)

if __name__ == "__main__":
    import jax
    _d = setup_inputs()
    print(jax.jit(kernel)(*tuple(_d.values())))

</pallas_src>

<mosaic_0001>
#map = affine_map<(d0, d1) -> (0)>
#map1 = affine_map<(d0, d1) -> (0, 0)>
module attributes {stable_mosaic.version = 14 : i64} {
  func.func @_sc_grouper(%arg0: i32, %arg1: i32, %arg2: memref<196608xf32, #tpu.memory_space<hbm>>, %arg3: memref<65536x128xf32, #tpu.memory_space<hbm>>, %arg4: memref<65536x128xf32, #tpu.memory_space<hbm>>, %arg5: memref<16384x3xf32, #tpu.memory_space<hbm>>, %arg6: memref<16384x131xf32, #tpu.memory_space<hbm>>, %arg7: memref<16384x128xf32, #tpu.memory_space<hbm>>, %arg8: memref<4x128xf32, #tpu.memory_space<vmem>>, %arg9: memref<16x128xf32, #tpu.memory_space<vmem_shared>>, %arg10: memref<2048xf32, #tpu.memory_space<vmem>>, %arg11: memref<2064xi32, #tpu.memory_space<vmem>>, %arg12: memref<8192xi32, #tpu.memory_space<vmem>>, %arg13: memref<128x128xf32, #tpu.memory_space<vmem>>, %arg14: memref<1x128xf32, #tpu.memory_space<vmem>>, %arg15: memref<128x131xf32, #tpu.memory_space<vmem>>, %arg16: memref<128x128xf32, #tpu.memory_space<vmem>>, %arg17: memref<!tpu.dma_semaphore, #tpu.memory_space<semaphore_mem>>, %arg18: memref<!tpu.dma_semaphore, #tpu.memory_space<semaphore_mem>>, %arg19: memref<32768xi32, #tpu.memory_space<vmem_shared>>, %arg20: memref<98304xf32, #tpu.memory_space<vmem_shared>>, %arg21: memref<2064xi32, #tpu.memory_space<vmem>>, %arg22: memref<2064xi32, #tpu.memory_space<vmem>>, %arg23: memref<128x3xf32, #tpu.memory_space<vmem>>, %arg24: memref<2048xf32, #tpu.memory_space<vmem>>, %arg25: memref<24576xf32, #tpu.memory_space<vmem>>, %arg26: memref<2048xf32, #tpu.memory_space<vmem>>, %arg27: memref<2048xf32, #tpu.memory_space<vmem>>) attributes {dimension_semantics = [#tpu.dimension_semantics<core_parallel>, #tpu.dimension_semantics<subcore_parallel>], iteration_bounds = array<i64: 2, 16>, scalar_prefetch = 0 : i64, scratch_operands = 20 : i64, tpu.core_type = #tpu.core_type<sc_vector_subcore>, window_params = [{transform_indices = #map}, {transform_indices = #map1}, {transform_indices = #map1}, {transform_indices = #map1}, {transform_indices = #map1}, {transform_indices = #map1}]} {
    %mul3A = arith.constant 4 : i32
    %mul3A_0 = arith.muli %arg0, %mul3A : i32
    %jit3A = arith.constant 4 : i32
    %div3A = arith.divsi %arg1, %jit3A : i32
    %sign3A = arith.constant 0 : i32
    %sign3A_1 = arith.cmpi sgt, %arg1, %sign3A : i32
    %sign3A_2 = arith.extui %sign3A_1 : i1 to i32
    %sign3A_3 = arith.constant 0 : i32
    %sign3A_4 = arith.cmpi slt, %arg1, %sign3A_3 : i32
    %sign3A_5 = arith.extui %sign3A_4 : i1 to i32
    %sign3A_6 = arith.subi %sign3A_2, %sign3A_5 : i32
    %sign3A_7 = arith.constant 0 : i32
    %sign3A_8 = arith.cmpi sgt, %jit3A, %sign3A_7 : i32
    %sign3A_9 = arith.extui %sign3A_8 : i1 to i32
    %sign3A_10 = arith.constant 0 : i32
    %sign3A_11 = arith.cmpi slt, %jit3A, %sign3A_10 : i32
    %sign3A_12 = arith.extui %sign3A_11 : i1 to i32
    %sign3A_13 = arith.subi %sign3A_9, %sign3A_12 : i32
    %ne3A = arith.cmpi ne, %sign3A_6, %sign3A_13 : i32
    %rem3A = arith.remsi %arg1, %jit3A : i32
    %ne3A_14 = arith.constant 0 : i32
    %ne3A_15 = arith.cmpi ne, %rem3A, %ne3A_14 : i32
    %and3A = arith.andi %ne3A, %ne3A_15 : i1
    %sub3A = arith.constant 1 : i32
    %sub3A_16 = arith.subi %div3A, %sub3A : i32
    %select_n3A = arith.select %and3A, %sub3A_16, %div3A : i32
    %add3A = arith.addi %mul3A_0, %select_n3A : i32
    %jit3A_17 = arith.constant 4 : i32
    %eq3A = arith.constant 0 : i32
    %eq3A_18 = arith.cmpi eq, %jit3A_17, %eq3A : i32
    %jit3A_19 = arith.constant 1 : i32
    %select_n3A_20 = arith.select %eq3A_18, %jit3A_19, %jit3A_17 : i32
    %rem3A_21 = arith.remsi %arg1, %select_n3A_20 : i32
    %ne3A_22 = arith.constant 0 : i32
    %ne3A_23 = arith.cmpi ne, %rem3A_21, %ne3A_22 : i32
    %lt3A = arith.constant 0 : i32
    %lt3A_24 = arith.cmpi slt, %rem3A_21, %lt3A : i32
    %lt3A_25 = arith.constant 0 : i32
    %lt3A_26 = arith.cmpi slt, %select_n3A_20, %lt3A_25 : i32
    %ne3A_27 = arith.xori %lt3A_24, %lt3A_26 : i1
    %and3A_28 = arith.andi %ne3A_27, %ne3A_23 : i1
    %add3A_29 = arith.addi %rem3A_21, %select_n3A_20 : i32
    %select_n3A_30 = arith.select %and3A_28, %add3A_29, %rem3A_21 : i32
    %jit3A_31 = arith.constant 4 : i32
    %div3A_32 = arith.divsi %arg1, %jit3A_31 : i32
    %sign3A_33 = arith.constant 0 : i32
    %sign3A_34 = arith.cmpi sgt, %arg1, %sign3A_33 : i32
    %sign3A_35 = arith.extui %sign3A_34 : i1 to i32
    %sign3A_36 = arith.constant 0 : i32
    %sign3A_37 = arith.cmpi slt, %arg1, %sign3A_36 : i32
    %sign3A_38 = arith.extui %sign3A_37 : i1 to i32
    %sign3A_39 = arith.subi %sign3A_35, %sign3A_38 : i32
    %sign3A_40 = arith.constant 0 : i32
    %sign3A_41 = arith.cmpi sgt, %jit3A_31, %sign3A_40 : i32
    %sign3A_42 = arith.extui %sign3A_41 : i1 to i32
    %sign3A_43 = arith.constant 0 : i32
    %sign3A_44 = arith.cmpi slt, %jit3A_31, %sign3A_43 : i32
    %sign3A_45 = arith.extui %sign3A_44 : i1 to i32
    %sign3A_46 = arith.subi %sign3A_42, %sign3A_45 : i32
    %ne3A_47 = arith.cmpi ne, %sign3A_39, %sign3A_46 : i32
    %rem3A_48 = arith.remsi %arg1, %jit3A_31 : i32
    %ne3A_49 = arith.constant 0 : i32
    %ne3A_50 = arith.cmpi ne, %rem3A_48, %ne3A_49 : i32
    %and3A_51 = arith.andi %ne3A_47, %ne3A_50 : i1
    %sub3A_52 = arith.constant 1 : i32
    %sub3A_53 = arith.subi %div3A_32, %sub3A_52 : i32
    %select_n3A_54 = arith.select %and3A_51, %sub3A_53, %div3A_32 : i32
    %mul3A_55 = arith.constant 4 : i32
    %mul3A_56 = arith.muli %select_n3A_54, %mul3A_55 : i32
    %mul3A_57 = arith.constant 2048 : i32
    %mul3A_58 = arith.muli %select_n3A_30, %mul3A_57 : i32
    %iota3A = tpu.iota {dimensions = array<i32: 0>} : vector<16xi32>
    %broadcast_in_dim3A = arith.constant 0 : i32
    %broadcast_in_dim3A_59 = vector.broadcast %broadcast_in_dim3A : i32 to vector<16xi32>
    %broadcast_in_dim3A_60 = arith.constant 1 : i32
    %broadcast_in_dim3A_61 = vector.broadcast %broadcast_in_dim3A_60 : i32 to vector<16xi32>
    %broadcast_in_dim3A_62 = vector.broadcast %mul3A_58 : i32 to vector<16xi32>
    %mul3A_63 = arith.constant 3 : i32
    %mul3A_64 = arith.muli %add3A, %mul3A_63 : i32
    %mul3A_65 = arith.constant 8192 : i32
    %mul3A_66 = arith.muli %mul3A_64, %mul3A_65 : i32
    %add3A_67 = arith.addi %mul3A_66, %mul3A_58 : i32
    "tpu.region"() ({
      %run_scoped3A = tpu.sem_alloc : memref<!tpu.dma_semaphore, #tpu.memory_space<semaphore_mem>>
      %dma_start3A_1435 = tpu.memref_slice %arg2[%add3A_67] : memref<196608xf32, #tpu.memory_space<hbm>> -> memref<2048xf32, #tpu.memory_space<hbm>>
      %dma_start3A_1436 = tpu.memref_slice %arg2[%add3A_67] : memref<196608xf32, #tpu.memory_space<hbm>> -> memref<2048xf32, #tpu.memory_space<hbm>>
      tpu.enqueue_dma source(%dma_start3A_1436 : memref<2048xf32, #tpu.memory_space<hbm>>) target(%arg24 : memref<2048xf32, #tpu.memory_space<vmem>>) target_semaphore(%run_scoped3A : memref<!tpu.dma_semaphore, #tpu.memory_space<semaphore_mem>>)
      %dma_wait3A_1437 = tpu.memref_slice %arg2[%add3A_67] : memref<196608xf32, #tpu.memory_space<hbm>> -> memref<2048xf32, #tpu.memory_space<hbm>>
      %dma_wait3A_1438 = tpu.memref_slice %arg2[%add3A_67] : memref<196608xf32, #tpu.memory_space<hbm>> -> memref<2048xf32, #tpu.memory_space<hbm>>
      tpu.wait_dma2 semaphore(%run_scoped3A : memref<!tpu.dma_semaphore, #tpu.memory_space<semaphore_mem>>) src(%dma_wait3A_1438 : memref<2048xf32, #tpu.memory_space<hbm>>) dst(%arg24 : memref<2048xf32, #tpu.memory_space<vmem>>)
      tpu.yield
    }) : () -> ()
    %add3A_68 = arith.constant 8192 : i32
    %add3A_69 = arith.addi %add3A_67, %add3A_68 : i32
    "tpu.region"() ({
      %run_scoped3A = tpu.sem_alloc : memref<!tpu.dma_semaphore, #tpu.memory_space<semaphore_mem>>
      %dma_start3A_1435 = tpu.memref_slice %arg2[%add3A_69] : memref<196608xf32, #tpu.memory_space<hbm>> -> memref<2048xf32, #tpu.memory_space<hbm>>
      %dma_start3A_1436 = tpu.memref_slice %arg2[%add3A_69] : memref<196608xf32, #tpu.memory_space<hbm>> -> memref<2048xf32, #tpu.memory_space<hbm>>
      tpu.enqueue_dma source(%dma_start3A_1436 : memref<2048xf32, #tpu.memory_space<hbm>>) target(%arg26 : memref<2048xf32, #tpu.memory_space<vmem>>) target_semaphore(%run_scoped3A : memref<!tpu.dma_semaphore, #tpu.memory_space<semaphore_mem>>)
      %dma_wait3A_1437 = tpu.memref_slice %arg2[%add3A_69] : memref<196608xf32, #tpu.memory_space<hbm>> -> memref<2048xf32, #tpu.memory_space<hbm>>
      %dma_wait3A_1438 = tpu.memref_slice %arg2[%add3A_69] : memref<196608xf32, #tpu.memory_space<hbm>> -> memref<2048xf32, #tpu.memory_space<hbm>>
      tpu.wait_dma2 semaphore(%run_scoped3A : memref<!tpu.dma_semaphore, #tpu.memory_space<semaphore_mem>>) src(%dma_wait3A_1438 : memref<2048xf32, #tpu.memory_space<hbm>>) dst(%arg26 : memref<2048xf32, #tpu.memory_space<vmem>>)
      tpu.yield
    }) : () -> ()
    %add3A_70 = arith.constant 16384 : i32
    %add3A_71 = arith.addi %add3A_67, %add3A_70 : i32
    "tpu.region"() ({
      %run_scoped3A = tpu.sem_alloc : memref<!tpu.dma_semaphore, #tpu.memory_space<semaphore_mem>>
      %dma_start3A_1435 = tpu.memref_slice %arg2[%add3A_71] : memref<196608xf32, #tpu.memory_space<hbm>> -> memref<2048xf32, #tpu.memory_space<hbm>>
      %dma_start3A_1436 = tpu.memref_slice %arg2[%add3A_71] : memref<196608xf32, #tpu.memory_space<hbm>> -> memref<2048xf32, #tpu.memory_space<hbm>>
      tpu.enqueue_dma source(%dma_start3A_1436 : memref<2048xf32, #tpu.memory_space<hbm>>) target(%arg27 : memref<2048xf32, #tpu.memory_space<vmem>>) target_semaphore(%run_scoped3A : memref<!tpu.dma_semaphore, #tpu.memory_space<semaphore_mem>>)
      %dma_wait3A_1437 = tpu.memref_slice %arg2[%add3A_71] : memref<196608xf32, #tpu.memory_space<hbm>> -> memref<2048xf32, #tpu.memory_space<hbm>>
      %dma_wait3A_1438 = tpu.memref_slice %arg2[%add3A_71] : memref<196608xf32, #tpu.memory_space<hbm>> -> memref<2048xf32, #tpu.memory_space<hbm>>
      tpu.wait_dma2 semaphore(%run_scoped3A : memref<!tpu.dma_semaphore, #tpu.memory_space<semaphore_mem>>) src(%dma_wait3A_1438 : memref<2048xf32, #tpu.memory_space<hbm>>) dst(%arg27 : memref<2048xf32, #tpu.memory_space<vmem>>)
      tpu.yield
    }) : () -> ()
    %mul3A_72 = arith.constant 3 : i32
    %mul3A_73 = arith.muli %arg1, %mul3A_72 : i32
    %add3A_74 = arith.constant 0 : i32
    %add3A_75 = arith.addi %mul3A_73, %add3A_74 : i32
    %mul3A_76 = arith.constant 2048 : i32
    %mul3A_77 = arith.muli %add3A_75, %mul3A_76 : i32
    "tpu.region"() ({
      %run_scoped3A = tpu.sem_alloc : memref<!tpu.dma_semaphore, #tpu.memory_space<semaphore_mem>>
      %dma_start3A_1435 = tpu.memref_slice %arg20[%mul3A_77] : memref<98304xf32, #tpu.memory_space<vmem_shared>> -> memref<2048xf32, #tpu.memory_space<vmem_shared>>
      %dma_start3A_1436 = tpu.memref_slice %arg20[%mul3A_77] : memref<98304xf32, #tpu.memory_space<vmem_shared>> -> memref<2048xf32, #tpu.memory_space<vmem_shared>>
      tpu.enqueue_dma source(%arg24 : memref<2048xf32, #tpu.memory_space<vmem>>) target(%dma_start3A_1436 : memref<2048xf32, #tpu.memory_space<vmem_shared>>) target_semaphore(%run_scoped3A : memref<!tpu.dma_semaphore, #tpu.memory_space<semaphore_mem>>)
      %dma_wait3A_1437 = tpu.memref_slice %arg20[%mul3A_77] : memref<98304xf32, #tpu.memory_space<vmem_shared>> -> memref<2048xf32, #tpu.memory_space<vmem_shared>>
      %dma_wait3A_1438 = tpu.memref_slice %arg20[%mul3A_77] : memref<98304xf32, #tpu.memory_space<vmem_shared>> -> memref<2048xf32, #tpu.memory_space<vmem_shared>>
      tpu.wait_dma2 semaphore(%run_scoped3A : memref<!tpu.dma_semaphore, #tpu.memory_space<semaphore_mem>>) src(%arg24 : memref<2048xf32, #tpu.memory_space<vmem>>) dst(%dma_wait3A_1438 : memref<2048xf32, #tpu.memory_space<vmem_shared>>)
      tpu.yield
    }) : () -> ()
    %mul3A_78 = arith.constant 3 : i32
    %mul3A_79 = arith.muli %arg1, %mul3A_78 : i32
    %add3A_80 = arith.constant 1 : i32
    %add3A_81 = arith.addi %mul3A_79, %add3A_80 : i32
    %mul3A_82 = arith.constant 2048 : i32
    %mul3A_83 = arith.muli %add3A_81, %mul3A_82 : i32
    "tpu.region"() ({
      %run_scoped3A = tpu.sem_alloc : memref<!tpu.dma_semaphore, #tpu.memory_space<semaphore_mem>>
      %dma_start3A_1435 = tpu.memref_slice %arg20[%mul3A_83] : memref<98304xf32, #tpu.memory_space<vmem_shared>> -> memref<2048xf32, #tpu.memory_space<vmem_shared>>
      %dma_start3A_1436 = tpu.memref_slice %arg20[%mul3A_83] : memref<98304xf32, #tpu.memory_space<vmem_shared>> -> memref<2048xf32, #tpu.memory_space<vmem_shared>>
      tpu.enqueue_dma source(%arg26 : memref<2048xf32, #tpu.memory_space<vmem>>) target(%dma_start3A_1436 : memref<2048xf32, #tpu.memory_space<vmem_shared>>) target_semaphore(%run_scoped3A : memref<!tpu.dma_semaphore, #tpu.memory_space<semaphore_mem>>)
      %dma_wait3A_1437 = tpu.memref_slice %arg20[%mul3A_83] : memref<98304xf32, #tpu.memory_space<vmem_shared>> -> memref<2048xf32, #tpu.memory_space<vmem_shared>>
      %dma_wait3A_1438 = tpu.memref_slice %arg20[%mul3A_83] : memref<98304xf32, #tpu.memory_space<vmem_shared>> -> memref<2048xf32, #tpu.memory_space<vmem_shared>>
      tpu.wait_dma2 semaphore(%run_scoped3A : memref<!tpu.dma_semaphore, #tpu.memory_space<semaphore_mem>>) src(%arg26 : memref<2048xf32, #tpu.memory_space<vmem>>) dst(%dma_wait3A_1438 : memref<2048xf32, #tpu.memory_space<vmem_shared>>)
      tpu.yield
    }) : () -> ()
    %mul3A_84 = arith.constant 3 : i32
    %mul3A_85 = arith.muli %arg1, %mul3A_84 : i32
    %add3A_86 = arith.constant 2 : i32
    %add3A_87 = arith.addi %mul3A_85, %add3A_86 : i32
    %mul3A_88 = arith.constant 2048 : i32
    %mul3A_89 = arith.muli %add3A_87, %mul3A_88 : i32
    "tpu.region"() ({
      %run_scoped3A = tpu.sem_alloc : memref<!tpu.dma_semaphore, #tpu.memory_space<semaphore_mem>>
      %dma_start3A_1435 = tpu.memref_slice %arg20[%mul3A_89] : memref<98304xf32, #tpu.memory_space<vmem_shared>> -> memref<2048xf32, #tpu.memory_space<vmem_shared>>
      %dma_start3A_1436 = tpu.memref_slice %arg20[%mul3A_89] : memref<98304xf32, #tpu.memory_space<vmem_shared>> -> memref<2048xf32, #tpu.memory_space<vmem_shared>>
      tpu.enqueue_dma source(%arg27 : memref<2048xf32, #tpu.memory_space<vmem>>) target(%dma_start3A_1436 : memref<2048xf32, #tpu.memory_space<vmem_shared>>) target_semaphore(%run_scoped3A : memref<!tpu.dma_semaphore, #tpu.memory_space<semaphore_mem>>)
      %dma_wait3A_1437 = tpu.memref_slice %arg20[%mul3A_89] : memref<98304xf32, #tpu.memory_space<vmem_shared>> -> memref<2048xf32, #tpu.memory_space<vmem_shared>>
      %dma_wait3A_1438 = tpu.memref_slice %arg20[%mul3A_89] : memref<98304xf32, #tpu.memory_space<vmem_shared>> -> memref<2048xf32, #tpu.memory_space<vmem_shared>>
      tpu.wait_dma2 semaphore(%run_scoped3A : memref<!tpu.dma_semaphore, #tpu.memory_space<semaphore_mem>>) src(%arg27 : memref<2048xf32, #tpu.memory_space<vmem>>) dst(%dma_wait3A_1438 : memref<2048xf32, #tpu.memory_space<vmem_shared>>)
      tpu.yield
    }) : () -> ()
    %scan3A = arith.constant 0 : i32
    %scan3A_90 = arith.constant 0 : i32
    %scan3A_91 = arith.constant 128 : i32
    %scan3A_92 = arith.addi %scan3A_90, %scan3A_91 : i32
    %scan3A_93 = arith.constant 1 : i32
    %scan3A_94 = scf.for %scan3A_1435 = %scan3A_90 to %scan3A_92 step %scan3A_93 iter_args(%scan3A_1436 = %scan3A) -> (i32)  : i32 {
      %mul3A_1437 = arith.constant 16 : i32
      %mul3A_1438 = arith.muli %scan3A_1435, %mul3A_1437 : i32
      %broadcast_in_dim3A_1439 = arith.constant 1.000000e+10 : f32
      %broadcast_in_dim3A_1440 = vector.broadcast %broadcast_in_dim3A_1439 : f32 to vector<16xf32>
      %swap3A_1441 = arith.index_cast %mul3A_1438 : i32 to index
      %swap3A_1442 = tpu.vector_load %arg10[%swap3A_1441] {strides = array<i32>} : memref<2048xf32, #tpu.memory_space<vmem>>, vector<16xf32>,
      tpu.vector_store %arg10[%swap3A_1441], %broadcast_in_dim3A_1440 {strides = array<i32>} : memref<2048xf32, #tpu.memory_space<vmem>>, vector<16xf32>,
      %broadcast_in_dim3A_1443 = arith.constant 0 : i32
      %broadcast_in_dim3A_1444 = vector.broadcast %broadcast_in_dim3A_1443 : i32 to vector<16xi32>
      %swap3A_1445 = arith.index_cast %mul3A_1438 : i32 to index
      %swap3A_1446 = tpu.vector_load %arg11[%swap3A_1445] {strides = array<i32>} : memref<2064xi32, #tpu.memory_space<vmem>>, vector<16xi32>,
      tpu.vector_store %arg11[%swap3A_1445], %broadcast_in_dim3A_1444 {strides = array<i32>} : memref<2064xi32, #tpu.memory_space<vmem>>, vector<16xi32>,
      %scan3A_1447 = arith.constant 0 : i32
      scf.yield %scan3A_1447 : i32
    }
    %scan3A_95 = arith.constant 128 : i32
    %broadcast_in_dim3A_96 = arith.constant 0 : i32
    %broadcast_in_dim3A_97 = vector.broadcast %broadcast_in_dim3A_96 : i32 to vector<16xi32>
    %swap3A = arith.constant 2048 : index
    %swap3A_98 = tpu.vector_load %arg11[%swap3A] {strides = array<i32>} : memref<2064xi32, #tpu.memory_space<vmem>>, vector<16xi32>,
    tpu.vector_store %arg11[%swap3A], %broadcast_in_dim3A_97 {strides = array<i32>} : memref<2064xi32, #tpu.memory_space<vmem>>, vector<16xi32>,
    %get3A = arith.constant 0 : index
    %get3A_99 = tpu.vector_load %arg24[%get3A] {strides = array<i32>} : memref<2048xf32, #tpu.memory_space<vmem>>, vector<16xf32>,
    %broadcast_in_dim3A_100 = vector.shape_cast %broadcast_in_dim3A_59 : vector<16xi32> to vector<16x1xi32>
    %gather3A = vector.shape_cast %broadcast_in_dim3A_100 : vector<16x1xi32> to vector<16xi32>
    %gather3A_101 = tpu.dynamic_gather %get3A_99[%gather3A] in [0] : vector<16xf32>, vector<16xi32> -> vector<16xf32>
    %get3A_102 = arith.constant 0 : index
    %get3A_103 = tpu.vector_load %arg26[%get3A_102] {strides = array<i32>} : memref<2048xf32, #tpu.memory_space<vmem>>, vector<16xf32>,
    %broadcast_in_dim3A_104 = vector.shape_cast %broadcast_in_dim3A_59 : vector<16xi32> to vector<16x1xi32>
    %gather3A_105 = vector.shape_cast %broadcast_in_dim3A_104 : vector<16x1xi32> to vector<16xi32>
    %gather3A_106 = tpu.dynamic_gather %get3A_103[%gather3A_105] in [0] : vector<16xf32>, vector<16xi32> -> vector<16xf32>
    %get3A_107 = arith.constant 0 : index
    %get3A_108 = tpu.vector_load %arg27[%get3A_107] {strides = array<i32>} : memref<2048xf32, #tpu.memory_space<vmem>>, vector<16xf32>,
    %broadcast_in_dim3A_109 = vector.shape_cast %broadcast_in_dim3A_59 : vector<16xi32> to vector<16x1xi32>
    %gather3A_110 = vector.shape_cast %broadcast_in_dim3A_109 : vector<16x1xi32> to vector<16xi32>
    %gather3A_111 = tpu.dynamic_gather %get3A_108[%gather3A_110] in [0] : vector<16xf32>, vector<16xi32> -> vector<16xf32>
    %swap3A_112 = arith.constant 0 : i32
    %swap3A_113 = arith.index_cast %swap3A_112 : i32 to index
    %swap3A_114 = arith.constant 32 : index
    %swap3A_115 = tpu.vector_load %arg14[%swap3A_113, %swap3A_114] {strides = array<i32>} : memref<1x128xf32, #tpu.memory_space<vmem>>, vector<16xf32>,
    tpu.vector_store %arg14[%swap3A_113, %swap3A_114], %gather3A_101 {strides = array<i32>} : memref<1x128xf32, #tpu.memory_space<vmem>>, vector<16xf32>,
    %swap3A_116 = arith.constant 0 : i32
    %swap3A_117 = arith.index_cast %swap3A_116 : i32 to index
    %swap3A_118 = arith.constant 48 : index
    %swap3A_119 = tpu.vector_load %arg14[%swap3A_117, %swap3A_118] {strides = array<i32>} : memref<1x128xf32, #tpu.memory_space<vmem>>, vector<16xf32>,
    tpu.vector_store %arg14[%swap3A_117, %swap3A_118], %gather3A_106 {strides = array<i32>} : memref<1x128xf32, #tpu.memory_space<vmem>>, vector<16xf32>,
    %swap3A_120 = arith.constant 0 : i32
    %swap3A_121 = arith.index_cast %swap3A_120 : i32 to index
    %swap3A_122 = arith.constant 64 : index
    %swap3A_123 = tpu.vector_load %arg14[%swap3A_121, %swap3A_122] {strides = array<i32>} : memref<1x128xf32, #tpu.memory_space<vmem>>, vector<16xf32>,
    tpu.vector_store %arg14[%swap3A_121, %swap3A_122], %gather3A_111 {strides = array<i32>} : memref<1x128xf32, #tpu.memory_space<vmem>>, vector<16xf32>,
    "tpu.region"() ({
      %run_scoped3A = tpu.sem_alloc : memref<!tpu.dma_semaphore, #tpu.memory_space<semaphore_mem>>
      %dma_start3A_1435 = arith.constant 0 : i32
      %dma_start3A_1436 = tpu.memref_slice %arg9[%arg1, %dma_start3A_1435] : memref<16x128xf32, #tpu.memory_space<vmem_shared>> -> memref<1x128xf32, #tpu.memory_space<vmem_shared>>
      %dma_start3A_1437 = arith.constant 0 : i32
      %dma_start3A_1438 = tpu.memref_slice %arg9[%arg1, %dma_start3A_1437] : memref<16x128xf32, #tpu.memory_space<vmem_shared>> -> memref<1x128xf32, #tpu.memory_space<vmem_shared>>
      tpu.enqueue_dma source(%arg14 : memref<1x128xf32, #tpu.memory_space<vmem>>) target(%dma_start3A_1438 : memref<1x128xf32, #tpu.memory_space<vmem_shared>>) target_semaphore(%run_scoped3A : memref<!tpu.dma_semaphore, #tpu.memory_space<semaphore_mem>>)
      %dma_wait3A_1439 = arith.constant 0 : i32
      %dma_wait3A_1440 = tpu.memref_slice %arg9[%arg1, %dma_wait3A_1439] : memref<16x128xf32, #tpu.memory_space<vmem_shared>> -> memref<1x128xf32, #tpu.memory_space<vmem_shared>>
      %dma_wait3A_1441 = arith.constant 0 : i32
      %dma_wait3A_1442 = tpu.memref_slice %arg9[%arg1, %dma_wait3A_1441] : memref<16x128xf32, #tpu.memory_space<vmem_shared>> -> memref<1x128xf32, #tpu.memory_space<vmem_shared>>
      tpu.wait_dma2 semaphore(%run_scoped3A : memref<!tpu.dma_semaphore, #tpu.memory_space<semaphore_mem>>) src(%arg14 : memref<1x128xf32, #tpu.memory_space<vmem>>) dst(%dma_wait3A_1442 : memref<1x128xf32, #tpu.memory_space<vmem_shared>>)
      tpu.yield
    }) : () -> ()
    %barrier3A = arith.constant 0 : index
    tpu.barrier barrier_id(%barrier3A)
    "tpu.region"() ({
      %run_scoped3A = tpu.sem_alloc : memref<!tpu.dma_semaphore, #tpu.memory_space<semaphore_mem>>
      %dma_start3A_1435 = arith.constant 0 : i32
      %dma_start3A_1436 = tpu.memref_slice %arg9[%mul3A_56, %dma_start3A_1435] : memref<16x128xf32, #tpu.memory_space<vmem_shared>> -> memref<4x128xf32, #tpu.memory_space<vmem_shared>>
      %dma_start3A_1437 = arith.constant 0 : i32
      %dma_start3A_1438 = tpu.memref_slice %arg9[%mul3A_56, %dma_start3A_1437] : memref<16x128xf32, #tpu.memory_space<vmem_shared>> -> memref<4x128xf32, #tpu.memory_space<vmem_shared>>
      tpu.enqueue_dma source(%dma_start3A_1438 : memref<4x128xf32, #tpu.memory_space<vmem_shared>>) target(%arg8 : memref<4x128xf32, #tpu.memory_space<vmem>>) target_semaphore(%run_scoped3A : memref<!tpu.dma_semaphore, #tpu.memory_space<semaphore_mem>>)
      %dma_wait3A_1439 = arith.constant 0 : i32
      %dma_wait3A_1440 = tpu.memref_slice %arg9[%mul3A_56, %dma_wait3A_1439] : memref<16x128xf32, #tpu.memory_space<vmem_shared>> -> memref<4x128xf32, #tpu.memory_space<vmem_shared>>
      %dma_wait3A_1441 = arith.constant 0 : i32
      %dma_wait3A_1442 = tpu.memref_slice %arg9[%mul3A_56, %dma_wait3A_1441] : memref<16x128xf32, #tpu.memory_space<vmem_shared>> -> memref<4x128xf32, #tpu.memory_space<vmem_shared>>
      tpu.wait_dma2 semaphore(%run_scoped3A : memref<!tpu.dma_semaphore, #tpu.memory_space<semaphore_mem>>) src(%dma_wait3A_1442 : memref<4x128xf32, #tpu.memory_space<vmem_shared>>) dst(%arg8 : memref<4x128xf32, #tpu.memory_space<vmem>>)
      tpu.yield
    }) : () -> ()
    %barrier3A_124 = arith.constant 0 : index
    tpu.barrier barrier_id(%barrier3A_124)
    %get3A_125 = arith.constant 0 : i32
    %get3A_126 = arith.index_cast %get3A_125 : i32 to index
    %get3A_127 = arith.constant 32 : index
    %get3A_128 = tpu.vector_load %arg8[%get3A_126, %get3A_127] {strides = array<i32>} : memref<4x128xf32, #tpu.memory_space<vmem>>, vector<16xf32>,
    %get3A_129 = arith.constant 0 : i32
    %get3A_130 = arith.index_cast %get3A_129 : i32 to index
    %get3A_131 = arith.constant 48 : index
    %get3A_132 = tpu.vector_load %arg8[%get3A_130, %get3A_131] {strides = array<i32>} : memref<4x128xf32, #tpu.memory_space<vmem>>, vector<16xf32>,
    %get3A_133 = arith.constant 0 : i32
    %get3A_134 = arith.index_cast %get3A_133 : i32 to index
    %get3A_135 = arith.constant 64 : index
    %get3A_136 = tpu.vector_load %arg8[%get3A_134, %get3A_135] {strides = array<i32>} : memref<4x128xf32, #tpu.memory_space<vmem>>, vector<16xf32>,
    %broadcast_in_dim3A_137 = arith.constant 0.000000e+00 : f32
    %broadcast_in_dim3A_138 = vector.broadcast %broadcast_in_dim3A_137 : f32 to vector<16xf32>
    %scan3A_139 = arith.constant 0 : i32
    %scan3A_140 = arith.constant 2048 : i32
    %scan3A_141 = arith.addi %scan3A_139, %scan3A_140 : i32
    %scan3A_142 = arith.constant 1 : i32
    %scan3A_143:4 = scf.for %scan3A_1435 = %scan3A_139 to %scan3A_141 step %scan3A_142 iter_args(%scan3A_1436 = %broadcast_in_dim3A_59, %scan3A_1437 = %get3A_128, %scan3A_1438 = %get3A_132, %scan3A_1439 = %get3A_136) -> (vector<16xi32>, vector<16xf32>, vector<16xf32>, vector<16xf32>)  : i32 {
      %sub3A_1440 = arith.subi %scan3A_1436, %broadcast_in_dim3A_62 : vector<16xi32>
      %shift_right_logical3A_1441 = arith.constant 31 : i32
      %shift_right_logical3A_1442 = vector.broadcast %shift_right_logical3A_1441 : i32 to vector<16xi32>
      %shift_right_logical3A_1443 = arith.shrui %sub3A_1440, %shift_right_logical3A_1442 : vector<16xi32>
      %sub3A_1444 = arith.constant 2047 : i32
      %sub3A_1445 = vector.broadcast %sub3A_1444 : i32 to vector<16xi32>
      %sub3A_1446 = arith.subi %sub3A_1445, %sub3A_1440 : vector<16xi32>
      %shift_right_logical3A_1447 = arith.constant 31 : i32
      %shift_right_logical3A_1448 = vector.broadcast %shift_right_logical3A_1447 : i32 to vector<16xi32>
      %shift_right_logical3A_1449 = arith.shrui %sub3A_1446, %shift_right_logical3A_1448 : vector<16xi32>
      %sub3A_1450 = arith.constant 1 : i32
      %sub3A_1451 = vector.broadcast %sub3A_1450 : i32 to vector<16xi32>
      %sub3A_1452 = arith.subi %sub3A_1451, %shift_right_logical3A_1443 : vector<16xi32>
      %sub3A_1453 = arith.constant 1 : i32
      %sub3A_1454 = vector.broadcast %sub3A_1453 : i32 to vector<16xi32>
      %sub3A_1455 = arith.subi %sub3A_1454, %shift_right_logical3A_1449 : vector<16xi32>
      %and3A_1456 = arith.andi %sub3A_1452, %sub3A_1455 : vector<16xi32>
      %neg3A = arith.constant 0 : i32
      %neg3A_1457 = vector.broadcast %neg3A : i32 to vector<16xi32>
      %neg3A_1458 = arith.subi %neg3A_1457, %and3A_1456 : vector<16xi32>
      %and3A_1459 = arith.andi %sub3A_1440, %neg3A_1458 : vector<16xi32>
      %broadcast_in_dim3A_1460 = arith.constant 2048 : i32
      %broadcast_in_dim3A_1461 = vector.broadcast %broadcast_in_dim3A_1460 : i32 to vector<16xi32>
      %not3A = arith.constant dense<-1> : vector<16xi32>
      %not3A_1462 = arith.xori %neg3A_1458, %not3A : vector<16xi32>
      %and3A_1463 = arith.andi %broadcast_in_dim3A_1461, %not3A_1462 : vector<16xi32>
      %or3A = arith.ori %and3A_1459, %and3A_1463 : vector<16xi32>
      tpu.vector_store_idx %arg11[%or3A], %broadcast_in_dim3A_61 : memref<2064xi32, #tpu.memory_space<vmem>>[vector<16xi32>], vector<16xi32>,
      %scan3A_1464 = arith.constant 0 : i32
      %scan3A_1465 = arith.constant 128 : i32
      %scan3A_1466 = arith.addi %scan3A_1464, %scan3A_1465 : i32
      %scan3A_1467 = arith.constant 1 : i32
      %scan3A_1468:5 = scf.for %scan3A_1989 = %scan3A_1464 to %scan3A_1466 step %scan3A_1467 iter_args(%scan3A_1990 = %broadcast_in_dim3A_138, %scan3A_1991 = %broadcast_in_dim3A_59, %scan3A_1992 = %broadcast_in_dim3A_138, %scan3A_1993 = %broadcast_in_dim3A_138, %scan3A_1994 = %broadcast_in_dim3A_138) -> (vector<16xf32>, vector<16xi32>, vector<16xf32>, vector<16xf32>, vector<16xf32>)  : i32 {
        %mul3A_1995 = arith.constant 16 : i32
        %mul3A_1996 = arith.muli %scan3A_1989, %mul3A_1995 : i32
        %get3A_1997 = arith.index_cast %mul3A_1996 : i32 to index
        %get3A_1998 = tpu.vector_load %arg24[%get3A_1997] {strides = array<i32>} : memref<2048xf32, #tpu.memory_space<vmem>>, vector<16xf32>,
        %get3A_1999 = arith.index_cast %mul3A_1996 : i32 to index
        %get3A_2000 = tpu.vector_load %arg26[%get3A_1999] {strides = array<i32>} : memref<2048xf32, #tpu.memory_space<vmem>>, vector<16xf32>,
        %get3A_2001 = arith.index_cast %mul3A_1996 : i32 to index
        %get3A_2002 = tpu.vector_load %arg27[%get3A_2001] {strides = array<i32>} : memref<2048xf32, #tpu.memory_space<vmem>>, vector<16xf32>,
        %sub3A_2003 = arith.subf %get3A_1998, %scan3A_1437 : vector<16xf32>
        %sub3A_2004 = arith.subf %get3A_2000, %scan3A_1438 : vector<16xf32>
        %sub3A_2005 = arith.subf %get3A_2002, %scan3A_1439 : vector<16xf32>
        %mul3A_2006 = arith.mulf %sub3A_2003, %sub3A_2003 : vector<16xf32>
        %mul3A_2007 = arith.mulf %sub3A_2004, %sub3A_2004 : vector<16xf32>
        %add3A_2008 = arith.addf %mul3A_2006, %mul3A_2007 : vector<16xf32>
        %mul3A_2009 = arith.mulf %sub3A_2005, %sub3A_2005 : vector<16xf32>
        %add3A_2010 = arith.addf %add3A_2008, %mul3A_2009 : vector<16xf32>
        %get3A_2011 = arith.index_cast %mul3A_1996 : i32 to index
        %get3A_2012 = tpu.vector_load %arg10[%get3A_2011] {strides = array<i32>} : memref<2048xf32, #tpu.memory_space<vmem>>, vector<16xf32>,
        %min3A_2013 = arith.minimumf %get3A_2012, %add3A_2010 : vector<16xf32>
        %swap3A_2014 = arith.index_cast %mul3A_1996 : i32 to index
        %swap3A_2015 = tpu.vector_load %arg10[%swap3A_2014] {strides = array<i32>} : memref<2048xf32, #tpu.memory_space<vmem>>, vector<16xf32>,
        tpu.vector_store %arg10[%swap3A_2014], %min3A_2013 {strides = array<i32>} : memref<2048xf32, #tpu.memory_space<vmem>>, vector<16xf32>,
        %mul3A_2016 = arith.constant 16 : i32
        %mul3A_2017 = arith.muli %scan3A_1989, %mul3A_2016 : i32
        %add3A_2018 = arith.addi %mul3A_58, %mul3A_2017 : i32
        %add3A_2019 = vector.broadcast %add3A_2018 : i32 to vector<16xi32>
        %add3A_2020 = arith.addi %add3A_2019, %iota3A : vector<16xi32>
        %max3A = arith.maximumf %scan3A_1990, %min3A_2013 : vector<16xf32>
        %bitcast3A_2021 = vector.bitcast %max3A : vector<16xf32> to vector<16xi32>
        %bitcast3A_2022 = vector.bitcast %scan3A_1990 : vector<16xf32> to vector<16xi32>
        %sub3A_2023 = arith.subi %bitcast3A_2021, %bitcast3A_2022 : vector<16xi32>
        %min3A_2024 = arith.constant 1 : i32
        %min3A_2025 = vector.broadcast %min3A_2024 : i32 to vector<16xi32>
        %min3A_2026 = arith.minsi %sub3A_2023, %min3A_2025 : vector<16xi32>
        %neg3A_2027 = arith.constant 0 : i32
        %neg3A_2028 = vector.broadcast %neg3A_2027 : i32 to vector<16xi32>
        %neg3A_2029 = arith.subi %neg3A_2028, %min3A_2026 : vector<16xi32>
        %not3A_2030 = arith.constant dense<-1> : vector<16xi32>
        %not3A_2031 = arith.xori %neg3A_2029, %not3A_2030 : vector<16xi32>
        %and3A_2032 = arith.andi %scan3A_1991, %not3A_2031 : vector<16xi32>
        %and3A_2033 = arith.andi %add3A_2020, %neg3A_2029 : vector<16xi32>
        %or3A_2034 = arith.ori %and3A_2032, %and3A_2033 : vector<16xi32>
        %bitcast3A_2035 = vector.bitcast %scan3A_1992 : vector<16xf32> to vector<16xi32>
        %bitcast3A_2036 = vector.bitcast %get3A_1998 : vector<16xf32> to vector<16xi32>
        %and3A_2037 = arith.andi %bitcast3A_2035, %not3A_2031 : vector<16xi32>
        %and3A_2038 = arith.andi %bitcast3A_2036, %neg3A_2029 : vector<16xi32>
        %or3A_2039 = arith.ori %and3A_2037, %and3A_2038 : vector<16xi32>
        %bitcast3A_2040 = vector.bitcast %or3A_2039 : vector<16xi32> to vector<16xf32>
        %bitcast3A_2041 = vector.bitcast %scan3A_1993 : vector<16xf32> to vector<16xi32>
        %bitcast3A_2042 = vector.bitcast %get3A_2000 : vector<16xf32> to vector<16xi32>
        %and3A_2043 = arith.andi %bitcast3A_2041, %not3A_2031 : vector<16xi32>
        %and3A_2044 = arith.andi %bitcast3A_2042, %neg3A_2029 : vector<16xi32>
        %or3A_2045 = arith.ori %and3A_2043, %and3A_2044 : vector<16xi32>
        %bitcast3A_2046 = vector.bitcast %or3A_2045 : vector<16xi32> to vector<16xf32>
        %bitcast3A_2047 = vector.bitcast %scan3A_1994 : vector<16xf32> to vector<16xi32>
        %bitcast3A_2048 = vector.bitcast %get3A_2002 : vector<16xf32> to vector<16xi32>
        %and3A_2049 = arith.andi %bitcast3A_2047, %not3A_2031 : vector<16xi32>
        %and3A_2050 = arith.andi %bitcast3A_2048, %neg3A_2029 : vector<16xi32>
        %or3A_2051 = arith.ori %and3A_2049, %and3A_2050 : vector<16xi32>
        %bitcast3A_2052 = vector.bitcast %or3A_2051 : vector<16xi32> to vector<16xf32>
        scf.yield %max3A, %or3A_2034, %bitcast3A_2040, %bitcast3A_2046, %bitcast3A_2052 : vector<16xf32>, vector<16xi32>, vector<16xf32>, vector<16xf32>, vector<16xf32>
      }
      %scan3A_1469 = arith.constant 128 : i32
      %xor3A = arith.constant 1 : i32
      %xor3A_1470 = vector.broadcast %xor3A : i32 to vector<16xi32>
      %xor3A_1471 = arith.xori %iota3A, %xor3A_1470 : vector<16xi32>
      %broadcast_in_dim3A_1472 = vector.shape_cast %xor3A_1471 : vector<16xi32> to vector<16x1xi32>
      %gather3A_1473 = vector.shape_cast %broadcast_in_dim3A_1472 : vector<16x1xi32> to vector<16xi32>
      %gather3A_1474 = tpu.dynamic_gather %scan3A_1468#0[%gather3A_1473] in [0] : vector<16xf32>, vector<16xi32> -> vector<16xf32>
      %broadcast_in_dim3A_1475 = vector.shape_cast %xor3A_1471 : vector<16xi32> to vector<16x1xi32>
      %gather3A_1476 = vector.shape_cast %broadcast_in_dim3A_1475 : vector<16x1xi32> to vector<16xi32>
      %gather3A_1477 = tpu.dynamic_gather %scan3A_1468#1[%gather3A_1476] in [0] : vector<16xi32>, vector<16xi32> -> vector<16xi32>
      %broadcast_in_dim3A_1478 = vector.shape_cast %xor3A_1471 : vector<16xi32> to vector<16x1xi32>
      %gather3A_1479 = vector.shape_cast %broadcast_in_dim3A_1478 : vector<16x1xi32> to vector<16xi32>
      %gather3A_1480 = tpu.dynamic_gather %scan3A_1468#2[%gather3A_1479] in [0] : vector<16xf32>, vector<16xi32> -> vector<16xf32>
      %broadcast_in_dim3A_1481 = vector.shape_cast %xor3A_1471 : vector<16xi32> to vector<16x1xi32>
      %gather3A_1482 = vector.shape_cast %broadcast_in_dim3A_1481 : vector<16x1xi32> to vector<16xi32>
      %gather3A_1483 = tpu.dynamic_gather %scan3A_1468#3[%gather3A_1482] in [0] : vector<16xf32>, vector<16xi32> -> vector<16xf32>
      %broadcast_in_dim3A_1484 = vector.shape_cast %xor3A_1471 : vector<16xi32> to vector<16x1xi32>
      %gather3A_1485 = vector.shape_cast %broadcast_in_dim3A_1484 : vector<16x1xi32> to vector<16xi32>
      %gather3A_1486 = tpu.dynamic_gather %scan3A_1468#4[%gather3A_1485] in [0] : vector<16xf32>, vector<16xi32> -> vector<16xf32>
      %bitcast3A = vector.bitcast %scan3A_1468#0 : vector<16xf32> to vector<16xi32>
      %bitcast3A_1487 = vector.bitcast %gather3A_1474 : vector<16xf32> to vector<16xi32>
      %sub3A_1488 = arith.subi %bitcast3A, %bitcast3A_1487 : vector<16xi32>
      %shift_right_logical3A_1489 = arith.constant 31 : i32
      %shift_right_logical3A_1490 = vector.broadcast %shift_right_logical3A_1489 : i32 to vector<16xi32>
      %shift_right_logical3A_1491 = arith.shrui %sub3A_1488, %shift_right_logical3A_1490 : vector<16xi32>
      %xor3A_1492 = arith.xori %bitcast3A, %bitcast3A_1487 : vector<16xi32>
      %min3A = arith.constant 1 : i32
      %min3A_1493 = vector.broadcast %min3A : i32 to vector<16xi32>
      %min3A_1494 = arith.minsi %xor3A_1492, %min3A_1493 : vector<16xi32>
      %sub3A_1495 = arith.constant 1 : i32
      %sub3A_1496 = vector.broadcast %sub3A_1495 : i32 to vector<16xi32>
      %sub3A_1497 = arith.subi %sub3A_1496, %min3A_1494 : vector<16xi32>
      %sub3A_1498 = arith.subi %gather3A_1477, %scan3A_1468#1 : vector<16xi32>
      %shift_right_logical3A_1499 = arith.constant 31 : i32
      %shift_right_logical3A_1500 = vector.broadcast %shift_right_logical3A_1499 : i32 to vector<16xi32>
      %shift_right_logical3A_1501 = arith.shrui %sub3A_1498, %shift_right_logical3A_1500 : vector<16xi32>
      %and3A_1502 = arith.andi %sub3A_1497, %shift_right_logical3A_1501 : vector<16xi32>
      %or3A_1503 = arith.ori %shift_right_logical3A_1491, %and3A_1502 : vector<16xi32>
      %neg3A_1504 = arith.constant 0 : i32
      %neg3A_1505 = vector.broadcast %neg3A_1504 : i32 to vector<16xi32>
      %neg3A_1506 = arith.subi %neg3A_1505, %or3A_1503 : vector<16xi32>
      %not3A_1507 = arith.constant dense<-1> : vector<16xi32>
      %not3A_1508 = arith.xori %neg3A_1506, %not3A_1507 : vector<16xi32>
      %and3A_1509 = arith.andi %bitcast3A, %not3A_1508 : vector<16xi32>
      %and3A_1510 = arith.andi %bitcast3A_1487, %neg3A_1506 : vector<16xi32>
      %or3A_1511 = arith.ori %and3A_1509, %and3A_1510 : vector<16xi32>
      %and3A_1512 = arith.andi %scan3A_1468#1, %not3A_1508 : vector<16xi32>
      %and3A_1513 = arith.andi %gather3A_1477, %neg3A_1506 : vector<16xi32>
      %or3A_1514 = arith.ori %and3A_1512, %and3A_1513 : vector<16xi32>
      %bitcast3A_1515 = vector.bitcast %or3A_1511 : vector<16xi32> to vector<16xf32>
      %bitcast3A_1516 = vector.bitcast %scan3A_1468#2 : vector<16xf32> to vector<16xi32>
      %bitcast3A_1517 = vector.bitcast %gather3A_1480 : vector<16xf32> to vector<16xi32>
      %and3A_1518 = arith.andi %bitcast3A_1516, %not3A_1508 : vector<16xi32>
      %and3A_1519 = arith.andi %bitcast3A_1517, %neg3A_1506 : vector<16xi32>
      %or3A_1520 = arith.ori %and3A_1518, %and3A_1519 : vector<16xi32>
      %bitcast3A_1521 = vector.bitcast %or3A_1520 : vector<16xi32> to vector<16xf32>
      %bitcast3A_1522 = vector.bitcast %scan3A_1468#3 : vector<16xf32> to vector<16xi32>
      %bitcast3A_1523 = vector.bitcast %gather3A_1483 : vector<16xf32> to vector<16xi32>
      %and3A_1524 = arith.andi %bitcast3A_1522, %not3A_1508 : vector<16xi32>
      %and3A_1525 = arith.andi %bitcast3A_1523, %neg3A_1506 : vector<16xi32>
      %or3A_1526 = arith.ori %and3A_1524, %and3A_1525 : vector<16xi32>
      %bitcast3A_1527 = vector.bitcast %or3A_1526 : vector<16xi32> to vector<16xf32>
      %bitcast3A_1528 = vector.bitcast %scan3A_1468#4 : vector<16xf32> to vector<16xi32>
      %bitcast3A_1529 = vector.bitcast %gather3A_1486 : vector<16xf32> to vector<16xi32>
      %and3A_1530 = arith.andi %bitcast3A_1528, %not3A_1508 : vector<16xi32>
      %and3A_1531 = arith.andi %bitcast3A_1529, %neg3A_1506 : vector<16xi32>
      %or3A_1532 = arith.ori %and3A_1530, %and3A_1531 : vector<16xi32>
      %bitcast3A_1533 = vector.bitcast %or3A_1532 : vector<16xi32> to vector<16xf32>
      %xor3A_1534 = arith.constant 2 : i32
      %xor3A_1535 = vector.broadcast %xor3A_1534 : i32 to vector<16xi32>
      %xor3A_1536 = arith.xori %iota3A, %xor3A_1535 : vector<16xi32>
      %broadcast_in_dim3A_1537 = vector.shape_cast %xor3A_1536 : vector<16xi32> to vector<16x1xi32>
      %gather3A_1538 = vector.shape_cast %broadcast_in_dim3A_1537 : vector<16x1xi32> to vector<16xi32>
      %gather3A_1539 = tpu.dynamic_gather %bitcast3A_1515[%gather3A_1538] in [0] : vector<16xf32>, vector<16xi32> -> vector<16xf32>
      %broadcast_in_dim3A_1540 = vector.shape_cast %xor3A_1536 : vector<16xi32> to vector<16x1xi32>
      %gather3A_1541 = vector.shape_cast %broadcast_in_dim3A_1540 : vector<16x1xi32> to vector<16xi32>
      %gather3A_1542 = tpu.dynamic_gather %or3A_1514[%gather3A_1541] in [0] : vector<16xi32>, vector<16xi32> -> vector<16xi32>
      %broadcast_in_dim3A_1543 = vector.shape_cast %xor3A_1536 : vector<16xi32> to vector<16x1xi32>
      %gather3A_1544 = vector.shape_cast %broadcast_in_dim3A_1543 : vector<16x1xi32> to vector<16xi32>
      %gather3A_1545 = tpu.dynamic_gather %bitcast3A_1521[%gather3A_1544] in [0] : vector<16xf32>, vector<16xi32> -> vector<16xf32>
      %broadcast_in_dim3A_1546 = vector.shape_cast %xor3A_1536 : vector<16xi32> to vector<16x1xi32>
      %gather3A_1547 = vector.shape_cast %broadcast_in_dim3A_1546 : vector<16x1xi32> to vector<16xi32>
      %gather3A_1548 = tpu.dynamic_gather %bitcast3A_1527[%gather3A_1547] in [0] : vector<16xf32>, vector<16xi32> -> vector<16xf32>
      %broadcast_in_dim3A_1549 = vector.shape_cast %xor3A_1536 : vector<16xi32> to vector<16x1xi32>
      %gather3A_1550 = vector.shape_cast %broadcast_in_dim3A_1549 : vector<16x1xi32> to vector<16xi32>
      %gather3A_1551 = tpu.dynamic_gather %bitcast3A_1533[%gather3A_1550] in [0] : vector<16xf32>, vector<16xi32> -> vector<16xf32>
      %bitcast3A_1552 = vector.bitcast %bitcast3A_1515 : vector<16xf32> to vector<16xi32>
      %bitcast3A_1553 = vector.bitcast %gather3A_1539 : vector<16xf32> to vector<16xi32>
      %sub3A_1554 = arith.subi %bitcast3A_1552, %bitcast3A_1553 : vector<16xi32>
      %shift_right_logical3A_1555 = arith.constant 31 : i32
      %shift_right_logical3A_1556 = vector.broadcast %shift_right_logical3A_1555 : i32 to vector<16xi32>
      %shift_right_logical3A_1557 = arith.shrui %sub3A_1554, %shift_right_logical3A_1556 : vector<16xi32>
      %xor3A_1558 = arith.xori %bitcast3A_1552, %bitcast3A_1553 : vector<16xi32>
      %min3A_1559 = arith.constant 1 : i32
      %min3A_1560 = vector.broadcast %min3A_1559 : i32 to vector<16xi32>
      %min3A_1561 = arith.minsi %xor3A_1558, %min3A_1560 : vector<16xi32>
      %sub3A_1562 = arith.constant 1 : i32
      %sub3A_1563 = vector.broadcast %sub3A_1562 : i32 to vector<16xi32>
      %sub3A_1564 = arith.subi %sub3A_1563, %min3A_1561 : vector<16xi32>
      %sub3A_1565 = arith.subi %gather3A_1542, %or3A_1514 : vector<16xi32>
      %shift_right_logical3A_1566 = arith.constant 31 : i32
      %shift_right_logical3A_1567 = vector.broadcast %shift_right_logical3A_1566 : i32 to vector<16xi32>
      %shift_right_logical3A_1568 = arith.shrui %sub3A_1565, %shift_right_logical3A_1567 : vector<16xi32>
      %and3A_1569 = arith.andi %sub3A_1564, %shift_right_logical3A_1568 : vector<16xi32>
      %or3A_1570 = arith.ori %shift_right_logical3A_1557, %and3A_1569 : vector<16xi32>
      %neg3A_1571 = arith.constant 0 : i32
      %neg3A_1572 = vector.broadcast %neg3A_1571 : i32 to vector<16xi32>
      %neg3A_1573 = arith.subi %neg3A_1572, %or3A_1570 : vector<16xi32>
      %not3A_1574 = arith.constant dense<-1> : vector<16xi32>
      %not3A_1575 = arith.xori %neg3A_1573, %not3A_1574 : vector<16xi32>
      %and3A_1576 = arith.andi %bitcast3A_1552, %not3A_1575 : vector<16xi32>
      %and3A_1577 = arith.andi %bitcast3A_1553, %neg3A_1573 : vector<16xi32>
      %or3A_1578 = arith.ori %and3A_1576, %and3A_1577 : vector<16xi32>
      %and3A_1579 = arith.andi %or3A_1514, %not3A_1575 : vector<16xi32>
      %and3A_1580 = arith.andi %gather3A_1542, %neg3A_1573 : vector<16xi32>
      %or3A_1581 = arith.ori %and3A_1579, %and3A_1580 : vector<16xi32>
      %bitcast3A_1582 = vector.bitcast %or3A_1578 : vector<16xi32> to vector<16xf32>
      %bitcast3A_1583 = vector.bitcast %bitcast3A_1521 : vector<16xf32> to vector<16xi32>
      %bitcast3A_1584 = vector.bitcast %gather3A_1545 : vector<16xf32> to vector<16xi32>
      %and3A_1585 = arith.andi %bitcast3A_1583, %not3A_1575 : vector<16xi32>
      %and3A_1586 = arith.andi %bitcast3A_1584, %neg3A_1573 : vector<16xi32>
      %or3A_1587 = arith.ori %and3A_1585, %and3A_1586 : vector<16xi32>
      %bitcast3A_1588 = vector.bitcast %or3A_1587 : vector<16xi32> to vector<16xf32>
      %bitcast3A_1589 = vector.bitcast %bitcast3A_1527 : vector<16xf32> to vector<16xi32>
      %bitcast3A_1590 = vector.bitcast %gather3A_1548 : vector<16xf32> to vector<16xi32>
      %and3A_1591 = arith.andi %bitcast3A_1589, %not3A_1575 : vector<16xi32>
      %and3A_1592 = arith.andi %bitcast3A_1590, %neg3A_1573 : vector<16xi32>
      %or3A_1593 = arith.ori %and3A_1591, %and3A_1592 : vector<16xi32>
      %bitcast3A_1594 = vector.bitcast %or3A_1593 : vector<16xi32> to vector<16xf32>
      %bitcast3A_1595 = vector.bitcast %bitcast3A_1533 : vector<16xf32> to vector<16xi32>
      %bitcast3A_1596 = vector.bitcast %gather3A_1551 : vector<16xf32> to vector<16xi32>
      %and3A_1597 = arith.andi %bitcast3A_1595, %not3A_1575 : vector<16xi32>
      %and3A_1598 = arith.andi %bitcast3A_1596, %neg3A_1573 : vector<16xi32>
      %or3A_1599 = arith.ori %and3A_1597, %and3A_1598 : vector<16xi32>
      %bitcast3A_1600 = vector.bitcast %or3A_1599 : vector<16xi32> to vector<16xf32>
      %xor3A_1601 = arith.constant 4 : i32
      %xor3A_1602 = vector.broadcast %xor3A_1601 : i32 to vector<16xi32>
      %xor3A_1603 = arith.xori %iota3A, %xor3A_1602 : vector<16xi32>
      %broadcast_in_dim3A_1604 = vector.shape_cast %xor3A_1603 : vector<16xi32> to vector<16x1xi32>
      %gather3A_1605 = vector.shape_cast %broadcast_in_dim3A_1604 : vector<16x1xi32> to vector<16xi32>
      %gather3A_1606 = tpu.dynamic_gather %bitcast3A_1582[%gather3A_1605] in [0] : vector<16xf32>, vector<16xi32> -> vector<16xf32>
      %broadcast_in_dim3A_1607 = vector.shape_cast %xor3A_1603 : vector<16xi32> to vector<16x1xi32>
      %gather3A_1608 = vector.shape_cast %broadcast_in_dim3A_1607 : vector<16x1xi32> to vector<16xi32>
      %gather3A_1609 = tpu.dynamic_gather %or3A_1581[%gather3A_1608] in [0] : vector<16xi32>, vector<16xi32> -> vector<16xi32>
      %broadcast_in_dim3A_1610 = vector.shape_cast %xor3A_1603 : vector<16xi32> to vector<16x1xi32>
      %gather3A_1611 = vector.shape_cast %broadcast_in_dim3A_1610 : vector<16x1xi32> to vector<16xi32>
      %gather3A_1612 = tpu.dynamic_gather %bitcast3A_1588[%gather3A_1611] in [0] : vector<16xf32>, vector<16xi32> -> vector<16xf32>
      %broadcast_in_dim3A_1613 = vector.shape_cast %xor3A_1603 : vector<16xi32> to vector<16x1xi32>
      %gather3A_1614 = vector.shape_cast %broadcast_in_dim3A_1613 : vector<16x1xi32> to vector<16xi32>
      %gather3A_1615 = tpu.dynamic_gather %bitcast3A_1594[%gather3A_1614] in [0] : vector<16xf32>, vector<16xi32> -> vector<16xf32>
      %broadcast_in_dim3A_1616 = vector.shape_cast %xor3A_1603 : vector<16xi32> to vector<16x1xi32>
      %gather3A_1617 = vector.shape_cast %broadcast_in_dim3A_1616 : vector<16x1xi32> to vector<16xi32>
      %gather3A_1618 = tpu.dynamic_gather %bitcast3A_1600[%gather3A_1617] in [0] : vector<16xf32>, vector<16xi32> -> vector<16xf32>
      %bitcast3A_1619 = vector.bitcast %bitcast3A_1582 : vector<16xf32> to vector<16xi32>
      %bitcast3A_1620 = vector.bitcast %gather3A_1606 : vector<16xf32> to vector<16xi32>
      %sub3A_1621 = arith.subi %bitcast3A_1619, %bitcast3A_1620 : vector<16xi32>
      %shift_right_logical3A_1622 = arith.constant 31 : i32
      %shift_right_logical3A_1623 = vector.broadcast %shift_right_logical3A_1622 : i32 to vector<16xi32>
      %shift_right_logical3A_1624 = arith.shrui %sub3A_1621, %shift_right_logical3A_1623 : vector<16xi32>
      %xor3A_1625 = arith.xori %bitcast3A_1619, %bitcast3A_1620 : vector<16xi32>
      %min3A_1626 = arith.constant 1 : i32
      %min3A_1627 = vector.broadcast %min3A_1626 : i32 to vector<16xi32>
      %min3A_1628 = arith.minsi %xor3A_1625, %min3A_1627 : vector<16xi32>
      %sub3A_1629 = arith.constant 1 : i32
      %sub3A_1630 = vector.broadcast %sub3A_1629 : i32 to vector<16xi32>
      %sub3A_1631 = arith.subi %sub3A_1630, %min3A_1628 : vector<16xi32>
      %sub3A_1632 = arith.subi %gather3A_1609, %or3A_1581 : vector<16xi32>
      %shift_right_logical3A_1633 = arith.constant 31 : i32
      %shift_right_logical3A_1634 = vector.broadcast %shift_right_logical3A_1633 : i32 to vector<16xi32>
      %shift_right_logical3A_1635 = arith.shrui %sub3A_1632, %shift_right_logical3A_1634 : vector<16xi32>
      %and3A_1636 = arith.andi %sub3A_1631, %shift_right_logical3A_1635 : vector<16xi32>
      %or3A_1637 = arith.ori %shift_right_logical3A_1624, %and3A_1636 : vector<16xi32>
      %neg3A_1638 = arith.constant 0 : i32
      %neg3A_1639 = vector.broadcast %neg3A_1638 : i32 to vector<16xi32>
      %neg3A_1640 = arith.subi %neg3A_1639, %or3A_1637 : vector<16xi32>
      %not3A_1641 = arith.constant dense<-1> : vector<16xi32>
      %not3A_1642 = arith.xori %neg3A_1640, %not3A_1641 : vector<16xi32>
      %and3A_1643 = arith.andi %bitcast3A_1619, %not3A_1642 : vector<16xi32>
      %and3A_1644 = arith.andi %bitcast3A_1620, %neg3A_1640 : vector<16xi32>
      %or3A_1645 = arith.ori %and3A_1643, %and3A_1644 : vector<16xi32>
      %and3A_1646 = arith.andi %or3A_1581, %not3A_1642 : vector<16xi32>
      %and3A_1647 = arith.andi %gather3A_1609, %neg3A_1640 : vector<16xi32>
      %or3A_1648 = arith.ori %and3A_1646, %and3A_1647 : vector<16xi32>
      %bitcast3A_1649 = vector.bitcast %or3A_1645 : vector<16xi32> to vector<16xf32>
      %bitcast3A_1650 = vector.bitcast %bitcast3A_1588 : vector<16xf32> to vector<16xi32>
      %bitcast3A_1651 = vector.bitcast %gather3A_1612 : vector<16xf32> to vector<16xi32>
      %and3A_1652 = arith.andi %bitcast3A_1650, %not3A_1642 : vector<16xi32>
      %and3A_1653 = arith.andi %bitcast3A_1651, %neg3A_1640 : vector<16xi32>
      %or3A_1654 = arith.ori %and3A_1652, %and3A_1653 : vector<16xi32>
      %bitcast3A_1655 = vector.bitcast %or3A_1654 : vector<16xi32> to vector<16xf32>
      %bitcast3A_1656 = vector.bitcast %bitcast3A_1594 : vector<16xf32> to vector<16xi32>
      %bitcast3A_1657 = vector.bitcast %gather3A_1615 : vector<16xf32> to vector<16xi32>
      %and3A_1658 = arith.andi %bitcast3A_1656, %not3A_1642 : vector<16xi32>
      %and3A_1659 = arith.andi %bitcast3A_1657, %neg3A_1640 : vector<16xi32>
      %or3A_1660 = arith.ori %and3A_1658, %and3A_1659 : vector<16xi32>
      %bitcast3A_1661 = vector.bitcast %or3A_1660 : vector<16xi32> to vector<16xf32>
      %bitcast3A_1662 = vector.bitcast %bitcast3A_1600 : vector<16xf32> to vector<16xi32>
      %bitcast3A_1663 = vector.bitcast %gather3A_1618 : vector<16xf32> to vector<16xi32>
      %and3A_1664 = arith.andi %bitcast3A_1662, %not3A_1642 : vector<16xi32>
      %and3A_1665 = arith.andi %bitcast3A_1663, %neg3A_1640 : vector<16xi32>
      %or3A_1666 = arith.ori %and3A_1664, %and3A_1665 : vector<16xi32>
      %bitcast3A_1667 = vector.bitcast %or3A_1666 : vector<16xi32> to vector<16xf32>
      %xor3A_1668 = arith.constant 8 : i32
      %xor3A_1669 = vector.broadcast %xor3A_1668 : i32 to vector<16xi32>
      %xor3A_1670 = arith.xori %iota3A, %xor3A_1669 : vector<16xi32>
      %broadcast_in_dim3A_1671 = vector.shape_cast %xor3A_1670 : vector<16xi32> to vector<16x1xi32>
      %gather3A_1672 = vector.shape_cast %broadcast_in_dim3A_1671 : vector<16x1xi32> to vector<16xi32>
      %gather3A_1673 = tpu.dynamic_gather %bitcast3A_1649[%gather3A_1672] in [0] : vector<16xf32>, vector<16xi32> -> vector<16xf32>
      %broadcast_in_dim3A_1674 = vector.shape_cast %xor3A_1670 : vector<16xi32> to vector<16x1xi32>
      %gather3A_1675 = vector.shape_cast %broadcast_in_dim3A_1674 : vector<16x1xi32> to vector<16xi32>
      %gather3A_1676 = tpu.dynamic_gather %or3A_1648[%gather3A_1675] in [0] : vector<16xi32>, vector<16xi32> -> vector<16xi32>
      %broadcast_in_dim3A_1677 = vector.shape_cast %xor3A_1670 : vector<16xi32> to vector<16x1xi32>
      %gather3A_1678 = vector.shape_cast %broadcast_in_dim3A_1677 : vector<16x1xi32> to vector<16xi32>
      %gather3A_1679 = tpu.dynamic_gather %bitcast3A_1655[%gather3A_1678] in [0] : vector<16xf32>, vector<16xi32> -> vector<16xf32>
      %broadcast_in_dim3A_1680 = vector.shape_cast %xor3A_1670 : vector<16xi32> to vector<16x1xi32>
      %gather3A_1681 = vector.shape_cast %broadcast_in_dim3A_1680 : vector<16x1xi32> to vector<16xi32>
      %gather3A_1682 = tpu.dynamic_gather %bitcast3A_1661[%gather3A_1681] in [0] : vector<16xf32>, vector<16xi32> -> vector<16xf32>
      %broadcast_in_dim3A_1683 = vector.shape_cast %xor3A_1670 : vector<16xi32> to vector<16x1xi32>
      %gather3A_1684 = vector.shape_cast %broadcast_in_dim3A_1683 : vector<16x1xi32> to vector<16xi32>
      %gather3A_1685 = tpu.dynamic_gather %bitcast3A_1667[%gather3A_1684] in [0] : vector<16xf32>, vector<16xi32> -> vector<16xf32>
      %bitcast3A_1686 = vector.bitcast %bitcast3A_1649 : vector<16xf32> to vector<16xi32>
      %bitcast3A_1687 = vector.bitcast %gather3A_1673 : vector<16xf32> to vector<16xi32>
      %sub3A_1688 = arith.subi %bitcast3A_1686, %bitcast3A_1687 : vector<16xi32>
      %shift_right_logical3A_1689 = arith.constant 31 : i32
      %shift_right_logical3A_1690 = vector.broadcast %shift_right_logical3A_1689 : i32 to vector<16xi32>
      %shift_right_logical3A_1691 = arith.shrui %sub3A_1688, %shift_right_logical3A_1690 : vector<16xi32>
      %xor3A_1692 = arith.xori %bitcast3A_1686, %bitcast3A_1687 : vector<16xi32>
      %min3A_1693 = arith.constant 1 : i32
      %min3A_1694 = vector.broadcast %min3A_1693 : i32 to vector<16xi32>
      %min3A_1695 = arith.minsi %xor3A_1692, %min3A_1694 : vector<16xi32>
      %sub3A_1696 = arith.constant 1 : i32
      %sub3A_1697 = vector.broadcast %sub3A_1696 : i32 to vector<16xi32>
      %sub3A_1698 = arith.subi %sub3A_1697, %min3A_1695 : vector<16xi32>
      %sub3A_1699 = arith.subi %gather3A_1676, %or3A_1648 : vector<16xi32>
      %shift_right_logical3A_1700 = arith.constant 31 : i32
      %shift_right_logical3A_1701 = vector.broadcast %shift_right_logical3A_1700 : i32 to vector<16xi32>
      %shift_right_logical3A_1702 = arith.shrui %sub3A_1699, %shift_right_logical3A_1701 : vector<16xi32>
      %and3A_1703 = arith.andi %sub3A_1698, %shift_right_logical3A_1702 : vector<16xi32>
      %or3A_1704 = arith.ori %shift_right_logical3A_1691, %and3A_1703 : vector<16xi32>
      %neg3A_1705 = arith.constant 0 : i32
      %neg3A_1706 = vector.broadcast %neg3A_1705 : i32 to vector<16xi32>
      %neg3A_1707 = arith.subi %neg3A_1706, %or3A_1704 : vector<16xi32>
      %not3A_1708 = arith.constant dense<-1> : vector<16xi32>
      %not3A_1709 = arith.xori %neg3A_1707, %not3A_1708 : vector<16xi32>
      %and3A_1710 = arith.andi %bitcast3A_1686, %not3A_1709 : vector<16xi32>
      %and3A_1711 = arith.andi %bitcast3A_1687, %neg3A_1707 : vector<16xi32>
      %or3A_1712 = arith.ori %and3A_1710, %and3A_1711 : vector<16xi32>
      %and3A_1713 = arith.andi %or3A_1648, %not3A_1709 : vector<16xi32>
      %and3A_1714 = arith.andi %gather3A_1676, %neg3A_1707 : vector<16xi32>
      %or3A_1715 = arith.ori %and3A_1713, %and3A_1714 : vector<16xi32>
      %bitcast3A_1716 = vector.bitcast %or3A_1712 : vector<16xi32> to vector<16xf32>
      %bitcast3A_1717 = vector.bitcast %bitcast3A_1655 : vector<16xf32> to vector<16xi32>
      %bitcast3A_1718 = vector.bitcast %gather3A_1679 : vector<16xf32> to vector<16xi32>
      %and3A_1719 = arith.andi %bitcast3A_1717, %not3A_1709 : vector<16xi32>
      %and3A_1720 = arith.andi %bitcast3A_1718, %neg3A_1707 : vector<16xi32>
      %or3A_1721 = arith.ori %and3A_1719, %and3A_1720 : vector<16xi32>
      %bitcast3A_1722 = vector.bitcast %or3A_1721 : vector<16xi32> to vector<16xf32>
      %bitcast3A_1723 = vector.bitcast %bitcast3A_1661 : vector<16xf32> to vector<16xi32>
      %bitcast3A_1724 = vector.bitcast %gather3A_1682 : vector<16xf32> to vector<16xi32>
      %and3A_1725 = arith.andi %bitcast3A_1723, %not3A_1709 : vector<16xi32>
      %and3A_1726 = arith.andi %bitcast3A_1724, %neg3A_1707 : vector<16xi32>
      %or3A_1727 = arith.ori %and3A_1725, %and3A_1726 : vector<16xi32>
      %bitcast3A_1728 = vector.bitcast %or3A_1727 : vector<16xi32> to vector<16xf32>
      %bitcast3A_1729 = vector.bitcast %bitcast3A_1667 : vector<16xf32> to vector<16xi32>
      %bitcast3A_1730 = vector.bitcast %gather3A_1685 : vector<16xf32> to vector<16xi32>
      %and3A_1731 = arith.andi %bitcast3A_1729, %not3A_1709 : vector<16xi32>
      %and3A_1732 = arith.andi %bitcast3A_1730, %neg3A_1707 : vector<16xi32>
      %or3A_1733 = arith.ori %and3A_1731, %and3A_1732 : vector<16xi32>
      %bitcast3A_1734 = vector.bitcast %or3A_1733 : vector<16xi32> to vector<16xf32>
      %swap3A_1735 = arith.constant 0 : i32
      %swap3A_1736 = arith.index_cast %swap3A_1735 : i32 to index
      %swap3A_1737 = arith.constant 0 : index
      %swap3A_1738 = tpu.vector_load %arg14[%swap3A_1736, %swap3A_1737] {strides = array<i32>} : memref<1x128xf32, #tpu.memory_space<vmem>>, vector<16xf32>,
      tpu.vector_store %arg14[%swap3A_1736, %swap3A_1737], %bitcast3A_1716 {strides = array<i32>} : memref<1x128xf32, #tpu.memory_space<vmem>>, vector<16xf32>,
      %bitcast3A_1739 = vector.bitcast %or3A_1715 : vector<16xi32> to vector<16xf32>
      %swap3A_1740 = arith.constant 0 : i32
      %swap3A_1741 = arith.index_cast %swap3A_1740 : i32 to index
      %swap3A_1742 = arith.constant 16 : index
      %swap3A_1743 = tpu.vector_load %arg14[%swap3A_1741, %swap3A_1742] {strides = array<i32>} : memref<1x128xf32, #tpu.memory_space<vmem>>, vector<16xf32>,
      tpu.vector_store %arg14[%swap3A_1741, %swap3A_1742], %bitcast3A_1739 {strides = array<i32>} : memref<1x128xf32, #tpu.memory_space<vmem>>, vector<16xf32>,
      %swap3A_1744 = arith.constant 0 : i32
      %swap3A_1745 = arith.index_cast %swap3A_1744 : i32 to index
      %swap3A_1746 = arith.constant 32 : index
      %swap3A_1747 = tpu.vector_load %arg14[%swap3A_1745, %swap3A_1746] {strides = array<i32>} : memref<1x128xf32, #tpu.memory_space<vmem>>, vector<16xf32>,
      tpu.vector_store %arg14[%swap3A_1745, %swap3A_1746], %bitcast3A_1722 {strides = array<i32>} : memref<1x128xf32, #tpu.memory_space<vmem>>, vector<16xf32>,
      %swap3A_1748 = arith.constant 0 : i32
      %swap3A_1749 = arith.index_cast %swap3A_1748 : i32 to index
      %swap3A_1750 = arith.constant 48 : index
      %swap3A_1751 = tpu.vector_load %arg14[%swap3A_1749, %swap3A_1750] {strides = array<i32>} : memref<1x128xf32, #tpu.memory_space<vmem>>, vector<16xf32>,
      tpu.vector_store %arg14[%swap3A_1749, %swap3A_1750], %bitcast3A_1728 {strides = array<i32>} : memref<1x128xf32, #tpu.memory_space<vmem>>, vector<16xf32>,
      %swap3A_1752 = arith.constant 0 : i32
      %swap3A_1753 = arith.index_cast %swap3A_1752 : i32 to index
      %swap3A_1754 = arith.constant 64 : index
      %swap3A_1755 = tpu.vector_load %arg14[%swap3A_1753, %swap3A_1754] {strides = array<i32>} : memref<1x128xf32, #tpu.memory_space<vmem>>, vector<16xf32>,
      tpu.vector_store %arg14[%swap3A_1753, %swap3A_1754], %bitcast3A_1734 {strides = array<i32>} : memref<1x128xf32, #tpu.memory_space<vmem>>, vector<16xf32>,
      "tpu.region"() ({
        %run_scoped3A = tpu.sem_alloc : memref<!tpu.dma_semaphore, #tpu.memory_space<semaphore_mem>>
        %dma_start3A_1989 = arith.constant 0 : i32
        %dma_start3A_1990 = tpu.memref_slice %arg9[%arg1, %dma_start3A_1989] : memref<16x128xf32, #tpu.memory_space<vmem_shared>> -> memref<1x128xf32, #tpu.memory_space<vmem_shared>>
        %dma_start3A_1991 = arith.constant 0 : i32
        %dma_start3A_1992 = tpu.memref_slice %arg9[%arg1, %dma_start3A_1991] : memref<16x128xf32, #tpu.memory_space<vmem_shared>> -> memref<1x128xf32, #tpu.memory_space<vmem_shared>>
        tpu.enqueue_dma source(%arg14 : memref<1x128xf32, #tpu.memory_space<vmem>>) target(%dma_start3A_1992 : memref<1x128xf32, #tpu.memory_space<vmem_shared>>) target_semaphore(%run_scoped3A : memref<!tpu.dma_semaphore, #tpu.memory_space<semaphore_mem>>)
        %dma_wait3A_1993 = arith.constant 0 : i32
        %dma_wait3A_1994 = tpu.memref_slice %arg9[%arg1, %dma_wait3A_1993] : memref<16x128xf32, #tpu.memory_space<vmem_shared>> -> memref<1x128xf32, #tpu.memory_space<vmem_shared>>
        %dma_wait3A_1995 = arith.constant 0 : i32
        %dma_wait3A_1996 = tpu.memref_slice %arg9[%arg1, %dma_wait3A_1995] : memref<16x128xf32, #tpu.memory_space<vmem_shared>> -> memref<1x128xf32, #tpu.memory_space<vmem_shared>>
        tpu.wait_dma2 semaphore(%run_scoped3A : memref<!tpu.dma_semaphore, #tpu.memory_space<semaphore_mem>>) src(%arg14 : memref<1x128xf32, #tpu.memory_space<vmem>>) dst(%dma_wait3A_1996 : memref<1x128xf32, #tpu.memory_space<vmem_shared>>)
        tpu.yield
      }) : () -> ()
      %barrier3A_1756 = arith.constant 0 : index
      tpu.barrier barrier_id(%barrier3A_1756)
      "tpu.region"() ({
        %run_scoped3A = tpu.sem_alloc : memref<!tpu.dma_semaphore, #tpu.memory_space<semaphore_mem>>
        %dma_start3A_1989 = arith.constant 0 : i32
        %dma_start3A_1990 = tpu.memref_slice %arg9[%mul3A_56, %dma_start3A_1989] : memref<16x128xf32, #tpu.memory_space<vmem_shared>> -> memref<4x128xf32, #tpu.memory_space<vmem_shared>>
        %dma_start3A_1991 = arith.constant 0 : i32
        %dma_start3A_1992 = tpu.memref_slice %arg9[%mul3A_56, %dma_start3A_1991] : memref<16x128xf32, #tpu.memory_space<vmem_shared>> -> memref<4x128xf32, #tpu.memory_space<vmem_shared>>
        tpu.enqueue_dma source(%dma_start3A_1992 : memref<4x128xf32, #tpu.memory_space<vmem_shared>>) target(%arg8 : memref<4x128xf32, #tpu.memory_space<vmem>>) target_semaphore(%run_scoped3A : memref<!tpu.dma_semaphore, #tpu.memory_space<semaphore_mem>>)
        %dma_wait3A_1993 = arith.constant 0 : i32
        %dma_wait3A_1994 = tpu.memref_slice %arg9[%mul3A_56, %dma_wait3A_1993] : memref<16x128xf32, #tpu.memory_space<vmem_shared>> -> memref<4x128xf32, #tpu.memory_space<vmem_shared>>
        %dma_wait3A_1995 = arith.constant 0 : i32
        %dma_wait3A_1996 = tpu.memref_slice %arg9[%mul3A_56, %dma_wait3A_1995] : memref<16x128xf32, #tpu.memory_space<vmem_shared>> -> memref<4x128xf32, #tpu.memory_space<vmem_shared>>
        tpu.wait_dma2 semaphore(%run_scoped3A : memref<!tpu.dma_semaphore, #tpu.memory_space<semaphore_mem>>) src(%dma_wait3A_1996 : memref<4x128xf32, #tpu.memory_space<vmem_shared>>) dst(%arg8 : memref<4x128xf32, #tpu.memory_space<vmem>>)
        tpu.yield
      }) : () -> ()
      %barrier3A_1757 = arith.constant 0 : index
      tpu.barrier barrier_id(%barrier3A_1757)
      %get3A_1758 = arith.constant 0 : i32
      %get3A_1759 = arith.index_cast %get3A_1758 : i32 to index
      %get3A_1760 = arith.constant 0 : index
      %get3A_1761 = tpu.vector_load %arg8[%get3A_1759, %get3A_1760] {strides = array<i32>} : memref<4x128xf32, #tpu.memory_space<vmem>>, vector<16xf32>,
      %get3A_1762 = arith.constant 0 : i32
      %get3A_1763 = arith.index_cast %get3A_1762 : i32 to index
      %get3A_1764 = arith.constant 16 : index
      %get3A_1765 = tpu.vector_load %arg8[%get3A_1763, %get3A_1764] {strides = array<i32>} : memref<4x128xf32, #tpu.memory_space<vmem>>, vector<16xf32>,
      %bitcast3A_1766 = vector.bitcast %get3A_1765 : vector<16xf32> to vector<16xi32>
      %get3A_1767 = arith.constant 0 : i32
      %get3A_1768 = arith.index_cast %get3A_1767 : i32 to index
      %get3A_1769 = arith.constant 32 : index
      %get3A_1770 = tpu.vector_load %arg8[%get3A_1768, %get3A_1769] {strides = array<i32>} : memref<4x128xf32, #tpu.memory_space<vmem>>, vector<16xf32>,
      %get3A_1771 = arith.constant 0 : i32
      %get3A_1772 = arith.index_cast %get3A_1771 : i32 to index
      %get3A_1773 = arith.constant 48 : index
      %get3A_1774 = tpu.vector_load %arg8[%get3A_1772, %get3A_1773] {strides = array<i32>} : memref<4x128xf32, #tpu.memory_space<vmem>>, vector<16xf32>,
      %get3A_1775 = arith.constant 0 : i32
      %get3A_1776 = arith.index_cast %get3A_1775 : i32 to index
      %get3A_1777 = arith.constant 64 : index
      %get3A_1778 = tpu.vector_load %arg8[%get3A_1776, %get3A_1777] {strides = array<i32>} : memref<4x128xf32, #tpu.memory_space<vmem>>, vector<16xf32>,
      %get3A_1779 = arith.constant 1 : i32
      %get3A_1780 = arith.index_cast %get3A_1779 : i32 to index
      %get3A_1781 = arith.constant 0 : index
      %get3A_1782 = tpu.vector_load %arg8[%get3A_1780, %get3A_1781] {strides = array<i32>} : memref<4x128xf32, #tpu.memory_space<vmem>>, vector<16xf32>,
      %get3A_1783 = arith.constant 1 : i32
      %get3A_1784 = arith.index_cast %get3A_1783 : i32 to index
      %get3A_1785 = arith.constant 16 : index
      %get3A_1786 = tpu.vector_load %arg8[%get3A_1784, %get3A_1785] {strides = array<i32>} : memref<4x128xf32, #tpu.memory_space<vmem>>, vector<16xf32>,
      %bitcast3A_1787 = vector.bitcast %get3A_1786 : vector<16xf32> to vector<16xi32>
      %bitcast3A_1788 = vector.bitcast %get3A_1761 : vector<16xf32> to vector<16xi32>
      %bitcast3A_1789 = vector.bitcast %get3A_1782 : vector<16xf32> to vector<16xi32>
      %sub3A_1790 = arith.subi %bitcast3A_1788, %bitcast3A_1789 : vector<16xi32>
      %shift_right_logical3A_1791 = arith.constant 31 : i32
      %shift_right_logical3A_1792 = vector.broadcast %shift_right_logical3A_1791 : i32 to vector<16xi32>
      %shift_right_logical3A_1793 = arith.shrui %sub3A_1790, %shift_right_logical3A_1792 : vector<16xi32>
      %xor3A_1794 = arith.xori %bitcast3A_1788, %bitcast3A_1789 : vector<16xi32>
      %min3A_1795 = arith.constant 1 : i32
      %min3A_1796 = vector.broadcast %min3A_1795 : i32 to vector<16xi32>
      %min3A_1797 = arith.minsi %xor3A_1794, %min3A_1796 : vector<16xi32>
      %sub3A_1798 = arith.constant 1 : i32
      %sub3A_1799 = vector.broadcast %sub3A_1798 : i32 to vector<16xi32>
      %sub3A_1800 = arith.subi %sub3A_1799, %min3A_1797 : vector<16xi32>
      %sub3A_1801 = arith.subi %bitcast3A_1787, %bitcast3A_1766 : vector<16xi32>
      %shift_right_logical3A_1802 = arith.constant 31 : i32
      %shift_right_logical3A_1803 = vector.broadcast %shift_right_logical3A_1802 : i32 to vector<16xi32>
      %shift_right_logical3A_1804 = arith.shrui %sub3A_1801, %shift_right_logical3A_1803 : vector<16xi32>
      %and3A_1805 = arith.andi %sub3A_1800, %shift_right_logical3A_1804 : vector<16xi32>
      %or3A_1806 = arith.ori %shift_right_logical3A_1793, %and3A_1805 : vector<16xi32>
      %neg3A_1807 = arith.constant 0 : i32
      %neg3A_1808 = vector.broadcast %neg3A_1807 : i32 to vector<16xi32>
      %neg3A_1809 = arith.subi %neg3A_1808, %or3A_1806 : vector<16xi32>
      %not3A_1810 = arith.constant dense<-1> : vector<16xi32>
      %not3A_1811 = arith.xori %neg3A_1809, %not3A_1810 : vector<16xi32>
      %and3A_1812 = arith.andi %bitcast3A_1788, %not3A_1811 : vector<16xi32>
      %and3A_1813 = arith.andi %bitcast3A_1789, %neg3A_1809 : vector<16xi32>
      %or3A_1814 = arith.ori %and3A_1812, %and3A_1813 : vector<16xi32>
      %and3A_1815 = arith.andi %bitcast3A_1766, %not3A_1811 : vector<16xi32>
      %and3A_1816 = arith.andi %bitcast3A_1787, %neg3A_1809 : vector<16xi32>
      %or3A_1817 = arith.ori %and3A_1815, %and3A_1816 : vector<16xi32>
      %bitcast3A_1818 = vector.bitcast %or3A_1814 : vector<16xi32> to vector<16xf32>
      %get3A_1819 = arith.constant 1 : i32
      %get3A_1820 = arith.index_cast %get3A_1819 : i32 to index
      %get3A_1821 = arith.constant 32 : index
      %get3A_1822 = tpu.vector_load %arg8[%get3A_1820, %get3A_1821] {strides = array<i32>} : memref<4x128xf32, #tpu.memory_space<vmem>>, vector<16xf32>,
      %bitcast3A_1823 = vector.bitcast %get3A_1770 : vector<16xf32> to vector<16xi32>
      %bitcast3A_1824 = vector.bitcast %get3A_1822 : vector<16xf32> to vector<16xi32>
      %and3A_1825 = arith.andi %bitcast3A_1823, %not3A_1811 : vector<16xi32>
      %and3A_1826 = arith.andi %bitcast3A_1824, %neg3A_1809 : vector<16xi32>
      %or3A_1827 = arith.ori %and3A_1825, %and3A_1826 : vector<16xi32>
      %bitcast3A_1828 = vector.bitcast %or3A_1827 : vector<16xi32> to vector<16xf32>
      %get3A_1829 = arith.constant 1 : i32
      %get3A_1830 = arith.index_cast %get3A_1829 : i32 to index
      %get3A_1831 = arith.constant 48 : index
      %get3A_1832 = tpu.vector_load %arg8[%get3A_1830, %get3A_1831] {strides = array<i32>} : memref<4x128xf32, #tpu.memory_space<vmem>>, vector<16xf32>,
      %bitcast3A_1833 = vector.bitcast %get3A_1774 : vector<16xf32> to vector<16xi32>
      %bitcast3A_1834 = vector.bitcast %get3A_1832 : vector<16xf32> to vector<16xi32>
      %and3A_1835 = arith.andi %bitcast3A_1833, %not3A_1811 : vector<16xi32>
      %and3A_1836 = arith.andi %bitcast3A_1834, %neg3A_1809 : vector<16xi32>
      %or3A_1837 = arith.ori %and3A_1835, %and3A_1836 : vector<16xi32>
      %bitcast3A_1838 = vector.bitcast %or3A_1837 : vector<16xi32> to vector<16xf32>
      %get3A_1839 = arith.constant 1 : i32
      %get3A_1840 = arith.index_cast %get3A_1839 : i32 to index
      %get3A_1841 = arith.constant 64 : index
      %get3A_1842 = tpu.vector_load %arg8[%get3A_1840, %get3A_1841] {strides = array<i32>} : memref<4x128xf32, #tpu.memory_space<vmem>>, vector<16xf32>,
      %bitcast3A_1843 = vector.bitcast %get3A_1778 : vector<16xf32> to vector<16xi32>
      %bitcast3A_1844 = vector.bitcast %get3A_1842 : vector<16xf32> to vector<16xi32>
      %and3A_1845 = arith.andi %bitcast3A_1843, %not3A_1811 : vector<16xi32>
      %and3A_1846 = arith.andi %bitcast3A_1844, %neg3A_1809 : vector<16xi32>
      %or3A_1847 = arith.ori %and3A_1845, %and3A_1846 : vector<16xi32>
      %bitcast3A_1848 = vector.bitcast %or3A_1847 : vector<16xi32> to vector<16xf32>
      %get3A_1849 = arith.constant 2 : i32
      %get3A_1850 = arith.index_cast %get3A_1849 : i32 to index
      %get3A_1851 = arith.constant 0 : index
      %get3A_1852 = tpu.vector_load %arg8[%get3A_1850, %get3A_1851] {strides = array<i32>} : memref<4x128xf32, #tpu.memory_space<vmem>>, vector<16xf32>,
      %get3A_1853 = arith.constant 2 : i32
      %get3A_1854 = arith.index_cast %get3A_1853 : i32 to index
      %get3A_1855 = arith.constant 16 : index
      %get3A_1856 = tpu.vector_load %arg8[%get3A_1854, %get3A_1855] {strides = array<i32>} : memref<4x128xf32, #tpu.memory_space<vmem>>, vector<16xf32>,
      %bitcast3A_1857 = vector.bitcast %get3A_1856 : vector<16xf32> to vector<16xi32>
      %bitcast3A_1858 = vector.bitcast %bitcast3A_1818 : vector<16xf32> to vector<16xi32>
      %bitcast3A_1859 = vector.bitcast %get3A_1852 : vector<16xf32> to vector<16xi32>
      %sub3A_1860 = arith.subi %bitcast3A_1858, %bitcast3A_1859 : vector<16xi32>
      %shift_right_logical3A_1861 = arith.constant 31 : i32
      %shift_right_logical3A_1862 = vector.broadcast %shift_right_logical3A_1861 : i32 to vector<16xi32>
      %shift_right_logical3A_1863 = arith.shrui %sub3A_1860, %shift_right_logical3A_1862 : vector<16xi32>
      %xor3A_1864 = arith.xori %bitcast3A_1858, %bitcast3A_1859 : vector<16xi32>
      %min3A_1865 = arith.constant 1 : i32
      %min3A_1866 = vector.broadcast %min3A_1865 : i32 to vector<16xi32>
      %min3A_1867 = arith.minsi %xor3A_1864, %min3A_1866 : vector<16xi32>
      %sub3A_1868 = arith.constant 1 : i32
      %sub3A_1869 = vector.broadcast %sub3A_1868 : i32 to vector<16xi32>
      %sub3A_1870 = arith.subi %sub3A_1869, %min3A_1867 : vector<16xi32>
      %sub3A_1871 = arith.subi %bitcast3A_1857, %or3A_1817 : vector<16xi32>
      %shift_right_logical3A_1872 = arith.constant 31 : i32
      %shift_right_logical3A_1873 = vector.broadcast %shift_right_logical3A_1872 : i32 to vector<16xi32>
      %shift_right_logical3A_1874 = arith.shrui %sub3A_1871, %shift_right_logical3A_1873 : vector<16xi32>
      %and3A_1875 = arith.andi %sub3A_1870, %shift_right_logical3A_1874 : vector<16xi32>
      %or3A_1876 = arith.ori %shift_right_logical3A_1863, %and3A_1875 : vector<16xi32>
      %neg3A_1877 = arith.constant 0 : i32
      %neg3A_1878 = vector.broadcast %neg3A_1877 : i32 to vector<16xi32>
      %neg3A_1879 = arith.subi %neg3A_1878, %or3A_1876 : vector<16xi32>
      %not3A_1880 = arith.constant dense<-1> : vector<16xi32>
      %not3A_1881 = arith.xori %neg3A_1879, %not3A_1880 : vector<16xi32>
      %and3A_1882 = arith.andi %bitcast3A_1858, %not3A_1881 : vector<16xi32>
      %and3A_1883 = arith.andi %bitcast3A_1859, %neg3A_1879 : vector<16xi32>
      %or3A_1884 = arith.ori %and3A_1882, %and3A_1883 : vector<16xi32>
      %and3A_1885 = arith.andi %or3A_1817, %not3A_1881 : vector<16xi32>
      %and3A_1886 = arith.andi %bitcast3A_1857, %neg3A_1879 : vector<16xi32>
      %or3A_1887 = arith.ori %and3A_1885, %and3A_1886 : vector<16xi32>
      %bitcast3A_1888 = vector.bitcast %or3A_1884 : vector<16xi32> to vector<16xf32>
      %get3A_1889 = arith.constant 2 : i32
      %get3A_1890 = arith.index_cast %get3A_1889 : i32 to index
      %get3A_1891 = arith.constant 32 : index
      %get3A_1892 = tpu.vector_load %arg8[%get3A_1890, %get3A_1891] {strides = array<i32>} : memref<4x128xf32, #tpu.memory_space<vmem>>, vector<16xf32>,
      %bitcast3A_1893 = vector.bitcast %bitcast3A_1828 : vector<16xf32> to vector<16xi32>
      %bitcast3A_1894 = vector.bitcast %get3A_1892 : vector<16xf32> to vector<16xi32>
      %and3A_1895 = arith.andi %bitcast3A_1893, %not3A_1881 : vector<16xi32>
      %and3A_1896 = arith.andi %bitcast3A_1894, %neg3A_1879 : vector<16xi32>
      %or3A_1897 = arith.ori %and3A_1895, %and3A_1896 : vector<16xi32>
      %bitcast3A_1898 = vector.bitcast %or3A_1897 : vector<16xi32> to vector<16xf32>
      %get3A_1899 = arith.constant 2 : i32
      %get3A_1900 = arith.index_cast %get3A_1899 : i32 to index
      %get3A_1901 = arith.constant 48 : index
      %get3A_1902 = tpu.vector_load %arg8[%get3A_1900, %get3A_1901] {strides = array<i32>} : memref<4x128xf32, #tpu.memory_space<vmem>>, vector<16xf32>,
      %bitcast3A_1903 = vector.bitcast %bitcast3A_1838 : vector<16xf32> to vector<16xi32>
      %bitcast3A_1904 = vector.bitcast %get3A_1902 : vector<16xf32> to vector<16xi32>
      %and3A_1905 = arith.andi %bitcast3A_1903, %not3A_1881 : vector<16xi32>
      %and3A_1906 = arith.andi %bitcast3A_1904, %neg3A_1879 : vector<16xi32>
      %or3A_1907 = arith.ori %and3A_1905, %and3A_1906 : vector<16xi32>
      %bitcast3A_1908 = vector.bitcast %or3A_1907 : vector<16xi32> to vector<16xf32>
      %get3A_1909 = arith.constant 2 : i32
      %get3A_1910 = arith.index_cast %get3A_1909 : i32 to index
      %get3A_1911 = arith.constant 64 : index
      %get3A_1912 = tpu.vector_load %arg8[%get3A_1910, %get3A_1911] {strides = array<i32>} : memref<4x128xf32, #tpu.memory_space<vmem>>, vector<16xf32>,
      %bitcast3A_1913 = vector.bitcast %bitcast3A_1848 : vector<16xf32> to vector<16xi32>
      %bitcast3A_1914 = vector.bitcast %get3A_1912 : vector<16xf32> to vector<16xi32>
      %and3A_1915 = arith.andi %bitcast3A_1913, %not3A_1881 : vector<16xi32>
      %and3A_1916 = arith.andi %bitcast3A_1914, %neg3A_1879 : vector<16xi32>
      %or3A_1917 = arith.ori %and3A_1915, %and3A_1916 : vector<16xi32>
      %bitcast3A_1918 = vector.bitcast %or3A_1917 : vector<16xi32> to vector<16xf32>
      %get3A_1919 = arith.constant 3 : i32
      %get3A_1920 = arith.index_cast %get3A_1919 : i32 to index
      %get3A_1921 = arith.constant 0 : index
      %get3A_1922 = tpu.vector_load %arg8[%get3A_1920, %get3A_1921] {strides = array<i32>} : memref<4x128xf32, #tpu.memory_space<vmem>>, vector<16xf32>,
      %get3A_1923 = arith.constant 3 : i32
      %get3A_1924 = arith.index_cast %get3A_1923 : i32 to index
      %get3A_1925 = arith.constant 16 : index
      %get3A_1926 = tpu.vector_load %arg8[%get3A_1924, %get3A_1925] {strides = array<i32>} : memref<4x128xf32, #tpu.memory_space<vmem>>, vector<16xf32>,
      %bitcast3A_1927 = vector.bitcast %get3A_1926 : vector<16xf32> to vector<16xi32>
      %bitcast3A_1928 = vector.bitcast %bitcast3A_1888 : vector<16xf32> to vector<16xi32>
      %bitcast3A_1929 = vector.bitcast %get3A_1922 : vector<16xf32> to vector<16xi32>
      %sub3A_1930 = arith.subi %bitcast3A_1928, %bitcast3A_1929 : vector<16xi32>
      %shift_right_logical3A_1931 = arith.constant 31 : i32
      %shift_right_logical3A_1932 = vector.broadcast %shift_right_logical3A_1931 : i32 to vector<16xi32>
      %shift_right_logical3A_1933 = arith.shrui %sub3A_1930, %shift_right_logical3A_1932 : vector<16xi32>
      %xor3A_1934 = arith.xori %bitcast3A_1928, %bitcast3A_1929 : vector<16xi32>
      %min3A_1935 = arith.constant 1 : i32
      %min3A_1936 = vector.broadcast %min3A_1935 : i32 to vector<16xi32>
      %min3A_1937 = arith.minsi %xor3A_1934, %min3A_1936 : vector<16xi32>
      %sub3A_1938 = arith.constant 1 : i32
      %sub3A_1939 = vector.broadcast %sub3A_1938 : i32 to vector<16xi32>
      %sub3A_1940 = arith.subi %sub3A_1939, %min3A_1937 : vector<16xi32>
      %sub3A_1941 = arith.subi %bitcast3A_1927, %or3A_1887 : vector<16xi32>
      %shift_right_logical3A_1942 = arith.constant 31 : i32
      %shift_right_logical3A_1943 = vector.broadcast %shift_right_logical3A_1942 : i32 to vector<16xi32>
      %shift_right_logical3A_1944 = arith.shrui %sub3A_1941, %shift_right_logical3A_1943 : vector<16xi32>
      %and3A_1945 = arith.andi %sub3A_1940, %shift_right_logical3A_1944 : vector<16xi32>
      %or3A_1946 = arith.ori %shift_right_logical3A_1933, %and3A_1945 : vector<16xi32>
      %neg3A_1947 = arith.constant 0 : i32
      %neg3A_1948 = vector.broadcast %neg3A_1947 : i32 to vector<16xi32>
      %neg3A_1949 = arith.subi %neg3A_1948, %or3A_1946 : vector<16xi32>
      %not3A_1950 = arith.constant dense<-1> : vector<16xi32>
      %not3A_1951 = arith.xori %neg3A_1949, %not3A_1950 : vector<16xi32>
      %and3A_1952 = arith.andi %bitcast3A_1928, %not3A_1951 : vector<16xi32>
      %and3A_1953 = arith.andi %bitcast3A_1929, %neg3A_1949 : vector<16xi32>
      %or3A_1954 = arith.ori %and3A_1952, %and3A_1953 : vector<16xi32>
      %and3A_1955 = arith.andi %or3A_1887, %not3A_1951 : vector<16xi32>
      %and3A_1956 = arith.andi %bitcast3A_1927, %neg3A_1949 : vector<16xi32>
      %or3A_1957 = arith.ori %and3A_1955, %and3A_1956 : vector<16xi32>
      %bitcast3A_1958 = vector.bitcast %or3A_1954 : vector<16xi32> to vector<16xf32>
      %get3A_1959 = arith.constant 3 : i32
      %get3A_1960 = arith.index_cast %get3A_1959 : i32 to index
      %get3A_1961 = arith.constant 32 : index
      %get3A_1962 = tpu.vector_load %arg8[%get3A_1960, %get3A_1961] {strides = array<i32>} : memref<4x128xf32, #tpu.memory_space<vmem>>, vector<16xf32>,
      %bitcast3A_1963 = vector.bitcast %bitcast3A_1898 : vector<16xf32> to vector<16xi32>
      %bitcast3A_1964 = vector.bitcast %get3A_1962 : vector<16xf32> to vector<16xi32>
      %and3A_1965 = arith.andi %bitcast3A_1963, %not3A_1951 : vector<16xi32>
      %and3A_1966 = arith.andi %bitcast3A_1964, %neg3A_1949 : vector<16xi32>
      %or3A_1967 = arith.ori %and3A_1965, %and3A_1966 : vector<16xi32>
      %bitcast3A_1968 = vector.bitcast %or3A_1967 : vector<16xi32> to vector<16xf32>
      %get3A_1969 = arith.constant 3 : i32
      %get3A_1970 = arith.index_cast %get3A_1969 : i32 to index
      %get3A_1971 = arith.constant 48 : index
      %get3A_1972 = tpu.vector_load %arg8[%get3A_1970, %get3A_1971] {strides = array<i32>} : memref<4x128xf32, #tpu.memory_space<vmem>>, vector<16xf32>,
      %bitcast3A_1973 = vector.bitcast %bitcast3A_1908 : vector<16xf32> to vector<16xi32>
      %bitcast3A_1974 = vector.bitcast %get3A_1972 : vector<16xf32> to vector<16xi32>
      %and3A_1975 = arith.andi %bitcast3A_1973, %not3A_1951 : vector<16xi32>
      %and3A_1976 = arith.andi %bitcast3A_1974, %neg3A_1949 : vector<16xi32>
      %or3A_1977 = arith.ori %and3A_1975, %and3A_1976 : vector<16xi32>
      %bitcast3A_1978 = vector.bitcast %or3A_1977 : vector<16xi32> to vector<16xf32>
      %get3A_1979 = arith.constant 3 : i32
      %get3A_1980 = arith.index_cast %get3A_1979 : i32 to index
      %get3A_1981 = arith.constant 64 : index
      %get3A_1982 = tpu.vector_load %arg8[%get3A_1980, %get3A_1981] {strides = array<i32>} : memref<4x128xf32, #tpu.memory_space<vmem>>, vector<16xf32>,
      %bitcast3A_1983 = vector.bitcast %bitcast3A_1918 : vector<16xf32> to vector<16xi32>
      %bitcast3A_1984 = vector.bitcast %get3A_1982 : vector<16xf32> to vector<16xi32>
      %and3A_1985 = arith.andi %bitcast3A_1983, %not3A_1951 : vector<16xi32>
      %and3A_1986 = arith.andi %bitcast3A_1984, %neg3A_1949 : vector<16xi32>
      %or3A_1987 = arith.ori %and3A_1985, %and3A_1986 : vector<16xi32>
      %bitcast3A_1988 = vector.bitcast %or3A_1987 : vector<16xi32> to vector<16xf32>
      scf.yield %or3A_1957, %bitcast3A_1968, %bitcast3A_1978, %bitcast3A_1988 : vector<16xi32>, vector<16xf32>, vector<16xf32>, vector<16xf32>
    }
    %scan3A_144 = arith.constant 2048 : i32
    %mul3A_145 = arith.constant 2048 : i32
    %mul3A_146 = arith.muli %arg1, %mul3A_145 : i32
    "tpu.region"() ({
      %run_scoped3A = tpu.sem_alloc : memref<!tpu.dma_semaphore, #tpu.memory_space<semaphore_mem>>
      %dma_start3A_1435 = arith.constant 0 : i32
      %dma_start3A_1436 = tpu.memref_slice %arg11[%dma_start3A_1435] : memref<2064xi32, #tpu.memory_space<vmem>> -> memref<2048xi32, #tpu.memory_space<vmem>>
      %dma_start3A_1437 = tpu.memref_slice %arg19[%mul3A_146] : memref<32768xi32, #tpu.memory_space<vmem_shared>> -> memref<2048xi32, #tpu.memory_space<vmem_shared>>
      %dma_start3A_1438 = tpu.memref_slice %arg19[%mul3A_146] : memref<32768xi32, #tpu.memory_space<vmem_shared>> -> memref<2048xi32, #tpu.memory_space<vmem_shared>>
      %dma_start3A_1439 = arith.constant 0 : i32
      %dma_start3A_1440 = tpu.memref_slice %arg11[%dma_start3A_1439] : memref<2064xi32, #tpu.memory_space<vmem>> -> memref<2048xi32, #tpu.memory_space<vmem>>
      tpu.enqueue_dma source(%dma_start3A_1440 : memref<2048xi32, #tpu.memory_space<vmem>>) target(%dma_start3A_1438 : memref<2048xi32, #tpu.memory_space<vmem_shared>>) target_semaphore(%run_scoped3A : memref<!tpu.dma_semaphore, #tpu.memory_space<semaphore_mem>>)
      %dma_wait3A_1441 = arith.constant 0 : i32
      %dma_wait3A_1442 = tpu.memref_slice %arg11[%dma_wait3A_1441] : memref<2064xi32, #tpu.memory_space<vmem>> -> memref<2048xi32, #tpu.memory_space<vmem>>
      %dma_wait3A_1443 = tpu.memref_slice %arg19[%mul3A_146] : memref<32768xi32, #tpu.memory_space<vmem_shared>> -> memref<2048xi32, #tpu.memory_space<vmem_shared>>
      %dma_wait3A_1444 = tpu.memref_slice %arg19[%mul3A_146] : memref<32768xi32, #tpu.memory_space<vmem_shared>> -> memref<2048xi32, #tpu.memory_space<vmem_shared>>
      %dma_wait3A_1445 = arith.constant 0 : i32
      %dma_wait3A_1446 = tpu.memref_slice %arg11[%dma_wait3A_1445] : memref<2064xi32, #tpu.memory_space<vmem>> -> memref<2048xi32, #tpu.memory_space<vmem>>
      tpu.wait_dma2 semaphore(%run_scoped3A : memref<!tpu.dma_semaphore, #tpu.memory_space<semaphore_mem>>) src(%dma_wait3A_1446 : memref<2048xi32, #tpu.memory_space<vmem>>) dst(%dma_wait3A_1444 : memref<2048xi32, #tpu.memory_space<vmem_shared>>)
      tpu.yield
    }) : () -> ()
    %barrier3A_147 = arith.constant 0 : index
    tpu.barrier barrier_id(%barrier3A_147)
    %mul3A_148 = arith.constant 2048 : i32
    %mul3A_149 = arith.muli %mul3A_56, %mul3A_148 : i32
    "tpu.region"() ({
      %run_scoped3A = tpu.sem_alloc : memref<!tpu.dma_semaphore, #tpu.memory_space<semaphore_mem>>
      %dma_start3A_1435 = tpu.memref_slice %arg19[%mul3A_149] : memref<32768xi32, #tpu.memory_space<vmem_shared>> -> memref<8192xi32, #tpu.memory_space<vmem_shared>>
      %dma_start3A_1436 = tpu.memref_slice %arg19[%mul3A_149] : memref<32768xi32, #tpu.memory_space<vmem_shared>> -> memref<8192xi32, #tpu.memory_space<vmem_shared>>
      tpu.enqueue_dma source(%dma_start3A_1436 : memref<8192xi32, #tpu.memory_space<vmem_shared>>) target(%arg12 : memref<8192xi32, #tpu.memory_space<vmem>>) target_semaphore(%run_scoped3A : memref<!tpu.dma_semaphore, #tpu.memory_space<semaphore_mem>>)
      %dma_wait3A_1437 = tpu.memref_slice %arg19[%mul3A_149] : memref<32768xi32, #tpu.memory_space<vmem_shared>> -> memref<8192xi32, #tpu.memory_space<vmem_shared>>
      %dma_wait3A_1438 = tpu.memref_slice %arg19[%mul3A_149] : memref<32768xi32, #tpu.memory_space<vmem_shared>> -> memref<8192xi32, #tpu.memory_space<vmem_shared>>
      tpu.wait_dma2 semaphore(%run_scoped3A : memref<!tpu.dma_semaphore, #tpu.memory_space<semaphore_mem>>) src(%dma_wait3A_1438 : memref<8192xi32, #tpu.memory_space<vmem_shared>>) dst(%arg12 : memref<8192xi32, #tpu.memory_space<vmem>>)
      tpu.yield
    }) : () -> ()
    %mul3A_150 = arith.constant 3 : i32
    %mul3A_151 = arith.muli %mul3A_56, %mul3A_150 : i32
    %mul3A_152 = arith.constant 2048 : i32
    %mul3A_153 = arith.muli %mul3A_151, %mul3A_152 : i32
    "tpu.region"() ({
      %run_scoped3A = tpu.sem_alloc : memref<!tpu.dma_semaphore, #tpu.memory_space<semaphore_mem>>
      %dma_start3A_1435 = tpu.memref_slice %arg20[%mul3A_153] : memref<98304xf32, #tpu.memory_space<vmem_shared>> -> memref<24576xf32, #tpu.memory_space<vmem_shared>>
      %dma_start3A_1436 = tpu.memref_slice %arg20[%mul3A_153] : memref<98304xf32, #tpu.memory_space<vmem_shared>> -> memref<24576xf32, #tpu.memory_space<vmem_shared>>
      tpu.enqueue_dma source(%dma_start3A_1436 : memref<24576xf32, #tpu.memory_space<vmem_shared>>) target(%arg25 : memref<24576xf32, #tpu.memory_space<vmem>>) target_semaphore(%run_scoped3A : memref<!tpu.dma_semaphore, #tpu.memory_space<semaphore_mem>>)
      %dma_wait3A_1437 = tpu.memref_slice %arg20[%mul3A_153] : memref<98304xf32, #tpu.memory_space<vmem_shared>> -> memref<24576xf32, #tpu.memory_space<vmem_shared>>
      %dma_wait3A_1438 = tpu.memref_slice %arg20[%mul3A_153] : memref<98304xf32, #tpu.memory_space<vmem_shared>> -> memref<24576xf32, #tpu.memory_space<vmem_shared>>
      tpu.wait_dma2 semaphore(%run_scoped3A : memref<!tpu.dma_semaphore, #tpu.memory_space<semaphore_mem>>) src(%dma_wait3A_1438 : memref<24576xf32, #tpu.memory_space<vmem_shared>>) dst(%arg25 : memref<24576xf32, #tpu.memory_space<vmem>>)
      tpu.yield
    }) : () -> ()
    %mul3A_154 = arith.constant 8192 : i32
    %mul3A_155 = arith.muli %add3A, %mul3A_154 : i32
    %broadcast_in_dim3A_156 = vector.broadcast %mul3A_155 : i32 to vector<16xi32>
    %broadcast_in_dim3A_157 = arith.constant 15 : i32
    %broadcast_in_dim3A_158 = vector.broadcast %broadcast_in_dim3A_157 : i32 to vector<16xi32>
    %broadcast_in_dim3A_159 = arith.constant 2048 : i32
    %broadcast_in_dim3A_160 = vector.broadcast %broadcast_in_dim3A_159 : i32 to vector<16xi32>
    %scan3A_161 = arith.constant 0 : i32
    %scan3A_162 = arith.constant 512 : i32
    %scan3A_163 = arith.addi %scan3A_161, %scan3A_162 : i32
    %scan3A_164 = arith.constant 1 : i32
    %scan3A_165 = scf.for %scan3A_1435 = %scan3A_161 to %scan3A_163 step %scan3A_164 iter_args(%scan3A_1436 = %broadcast_in_dim3A_59) -> (vector<16xi32>)  : i32 {
      %mul3A_1437 = arith.constant 16 : i32
      %mul3A_1438 = arith.muli %scan3A_1435, %mul3A_1437 : i32
      %get3A_1439 = arith.index_cast %mul3A_1438 : i32 to index
      %get3A_1440 = tpu.vector_load %arg12[%get3A_1439] {strides = array<i32>} : memref<8192xi32, #tpu.memory_space<vmem>>, vector<16xi32>,
      %sub3A_1441 = arith.constant 1 : i32
      %sub3A_1442 = vector.broadcast %sub3A_1441 : i32 to vector<16xi32>
      %sub3A_1443 = arith.subi %iota3A, %sub3A_1442 : vector<16xi32>
      %max3A = arith.constant 0 : i32
      %max3A_1444 = vector.broadcast %max3A : i32 to vector<16xi32>
      %max3A_1445 = arith.maxsi %sub3A_1443, %max3A_1444 : vector<16xi32>
      %broadcast_in_dim3A_1446 = vector.shape_cast %max3A_1445 : vector<16xi32> to vector<16x1xi32>
      %gather3A_1447 = vector.shape_cast %broadcast_in_dim3A_1446 : vector<16x1xi32> to vector<16xi32>
      %gather3A_1448 = tpu.dynamic_gather %get3A_1440[%gather3A_1447] in [0] : vector<16xi32>, vector<16xi32> -> vector<16xi32>
      %sub3A_1449 = arith.constant 1 : i32
      %sub3A_1450 = vector.broadcast %sub3A_1449 : i32 to vector<16xi32>
      %sub3A_1451 = arith.subi %iota3A, %sub3A_1450 : vector<16xi32>
      %shift_right_logical3A_1452 = arith.constant 31 : i32
      %shift_right_logical3A_1453 = vector.broadcast %shift_right_logical3A_1452 : i32 to vector<16xi32>
      %shift_right_logical3A_1454 = arith.shrui %sub3A_1451, %shift_right_logical3A_1453 : vector<16xi32>
      %sub3A_1455 = arith.constant 1 : i32
      %sub3A_1456 = vector.broadcast %sub3A_1455 : i32 to vector<16xi32>
      %sub3A_1457 = arith.subi %sub3A_1456, %shift_right_logical3A_1454 : vector<16xi32>
      %neg3A = arith.constant 0 : i32
      %neg3A_1458 = vector.broadcast %neg3A : i32 to vector<16xi32>
      %neg3A_1459 = arith.subi %neg3A_1458, %sub3A_1457 : vector<16xi32>
      %and3A_1460 = arith.andi %gather3A_1448, %neg3A_1459 : vector<16xi32>
      %add3A_1461 = arith.addi %get3A_1440, %and3A_1460 : vector<16xi32>
      %sub3A_1462 = arith.constant 2 : i32
      %sub3A_1463 = vector.broadcast %sub3A_1462 : i32 to vector<16xi32>
      %sub3A_1464 = arith.subi %iota3A, %sub3A_1463 : vector<16xi32>
      %max3A_1465 = arith.constant 0 : i32
      %max3A_1466 = vector.broadcast %max3A_1465 : i32 to vector<16xi32>
      %max3A_1467 = arith.maxsi %sub3A_1464, %max3A_1466 : vector<16xi32>
      %broadcast_in_dim3A_1468 = vector.shape_cast %max3A_1467 : vector<16xi32> to vector<16x1xi32>
      %gather3A_1469 = vector.shape_cast %broadcast_in_dim3A_1468 : vector<16x1xi32> to vector<16xi32>
      %gather3A_1470 = tpu.dynamic_gather %add3A_1461[%gather3A_1469] in [0] : vector<16xi32>, vector<16xi32> -> vector<16xi32>
      %sub3A_1471 = arith.constant 2 : i32
      %sub3A_1472 = vector.broadcast %sub3A_1471 : i32 to vector<16xi32>
      %sub3A_1473 = arith.subi %iota3A, %sub3A_1472 : vector<16xi32>
      %shift_right_logical3A_1474 = arith.constant 31 : i32
      %shift_right_logical3A_1475 = vector.broadcast %shift_right_logical3A_1474 : i32 to vector<16xi32>
      %shift_right_logical3A_1476 = arith.shrui %sub3A_1473, %shift_right_logical3A_1475 : vector<16xi32>
      %sub3A_1477 = arith.constant 1 : i32
      %sub3A_1478 = vector.broadcast %sub3A_1477 : i32 to vector<16xi32>
      %sub3A_1479 = arith.subi %sub3A_1478, %shift_right_logical3A_1476 : vector<16xi32>
      %neg3A_1480 = arith.constant 0 : i32
      %neg3A_1481 = vector.broadcast %neg3A_1480 : i32 to vector<16xi32>
      %neg3A_1482 = arith.subi %neg3A_1481, %sub3A_1479 : vector<16xi32>
      %and3A_1483 = arith.andi %gather3A_1470, %neg3A_1482 : vector<16xi32>
      %add3A_1484 = arith.addi %add3A_1461, %and3A_1483 : vector<16xi32>
      %sub3A_1485 = arith.constant 4 : i32
      %sub3A_1486 = vector.broadcast %sub3A_1485 : i32 to vector<16xi32>
      %sub3A_1487 = arith.subi %iota3A, %sub3A_1486 : vector<16xi32>
      %max3A_1488 = arith.constant 0 : i32
      %max3A_1489 = vector.broadcast %max3A_1488 : i32 to vector<16xi32>
      %max3A_1490 = arith.maxsi %sub3A_1487, %max3A_1489 : vector<16xi32>
      %broadcast_in_dim3A_1491 = vector.shape_cast %max3A_1490 : vector<16xi32> to vector<16x1xi32>
      %gather3A_1492 = vector.shape_cast %broadcast_in_dim3A_1491 : vector<16x1xi32> to vector<16xi32>
      %gather3A_1493 = tpu.dynamic_gather %add3A_1484[%gather3A_1492] in [0] : vector<16xi32>, vector<16xi32> -> vector<16xi32>
      %sub3A_1494 = arith.constant 4 : i32
      %sub3A_1495 = vector.broadcast %sub3A_1494 : i32 to vector<16xi32>
      %sub3A_1496 = arith.subi %iota3A, %sub3A_1495 : vector<16xi32>
      %shift_right_logical3A_1497 = arith.constant 31 : i32
      %shift_right_logical3A_1498 = vector.broadcast %shift_right_logical3A_1497 : i32 to vector<16xi32>
      %shift_right_logical3A_1499 = arith.shrui %sub3A_1496, %shift_right_logical3A_1498 : vector<16xi32>
      %sub3A_1500 = arith.constant 1 : i32
      %sub3A_1501 = vector.broadcast %sub3A_1500 : i32 to vector<16xi32>
      %sub3A_1502 = arith.subi %sub3A_1501, %shift_right_logical3A_1499 : vector<16xi32>
      %neg3A_1503 = arith.constant 0 : i32
      %neg3A_1504 = vector.broadcast %neg3A_1503 : i32 to vector<16xi32>
      %neg3A_1505 = arith.subi %neg3A_1504, %sub3A_1502 : vector<16xi32>
      %and3A_1506 = arith.andi %gather3A_1493, %neg3A_1505 : vector<16xi32>
      %add3A_1507 = arith.addi %add3A_1484, %and3A_1506 : vector<16xi32>
      %sub3A_1508 = arith.constant 8 : i32
      %sub3A_1509 = vector.broadcast %sub3A_1508 : i32 to vector<16xi32>
      %sub3A_1510 = arith.subi %iota3A, %sub3A_1509 : vector<16xi32>
      %max3A_1511 = arith.constant 0 : i32
      %max3A_1512 = vector.broadcast %max3A_1511 : i32 to vector<16xi32>
      %max3A_1513 = arith.maxsi %sub3A_1510, %max3A_1512 : vector<16xi32>
      %broadcast_in_dim3A_1514 = vector.shape_cast %max3A_1513 : vector<16xi32> to vector<16x1xi32>
      %gather3A_1515 = vector.shape_cast %broadcast_in_dim3A_1514 : vector<16x1xi32> to vector<16xi32>
      %gather3A_1516 = tpu.dynamic_gather %add3A_1507[%gather3A_1515] in [0] : vector<16xi32>, vector<16xi32> -> vector<16xi32>
      %sub3A_1517 = arith.constant 8 : i32
      %sub3A_1518 = vector.broadcast %sub3A_1517 : i32 to vector<16xi32>
      %sub3A_1519 = arith.subi %iota3A, %sub3A_1518 : vector<16xi32>
      %shift_right_logical3A_1520 = arith.constant 31 : i32
      %shift_right_logical3A_1521 = vector.broadcast %shift_right_logical3A_1520 : i32 to vector<16xi32>
      %shift_right_logical3A_1522 = arith.shrui %sub3A_1519, %shift_right_logical3A_1521 : vector<16xi32>
      %sub3A_1523 = arith.constant 1 : i32
      %sub3A_1524 = vector.broadcast %sub3A_1523 : i32 to vector<16xi32>
      %sub3A_1525 = arith.subi %sub3A_1524, %shift_right_logical3A_1522 : vector<16xi32>
      %neg3A_1526 = arith.constant 0 : i32
      %neg3A_1527 = vector.broadcast %neg3A_1526 : i32 to vector<16xi32>
      %neg3A_1528 = arith.subi %neg3A_1527, %sub3A_1525 : vector<16xi32>
      %and3A_1529 = arith.andi %gather3A_1516, %neg3A_1528 : vector<16xi32>
      %add3A_1530 = arith.addi %add3A_1507, %and3A_1529 : vector<16xi32>
      %add3A_1531 = arith.addi %scan3A_1436, %add3A_1530 : vector<16xi32>
      %sub3A_1532 = arith.constant 1 : i32
      %sub3A_1533 = vector.broadcast %sub3A_1532 : i32 to vector<16xi32>
      %sub3A_1534 = arith.subi %add3A_1531, %sub3A_1533 : vector<16xi32>
      %neg3A_1535 = arith.constant 0 : i32
      %neg3A_1536 = vector.broadcast %neg3A_1535 : i32 to vector<16xi32>
      %neg3A_1537 = arith.subi %neg3A_1536, %get3A_1440 : vector<16xi32>
      %and3A_1538 = arith.andi %sub3A_1534, %neg3A_1537 : vector<16xi32>
      %not3A = arith.constant dense<-1> : vector<16xi32>
      %not3A_1539 = arith.xori %neg3A_1537, %not3A : vector<16xi32>
      %and3A_1540 = arith.andi %broadcast_in_dim3A_160, %not3A_1539 : vector<16xi32>
      %or3A = arith.ori %and3A_1538, %and3A_1540 : vector<16xi32>
      %mul3A_1541 = arith.constant 16 : i32
      %mul3A_1542 = arith.muli %scan3A_1435, %mul3A_1541 : i32
      %add3A_1543 = vector.broadcast %mul3A_1542 : i32 to vector<16xi32>
      %add3A_1544 = arith.addi %add3A_1543, %iota3A : vector<16xi32>
      tpu.vector_store_idx %arg21[%or3A], %add3A_1544 : memref<2064xi32, #tpu.memory_space<vmem>>[vector<16xi32>], vector<16xi32>,
      %add3A_1545 = arith.addi %add3A_1544, %broadcast_in_dim3A_156 : vector<16xi32>
      tpu.vector_store_idx %arg22[%or3A], %add3A_1545 : memref<2064xi32, #tpu.memory_space<vmem>>[vector<16xi32>], vector<16xi32>,
      %broadcast_in_dim3A_1546 = vector.shape_cast %broadcast_in_dim3A_158 : vector<16xi32> to vector<16x1xi32>
      %gather3A_1547 = vector.shape_cast %broadcast_in_dim3A_1546 : vector<16x1xi32> to vector<16xi32>
      %gather3A_1548 = tpu.dynamic_gather %add3A_1530[%gather3A_1547] in [0] : vector<16xi32>, vector<16xi32> -> vector<16xi32>
      %add3A_1549 = arith.addi %scan3A_1436, %gather3A_1548 : vector<16xi32>
      scf.yield %add3A_1549 : vector<16xi32>
    }
    %scan3A_166 = arith.constant 512 : i32
    %mul3A_167 = arith.constant 512 : i32
    %mul3A_168 = arith.muli %select_n3A_30, %mul3A_167 : i32
    %add3A_169 = arith.constant 0 : i32
    %add3A_170 = arith.addi %mul3A_168, %add3A_169 : i32
    %dma_start3A = tpu.memref_slice %arg22[%add3A_170] : memref<2064xi32, #tpu.memory_space<vmem>> -> memref<128xi32, #tpu.memory_space<vmem>>
    %dma_start3A_171 = arith.constant 0 : i32
    %dma_start3A_172 = arith.constant 0 : i32
    %dma_start3A_173 = tpu.memref_slice %arg3[%dma_start3A_171, %dma_start3A_172] : memref<65536x128xf32, #tpu.memory_space<hbm>> -> memref<65536x128xf32, #tpu.memory_space<hbm>>
    tpu.enqueue_indirect_dma source(%dma_start3A_173 : memref<65536x128xf32, #tpu.memory_space<hbm>>) target(%arg13 : memref<128x128xf32, #tpu.memory_space<vmem>>) offsets(%dma_start3A : memref<128xi32, #tpu.memory_space<vmem>>) semaphore(%arg17 : memref<!tpu.dma_semaphore, #tpu.memory_space<semaphore_mem>>)
    %dma_start3A_174 = tpu.memref_slice %arg22[%add3A_170] : memref<2064xi32, #tpu.memory_space<vmem>> -> memref<128xi32, #tpu.memory_space<vmem>>
    %dma_start3A_175 = arith.constant 0 : i32
    %dma_start3A_176 = arith.constant 0 : i32
    %dma_start3A_177 = tpu.memref_slice %arg4[%dma_start3A_175, %dma_start3A_176] : memref<65536x128xf32, #tpu.memory_space<hbm>> -> memref<65536x128xf32, #tpu.memory_space<hbm>>
    tpu.enqueue_indirect_dma source(%dma_start3A_177 : memref<65536x128xf32, #tpu.memory_space<hbm>>) target(%arg16 : memref<128x128xf32, #tpu.memory_space<vmem>>) offsets(%dma_start3A_174 : memref<128xi32, #tpu.memory_space<vmem>>) semaphore(%arg18 : memref<!tpu.dma_semaphore, #tpu.memory_space<semaphore_mem>>)
    %add3A_178 = arith.constant 0 : i32
    %add3A_179 = arith.addi %add3A_170, %add3A_178 : i32
    %get3A_180 = arith.index_cast %add3A_179 : i32 to index
    %get3A_181 = tpu.vector_load %arg21[%get3A_180] {strides = array<i32>} : memref<2064xi32, #tpu.memory_space<vmem>>, vector<16xi32>,
    %shift_right_logical3A = arith.constant 11 : i32
    %shift_right_logical3A_182 = vector.broadcast %shift_right_logical3A : i32 to vector<16xi32>
    %shift_right_logical3A_183 = arith.shrui %get3A_181, %shift_right_logical3A_182 : vector<16xi32>
    %and3A_184 = arith.constant 2047 : i32
    %and3A_185 = vector.broadcast %and3A_184 : i32 to vector<16xi32>
    %and3A_186 = arith.andi %get3A_181, %and3A_185 : vector<16xi32>
    %shift_left3A = arith.constant 12 : i32
    %shift_left3A_187 = vector.broadcast %shift_left3A : i32 to vector<16xi32>
    %shift_left3A_188 = arith.shli %shift_right_logical3A_183, %shift_left3A_187 : vector<16xi32>
    %shift_left3A_189 = arith.constant 11 : i32
    %shift_left3A_190 = vector.broadcast %shift_left3A_189 : i32 to vector<16xi32>
    %shift_left3A_191 = arith.shli %shift_right_logical3A_183, %shift_left3A_190 : vector<16xi32>
    %add3A_192 = arith.addi %shift_left3A_188, %shift_left3A_191 : vector<16xi32>
    %add3A_193 = arith.addi %add3A_192, %and3A_186 : vector<16xi32>
    %gather3A_194 = tpu.vector_load_idx %arg25[%add3A_193] : memref<24576xf32, #tpu.memory_space<vmem>>[vector<16xi32>], vector<16xf32>,
    %add3A_195 = arith.constant 2048 : i32
    %add3A_196 = vector.broadcast %add3A_195 : i32 to vector<16xi32>
    %add3A_197 = arith.addi %add3A_193, %add3A_196 : vector<16xi32>
    %gather3A_198 = tpu.vector_load_idx %arg25[%add3A_197] : memref<24576xf32, #tpu.memory_space<vmem>>[vector<16xi32>], vector<16xf32>,
    %add3A_199 = arith.constant 4096 : i32
    %add3A_200 = vector.broadcast %add3A_199 : i32 to vector<16xi32>
    %add3A_201 = arith.addi %add3A_193, %add3A_200 : vector<16xi32>
    %gather3A_202 = tpu.vector_load_idx %arg25[%add3A_201] : memref<24576xf32, #tpu.memory_space<vmem>>[vector<16xi32>], vector<16xf32>,
    %add3A_203 = arith.constant 0 : i32
    %add3A_204 = vector.broadcast %add3A_203 : i32 to vector<16xi32>
    %add3A_205 = arith.addi %add3A_204, %iota3A : vector<16xi32>
    tpu.vector_store_idx %arg23[%add3A_205, %broadcast_in_dim3A_59], %gather3A_194 : memref<128x3xf32, #tpu.memory_space<vmem>>[vector<16xi32>, vector<16xi32>], vector<16xf32>,
    tpu.vector_store_idx %arg23[%add3A_205, %broadcast_in_dim3A_61], %gather3A_198 : memref<128x3xf32, #tpu.memory_space<vmem>>[vector<16xi32>, vector<16xi32>], vector<16xf32>,
    %add3A_206 = arith.constant 1 : i32
    %add3A_207 = vector.broadcast %add3A_206 : i32 to vector<16xi32>
    %add3A_208 = arith.addi %broadcast_in_dim3A_61, %add3A_207 : vector<16xi32>
    tpu.vector_store_idx %arg23[%add3A_205, %add3A_208], %gather3A_202 : memref<128x3xf32, #tpu.memory_space<vmem>>[vector<16xi32>, vector<16xi32>], vector<16xf32>,
    tpu.vector_store_idx %arg15[%add3A_205, %broadcast_in_dim3A_59], %gather3A_194 : memref<128x131xf32, #tpu.memory_space<vmem>>[vector<16xi32>, vector<16xi32>], vector<16xf32>,
    tpu.vector_store_idx %arg15[%add3A_205, %broadcast_in_dim3A_61], %gather3A_198 : memref<128x131xf32, #tpu.memory_space<vmem>>[vector<16xi32>, vector<16xi32>], vector<16xf32>,
    %add3A_209 = arith.constant 1 : i32
    %add3A_210 = vector.broadcast %add3A_209 : i32 to vector<16xi32>
    %add3A_211 = arith.addi %broadcast_in_dim3A_61, %add3A_210 : vector<16xi32>
    tpu.vector_store_idx %arg15[%add3A_205, %add3A_211], %gather3A_202 : memref<128x131xf32, #tpu.memory_space<vmem>>[vector<16xi32>, vector<16xi32>], vector<16xf32>,
    %add3A_212 = arith.constant 16 : i32
    %add3A_213 = arith.addi %add3A_170, %add3A_212 : i32
    %get3A_214 = arith.index_cast %add3A_213 : i32 to index
    %get3A_215 = tpu.vector_load %arg21[%get3A_214] {strides = array<i32>} : memref<2064xi32, #tpu.memory_space<vmem>>, vector<16xi32>,
    %shift_right_logical3A_216 = arith.constant 11 : i32
    %shift_right_logical3A_217 = vector.broadcast %shift_right_logical3A_216 : i32 to vector<16xi32>
    %shift_right_logical3A_218 = arith.shrui %get3A_215, %shift_right_logical3A_217 : vector<16xi32>
    %and3A_219 = arith.constant 2047 : i32
    %and3A_220 = vector.broadcast %and3A_219 : i32 to vector<16xi32>
    %and3A_221 = arith.andi %get3A_215, %and3A_220 : vector<16xi32>
    %shift_left3A_222 = arith.constant 12 : i32
    %shift_left3A_223 = vector.broadcast %shift_left3A_222 : i32 to vector<16xi32>
    %shift_left3A_224 = arith.shli %shift_right_logical3A_218, %shift_left3A_223 : vector<16xi32>
    %shift_left3A_225 = arith.constant 11 : i32
    %shift_left3A_226 = vector.broadcast %shift_left3A_225 : i32 to vector<16xi32>
    %shift_left3A_227 = arith.shli %shift_right_logical3A_218, %shift_left3A_226 : vector<16xi32>
    %add3A_228 = arith.addi %shift_left3A_224, %shift_left3A_227 : vector<16xi32>
    %add3A_229 = arith.addi %add3A_228, %and3A_221 : vector<16xi32>
    %gather3A_230 = tpu.vector_load_idx %arg25[%add3A_229] : memref<24576xf32, #tpu.memory_space<vmem>>[vector<16xi32>], vector<16xf32>,
    %add3A_231 = arith.constant 2048 : i32
    %add3A_232 = vector.broadcast %add3A_231 : i32 to vector<16xi32>
    %add3A_233 = arith.addi %add3A_229, %add3A_232 : vector<16xi32>
    %gather3A_234 = tpu.vector_load_idx %arg25[%add3A_233] : memref<24576xf32, #tpu.memory_space<vmem>>[vector<16xi32>], vector<16xf32>,
    %add3A_235 = arith.constant 4096 : i32
    %add3A_236 = vector.broadcast %add3A_235 : i32 to vector<16xi32>
    %add3A_237 = arith.addi %add3A_229, %add3A_236 : vector<16xi32>
    %gather3A_238 = tpu.vector_load_idx %arg25[%add3A_237] : memref<24576xf32, #tpu.memory_space<vmem>>[vector<16xi32>], vector<16xf32>,
    %add3A_239 = arith.constant 16 : i32
    %add3A_240 = vector.broadcast %add3A_239 : i32 to vector<16xi32>
    %add3A_241 = arith.addi %add3A_240, %iota3A : vector<16xi32>
    tpu.vector_store_idx %arg23[%add3A_241, %broadcast_in_dim3A_59], %gather3A_230 : memref<128x3xf32, #tpu.memory_space<vmem>>[vector<16xi32>, vector<16xi32>], vector<16xf32>,
    tpu.vector_store_idx %arg23[%add3A_241, %broadcast_in_dim3A_61], %gather3A_234 : memref<128x3xf32, #tpu.memory_space<vmem>>[vector<16xi32>, vector<16xi32>], vector<16xf32>,
    %add3A_242 = arith.constant 1 : i32
    %add3A_243 = vector.broadcast %add3A_242 : i32 to vector<16xi32>
    %add3A_244 = arith.addi %broadcast_in_dim3A_61, %add3A_243 : vector<16xi32>
    tpu.vector_store_idx %arg23[%add3A_241, %add3A_244], %gather3A_238 : memref<128x3xf32, #tpu.memory_space<vmem>>[vector<16xi32>, vector<16xi32>], vector<16xf32>,
    tpu.vector_store_idx %arg15[%add3A_241, %broadcast_in_dim3A_59], %gather3A_230 : memref<128x131xf32, #tpu.memory_space<vmem>>[vector<16xi32>, vector<16xi32>], vector<16xf32>,
    tpu.vector_store_idx %arg15[%add3A_241, %broadcast_in_dim3A_61], %gather3A_234 : memref<128x131xf32, #tpu.memory_space<vmem>>[vector<16xi32>, vector<16xi32>], vector<16xf32>,
    %add3A_245 = arith.constant 1 : i32
    %add3A_246 = vector.broadcast %add3A_245 : i32 to vector<16xi32>
    %add3A_247 = arith.addi %broadcast_in_dim3A_61, %add3A_246 : vector<16xi32>
    tpu.vector_store_idx %arg15[%add3A_241, %add3A_247], %gather3A_238 : memref<128x131xf32, #tpu.memory_space<vmem>>[vector<16xi32>, vector<16xi32>], vector<16xf32>,
    %add3A_248 = arith.constant 32 : i32
    %add3A_249 = arith.addi %add3A_170, %add3A_248 : i32
    %get3A_250 = arith.index_cast %add3A_249 : i32 to index
    %get3A_251 = tpu.vector_load %arg21[%get3A_250] {strides = array<i32>} : memref<2064xi32, #tpu.memory_space<vmem>>, vector<16xi32>,
    %shift_right_logical3A_252 = arith.constant 11 : i32
    %shift_right_logical3A_253 = vector.broadcast %shift_right_logical3A_252 : i32 to vector<16xi32>
    %shift_right_logical3A_254 = arith.shrui %get3A_251, %shift_right_logical3A_253 : vector<16xi32>
    %and3A_255 = arith.constant 2047 : i32
    %and3A_256 = vector.broadcast %and3A_255 : i32 to vector<16xi32>
    %and3A_257 = arith.andi %get3A_251, %and3A_256 : vector<16xi32>
    %shift_left3A_258 = arith.constant 12 : i32
    %shift_left3A_259 = vector.broadcast %shift_left3A_258 : i32 to vector<16xi32>
    %shift_left3A_260 = arith.shli %shift_right_logical3A_254, %shift_left3A_259 : vector<16xi32>
    %shift_left3A_261 = arith.constant 11 : i32
    %shift_left3A_262 = vector.broadcast %shift_left3A_261 : i32 to vector<16xi32>
    %shift_left3A_263 = arith.shli %shift_right_logical3A_254, %shift_left3A_262 : vector<16xi32>
    %add3A_264 = arith.addi %shift_left3A_260, %shift_left3A_263 : vector<16xi32>
    %add3A_265 = arith.addi %add3A_264, %and3A_257 : vector<16xi32>
    %gather3A_266 = tpu.vector_load_idx %arg25[%add3A_265] : memref<24576xf32, #tpu.memory_space<vmem>>[vector<16xi32>], vector<16xf32>,
    %add3A_267 = arith.constant 2048 : i32
    %add3A_268 = vector.broadcast %add3A_267 : i32 to vector<16xi32>
    %add3A_269 = arith.addi %add3A_265, %add3A_268 : vector<16xi32>
    %gather3A_270 = tpu.vector_load_idx %arg25[%add3A_269] : memref<24576xf32, #tpu.memory_space<vmem>>[vector<16xi32>], vector<16xf32>,
    %add3A_271 = arith.constant 4096 : i32
    %add3A_272 = vector.broadcast %add3A_271 : i32 to vector<16xi32>
    %add3A_273 = arith.addi %add3A_265, %add3A_272 : vector<16xi32>
    %gather3A_274 = tpu.vector_load_idx %arg25[%add3A_273] : memref<24576xf32, #tpu.memory_space<vmem>>[vector<16xi32>], vector<16xf32>,
    %add3A_275 = arith.constant 32 : i32
    %add3A_276 = vector.broadcast %add3A_275 : i32 to vector<16xi32>
    %add3A_277 = arith.addi %add3A_276, %iota3A : vector<16xi32>
    tpu.vector_store_idx %arg23[%add3A_277, %broadcast_in_dim3A_59], %gather3A_266 : memref<128x3xf32, #tpu.memory_space<vmem>>[vector<16xi32>, vector<16xi32>], vector<16xf32>,
    tpu.vector_store_idx %arg23[%add3A_277, %broadcast_in_dim3A_61], %gather3A_270 : memref<128x3xf32, #tpu.memory_space<vmem>>[vector<16xi32>, vector<16xi32>], vector<16xf32>,
    %add3A_278 = arith.constant 1 : i32
    %add3A_279 = vector.broadcast %add3A_278 : i32 to vector<16xi32>
    %add3A_280 = arith.addi %broadcast_in_dim3A_61, %add3A_279 : vector<16xi32>
    tpu.vector_store_idx %arg23[%add3A_277, %add3A_280], %gather3A_274 : memref<128x3xf32, #tpu.memory_space<vmem>>[vector<16xi32>, vector<16xi32>], vector<16xf32>,
    tpu.vector_store_idx %arg15[%add3A_277, %broadcast_in_dim3A_59], %gather3A_266 : memref<128x131xf32, #tpu.memory_space<vmem>>[vector<16xi32>, vector<16xi32>], vector<16xf32>,
    tpu.vector_store_idx %arg15[%add3A_277, %broadcast_in_dim3A_61], %gather3A_270 : memref<128x131xf32, #tpu.memory_space<vmem>>[vector<16xi32>, vector<16xi32>], vector<16xf32>,
    %add3A_281 = arith.constant 1 : i32
    %add3A_282 = vector.broadcast %add3A_281 : i32 to vector<16xi32>
    %add3A_283 = arith.addi %broadcast_in_dim3A_61, %add3A_282 : vector<16xi32>
    tpu.vector_store_idx %arg15[%add3A_277, %add3A_283], %gather3A_274 : memref<128x131xf32, #tpu.memory_space<vmem>>[vector<16xi32>, vector<16xi32>], vector<16xf32>,
    %add3A_284 = arith.constant 48 : i32
    %add3A_285 = arith.addi %add3A_170, %add3A_284 : i32
    %get3A_286 = arith.index_cast %add3A_285 : i32 to index
    %get3A_287 = tpu.vector_load %arg21[%get3A_286] {strides = array<i32>} : memref<2064xi32, #tpu.memory_space<vmem>>, vector<16xi32>,
    %shift_right_logical3A_288 = arith.constant 11 : i32
    %shift_right_logical3A_289 = vector.broadcast %shift_right_logical3A_288 : i32 to vector<16xi32>
    %shift_right_logical3A_290 = arith.shrui %get3A_287, %shift_right_logical3A_289 : vector<16xi32>
    %and3A_291 = arith.constant 2047 : i32
    %and3A_292 = vector.broadcast %and3A_291 : i32 to vector<16xi32>
    %and3A_293 = arith.andi %get3A_287, %and3A_292 : vector<16xi32>
    %shift_left3A_294 = arith.constant 12 : i32
    %shift_left3A_295 = vector.broadcast %shift_left3A_294 : i32 to vector<16xi32>
    %shift_left3A_296 = arith.shli %shift_right_logical3A_290, %shift_left3A_295 : vector<16xi32>
    %shift_left3A_297 = arith.constant 11 : i32
    %shift_left3A_298 = vector.broadcast %shift_left3A_297 : i32 to vector<16xi32>
    %shift_left3A_299 = arith.shli %shift_right_logical3A_290, %shift_left3A_298 : vector<16xi32>
    %add3A_300 = arith.addi %shift_left3A_296, %shift_left3A_299 : vector<16xi32>
    %add3A_301 = arith.addi %add3A_300, %and3A_293 : vector<16xi32>
    %gather3A_302 = tpu.vector_load_idx %arg25[%add3A_301] : memref<24576xf32, #tpu.memory_space<vmem>>[vector<16xi32>], vector<16xf32>,
    %add3A_303 = arith.constant 2048 : i32
    %add3A_304 = vector.broadcast %add3A_303 : i32 to vector<16xi32>
    %add3A_305 = arith.addi %add3A_301, %add3A_304 : vector<16xi32>
    %gather3A_306 = tpu.vector_load_idx %arg25[%add3A_305] : memref<24576xf32, #tpu.memory_space<vmem>>[vector<16xi32>], vector<16xf32>,
    %add3A_307 = arith.constant 4096 : i32
    %add3A_308 = vector.broadcast %add3A_307 : i32 to vector<16xi32>
    %add3A_309 = arith.addi %add3A_301, %add3A_308 : vector<16xi32>
    %gather3A_310 = tpu.vector_load_idx %arg25[%add3A_309] : memref<24576xf32, #tpu.memory_space<vmem>>[vector<16xi32>], vector<16xf32>,
    %add3A_311 = arith.constant 48 : i32
    %add3A_312 = vector.broadcast %add3A_311 : i32 to vector<16xi32>
    %add3A_313 = arith.addi %add3A_312, %iota3A : vector<16xi32>
    tpu.vector_store_idx %arg23[%add3A_313, %broadcast_in_dim3A_59], %gather3A_302 : memref<128x3xf32, #tpu.memory_space<vmem>>[vector<16xi32>, vector<16xi32>], vector<16xf32>,
    tpu.vector_store_idx %arg23[%add3A_313, %broadcast_in_dim3A_61], %gather3A_306 : memref<128x3xf32, #tpu.memory_space<vmem>>[vector<16xi32>, vector<16xi32>], vector<16xf32>,
    %add3A_314 = arith.constant 1 : i32
    %add3A_315 = vector.broadcast %add3A_314 : i32 to vector<16xi32>
    %add3A_316 = arith.addi %broadcast_in_dim3A_61, %add3A_315 : vector<16xi32>
    tpu.vector_store_idx %arg23[%add3A_313, %add3A_316], %gather3A_310 : memref<128x3xf32, #tpu.memory_space<vmem>>[vector<16xi32>, vector<16xi32>], vector<16xf32>,
    tpu.vector_store_idx %arg15[%add3A_313, %broadcast_in_dim3A_59], %gather3A_302 : memref<128x131xf32, #tpu.memory_space<vmem>>[vector<16xi32>, vector<16xi32>], vector<16xf32>,
    tpu.vector_store_idx %arg15[%add3A_313, %broadcast_in_dim3A_61], %gather3A_306 : memref<128x131xf32, #tpu.memory_space<vmem>>[vector<16xi32>, vector<16xi32>], vector<16xf32>,
    %add3A_317 = arith.constant 1 : i32
    %add3A_318 = vector.broadcast %add3A_317 : i32 to vector<16xi32>
    %add3A_319 = arith.addi %broadcast_in_dim3A_61, %add3A_318 : vector<16xi32>
    tpu.vector_store_idx %arg15[%add3A_313, %add3A_319], %gather3A_310 : memref<128x131xf32, #tpu.memory_space<vmem>>[vector<16xi32>, vector<16xi32>], vector<16xf32>,
    %add3A_320 = arith.constant 64 : i32
    %add3A_321 = arith.addi %add3A_170, %add3A_320 : i32
    %get3A_322 = arith.index_cast %add3A_321 : i32 to index
    %get3A_323 = tpu.vector_load %arg21[%get3A_322] {strides = array<i32>} : memref<2064xi32, #tpu.memory_space<vmem>>, vector<16xi32>,
    %shift_right_logical3A_324 = arith.constant 11 : i32
    %shift_right_logical3A_325 = vector.broadcast %shift_right_logical3A_324 : i32 to vector<16xi32>
    %shift_right_logical3A_326 = arith.shrui %get3A_323, %shift_right_logical3A_325 : vector<16xi32>
    %and3A_327 = arith.constant 2047 : i32
    %and3A_328 = vector.broadcast %and3A_327 : i32 to vector<16xi32>
    %and3A_329 = arith.andi %get3A_323, %and3A_328 : vector<16xi32>
    %shift_left3A_330 = arith.constant 12 : i32
    %shift_left3A_331 = vector.broadcast %shift_left3A_330 : i32 to vector<16xi32>
    %shift_left3A_332 = arith.shli %shift_right_logical3A_326, %shift_left3A_331 : vector<16xi32>
    %shift_left3A_333 = arith.constant 11 : i32
    %shift_left3A_334 = vector.broadcast %shift_left3A_333 : i32 to vector<16xi32>
    %shift_left3A_335 = arith.shli %shift_right_logical3A_326, %shift_left3A_334 : vector<16xi32>
    %add3A_336 = arith.addi %shift_left3A_332, %shift_left3A_335 : vector<16xi32>
    %add3A_337 = arith.addi %add3A_336, %and3A_329 : vector<16xi32>
    %gather3A_338 = tpu.vector_load_idx %arg25[%add3A_337] : memref<24576xf32, #tpu.memory_space<vmem>>[vector<16xi32>], vector<16xf32>,
    %add3A_339 = arith.constant 2048 : i32
    %add3A_340 = vector.broadcast %add3A_339 : i32 to vector<16xi32>
    %add3A_341 = arith.addi %add3A_337, %add3A_340 : vector<16xi32>
    %gather3A_342 = tpu.vector_load_idx %arg25[%add3A_341] : memref<24576xf32, #tpu.memory_space<vmem>>[vector<16xi32>], vector<16xf32>,
    %add3A_343 = arith.constant 4096 : i32
    %add3A_344 = vector.broadcast %add3A_343 : i32 to vector<16xi32>
    %add3A_345 = arith.addi %add3A_337, %add3A_344 : vector<16xi32>
    %gather3A_346 = tpu.vector_load_idx %arg25[%add3A_345] : memref<24576xf32, #tpu.memory_space<vmem>>[vector<16xi32>], vector<16xf32>,
    %add3A_347 = arith.constant 64 : i32
    %add3A_348 = vector.broadcast %add3A_347 : i32 to vector<16xi32>
    %add3A_349 = arith.addi %add3A_348, %iota3A : vector<16xi32>
    tpu.vector_store_idx %arg23[%add3A_349, %broadcast_in_dim3A_59], %gather3A_338 : memref<128x3xf32, #tpu.memory_space<vmem>>[vector<16xi32>, vector<16xi32>], vector<16xf32>,
    tpu.vector_store_idx %arg23[%add3A_349, %broadcast_in_dim3A_61], %gather3A_342 : memref<128x3xf32, #tpu.memory_space<vmem>>[vector<16xi32>, vector<16xi32>], vector<16xf32>,
    %add3A_350 = arith.constant 1 : i32
    %add3A_351 = vector.broadcast %add3A_350 : i32 to vector<16xi32>
    %add3A_352 = arith.addi %broadcast_in_dim3A_61, %add3A_351 : vector<16xi32>
    tpu.vector_store_idx %arg23[%add3A_349, %add3A_352], %gather3A_346 : memref<128x3xf32, #tpu.memory_space<vmem>>[vector<16xi32>, vector<16xi32>], vector<16xf32>,
    tpu.vector_store_idx %arg15[%add3A_349, %broadcast_in_dim3A_59], %gather3A_338 : memref<128x131xf32, #tpu.memory_space<vmem>>[vector<16xi32>, vector<16xi32>], vector<16xf32>,
    tpu.vector_store_idx %arg15[%add3A_349, %broadcast_in_dim3A_61], %gather3A_342 : memref<128x131xf32, #tpu.memory_space<vmem>>[vector<16xi32>, vector<16xi32>], vector<16xf32>,
    %add3A_353 = arith.constant 1 : i32
    %add3A_354 = vector.broadcast %add3A_353 : i32 to vector<16xi32>
    %add3A_355 = arith.addi %broadcast_in_dim3A_61, %add3A_354 : vector<16xi32>
    tpu.vector_store_idx %arg15[%add3A_349, %add3A_355], %gather3A_346 : memref<128x131xf32, #tpu.memory_space<vmem>>[vector<16xi32>, vector<16xi32>], vector<16xf32>,
    %add3A_356 = arith.constant 80 : i32
    %add3A_357 = arith.addi %add3A_170, %add3A_356 : i32
    %get3A_358 = arith.index_cast %add3A_357 : i32 to index
    %get3A_359 = tpu.vector_load %arg21[%get3A_358] {strides = array<i32>} : memref<2064xi32, #tpu.memory_space<vmem>>, vector<16xi32>,
    %shift_right_logical3A_360 = arith.constant 11 : i32
    %shift_right_logical3A_361 = vector.broadcast %shift_right_logical3A_360 : i32 to vector<16xi32>
    %shift_right_logical3A_362 = arith.shrui %get3A_359, %shift_right_logical3A_361 : vector<16xi32>
    %and3A_363 = arith.constant 2047 : i32
    %and3A_364 = vector.broadcast %and3A_363 : i32 to vector<16xi32>
    %and3A_365 = arith.andi %get3A_359, %and3A_364 : vector<16xi32>
    %shift_left3A_366 = arith.constant 12 : i32
    %shift_left3A_367 = vector.broadcast %shift_left3A_366 : i32 to vector<16xi32>
    %shift_left3A_368 = arith.shli %shift_right_logical3A_362, %shift_left3A_367 : vector<16xi32>
    %shift_left3A_369 = arith.constant 11 : i32
    %shift_left3A_370 = vector.broadcast %shift_left3A_369 : i32 to vector<16xi32>
    %shift_left3A_371 = arith.shli %shift_right_logical3A_362, %shift_left3A_370 : vector<16xi32>
    %add3A_372 = arith.addi %shift_left3A_368, %shift_left3A_371 : vector<16xi32>
    %add3A_373 = arith.addi %add3A_372, %and3A_365 : vector<16xi32>
    %gather3A_374 = tpu.vector_load_idx %arg25[%add3A_373] : memref<24576xf32, #tpu.memory_space<vmem>>[vector<16xi32>], vector<16xf32>,
    %add3A_375 = arith.constant 2048 : i32
    %add3A_376 = vector.broadcast %add3A_375 : i32 to vector<16xi32>
    %add3A_377 = arith.addi %add3A_373, %add3A_376 : vector<16xi32>
    %gather3A_378 = tpu.vector_load_idx %arg25[%add3A_377] : memref<24576xf32, #tpu.memory_space<vmem>>[vector<16xi32>], vector<16xf32>,
    %add3A_379 = arith.constant 4096 : i32
    %add3A_380 = vector.broadcast %add3A_379 : i32 to vector<16xi32>
    %add3A_381 = arith.addi %add3A_373, %add3A_380 : vector<16xi32>
    %gather3A_382 = tpu.vector_load_idx %arg25[%add3A_381] : memref<24576xf32, #tpu.memory_space<vmem>>[vector<16xi32>], vector<16xf32>,
    %add3A_383 = arith.constant 80 : i32
    %add3A_384 = vector.broadcast %add3A_383 : i32 to vector<16xi32>
    %add3A_385 = arith.addi %add3A_384, %iota3A : vector<16xi32>
    tpu.vector_store_idx %arg23[%add3A_385, %broadcast_in_dim3A_59], %gather3A_374 : memref<128x3xf32, #tpu.memory_space<vmem>>[vector<16xi32>, vector<16xi32>], vector<16xf32>,
    tpu.vector_store_idx %arg23[%add3A_385, %broadcast_in_dim3A_61], %gather3A_378 : memref<128x3xf32, #tpu.memory_space<vmem>>[vector<16xi32>, vector<16xi32>], vector<16xf32>,
    %add3A_386 = arith.constant 1 : i32
    %add3A_387 = vector.broadcast %add3A_386 : i32 to vector<16xi32>
    %add3A_388 = arith.addi %broadcast_in_dim3A_61, %add3A_387 : vector<16xi32>
    tpu.vector_store_idx %arg23[%add3A_385, %add3A_388], %gather3A_382 : memref<128x3xf32, #tpu.memory_space<vmem>>[vector<16xi32>, vector<16xi32>], vector<16xf32>,
    tpu.vector_store_idx %arg15[%add3A_385, %broadcast_in_dim3A_59], %gather3A_374 : memref<128x131xf32, #tpu.memory_space<vmem>>[vector<16xi32>, vector<16xi32>], vector<16xf32>,
    tpu.vector_store_idx %arg15[%add3A_385, %broadcast_in_dim3A_61], %gather3A_378 : memref<128x131xf32, #tpu.memory_space<vmem>>[vector<16xi32>, vector<16xi32>], vector<16xf32>,
    %add3A_389 = arith.constant 1 : i32
    %add3A_390 = vector.broadcast %add3A_389 : i32 to vector<16xi32>
    %add3A_391 = arith.addi %broadcast_in_dim3A_61, %add3A_390 : vector<16xi32>
    tpu.vector_store_idx %arg15[%add3A_385, %add3A_391], %gather3A_382 : memref<128x131xf32, #tpu.memory_space<vmem>>[vector<16xi32>, vector<16xi32>], vector<16xf32>,
    %add3A_392 = arith.constant 96 : i32
    %add3A_393 = arith.addi %add3A_170, %add3A_392 : i32
    %get3A_394 = arith.index_cast %add3A_393 : i32 to index
    %get3A_395 = tpu.vector_load %arg21[%get3A_394] {strides = array<i32>} : memref<2064xi32, #tpu.memory_space<vmem>>, vector<16xi32>,
    %shift_right_logical3A_396 = arith.constant 11 : i32
    %shift_right_logical3A_397 = vector.broadcast %shift_right_logical3A_396 : i32 to vector<16xi32>
    %shift_right_logical3A_398 = arith.shrui %get3A_395, %shift_right_logical3A_397 : vector<16xi32>
    %and3A_399 = arith.constant 2047 : i32
    %and3A_400 = vector.broadcast %and3A_399 : i32 to vector<16xi32>
    %and3A_401 = arith.andi %get3A_395, %and3A_400 : vector<16xi32>
    %shift_left3A_402 = arith.constant 12 : i32
    %shift_left3A_403 = vector.broadcast %shift_left3A_402 : i32 to vector<16xi32>
    %shift_left3A_404 = arith.shli %shift_right_logical3A_398, %shift_left3A_403 : vector<16xi32>
    %shift_left3A_405 = arith.constant 11 : i32
    %shift_left3A_406 = vector.broadcast %shift_left3A_405 : i32 to vector<16xi32>
    %shift_left3A_407 = arith.shli %shift_right_logical3A_398, %shift_left3A_406 : vector<16xi32>
    %add3A_408 = arith.addi %shift_left3A_404, %shift_left3A_407 : vector<16xi32>
    %add3A_409 = arith.addi %add3A_408, %and3A_401 : vector<16xi32>
    %gather3A_410 = tpu.vector_load_idx %arg25[%add3A_409] : memref<24576xf32, #tpu.memory_space<vmem>>[vector<16xi32>], vector<16xf32>,
    %add3A_411 = arith.constant 2048 : i32
    %add3A_412 = vector.broadcast %add3A_411 : i32 to vector<16xi32>
    %add3A_413 = arith.addi %add3A_409, %add3A_412 : vector<16xi32>
    %gather3A_414 = tpu.vector_load_idx %arg25[%add3A_413] : memref<24576xf32, #tpu.memory_space<vmem>>[vector<16xi32>], vector<16xf32>,
    %add3A_415 = arith.constant 4096 : i32
    %add3A_416 = vector.broadcast %add3A_415 : i32 to vector<16xi32>
    %add3A_417 = arith.addi %add3A_409, %add3A_416 : vector<16xi32>
    %gather3A_418 = tpu.vector_load_idx %arg25[%add3A_417] : memref<24576xf32, #tpu.memory_space<vmem>>[vector<16xi32>], vector<16xf32>,
    %add3A_419 = arith.constant 96 : i32
    %add3A_420 = vector.broadcast %add3A_419 : i32 to vector<16xi32>
    %add3A_421 = arith.addi %add3A_420, %iota3A : vector<16xi32>
    tpu.vector_store_idx %arg23[%add3A_421, %broadcast_in_dim3A_59], %gather3A_410 : memref<128x3xf32, #tpu.memory_space<vmem>>[vector<16xi32>, vector<16xi32>], vector<16xf32>,
    tpu.vector_store_idx %arg23[%add3A_421, %broadcast_in_dim3A_61], %gather3A_414 : memref<128x3xf32, #tpu.memory_space<vmem>>[vector<16xi32>, vector<16xi32>], vector<16xf32>,
    %add3A_422 = arith.constant 1 : i32
    %add3A_423 = vector.broadcast %add3A_422 : i32 to vector<16xi32>
    %add3A_424 = arith.addi %broadcast_in_dim3A_61, %add3A_423 : vector<16xi32>
    tpu.vector_store_idx %arg23[%add3A_421, %add3A_424], %gather3A_418 : memref<128x3xf32, #tpu.memory_space<vmem>>[vector<16xi32>, vector<16xi32>], vector<16xf32>,
    tpu.vector_store_idx %arg15[%add3A_421, %broadcast_in_dim3A_59], %gather3A_410 : memref<128x131xf32, #tpu.memory_space<vmem>>[vector<16xi32>, vector<16xi32>], vector<16xf32>,
    tpu.vector_store_idx %arg15[%add3A_421, %broadcast_in_dim3A_61], %gather3A_414 : memref<128x131xf32, #tpu.memory_space<vmem>>[vector<16xi32>, vector<16xi32>], vector<16xf32>,
    %add3A_425 = arith.constant 1 : i32
    %add3A_426 = vector.broadcast %add3A_425 : i32 to vector<16xi32>
    %add3A_427 = arith.addi %broadcast_in_dim3A_61, %add3A_426 : vector<16xi32>
    tpu.vector_store_idx %arg15[%add3A_421, %add3A_427], %gather3A_418 : memref<128x131xf32, #tpu.memory_space<vmem>>[vector<16xi32>, vector<16xi32>], vector<16xf32>,
    %add3A_428 = arith.constant 112 : i32
    %add3A_429 = arith.addi %add3A_170, %add3A_428 : i32
    %get3A_430 = arith.index_cast %add3A_429 : i32 to index
    %get3A_431 = tpu.vector_load %arg21[%get3A_430] {strides = array<i32>} : memref<2064xi32, #tpu.memory_space<vmem>>, vector<16xi32>,
    %shift_right_logical3A_432 = arith.constant 11 : i32
    %shift_right_logical3A_433 = vector.broadcast %shift_right_logical3A_432 : i32 to vector<16xi32>
    %shift_right_logical3A_434 = arith.shrui %get3A_431, %shift_right_logical3A_433 : vector<16xi32>
    %and3A_435 = arith.constant 2047 : i32
    %and3A_436 = vector.broadcast %and3A_435 : i32 to vector<16xi32>
    %and3A_437 = arith.andi %get3A_431, %and3A_436 : vector<16xi32>
    %shift_left3A_438 = arith.constant 12 : i32
    %shift_left3A_439 = vector.broadcast %shift_left3A_438 : i32 to vector<16xi32>
    %shift_left3A_440 = arith.shli %shift_right_logical3A_434, %shift_left3A_439 : vector<16xi32>
    %shift_left3A_441 = arith.constant 11 : i32
    %shift_left3A_442 = vector.broadcast %shift_left3A_441 : i32 to vector<16xi32>
    %shift_left3A_443 = arith.shli %shift_right_logical3A_434, %shift_left3A_442 : vector<16xi32>
    %add3A_444 = arith.addi %shift_left3A_440, %shift_left3A_443 : vector<16xi32>
    %add3A_445 = arith.addi %add3A_444, %and3A_437 : vector<16xi32>
    %gather3A_446 = tpu.vector_load_idx %arg25[%add3A_445] : memref<24576xf32, #tpu.memory_space<vmem>>[vector<16xi32>], vector<16xf32>,
    %add3A_447 = arith.constant 2048 : i32
    %add3A_448 = vector.broadcast %add3A_447 : i32 to vector<16xi32>
    %add3A_449 = arith.addi %add3A_445, %add3A_448 : vector<16xi32>
    %gather3A_450 = tpu.vector_load_idx %arg25[%add3A_449] : memref<24576xf32, #tpu.memory_space<vmem>>[vector<16xi32>], vector<16xf32>,
    %add3A_451 = arith.constant 4096 : i32
    %add3A_452 = vector.broadcast %add3A_451 : i32 to vector<16xi32>
    %add3A_453 = arith.addi %add3A_445, %add3A_452 : vector<16xi32>
    %gather3A_454 = tpu.vector_load_idx %arg25[%add3A_453] : memref<24576xf32, #tpu.memory_space<vmem>>[vector<16xi32>], vector<16xf32>,
    %add3A_455 = arith.constant 112 : i32
    %add3A_456 = vector.broadcast %add3A_455 : i32 to vector<16xi32>
    %add3A_457 = arith.addi %add3A_456, %iota3A : vector<16xi32>
    tpu.vector_store_idx %arg23[%add3A_457, %broadcast_in_dim3A_59], %gather3A_446 : memref<128x3xf32, #tpu.memory_space<vmem>>[vector<16xi32>, vector<16xi32>], vector<16xf32>,
    tpu.vector_store_idx %arg23[%add3A_457, %broadcast_in_dim3A_61], %gather3A_450 : memref<128x3xf32, #tpu.memory_space<vmem>>[vector<16xi32>, vector<16xi32>], vector<16xf32>,
    %add3A_458 = arith.constant 1 : i32
    %add3A_459 = vector.broadcast %add3A_458 : i32 to vector<16xi32>
    %add3A_460 = arith.addi %broadcast_in_dim3A_61, %add3A_459 : vector<16xi32>
    tpu.vector_store_idx %arg23[%add3A_457, %add3A_460], %gather3A_454 : memref<128x3xf32, #tpu.memory_space<vmem>>[vector<16xi32>, vector<16xi32>], vector<16xf32>,
    tpu.vector_store_idx %arg15[%add3A_457, %broadcast_in_dim3A_59], %gather3A_446 : memref<128x131xf32, #tpu.memory_space<vmem>>[vector<16xi32>, vector<16xi32>], vector<16xf32>,
    tpu.vector_store_idx %arg15[%add3A_457, %broadcast_in_dim3A_61], %gather3A_450 : memref<128x131xf32, #tpu.memory_space<vmem>>[vector<16xi32>, vector<16xi32>], vector<16xf32>,
    %add3A_461 = arith.constant 1 : i32
    %add3A_462 = vector.broadcast %add3A_461 : i32 to vector<16xi32>
    %add3A_463 = arith.addi %broadcast_in_dim3A_61, %add3A_462 : vector<16xi32>
    tpu.vector_store_idx %arg15[%add3A_457, %add3A_463], %gather3A_454 : memref<128x131xf32, #tpu.memory_space<vmem>>[vector<16xi32>, vector<16xi32>], vector<16xf32>,
    %dma_wait3A = tpu.memref_slice %arg22[%add3A_170] : memref<2064xi32, #tpu.memory_space<vmem>> -> memref<128xi32, #tpu.memory_space<vmem>>
    %dma_wait3A_464 = arith.constant 0 : i32
    %dma_wait3A_465 = arith.constant 0 : i32
    %dma_wait3A_466 = tpu.memref_slice %arg3[%dma_wait3A_464, %dma_wait3A_465] : memref<65536x128xf32, #tpu.memory_space<hbm>> -> memref<65536x128xf32, #tpu.memory_space<hbm>>
    tpu.wait_indirect_dma semaphore(%arg17 : memref<!tpu.dma_semaphore, #tpu.memory_space<semaphore_mem>>) src(%dma_wait3A_466 : memref<65536x128xf32, #tpu.memory_space<hbm>>) dst(%arg13 : memref<128x128xf32, #tpu.memory_space<vmem>>)
    %scan3A_467 = arith.constant 0 : i32
    %scan3A_468 = arith.constant 0 : i32
    %scan3A_469 = arith.constant 128 : i32
    %scan3A_470 = arith.addi %scan3A_468, %scan3A_469 : i32
    %scan3A_471 = arith.constant 1 : i32
    %scan3A_472 = scf.for %scan3A_1435 = %scan3A_468 to %scan3A_470 step %scan3A_471 iter_args(%scan3A_1436 = %scan3A_467) -> (i32)  : i32 {
      %broadcast_in_dim3A_1437 = vector.broadcast %scan3A_1435 : i32 to vector<16xi32>
      %add3A_1438 = arith.constant 0 : i32
      %add3A_1439 = vector.broadcast %add3A_1438 : i32 to vector<16xi32>
      %add3A_1440 = arith.addi %add3A_1439, %iota3A : vector<16xi32>
      %gather3A_1441 = tpu.vector_load_idx %arg13[%broadcast_in_dim3A_1437, %add3A_1440] : memref<128x128xf32, #tpu.memory_space<vmem>>[vector<16xi32>, vector<16xi32>], vector<16xf32>,
      %add3A_1442 = arith.constant 3 : i32
      %add3A_1443 = vector.broadcast %add3A_1442 : i32 to vector<16xi32>
      %add3A_1444 = arith.addi %add3A_1440, %add3A_1443 : vector<16xi32>
      tpu.vector_store_idx %arg15[%broadcast_in_dim3A_1437, %add3A_1444], %gather3A_1441 : memref<128x131xf32, #tpu.memory_space<vmem>>[vector<16xi32>, vector<16xi32>], vector<16xf32>,
      %add3A_1445 = arith.constant 16 : i32
      %add3A_1446 = vector.broadcast %add3A_1445 : i32 to vector<16xi32>
      %add3A_1447 = arith.addi %add3A_1446, %iota3A : vector<16xi32>
      %gather3A_1448 = tpu.vector_load_idx %arg13[%broadcast_in_dim3A_1437, %add3A_1447] : memref<128x128xf32, #tpu.memory_space<vmem>>[vector<16xi32>, vector<16xi32>], vector<16xf32>,
      %add3A_1449 = arith.constant 3 : i32
      %add3A_1450 = vector.broadcast %add3A_1449 : i32 to vector<16xi32>
      %add3A_1451 = arith.addi %add3A_1447, %add3A_1450 : vector<16xi32>
      tpu.vector_store_idx %arg15[%broadcast_in_dim3A_1437, %add3A_1451], %gather3A_1448 : memref<128x131xf32, #tpu.memory_space<vmem>>[vector<16xi32>, vector<16xi32>], vector<16xf32>,
      %add3A_1452 = arith.constant 32 : i32
      %add3A_1453 = vector.broadcast %add3A_1452 : i32 to vector<16xi32>
      %add3A_1454 = arith.addi %add3A_1453, %iota3A : vector<16xi32>
      %gather3A_1455 = tpu.vector_load_idx %arg13[%broadcast_in_dim3A_1437, %add3A_1454] : memref<128x128xf32, #tpu.memory_space<vmem>>[vector<16xi32>, vector<16xi32>], vector<16xf32>,
      %add3A_1456 = arith.constant 3 : i32
      %add3A_1457 = vector.broadcast %add3A_1456 : i32 to vector<16xi32>
      %add3A_1458 = arith.addi %add3A_1454, %add3A_1457 : vector<16xi32>
      tpu.vector_store_idx %arg15[%broadcast_in_dim3A_1437, %add3A_1458], %gather3A_1455 : memref<128x131xf32, #tpu.memory_space<vmem>>[vector<16xi32>, vector<16xi32>], vector<16xf32>,
      %add3A_1459 = arith.constant 48 : i32
      %add3A_1460 = vector.broadcast %add3A_1459 : i32 to vector<16xi32>
      %add3A_1461 = arith.addi %add3A_1460, %iota3A : vector<16xi32>
      %gather3A_1462 = tpu.vector_load_idx %arg13[%broadcast_in_dim3A_1437, %add3A_1461] : memref<128x128xf32, #tpu.memory_space<vmem>>[vector<16xi32>, vector<16xi32>], vector<16xf32>,
      %add3A_1463 = arith.constant 3 : i32
      %add3A_1464 = vector.broadcast %add3A_1463 : i32 to vector<16xi32>
      %add3A_1465 = arith.addi %add3A_1461, %add3A_1464 : vector<16xi32>
      tpu.vector_store_idx %arg15[%broadcast_in_dim3A_1437, %add3A_1465], %gather3A_1462 : memref<128x131xf32, #tpu.memory_space<vmem>>[vector<16xi32>, vector<16xi32>], vector<16xf32>,
      %add3A_1466 = arith.constant 64 : i32
      %add3A_1467 = vector.broadcast %add3A_1466 : i32 to vector<16xi32>
      %add3A_1468 = arith.addi %add3A_1467, %iota3A : vector<16xi32>
      %gather3A_1469 = tpu.vector_load_idx %arg13[%broadcast_in_dim3A_1437, %add3A_1468] : memref<128x128xf32, #tpu.memory_space<vmem>>[vector<16xi32>, vector<16xi32>], vector<16xf32>,
      %add3A_1470 = arith.constant 3 : i32
      %add3A_1471 = vector.broadcast %add3A_1470 : i32 to vector<16xi32>
      %add3A_1472 = arith.addi %add3A_1468, %add3A_1471 : vector<16xi32>
      tpu.vector_store_idx %arg15[%broadcast_in_dim3A_1437, %add3A_1472], %gather3A_1469 : memref<128x131xf32, #tpu.memory_space<vmem>>[vector<16xi32>, vector<16xi32>], vector<16xf32>,
      %add3A_1473 = arith.constant 80 : i32
      %add3A_1474 = vector.broadcast %add3A_1473 : i32 to vector<16xi32>
      %add3A_1475 = arith.addi %add3A_1474, %iota3A : vector<16xi32>
      %gather3A_1476 = tpu.vector_load_idx %arg13[%broadcast_in_dim3A_1437, %add3A_1475] : memref<128x128xf32, #tpu.memory_space<vmem>>[vector<16xi32>, vector<16xi32>], vector<16xf32>,
      %add3A_1477 = arith.constant 3 : i32
      %add3A_1478 = vector.broadcast %add3A_1477 : i32 to vector<16xi32>
      %add3A_1479 = arith.addi %add3A_1475, %add3A_1478 : vector<16xi32>
      tpu.vector_store_idx %arg15[%broadcast_in_dim3A_1437, %add3A_1479], %gather3A_1476 : memref<128x131xf32, #tpu.memory_space<vmem>>[vector<16xi32>, vector<16xi32>], vector<16xf32>,
      %add3A_1480 = arith.constant 96 : i32
      %add3A_1481 = vector.broadcast %add3A_1480 : i32 to vector<16xi32>
      %add3A_1482 = arith.addi %add3A_1481, %iota3A : vector<16xi32>
      %gather3A_1483 = tpu.vector_load_idx %arg13[%broadcast_in_dim3A_1437, %add3A_1482] : memref<128x128xf32, #tpu.memory_space<vmem>>[vector<16xi32>, vector<16xi32>], vector<16xf32>,
      %add3A_1484 = arith.constant 3 : i32
      %add3A_1485 = vector.broadcast %add3A_1484 : i32 to vector<16xi32>
      %add3A_1486 = arith.addi %add3A_1482, %add3A_1485 : vector<16xi32>
      tpu.vector_store_idx %arg15[%broadcast_in_dim3A_1437, %add3A_1486], %gather3A_1483 : memref<128x131xf32, #tpu.memory_space<vmem>>[vector<16xi32>, vector<16xi32>], vector<16xf32>,
      %add3A_1487 = arith.constant 112 : i32
      %add3A_1488 = vector.broadcast %add3A_1487 : i32 to vector<16xi32>
      %add3A_1489 = arith.addi %add3A_1488, %iota3A : vector<16xi32>
      %gather3A_1490 = tpu.vector_load_idx %arg13[%broadcast_in_dim3A_1437, %add3A_1489] : memref<128x128xf32, #tpu.memory_space<vmem>>[vector<16xi32>, vector<16xi32>], vector<16xf32>,
      %add3A_1491 = arith.constant 3 : i32
      %add3A_1492 = vector.broadcast %add3A_1491 : i32 to vector<16xi32>
      %add3A_1493 = arith.addi %add3A_1489, %add3A_1492 : vector<16xi32>
      tpu.vector_store_idx %arg15[%broadcast_in_dim3A_1437, %add3A_1493], %gather3A_1490 : memref<128x131xf32, #tpu.memory_space<vmem>>[vector<16xi32>, vector<16xi32>], vector<16xf32>,
      %scan3A_1494 = arith.constant 0 : i32
      scf.yield %scan3A_1494 : i32
    }
    %scan3A_473 = arith.constant 128 : i32
    %dma_wait3A_474 = tpu.memref_slice %arg22[%add3A_170] : memref<2064xi32, #tpu.memory_space<vmem>> -> memref<128xi32, #tpu.memory_space<vmem>>
    %dma_wait3A_475 = arith.constant 0 : i32
    %dma_wait3A_476 = arith.constant 0 : i32
    %dma_wait3A_477 = tpu.memref_slice %arg4[%dma_wait3A_475, %dma_wait3A_476] : memref<65536x128xf32, #tpu.memory_space<hbm>> -> memref<65536x128xf32, #tpu.memory_space<hbm>>
    tpu.wait_indirect_dma semaphore(%arg18 : memref<!tpu.dma_semaphore, #tpu.memory_space<semaphore_mem>>) src(%dma_wait3A_477 : memref<65536x128xf32, #tpu.memory_space<hbm>>) dst(%arg16 : memref<128x128xf32, #tpu.memory_space<vmem>>)
    %mul3A_478 = arith.constant 2048 : i32
    %mul3A_479 = arith.muli %add3A, %mul3A_478 : i32
    %add3A_480 = arith.addi %mul3A_479, %add3A_170 : i32
    "tpu.region"() ({
      %run_scoped3A = tpu.sem_alloc : memref<!tpu.dma_semaphore, #tpu.memory_space<semaphore_mem>>
      %dma_start3A_1435 = arith.constant 0 : i32
      %dma_start3A_1436 = tpu.memref_slice %arg5[%add3A_480, %dma_start3A_1435] : memref<16384x3xf32, #tpu.memory_space<hbm>> -> memref<128x3xf32, #tpu.memory_space<hbm>>
      %dma_start3A_1437 = arith.constant 0 : i32
      %dma_start3A_1438 = tpu.memref_slice %arg5[%add3A_480, %dma_start3A_1437] : memref<16384x3xf32, #tpu.memory_space<hbm>> -> memref<128x3xf32, #tpu.memory_space<hbm>>
      tpu.enqueue_dma source(%arg23 : memref<128x3xf32, #tpu.memory_space<vmem>>) target(%dma_start3A_1438 : memref<128x3xf32, #tpu.memory_space<hbm>>) target_semaphore(%run_scoped3A : memref<!tpu.dma_semaphore, #tpu.memory_space<semaphore_mem>>)
      %dma_wait3A_1439 = arith.constant 0 : i32
      %dma_wait3A_1440 = tpu.memref_slice %arg5[%add3A_480, %dma_wait3A_1439] : memref<16384x3xf32, #tpu.memory_space<hbm>> -> memref<128x3xf32, #tpu.memory_space<hbm>>
      %dma_wait3A_1441 = arith.constant 0 : i32
      %dma_wait3A_1442 = tpu.memref_slice %arg5[%add3A_480, %dma_wait3A_1441] : memref<16384x3xf32, #tpu.memory_space<hbm>> -> memref<128x3xf32, #tpu.memory_space<hbm>>
      tpu.wait_dma2 semaphore(%run_scoped3A : memref<!tpu.dma_semaphore, #tpu.memory_space<semaphore_mem>>) src(%arg23 : memref<128x3xf32, #tpu.memory_space<vmem>>) dst(%dma_wait3A_1442 : memref<128x3xf32, #tpu.memory_space<hbm>>)
      tpu.yield
    }) : () -> ()
    "tpu.region"() ({
      %run_scoped3A = tpu.sem_alloc : memref<!tpu.dma_semaphore, #tpu.memory_space<semaphore_mem>>
      %dma_start3A_1435 = arith.constant 0 : i32
      %dma_start3A_1436 = tpu.memref_slice %arg6[%add3A_480, %dma_start3A_1435] : memref<16384x131xf32, #tpu.memory_space<hbm>> -> memref<128x131xf32, #tpu.memory_space<hbm>>
      %dma_start3A_1437 = arith.constant 0 : i32
      %dma_start3A_1438 = tpu.memref_slice %arg6[%add3A_480, %dma_start3A_1437] : memref<16384x131xf32, #tpu.memory_space<hbm>> -> memref<128x131xf32, #tpu.memory_space<hbm>>
      tpu.enqueue_dma source(%arg15 : memref<128x131xf32, #tpu.memory_space<vmem>>) target(%dma_start3A_1438 : memref<128x131xf32, #tpu.memory_space<hbm>>) target_semaphore(%run_scoped3A : memref<!tpu.dma_semaphore, #tpu.memory_space<semaphore_mem>>)
      %dma_wait3A_1439 = arith.constant 0 : i32
      %dma_wait3A_1440 = tpu.memref_slice %arg6[%add3A_480, %dma_wait3A_1439] : memref<16384x131xf32, #tpu.memory_space<hbm>> -> memref<128x131xf32, #tpu.memory_space<hbm>>
      %dma_wait3A_1441 = arith.constant 0 : i32
      %dma_wait3A_1442 = tpu.memref_slice %arg6[%add3A_480, %dma_wait3A_1441] : memref<16384x131xf32, #tpu.memory_space<hbm>> -> memref<128x131xf32, #tpu.memory_space<hbm>>
      tpu.wait_dma2 semaphore(%run_scoped3A : memref<!tpu.dma_semaphore, #tpu.memory_space<semaphore_mem>>) src(%arg15 : memref<128x131xf32, #tpu.memory_space<vmem>>) dst(%dma_wait3A_1442 : memref<128x131xf32, #tpu.memory_space<hbm>>)
      tpu.yield
    }) : () -> ()
    "tpu.region"() ({
      %run_scoped3A = tpu.sem_alloc : memref<!tpu.dma_semaphore, #tpu.memory_space<semaphore_mem>>
      %dma_start3A_1435 = arith.constant 0 : i32
      %dma_start3A_1436 = tpu.memref_slice %arg7[%add3A_480, %dma_start3A_1435] : memref<16384x128xf32, #tpu.memory_space<hbm>> -> memref<128x128xf32, #tpu.memory_space<hbm>>
      %dma_start3A_1437 = arith.constant 0 : i32
      %dma_start3A_1438 = tpu.memref_slice %arg7[%add3A_480, %dma_start3A_1437] : memref<16384x128xf32, #tpu.memory_space<hbm>> -> memref<128x128xf32, #tpu.memory_space<hbm>>
      tpu.enqueue_dma source(%arg16 : memref<128x128xf32, #tpu.memory_space<vmem>>) target(%dma_start3A_1438 : memref<128x128xf32, #tpu.memory_space<hbm>>) target_semaphore(%run_scoped3A : memref<!tpu.dma_semaphore, #tpu.memory_space<semaphore_mem>>)
      %dma_wait3A_1439 = arith.constant 0 : i32
      %dma_wait3A_1440 = tpu.memref_slice %arg7[%add3A_480, %dma_wait3A_1439] : memref<16384x128xf32, #tpu.memory_space<hbm>> -> memref<128x128xf32, #tpu.memory_space<hbm>>
      %dma_wait3A_1441 = arith.constant 0 : i32
      %dma_wait3A_1442 = tpu.memref_slice %arg7[%add3A_480, %dma_wait3A_1441] : memref<16384x128xf32, #tpu.memory_space<hbm>> -> memref<128x128xf32, #tpu.memory_space<hbm>>
      tpu.wait_dma2 semaphore(%run_scoped3A : memref<!tpu.dma_semaphore, #tpu.memory_space<semaphore_mem>>) src(%arg16 : memref<128x128xf32, #tpu.memory_space<vmem>>) dst(%dma_wait3A_1442 : memref<128x128xf32, #tpu.memory_space<hbm>>)
      tpu.yield
    }) : () -> ()
    %mul3A_481 = arith.constant 512 : i32
    %mul3A_482 = arith.muli %select_n3A_30, %mul3A_481 : i32
    %add3A_483 = arith.constant 128 : i32
    %add3A_484 = arith.addi %mul3A_482, %add3A_483 : i32
    %dma_start3A_485 = tpu.memref_slice %arg22[%add3A_484] : memref<2064xi32, #tpu.memory_space<vmem>> -> memref<128xi32, #tpu.memory_space<vmem>>
    %dma_start3A_486 = arith.constant 0 : i32
    %dma_start3A_487 = arith.constant 0 : i32
    %dma_start3A_488 = tpu.memref_slice %arg3[%dma_start3A_486, %dma_start3A_487] : memref<65536x128xf32, #tpu.memory_space<hbm>> -> memref<65536x128xf32, #tpu.memory_space<hbm>>
    tpu.enqueue_indirect_dma source(%dma_start3A_488 : memref<65536x128xf32, #tpu.memory_space<hbm>>) target(%arg13 : memref<128x128xf32, #tpu.memory_space<vmem>>) offsets(%dma_start3A_485 : memref<128xi32, #tpu.memory_space<vmem>>) semaphore(%arg17 : memref<!tpu.dma_semaphore, #tpu.memory_space<semaphore_mem>>)
    %dma_start3A_489 = tpu.memref_slice %arg22[%add3A_484] : memref<2064xi32, #tpu.memory_space<vmem>> -> memref<128xi32, #tpu.memory_space<vmem>>
    %dma_start3A_490 = arith.constant 0 : i32
    %dma_start3A_491 = arith.constant 0 : i32
    %dma_start3A_492 = tpu.memref_slice %arg4[%dma_start3A_490, %dma_start3A_491] : memref<65536x128xf32, #tpu.memory_space<hbm>> -> memref<65536x128xf32, #tpu.memory_space<hbm>>
    tpu.enqueue_indirect_dma source(%dma_start3A_492 : memref<65536x128xf32, #tpu.memory_space<hbm>>) target(%arg16 : memref<128x128xf32, #tpu.memory_space<vmem>>) offsets(%dma_start3A_489 : memref<128xi32, #tpu.memory_space<vmem>>) semaphore(%arg18 : memref<!tpu.dma_semaphore, #tpu.memory_space<semaphore_mem>>)
    %add3A_493 = arith.constant 0 : i32
    %add3A_494 = arith.addi %add3A_484, %add3A_493 : i32
    %get3A_495 = arith.index_cast %add3A_494 : i32 to index
    %get3A_496 = tpu.vector_load %arg21[%get3A_495] {strides = array<i32>} : memref<2064xi32, #tpu.memory_space<vmem>>, vector<16xi32>,
    %shift_right_logical3A_497 = arith.constant 11 : i32
    %shift_right_logical3A_498 = vector.broadcast %shift_right_logical3A_497 : i32 to vector<16xi32>
    %shift_right_logical3A_499 = arith.shrui %get3A_496, %shift_right_logical3A_498 : vector<16xi32>
    %and3A_500 = arith.constant 2047 : i32
    %and3A_501 = vector.broadcast %and3A_500 : i32 to vector<16xi32>
    %and3A_502 = arith.andi %get3A_496, %and3A_501 : vector<16xi32>
    %shift_left3A_503 = arith.constant 12 : i32
    %shift_left3A_504 = vector.broadcast %shift_left3A_503 : i32 to vector<16xi32>
    %shift_left3A_505 = arith.shli %shift_right_logical3A_499, %shift_left3A_504 : vector<16xi32>
    %shift_left3A_506 = arith.constant 11 : i32
    %shift_left3A_507 = vector.broadcast %shift_left3A_506 : i32 to vector<16xi32>
    %shift_left3A_508 = arith.shli %shift_right_logical3A_499, %shift_left3A_507 : vector<16xi32>
    %add3A_509 = arith.addi %shift_left3A_505, %shift_left3A_508 : vector<16xi32>
    %add3A_510 = arith.addi %add3A_509, %and3A_502 : vector<16xi32>
    %gather3A_511 = tpu.vector_load_idx %arg25[%add3A_510] : memref<24576xf32, #tpu.memory_space<vmem>>[vector<16xi32>], vector<16xf32>,
    %add3A_512 = arith.constant 2048 : i32
    %add3A_513 = vector.broadcast %add3A_512 : i32 to vector<16xi32>
    %add3A_514 = arith.addi %add3A_510, %add3A_513 : vector<16xi32>
    %gather3A_515 = tpu.vector_load_idx %arg25[%add3A_514] : memref<24576xf32, #tpu.memory_space<vmem>>[vector<16xi32>], vector<16xf32>,
    %add3A_516 = arith.constant 4096 : i32
    %add3A_517 = vector.broadcast %add3A_516 : i32 to vector<16xi32>
    %add3A_518 = arith.addi %add3A_510, %add3A_517 : vector<16xi32>
    %gather3A_519 = tpu.vector_load_idx %arg25[%add3A_518] : memref<24576xf32, #tpu.memory_space<vmem>>[vector<16xi32>], vector<16xf32>,
    %add3A_520 = arith.constant 0 : i32
    %add3A_521 = vector.broadcast %add3A_520 : i32 to vector<16xi32>
    %add3A_522 = arith.addi %add3A_521, %iota3A : vector<16xi32>
    tpu.vector_store_idx %arg23[%add3A_522, %broadcast_in_dim3A_59], %gather3A_511 : memref<128x3xf32, #tpu.memory_space<vmem>>[vector<16xi32>, vector<16xi32>], vector<16xf32>,
    tpu.vector_store_idx %arg23[%add3A_522, %broadcast_in_dim3A_61], %gather3A_515 : memref<128x3xf32, #tpu.memory_space<vmem>>[vector<16xi32>, vector<16xi32>], vector<16xf32>,
    %add3A_523 = arith.constant 1 : i32
    %add3A_524 = vector.broadcast %add3A_523 : i32 to vector<16xi32>
    %add3A_525 = arith.addi %broadcast_in_dim3A_61, %add3A_524 : vector<16xi32>
    tpu.vector_store_idx %arg23[%add3A_522, %add3A_525], %gather3A_519 : memref<128x3xf32, #tpu.memory_space<vmem>>[vector<16xi32>, vector<16xi32>], vector<16xf32>,
    tpu.vector_store_idx %arg15[%add3A_522, %broadcast_in_dim3A_59], %gather3A_511 : memref<128x131xf32, #tpu.memory_space<vmem>>[vector<16xi32>, vector<16xi32>], vector<16xf32>,
    tpu.vector_store_idx %arg15[%add3A_522, %broadcast_in_dim3A_61], %gather3A_515 : memref<128x131xf32, #tpu.memory_space<vmem>>[vector<16xi32>, vector<16xi32>], vector<16xf32>,
    %add3A_526 = arith.constant 1 : i32
    %add3A_527 = vector.broadcast %add3A_526 : i32 to vector<16xi32>
    %add3A_528 = arith.addi %broadcast_in_dim3A_61, %add3A_527 : vector<16xi32>
    tpu.vector_store_idx %arg15[%add3A_522, %add3A_528], %gather3A_519 : memref<128x131xf32, #tpu.memory_space<vmem>>[vector<16xi32>, vector<16xi32>], vector<16xf32>,
    %add3A_529 = arith.constant 16 : i32
    %add3A_530 = arith.addi %add3A_484, %add3A_529 : i32
    %get3A_531 = arith.index_cast %add3A_530 : i32 to index
    %get3A_532 = tpu.vector_load %arg21[%get3A_531] {strides = array<i32>} : memref<2064xi32, #tpu.memory_space<vmem>>, vector<16xi32>,
    %shift_right_logical3A_533 = arith.constant 11 : i32
    %shift_right_logical3A_534 = vector.broadcast %shift_right_logical3A_533 : i32 to vector<16xi32>
    %shift_right_logical3A_535 = arith.shrui %get3A_532, %shift_right_logical3A_534 : vector<16xi32>
    %and3A_536 = arith.constant 2047 : i32
    %and3A_537 = vector.broadcast %and3A_536 : i32 to vector<16xi32>
    %and3A_538 = arith.andi %get3A_532, %and3A_537 : vector<16xi32>
    %shift_left3A_539 = arith.constant 12 : i32
    %shift_left3A_540 = vector.broadcast %shift_left3A_539 : i32 to vector<16xi32>
    %shift_left3A_541 = arith.shli %shift_right_logical3A_535, %shift_left3A_540 : vector<16xi32>
    %shift_left3A_542 = arith.constant 11 : i32
    %shift_left3A_543 = vector.broadcast %shift_left3A_542 : i32 to vector<16xi32>
    %shift_left3A_544 = arith.shli %shift_right_logical3A_535, %shift_left3A_543 : vector<16xi32>
    %add3A_545 = arith.addi %shift_left3A_541, %shift_left3A_544 : vector<16xi32>
    %add3A_546 = arith.addi %add3A_545, %and3A_538 : vector<16xi32>
    %gather3A_547 = tpu.vector_load_idx %arg25[%add3A_546] : memref<24576xf32, #tpu.memory_space<vmem>>[vector<16xi32>], vector<16xf32>,
    %add3A_548 = arith.constant 2048 : i32
    %add3A_549 = vector.broadcast %add3A_548 : i32 to vector<16xi32>
    %add3A_550 = arith.addi %add3A_546, %add3A_549 : vector<16xi32>
    %gather3A_551 = tpu.vector_load_idx %arg25[%add3A_550] : memref<24576xf32, #tpu.memory_space<vmem>>[vector<16xi32>], vector<16xf32>,
    %add3A_552 = arith.constant 4096 : i32
    %add3A_553 = vector.broadcast %add3A_552 : i32 to vector<16xi32>
    %add3A_554 = arith.addi %add3A_546, %add3A_553 : vector<16xi32>
    %gather3A_555 = tpu.vector_load_idx %arg25[%add3A_554] : memref<24576xf32, #tpu.memory_space<vmem>>[vector<16xi32>], vector<16xf32>,
    %add3A_556 = arith.constant 16 : i32
    %add3A_557 = vector.broadcast %add3A_556 : i32 to vector<16xi32>
    %add3A_558 = arith.addi %add3A_557, %iota3A : vector<16xi32>
    tpu.vector_store_idx %arg23[%add3A_558, %broadcast_in_dim3A_59], %gather3A_547 : memref<128x3xf32, #tpu.memory_space<vmem>>[vector<16xi32>, vector<16xi32>], vector<16xf32>,
    tpu.vector_store_idx %arg23[%add3A_558, %broadcast_in_dim3A_61], %gather3A_551 : memref<128x3xf32, #tpu.memory_space<vmem>>[vector<16xi32>, vector<16xi32>], vector<16xf32>,
    %add3A_559 = arith.constant 1 : i32
    %add3A_560 = vector.broadcast %add3A_559 : i32 to vector<16xi32>
    %add3A_561 = arith.addi %broadcast_in_dim3A_61, %add3A_560 : vector<16xi32>
    tpu.vector_store_idx %arg23[%add3A_558, %add3A_561], %gather3A_555 : memref<128x3xf32, #tpu.memory_space<vmem>>[vector<16xi32>, vector<16xi32>], vector<16xf32>,
    tpu.vector_store_idx %arg15[%add3A_558, %broadcast_in_dim3A_59], %gather3A_547 : memref<128x131xf32, #tpu.memory_space<vmem>>[vector<16xi32>, vector<16xi32>], vector<16xf32>,
    tpu.vector_store_idx %arg15[%add3A_558, %broadcast_in_dim3A_61], %gather3A_551 : memref<128x131xf32, #tpu.memory_space<vmem>>[vector<16xi32>, vector<16xi32>], vector<16xf32>,
    %add3A_562 = arith.constant 1 : i32
    %add3A_563 = vector.broadcast %add3A_562 : i32 to vector<16xi32>
    %add3A_564 = arith.addi %broadcast_in_dim3A_61, %add3A_563 : vector<16xi32>
    tpu.vector_store_idx %arg15[%add3A_558, %add3A_564], %gather3A_555 : memref<128x131xf32, #tpu.memory_space<vmem>>[vector<16xi32>, vector<16xi32>], vector<16xf32>,
    %add3A_565 = arith.constant 32 : i32
    %add3A_566 = arith.addi %add3A_484, %add3A_565 : i32
    %get3A_567 = arith.index_cast %add3A_566 : i32 to index
    %get3A_568 = tpu.vector_load %arg21[%get3A_567] {strides = array<i32>} : memref<2064xi32, #tpu.memory_space<vmem>>, vector<16xi32>,
    %shift_right_logical3A_569 = arith.constant 11 : i32
    %shift_right_logical3A_570 = vector.broadcast %shift_right_logical3A_569 : i32 to vector<16xi32>
    %shift_right_logical3A_571 = arith.shrui %get3A_568, %shift_right_logical3A_570 : vector<16xi32>
    %and3A_572 = arith.constant 2047 : i32
    %and3A_573 = vector.broadcast %and3A_572 : i32 to vector<16xi32>
    %and3A_574 = arith.andi %get3A_568, %and3A_573 : vector<16xi32>
    %shift_left3A_575 = arith.constant 12 : i32
    %shift_left3A_576 = vector.broadcast %shift_left3A_575 : i32 to vector<16xi32>
    %shift_left3A_577 = arith.shli %shift_right_logical3A_571, %shift_left3A_576 : vector<16xi32>
    %shift_left3A_578 = arith.constant 11 : i32
    %shift_left3A_579 = vector.broadcast %shift_left3A_578 : i32 to vector<16xi32>
    %shift_left3A_580 = arith.shli %shift_right_logical3A_571, %shift_left3A_579 : vector<16xi32>
    %add3A_581 = arith.addi %shift_left3A_577, %shift_left3A_580 : vector<16xi32>
    %add3A_582 = arith.addi %add3A_581, %and3A_574 : vector<16xi32>
    %gather3A_583 = tpu.vector_load_idx %arg25[%add3A_582] : memref<24576xf32, #tpu.memory_space<vmem>>[vector<16xi32>], vector<16xf32>,
    %add3A_584 = arith.constant 2048 : i32
    %add3A_585 = vector.broadcast %add3A_584 : i32 to vector<16xi32>
    %add3A_586 = arith.addi %add3A_582, %add3A_585 : vector<16xi32>
    %gather3A_587 = tpu.vector_load_idx %arg25[%add3A_586] : memref<24576xf32, #tpu.memory_space<vmem>>[vector<16xi32>], vector<16xf32>,
    %add3A_588 = arith.constant 4096 : i32
    %add3A_589 = vector.broadcast %add3A_588 : i32 to vector<16xi32>
    %add3A_590 = arith.addi %add3A_582, %add3A_589 : vector<16xi32>
    %gather3A_591 = tpu.vector_load_idx %arg25[%add3A_590] : memref<24576xf32, #tpu.memory_space<vmem>>[vector<16xi32>], vector<16xf32>,
    %add3A_592 = arith.constant 32 : i32
    %add3A_593 = vector.broadcast %add3A_592 : i32 to vector<16xi32>
    %add3A_594 = arith.addi %add3A_593, %iota3A : vector<16xi32>
    tpu.vector_store_idx %arg23[%add3A_594, %broadcast_in_dim3A_59], %gather3A_583 : memref<128x3xf32, #tpu.memory_space<vmem>>[vector<16xi32>, vector<16xi32>], vector<16xf32>,
    tpu.vector_store_idx %arg23[%add3A_594, %broadcast_in_dim3A_61], %gather3A_587 : memref<128x3xf32, #tpu.memory_space<vmem>>[vector<16xi32>, vector<16xi32>], vector<16xf32>,
    %add3A_595 = arith.constant 1 : i32
    %add3A_596 = vector.broadcast %add3A_595 : i32 to vector<16xi32>
    %add3A_597 = arith.addi %broadcast_in_dim3A_61, %add3A_596 : vector<16xi32>
    tpu.vector_store_idx %arg23[%add3A_594, %add3A_597], %gather3A_591 : memref<128x3xf32, #tpu.memory_space<vmem>>[vector<16xi32>, vector<16xi32>], vector<16xf32>,
    tpu.vector_store_idx %arg15[%add3A_594, %broadcast_in_dim3A_59], %gather3A_583 : memref<128x131xf32, #tpu.memory_space<vmem>>[vector<16xi32>, vector<16xi32>], vector<16xf32>,
    tpu.vector_store_idx %arg15[%add3A_594, %broadcast_in_dim3A_61], %gather3A_587 : memref<128x131xf32, #tpu.memory_space<vmem>>[vector<16xi32>, vector<16xi32>], vector<16xf32>,
    %add3A_598 = arith.constant 1 : i32
    %add3A_599 = vector.broadcast %add3A_598 : i32 to vector<16xi32>
    %add3A_600 = arith.addi %broadcast_in_dim3A_61, %add3A_599 : vector<16xi32>
    tpu.vector_store_idx %arg15[%add3A_594, %add3A_600], %gather3A_591 : memref<128x131xf32, #tpu.memory_space<vmem>>[vector<16xi32>, vector<16xi32>], vector<16xf32>,
    %add3A_601 = arith.constant 48 : i32
    %add3A_602 = arith.addi %add3A_484, %add3A_601 : i32
    %get3A_603 = arith.index_cast %add3A_602 : i32 to index
    %get3A_604 = tpu.vector_load %arg21[%get3A_603] {strides = array<i32>} : memref<2064xi32, #tpu.memory_space<vmem>>, vector<16xi32>,
    %shift_right_logical3A_605 = arith.constant 11 : i32
    %shift_right_logical3A_606 = vector.broadcast %shift_right_logical3A_605 : i32 to vector<16xi32>
    %shift_right_logical3A_607 = arith.shrui %get3A_604, %shift_right_logical3A_606 : vector<16xi32>
    %and3A_608 = arith.constant 2047 : i32
    %and3A_609 = vector.broadcast %and3A_608 : i32 to vector<16xi32>
    %and3A_610 = arith.andi %get3A_604, %and3A_609 : vector<16xi32>
    %shift_left3A_611 = arith.constant 12 : i32
    %shift_left3A_612 = vector.broadcast %shift_left3A_611 : i32 to vector<16xi32>
    %shift_left3A_613 = arith.shli %shift_right_logical3A_607, %shift_left3A_612 : vector<16xi32>
    %shift_left3A_614 = arith.constant 11 : i32
    %shift_left3A_615 = vector.broadcast %shift_left3A_614 : i32 to vector<16xi32>
    %shift_left3A_616 = arith.shli %shift_right_logical3A_607, %shift_left3A_615 : vector<16xi32>
    %add3A_617 = arith.addi %shift_left3A_613, %shift_left3A_616 : vector<16xi32>
    %add3A_618 = arith.addi %add3A_617, %and3A_610 : vector<16xi32>
    %gather3A_619 = tpu.vector_load_idx %arg25[%add3A_618] : memref<24576xf32, #tpu.memory_space<vmem>>[vector<16xi32>], vector<16xf32>,
    %add3A_620 = arith.constant 2048 : i32
    %add3A_621 = vector.broadcast %add3A_620 : i32 to vector<16xi32>
    %add3A_622 = arith.addi %add3A_618, %add3A_621 : vector<16xi32>
    %gather3A_623 = tpu.vector_load_idx %arg25[%add3A_622] : memref<24576xf32, #tpu.memory_space<vmem>>[vector<16xi32>], vector<16xf32>,
    %add3A_624 = arith.constant 4096 : i32
    %add3A_625 = vector.broadcast %add3A_624 : i32 to vector<16xi32>
    %add3A_626 = arith.addi %add3A_618, %add3A_625 : vector<16xi32>
    %gather3A_627 = tpu.vector_load_idx %arg25[%add3A_626] : memref<24576xf32, #tpu.memory_space<vmem>>[vector<16xi32>], vector<16xf32>,
    %add3A_628 = arith.constant 48 : i32
    %add3A_629 = vector.broadcast %add3A_628 : i32 to vector<16xi32>
    %add3A_630 = arith.addi %add3A_629, %iota3A : vector<16xi32>
    tpu.vector_store_idx %arg23[%add3A_630, %broadcast_in_dim3A_59], %gather3A_619 : memref<128x3xf32, #tpu.memory_space<vmem>>[vector<16xi32>, vector<16xi32>], vector<16xf32>,
    tpu.vector_store_idx %arg23[%add3A_630, %broadcast_in_dim3A_61], %gather3A_623 : memref<128x3xf32, #tpu.memory_space<vmem>>[vector<16xi32>, vector<16xi32>], vector<16xf32>,
    %add3A_631 = arith.constant 1 : i32
    %add3A_632 = vector.broadcast %add3A_631 : i32 to vector<16xi32>
    %add3A_633 = arith.addi %broadcast_in_dim3A_61, %add3A_632 : vector<16xi32>
    tpu.vector_store_idx %arg23[%add3A_630, %add3A_633], %gather3A_627 : memref<128x3xf32, #tpu.memory_space<vmem>>[vector<16xi32>, vector<16xi32>], vector<16xf32>,
    tpu.vector_store_idx %arg15[%add3A_630, %broadcast_in_dim3A_59], %gather3A_619 : memref<128x131xf32, #tpu.memory_space<vmem>>[vector<16xi32>, vector<16xi32>], vector<16xf32>,
    tpu.vector_store_idx %arg15[%add3A_630, %broadcast_in_dim3A_61], %gather3A_623 : memref<128x131xf32, #tpu.memory_space<vmem>>[vector<16xi32>, vector<16xi32>], vector<16xf32>,
    %add3A_634 = arith.constant 1 : i32
    %add3A_635 = vector.broadcast %add3A_634 : i32 to vector<16xi32>
    %add3A_636 = arith.addi %broadcast_in_dim3A_61, %add3A_635 : vector<16xi32>
    tpu.vector_store_idx %arg15[%add3A_630, %add3A_636], %gather3A_627 : memref<128x131xf32, #tpu.memory_space<vmem>>[vector<16xi32>, vector<16xi32>], vector<16xf32>,
    %add3A_637 = arith.constant 64 : i32
    %add3A_638 = arith.addi %add3A_484, %add3A_637 : i32
    %get3A_639 = arith.index_cast %add3A_638 : i32 to index
    %get3A_640 = tpu.vector_load %arg21[%get3A_639] {strides = array<i32>} : memref<2064xi32, #tpu.memory_space<vmem>>, vector<16xi32>,
    %shift_right_logical3A_641 = arith.constant 11 : i32
    %shift_right_logical3A_642 = vector.broadcast %shift_right_logical3A_641 : i32 to vector<16xi32>
    %shift_right_logical3A_643 = arith.shrui %get3A_640, %shift_right_logical3A_642 : vector<16xi32>
    %and3A_644 = arith.constant 2047 : i32
    %and3A_645 = vector.broadcast %and3A_644 : i32 to vector<16xi32>
    %and3A_646 = arith.andi %get3A_640, %and3A_645 : vector<16xi32>
    %shift_left3A_647 = arith.constant 12 : i32
    %shift_left3A_648 = vector.broadcast %shift_left3A_647 : i32 to vector<16xi32>
    %shift_left3A_649 = arith.shli %shift_right_logical3A_643, %shift_left3A_648 : vector<16xi32>
    %shift_left3A_650 = arith.constant 11 : i32
    %shift_left3A_651 = vector.broadcast %shift_left3A_650 : i32 to vector<16xi32>
    %shift_left3A_652 = arith.shli %shift_right_logical3A_643, %shift_left3A_651 : vector<16xi32>
    %add3A_653 = arith.addi %shift_left3A_649, %shift_left3A_652 : vector<16xi32>
    %add3A_654 = arith.addi %add3A_653, %and3A_646 : vector<16xi32>
    %gather3A_655 = tpu.vector_load_idx %arg25[%add3A_654] : memref<24576xf32, #tpu.memory_space<vmem>>[vector<16xi32>], vector<16xf32>,
    %add3A_656 = arith.constant 2048 : i32
    %add3A_657 = vector.broadcast %add3A_656 : i32 to vector<16xi32>
    %add3A_658 = arith.addi %add3A_654, %add3A_657 : vector<16xi32>
    %gather3A_659 = tpu.vector_load_idx %arg25[%add3A_658] : memref<24576xf32, #tpu.memory_space<vmem>>[vector<16xi32>], vector<16xf32>,
    %add3A_660 = arith.constant 4096 : i32
    %add3A_661 = vector.broadcast %add3A_660 : i32 to vector<16xi32>
    %add3A_662 = arith.addi %add3A_654, %add3A_661 : vector<16xi32>
    %gather3A_663 = tpu.vector_load_idx %arg25[%add3A_662] : memref<24576xf32, #tpu.memory_space<vmem>>[vector<16xi32>], vector<16xf32>,
    %add3A_664 = arith.constant 64 : i32
    %add3A_665 = vector.broadcast %add3A_664 : i32 to vector<16xi32>
    %add3A_666 = arith.addi %add3A_665, %iota3A : vector<16xi32>
    tpu.vector_store_idx %arg23[%add3A_666, %broadcast_in_dim3A_59], %gather3A_655 : memref<128x3xf32, #tpu.memory_space<vmem>>[vector<16xi32>, vector<16xi32>], vector<16xf32>,
    tpu.vector_store_idx %arg23[%add3A_666, %broadcast_in_dim3A_61], %gather3A_659 : memref<128x3xf32, #tpu.memory_space<vmem>>[vector<16xi32>, vector<16xi32>], vector<16xf32>,
    %add3A_667 = arith.constant 1 : i32
    %add3A_668 = vector.broadcast %add3A_667 : i32 to vector<16xi32>
    %add3A_669 = arith.addi %broadcast_in_dim3A_61, %add3A_668 : vector<16xi32>
    tpu.vector_store_idx %arg23[%add3A_666, %add3A_669], %gather3A_663 : memref<128x3xf32, #tpu.memory_space<vmem>>[vector<16xi32>, vector<16xi32>], vector<16xf32>,
    tpu.vector_store_idx %arg15[%add3A_666, %broadcast_in_dim3A_59], %gather3A_655 : memref<128x131xf32, #tpu.memory_space<vmem>>[vector<16xi32>, vector<16xi32>], vector<16xf32>,
    tpu.vector_store_idx %arg15[%add3A_666, %broadcast_in_dim3A_61], %gather3A_659 : memref<128x131xf32, #tpu.memory_space<vmem>>[vector<16xi32>, vector<16xi32>], vector<16xf32>,
    %add3A_670 = arith.constant 1 : i32
    %add3A_671 = vector.broadcast %add3A_670 : i32 to vector<16xi32>
    %add3A_672 = arith.addi %broadcast_in_dim3A_61, %add3A_671 : vector<16xi32>
    tpu.vector_store_idx %arg15[%add3A_666, %add3A_672], %gather3A_663 : memref<128x131xf32, #tpu.memory_space<vmem>>[vector<16xi32>, vector<16xi32>], vector<16xf32>,
    %add3A_673 = arith.constant 80 : i32
    %add3A_674 = arith.addi %add3A_484, %add3A_673 : i32
    %get3A_675 = arith.index_cast %add3A_674 : i32 to index
    %get3A_676 = tpu.vector_load %arg21[%get3A_675] {strides = array<i32>} : memref<2064xi32, #tpu.memory_space<vmem>>, vector<16xi32>,
    %shift_right_logical3A_677 = arith.constant 11 : i32
    %shift_right_logical3A_678 = vector.broadcast %shift_right_logical3A_677 : i32 to vector<16xi32>
    %shift_right_logical3A_679 = arith.shrui %get3A_676, %shift_right_logical3A_678 : vector<16xi32>
    %and3A_680 = arith.constant 2047 : i32
    %and3A_681 = vector.broadcast %and3A_680 : i32 to vector<16xi32>
    %and3A_682 = arith.andi %get3A_676, %and3A_681 : vector<16xi32>
    %shift_left3A_683 = arith.constant 12 : i32
    %shift_left3A_684 = vector.broadcast %shift_left3A_683 : i32 to vector<16xi32>
    %shift_left3A_685 = arith.shli %shift_right_logical3A_679, %shift_left3A_684 : vector<16xi32>
    %shift_left3A_686 = arith.constant 11 : i32
    %shift_left3A_687 = vector.broadcast %shift_left3A_686 : i32 to vector<16xi32>
    %shift_left3A_688 = arith.shli %shift_right_logical3A_679, %shift_left3A_687 : vector<16xi32>
    %add3A_689 = arith.addi %shift_left3A_685, %shift_left3A_688 : vector<16xi32>
    %add3A_690 = arith.addi %add3A_689, %and3A_682 : vector<16xi32>
    %gather3A_691 = tpu.vector_load_idx %arg25[%add3A_690] : memref<24576xf32, #tpu.memory_space<vmem>>[vector<16xi32>], vector<16xf32>,
    %add3A_692 = arith.constant 2048 : i32
    %add3A_693 = vector.broadcast %add3A_692 : i32 to vector<16xi32>
    %add3A_694 = arith.addi %add3A_690, %add3A_693 : vector<16xi32>
    %gather3A_695 = tpu.vector_load_idx %arg25[%add3A_694] : memref<24576xf32, #tpu.memory_space<vmem>>[vector<16xi32>], vector<16xf32>,
    %add3A_696 = arith.constant 4096 : i32
    %add3A_697 = vector.broadcast %add3A_696 : i32 to vector<16xi32>
    %add3A_698 = arith.addi %add3A_690, %add3A_697 : vector<16xi32>
    %gather3A_699 = tpu.vector_load_idx %arg25[%add3A_698] : memref<24576xf32, #tpu.memory_space<vmem>>[vector<16xi32>], vector<16xf32>,
    %add3A_700 = arith.constant 80 : i32
    %add3A_701 = vector.broadcast %add3A_700 : i32 to vector<16xi32>
    %add3A_702 = arith.addi %add3A_701, %iota3A : vector<16xi32>
    tpu.vector_store_idx %arg23[%add3A_702, %broadcast_in_dim3A_59], %gather3A_691 : memref<128x3xf32, #tpu.memory_space<vmem>>[vector<16xi32>, vector<16xi32>], vector<16xf32>,
    tpu.vector_store_idx %arg23[%add3A_702, %broadcast_in_dim3A_61], %gather3A_695 : memref<128x3xf32, #tpu.memory_space<vmem>>[vector<16xi32>, vector<16xi32>], vector<16xf32>,
    %add3A_703 = arith.constant 1 : i32
    %add3A_704 = vector.broadcast %add3A_703 : i32 to vector<16xi32>
    %add3A_705 = arith.addi %broadcast_in_dim3A_61, %add3A_704 : vector<16xi32>
    tpu.vector_store_idx %arg23[%add3A_702, %add3A_705], %gather3A_699 : memref<128x3xf32, #tpu.memory_space<vmem>>[vector<16xi32>, vector<16xi32>], vector<16xf32>,
    tpu.vector_store_idx %arg15[%add3A_702, %broadcast_in_dim3A_59], %gather3A_691 : memref<128x131xf32, #tpu.memory_space<vmem>>[vector<16xi32>, vector<16xi32>], vector<16xf32>,
    tpu.vector_store_idx %arg15[%add3A_702, %broadcast_in_dim3A_61], %gather3A_695 : memref<128x131xf32, #tpu.memory_space<vmem>>[vector<16xi32>, vector<16xi32>], vector<16xf32>,
    %add3A_706 = arith.constant 1 : i32
    %add3A_707 = vector.broadcast %add3A_706 : i32 to vector<16xi32>
    %add3A_708 = arith.addi %broadcast_in_dim3A_61, %add3A_707 : vector<16xi32>
    tpu.vector_store_idx %arg15[%add3A_702, %add3A_708], %gather3A_699 : memref<128x131xf32, #tpu.memory_space<vmem>>[vector<16xi32>, vector<16xi32>], vector<16xf32>,
    %add3A_709 = arith.constant 96 : i32
    %add3A_710 = arith.addi %add3A_484, %add3A_709 : i32
    %get3A_711 = arith.index_cast %add3A_710 : i32 to index
    %get3A_712 = tpu.vector_load %arg21[%get3A_711] {strides = array<i32>} : memref<2064xi32, #tpu.memory_space<vmem>>, vector<16xi32>,
    %shift_right_logical3A_713 = arith.constant 11 : i32
    %shift_right_logical3A_714 = vector.broadcast %shift_right_logical3A_713 : i32 to vector<16xi32>
    %shift_right_logical3A_715 = arith.shrui %get3A_712, %shift_right_logical3A_714 : vector<16xi32>
    %and3A_716 = arith.constant 2047 : i32
    %and3A_717 = vector.broadcast %and3A_716 : i32 to vector<16xi32>
    %and3A_718 = arith.andi %get3A_712, %and3A_717 : vector<16xi32>
    %shift_left3A_719 = arith.constant 12 : i32
    %shift_left3A_720 = vector.broadcast %shift_left3A_719 : i32 to vector<16xi32>
    %shift_left3A_721 = arith.shli %shift_right_logical3A_715, %shift_left3A_720 : vector<16xi32>
    %shift_left3A_722 = arith.constant 11 : i32
    %shift_left3A_723 = vector.broadcast %shift_left3A_722 : i32 to vector<16xi32>
    %shift_left3A_724 = arith.shli %shift_right_logical3A_715, %shift_left3A_723 : vector<16xi32>
    %add3A_725 = arith.addi %shift_left3A_721, %shift_left3A_724 : vector<16xi32>
    %add3A_726 = arith.addi %add3A_725, %and3A_718 : vector<16xi32>
    %gather3A_727 = tpu.vector_load_idx %arg25[%add3A_726] : memref<24576xf32, #tpu.memory_space<vmem>>[vector<16xi32>], vector<16xf32>,
    %add3A_728 = arith.constant 2048 : i32
    %add3A_729 = vector.broadcast %add3A_728 : i32 to vector<16xi32>
    %add3A_730 = arith.addi %add3A_726, %add3A_729 : vector<16xi32>
    %gather3A_731 = tpu.vector_load_idx %arg25[%add3A_730] : memref<24576xf32, #tpu.memory_space<vmem>>[vector<16xi32>], vector<16xf32>,
    %add3A_732 = arith.constant 4096 : i32
    %add3A_733 = vector.broadcast %add3A_732 : i32 to vector<16xi32>
    %add3A_734 = arith.addi %add3A_726, %add3A_733 : vector<16xi32>
    %gather3A_735 = tpu.vector_load_idx %arg25[%add3A_734] : memref<24576xf32, #tpu.memory_space<vmem>>[vector<16xi32>], vector<16xf32>,
    %add3A_736 = arith.constant 96 : i32
    %add3A_737 = vector.broadcast %add3A_736 : i32 to vector<16xi32>
    %add3A_738 = arith.addi %add3A_737, %iota3A : vector<16xi32>
    tpu.vector_store_idx %arg23[%add3A_738, %broadcast_in_dim3A_59], %gather3A_727 : memref<128x3xf32, #tpu.memory_space<vmem>>[vector<16xi32>, vector<16xi32>], vector<16xf32>,
    tpu.vector_store_idx %arg23[%add3A_738, %broadcast_in_dim3A_61], %gather3A_731 : memref<128x3xf32, #tpu.memory_space<vmem>>[vector<16xi32>, vector<16xi32>], vector<16xf32>,
    %add3A_739 = arith.constant 1 : i32
    %add3A_740 = vector.broadcast %add3A_739 : i32 to vector<16xi32>
    %add3A_741 = arith.addi %broadcast_in_dim3A_61, %add3A_740 : vector<16xi32>
    tpu.vector_store_idx %arg23[%add3A_738, %add3A_741], %gather3A_735 : memref<128x3xf32, #tpu.memory_space<vmem>>[vector<16xi32>, vector<16xi32>], vector<16xf32>,
    tpu.vector_store_idx %arg15[%add3A_738, %broadcast_in_dim3A_59], %gather3A_727 : memref<128x131xf32, #tpu.memory_space<vmem>>[vector<16xi32>, vector<16xi32>], vector<16xf32>,
    tpu.vector_store_idx %arg15[%add3A_738, %broadcast_in_dim3A_61], %gather3A_731 : memref<128x131xf32, #tpu.memory_space<vmem>>[vector<16xi32>, vector<16xi32>], vector<16xf32>,
    %add3A_742 = arith.constant 1 : i32
    %add3A_743 = vector.broadcast %add3A_742 : i32 to vector<16xi32>
    %add3A_744 = arith.addi %broadcast_in_dim3A_61, %add3A_743 : vector<16xi32>
    tpu.vector_store_idx %arg15[%add3A_738, %add3A_744], %gather3A_735 : memref<128x131xf32, #tpu.memory_space<vmem>>[vector<16xi32>, vector<16xi32>], vector<16xf32>,
    %add3A_745 = arith.constant 112 : i32
    %add3A_746 = arith.addi %add3A_484, %add3A_745 : i32
    %get3A_747 = arith.index_cast %add3A_746 : i32 to index
    %get3A_748 = tpu.vector_load %arg21[%get3A_747] {strides = array<i32>} : memref<2064xi32, #tpu.memory_space<vmem>>, vector<16xi32>,
    %shift_right_logical3A_749 = arith.constant 11 : i32
    %shift_right_logical3A_750 = vector.broadcast %shift_right_logical3A_749 : i32 to vector<16xi32>
    %shift_right_logical3A_751 = arith.shrui %get3A_748, %shift_right_logical3A_750 : vector<16xi32>
    %and3A_752 = arith.constant 2047 : i32
    %and3A_753 = vector.broadcast %and3A_752 : i32 to vector<16xi32>
    %and3A_754 = arith.andi %get3A_748, %and3A_753 : vector<16xi32>
    %shift_left3A_755 = arith.constant 12 : i32
    %shift_left3A_756 = vector.broadcast %shift_left3A_755 : i32 to vector<16xi32>
    %shift_left3A_757 = arith.shli %shift_right_logical3A_751, %shift_left3A_756 : vector<16xi32>
    %shift_left3A_758 = arith.constant 11 : i32
    %shift_left3A_759 = vector.broadcast %shift_left3A_758 : i32 to vector<16xi32>
    %shift_left3A_760 = arith.shli %shift_right_logical3A_751, %shift_left3A_759 : vector<16xi32>
    %add3A_761 = arith.addi %shift_left3A_757, %shift_left3A_760 : vector<16xi32>
    %add3A_762 = arith.addi %add3A_761, %and3A_754 : vector<16xi32>
    %gather3A_763 = tpu.vector_load_idx %arg25[%add3A_762] : memref<24576xf32, #tpu.memory_space<vmem>>[vector<16xi32>], vector<16xf32>,
    %add3A_764 = arith.constant 2048 : i32
    %add3A_765 = vector.broadcast %add3A_764 : i32 to vector<16xi32>
    %add3A_766 = arith.addi %add3A_762, %add3A_765 : vector<16xi32>
    %gather3A_767 = tpu.vector_load_idx %arg25[%add3A_766] : memref<24576xf32, #tpu.memory_space<vmem>>[vector<16xi32>], vector<16xf32>,
    %add3A_768 = arith.constant 4096 : i32
    %add3A_769 = vector.broadcast %add3A_768 : i32 to vector<16xi32>
    %add3A_770 = arith.addi %add3A_762, %add3A_769 : vector<16xi32>
    %gather3A_771 = tpu.vector_load_idx %arg25[%add3A_770] : memref<24576xf32, #tpu.memory_space<vmem>>[vector<16xi32>], vector<16xf32>,
    %add3A_772 = arith.constant 112 : i32
    %add3A_773 = vector.broadcast %add3A_772 : i32 to vector<16xi32>
    %add3A_774 = arith.addi %add3A_773, %iota3A : vector<16xi32>
    tpu.vector_store_idx %arg23[%add3A_774, %broadcast_in_dim3A_59], %gather3A_763 : memref<128x3xf32, #tpu.memory_space<vmem>>[vector<16xi32>, vector<16xi32>], vector<16xf32>,
    tpu.vector_store_idx %arg23[%add3A_774, %broadcast_in_dim3A_61], %gather3A_767 : memref<128x3xf32, #tpu.memory_space<vmem>>[vector<16xi32>, vector<16xi32>], vector<16xf32>,
    %add3A_775 = arith.constant 1 : i32
    %add3A_776 = vector.broadcast %add3A_775 : i32 to vector<16xi32>
    %add3A_777 = arith.addi %broadcast_in_dim3A_61, %add3A_776 : vector<16xi32>
    tpu.vector_store_idx %arg23[%add3A_774, %add3A_777], %gather3A_771 : memref<128x3xf32, #tpu.memory_space<vmem>>[vector<16xi32>, vector<16xi32>], vector<16xf32>,
    tpu.vector_store_idx %arg15[%add3A_774, %broadcast_in_dim3A_59], %gather3A_763 : memref<128x131xf32, #tpu.memory_space<vmem>>[vector<16xi32>, vector<16xi32>], vector<16xf32>,
    tpu.vector_store_idx %arg15[%add3A_774, %broadcast_in_dim3A_61], %gather3A_767 : memref<128x131xf32, #tpu.memory_space<vmem>>[vector<16xi32>, vector<16xi32>], vector<16xf32>,
    %add3A_778 = arith.constant 1 : i32
    %add3A_779 = vector.broadcast %add3A_778 : i32 to vector<16xi32>
    %add3A_780 = arith.addi %broadcast_in_dim3A_61, %add3A_779 : vector<16xi32>
    tpu.vector_store_idx %arg15[%add3A_774, %add3A_780], %gather3A_771 : memref<128x131xf32, #tpu.memory_space<vmem>>[vector<16xi32>, vector<16xi32>], vector<16xf32>,
    %dma_wait3A_781 = tpu.memref_slice %arg22[%add3A_484] : memref<2064xi32, #tpu.memory_space<vmem>> -> memref<128xi32, #tpu.memory_space<vmem>>
    %dma_wait3A_782 = arith.constant 0 : i32
    %dma_wait3A_783 = arith.constant 0 : i32
    %dma_wait3A_784 = tpu.memref_slice %arg3[%dma_wait3A_782, %dma_wait3A_783] : memref<65536x128xf32, #tpu.memory_space<hbm>> -> memref<65536x128xf32, #tpu.memory_space<hbm>>
    tpu.wait_indirect_dma semaphore(%arg17 : memref<!tpu.dma_semaphore, #tpu.memory_space<semaphore_mem>>) src(%dma_wait3A_784 : memref<65536x128xf32, #tpu.memory_space<hbm>>) dst(%arg13 : memref<128x128xf32, #tpu.memory_space<vmem>>)
    %scan3A_785 = arith.constant 0 : i32
    %scan3A_786 = arith.constant 0 : i32
    %scan3A_787 = arith.constant 128 : i32
    %scan3A_788 = arith.addi %scan3A_786, %scan3A_787 : i32
    %scan3A_789 = arith.constant 1 : i32
    %scan3A_790 = scf.for %scan3A_1435 = %scan3A_786 to %scan3A_788 step %scan3A_789 iter_args(%scan3A_1436 = %scan3A_785) -> (i32)  : i32 {
      %broadcast_in_dim3A_1437 = vector.broadcast %scan3A_1435 : i32 to vector<16xi32>
      %add3A_1438 = arith.constant 0 : i32
      %add3A_1439 = vector.broadcast %add3A_1438 : i32 to vector<16xi32>
      %add3A_1440 = arith.addi %add3A_1439, %iota3A : vector<16xi32>
      %gather3A_1441 = tpu.vector_load_idx %arg13[%broadcast_in_dim3A_1437, %add3A_1440] : memref<128x128xf32, #tpu.memory_space<vmem>>[vector<16xi32>, vector<16xi32>], vector<16xf32>,
      %add3A_1442 = arith.constant 3 : i32
      %add3A_1443 = vector.broadcast %add3A_1442 : i32 to vector<16xi32>
      %add3A_1444 = arith.addi %add3A_1440, %add3A_1443 : vector<16xi32>
      tpu.vector_store_idx %arg15[%broadcast_in_dim3A_1437, %add3A_1444], %gather3A_1441 : memref<128x131xf32, #tpu.memory_space<vmem>>[vector<16xi32>, vector<16xi32>], vector<16xf32>,
      %add3A_1445 = arith.constant 16 : i32
      %add3A_1446 = vector.broadcast %add3A_1445 : i32 to vector<16xi32>
      %add3A_1447 = arith.addi %add3A_1446, %iota3A : vector<16xi32>
      %gather3A_1448 = tpu.vector_load_idx %arg13[%broadcast_in_dim3A_1437, %add3A_1447] : memref<128x128xf32, #tpu.memory_space<vmem>>[vector<16xi32>, vector<16xi32>], vector<16xf32>,
      %add3A_1449 = arith.constant 3 : i32
      %add3A_1450 = vector.broadcast %add3A_1449 : i32 to vector<16xi32>
      %add3A_1451 = arith.addi %add3A_1447, %add3A_1450 : vector<16xi32>
      tpu.vector_store_idx %arg15[%broadcast_in_dim3A_1437, %add3A_1451], %gather3A_1448 : memref<128x131xf32, #tpu.memory_space<vmem>>[vector<16xi32>, vector<16xi32>], vector<16xf32>,
      %add3A_1452 = arith.constant 32 : i32
      %add3A_1453 = vector.broadcast %add3A_1452 : i32 to vector<16xi32>
      %add3A_1454 = arith.addi %add3A_1453, %iota3A : vector<16xi32>
      %gather3A_1455 = tpu.vector_load_idx %arg13[%broadcast_in_dim3A_1437, %add3A_1454] : memref<128x128xf32, #tpu.memory_space<vmem>>[vector<16xi32>, vector<16xi32>], vector<16xf32>,
      %add3A_1456 = arith.constant 3 : i32
      %add3A_1457 = vector.broadcast %add3A_1456 : i32 to vector<16xi32>
      %add3A_1458 = arith.addi %add3A_1454, %add3A_1457 : vector<16xi32>
      tpu.vector_store_idx %arg15[%broadcast_in_dim3A_1437, %add3A_1458], %gather3A_1455 : memref<128x131xf32, #tpu.memory_space<vmem>>[vector<16xi32>, vector<16xi32>], vector<16xf32>,
      %add3A_1459 = arith.constant 48 : i32
      %add3A_1460 = vector.broadcast %add3A_1459 : i32 to vector<16xi32>
      %add3A_1461 = arith.addi %add3A_1460, %iota3A : vector<16xi32>
      %gather3A_1462 = tpu.vector_load_idx %arg13[%broadcast_in_dim3A_1437, %add3A_1461] : memref<128x128xf32, #tpu.memory_space<vmem>>[vector<16xi32>, vector<16xi32>], vector<16xf32>,
      %add3A_1463 = arith.constant 3 : i32
      %add3A_1464 = vector.broadcast %add3A_1463 : i32 to vector<16xi32>
      %add3A_1465 = arith.addi %add3A_1461, %add3A_1464 : vector<16xi32>
      tpu.vector_store_idx %arg15[%broadcast_in_dim3A_1437, %add3A_1465], %gather3A_1462 : memref<128x131xf32, #tpu.memory_space<vmem>>[vector<16xi32>, vector<16xi32>], vector<16xf32>,
      %add3A_1466 = arith.constant 64 : i32
      %add3A_1467 = vector.broadcast %add3A_1466 : i32 to vector<16xi32>
      %add3A_1468 = arith.addi %add3A_1467, %iota3A : vector<16xi32>
      %gather3A_1469 = tpu.vector_load_idx %arg13[%broadcast_in_dim3A_1437, %add3A_1468] : memref<128x128xf32, #tpu.memory_space<vmem>>[vector<16xi32>, vector<16xi32>], vector<16xf32>,
      %add3A_1470 = arith.constant 3 : i32
      %add3A_1471 = vector.broadcast %add3A_1470 : i32 to vector<16xi32>
      %add3A_1472 = arith.addi %add3A_1468, %add3A_1471 : vector<16xi32>
      tpu.vector_store_idx %arg15[%broadcast_in_dim3A_1437, %add3A_1472], %gather3A_1469 : memref<128x131xf32, #tpu.memory_space<vmem>>[vector<16xi32>, vector<16xi32>], vector<16xf32>,
      %add3A_1473 = arith.constant 80 : i32
      %add3A_1474 = vector.broadcast %add3A_1473 : i32 to vector<16xi32>
      %add3A_1475 = arith.addi %add3A_1474, %iota3A : vector<16xi32>
      %gather3A_1476 = tpu.vector_load_idx %arg13[%broadcast_in_dim3A_1437, %add3A_1475] : memref<128x128xf32, #tpu.memory_space<vmem>>[vector<16xi32>, vector<16xi32>], vector<16xf32>,
      %add3A_1477 = arith.constant 3 : i32
      %add3A_1478 = vector.broadcast %add3A_1477 : i32 to vector<16xi32>
      %add3A_1479 = arith.addi %add3A_1475, %add3A_1478 : vector<16xi32>
      tpu.vector_store_idx %arg15[%broadcast_in_dim3A_1437, %add3A_1479], %gather3A_1476 : memref<128x131xf32, #tpu.memory_space<vmem>>[vector<16xi32>, vector<16xi32>], vector<16xf32>,
      %add3A_1480 = arith.constant 96 : i32
      %add3A_1481 = vector.broadcast %add3A_1480 : i32 to vector<16xi32>
      %add3A_1482 = arith.addi %add3A_1481, %iota3A : vector<16xi32>
      %gather3A_1483 = tpu.vector_load_idx %arg13[%broadcast_in_dim3A_1437, %add3A_1482] : memref<128x128xf32, #tpu.memory_space<vmem>>[vector<16xi32>, vector<16xi32>], vector<16xf32>,
      %add3A_1484 = arith.constant 3 : i32
      %add3A_1485 = vector.broadcast %add3A_1484 : i32 to vector<16xi32>
      %add3A_1486 = arith.addi %add3A_1482, %add3A_1485 : vector<16xi32>
      tpu.vector_store_idx %arg15[%broadcast_in_dim3A_1437, %add3A_1486], %gather3A_1483 : memref<128x131xf32, #tpu.memory_space<vmem>>[vector<16xi32>, vector<16xi32>], vector<16xf32>,
      %add3A_1487 = arith.constant 112 : i32
      %add3A_1488 = vector.broadcast %add3A_1487 : i32 to vector<16xi32>
      %add3A_1489 = arith.addi %add3A_1488, %iota3A : vector<16xi32>
      %gather3A_1490 = tpu.vector_load_idx %arg13[%broadcast_in_dim3A_1437, %add3A_1489] : memref<128x128xf32, #tpu.memory_space<vmem>>[vector<16xi32>, vector<16xi32>], vector<16xf32>,
      %add3A_1491 = arith.constant 3 : i32
      %add3A_1492 = vector.broadcast %add3A_1491 : i32 to vector<16xi32>
      %add3A_1493 = arith.addi %add3A_1489, %add3A_1492 : vector<16xi32>
      tpu.vector_store_idx %arg15[%broadcast_in_dim3A_1437, %add3A_1493], %gather3A_1490 : memref<128x131xf32, #tpu.memory_space<vmem>>[vector<16xi32>, vector<16xi32>], vector<16xf32>,
      %scan3A_1494 = arith.constant 0 : i32
      scf.yield %scan3A_1494 : i32
    }
    %scan3A_791 = arith.constant 128 : i32
    %dma_wait3A_792 = tpu.memref_slice %arg22[%add3A_484] : memref<2064xi32, #tpu.memory_space<vmem>> -> memref<128xi32, #tpu.memory_space<vmem>>
    %dma_wait3A_793 = arith.constant 0 : i32
    %dma_wait3A_794 = arith.constant 0 : i32
    %dma_wait3A_795 = tpu.memref_slice %arg4[%dma_wait3A_793, %dma_wait3A_794] : memref<65536x128xf32, #tpu.memory_space<hbm>> -> memref<65536x128xf32, #tpu.memory_space<hbm>>
    tpu.wait_indirect_dma semaphore(%arg18 : memref<!tpu.dma_semaphore, #tpu.memory_space<semaphore_mem>>) src(%dma_wait3A_795 : memref<65536x128xf32, #tpu.memory_space<hbm>>) dst(%arg16 : memref<128x128xf32, #tpu.memory_space<vmem>>)
    %mul3A_796 = arith.constant 2048 : i32
    %mul3A_797 = arith.muli %add3A, %mul3A_796 : i32
    %add3A_798 = arith.addi %mul3A_797, %add3A_484 : i32
    "tpu.region"() ({
      %run_scoped3A = tpu.sem_alloc : memref<!tpu.dma_semaphore, #tpu.memory_space<semaphore_mem>>
      %dma_start3A_1435 = arith.constant 0 : i32
      %dma_start3A_1436 = tpu.memref_slice %arg5[%add3A_798, %dma_start3A_1435] : memref<16384x3xf32, #tpu.memory_space<hbm>> -> memref<128x3xf32, #tpu.memory_space<hbm>>
      %dma_start3A_1437 = arith.constant 0 : i32
      %dma_start3A_1438 = tpu.memref_slice %arg5[%add3A_798, %dma_start3A_1437] : memref<16384x3xf32, #tpu.memory_space<hbm>> -> memref<128x3xf32, #tpu.memory_space<hbm>>
      tpu.enqueue_dma source(%arg23 : memref<128x3xf32, #tpu.memory_space<vmem>>) target(%dma_start3A_1438 : memref<128x3xf32, #tpu.memory_space<hbm>>) target_semaphore(%run_scoped3A : memref<!tpu.dma_semaphore, #tpu.memory_space<semaphore_mem>>)
      %dma_wait3A_1439 = arith.constant 0 : i32
      %dma_wait3A_1440 = tpu.memref_slice %arg5[%add3A_798, %dma_wait3A_1439] : memref<16384x3xf32, #tpu.memory_space<hbm>> -> memref<128x3xf32, #tpu.memory_space<hbm>>
      %dma_wait3A_1441 = arith.constant 0 : i32
      %dma_wait3A_1442 = tpu.memref_slice %arg5[%add3A_798, %dma_wait3A_1441] : memref<16384x3xf32, #tpu.memory_space<hbm>> -> memref<128x3xf32, #tpu.memory_space<hbm>>
      tpu.wait_dma2 semaphore(%run_scoped3A : memref<!tpu.dma_semaphore, #tpu.memory_space<semaphore_mem>>) src(%arg23 : memref<128x3xf32, #tpu.memory_space<vmem>>) dst(%dma_wait3A_1442 : memref<128x3xf32, #tpu.memory_space<hbm>>)
      tpu.yield
    }) : () -> ()
    "tpu.region"() ({
      %run_scoped3A = tpu.sem_alloc : memref<!tpu.dma_semaphore, #tpu.memory_space<semaphore_mem>>
      %dma_start3A_1435 = arith.constant 0 : i32
      %dma_start3A_1436 = tpu.memref_slice %arg6[%add3A_798, %dma_start3A_1435] : memref<16384x131xf32, #tpu.memory_space<hbm>> -> memref<128x131xf32, #tpu.memory_space<hbm>>
      %dma_start3A_1437 = arith.constant 0 : i32
      %dma_start3A_1438 = tpu.memref_slice %arg6[%add3A_798, %dma_start3A_1437] : memref<16384x131xf32, #tpu.memory_space<hbm>> -> memref<128x131xf32, #tpu.memory_space<hbm>>
      tpu.enqueue_dma source(%arg15 : memref<128x131xf32, #tpu.memory_space<vmem>>) target(%dma_start3A_1438 : memref<128x131xf32, #tpu.memory_space<hbm>>) target_semaphore(%run_scoped3A : memref<!tpu.dma_semaphore, #tpu.memory_space<semaphore_mem>>)
      %dma_wait3A_1439 = arith.constant 0 : i32
      %dma_wait3A_1440 = tpu.memref_slice %arg6[%add3A_798, %dma_wait3A_1439] : memref<16384x131xf32, #tpu.memory_space<hbm>> -> memref<128x131xf32, #tpu.memory_space<hbm>>
      %dma_wait3A_1441 = arith.constant 0 : i32
      %dma_wait3A_1442 = tpu.memref_slice %arg6[%add3A_798, %dma_wait3A_1441] : memref<16384x131xf32, #tpu.memory_space<hbm>> -> memref<128x131xf32, #tpu.memory_space<hbm>>
      tpu.wait_dma2 semaphore(%run_scoped3A : memref<!tpu.dma_semaphore, #tpu.memory_space<semaphore_mem>>) src(%arg15 : memref<128x131xf32, #tpu.memory_space<vmem>>) dst(%dma_wait3A_1442 : memref<128x131xf32, #tpu.memory_space<hbm>>)
      tpu.yield
    }) : () -> ()
    "tpu.region"() ({
      %run_scoped3A = tpu.sem_alloc : memref<!tpu.dma_semaphore, #tpu.memory_space<semaphore_mem>>
      %dma_start3A_1435 = arith.constant 0 : i32
      %dma_start3A_1436 = tpu.memref_slice %arg7[%add3A_798, %dma_start3A_1435] : memref<16384x128xf32, #tpu.memory_space<hbm>> -> memref<128x128xf32, #tpu.memory_space<hbm>>
      %dma_start3A_1437 = arith.constant 0 : i32
      %dma_start3A_1438 = tpu.memref_slice %arg7[%add3A_798, %dma_start3A_1437] : memref<16384x128xf32, #tpu.memory_space<hbm>> -> memref<128x128xf32, #tpu.memory_space<hbm>>
      tpu.enqueue_dma source(%arg16 : memref<128x128xf32, #tpu.memory_space<vmem>>) target(%dma_start3A_1438 : memref<128x128xf32, #tpu.memory_space<hbm>>) target_semaphore(%run_scoped3A : memref<!tpu.dma_semaphore, #tpu.memory_space<semaphore_mem>>)
      %dma_wait3A_1439 = arith.constant 0 : i32
      %dma_wait3A_1440 = tpu.memref_slice %arg7[%add3A_798, %dma_wait3A_1439] : memref<16384x128xf32, #tpu.memory_space<hbm>> -> memref<128x128xf32, #tpu.memory_space<hbm>>
      %dma_wait3A_1441 = arith.constant 0 : i32
      %dma_wait3A_1442 = tpu.memref_slice %arg7[%add3A_798, %dma_wait3A_1441] : memref<16384x128xf32, #tpu.memory_space<hbm>> -> memref<128x128xf32, #tpu.memory_space<hbm>>
      tpu.wait_dma2 semaphore(%run_scoped3A : memref<!tpu.dma_semaphore, #tpu.memory_space<semaphore_mem>>) src(%arg16 : memref<128x128xf32, #tpu.memory_space<vmem>>) dst(%dma_wait3A_1442 : memref<128x128xf32, #tpu.memory_space<hbm>>)
      tpu.yield
    }) : () -> ()
    %mul3A_799 = arith.constant 512 : i32
    %mul3A_800 = arith.muli %select_n3A_30, %mul3A_799 : i32
    %add3A_801 = arith.constant 256 : i32
    %add3A_802 = arith.addi %mul3A_800, %add3A_801 : i32
    %dma_start3A_803 = tpu.memref_slice %arg22[%add3A_802] : memref<2064xi32, #tpu.memory_space<vmem>> -> memref<128xi32, #tpu.memory_space<vmem>>
    %dma_start3A_804 = arith.constant 0 : i32
    %dma_start3A_805 = arith.constant 0 : i32
    %dma_start3A_806 = tpu.memref_slice %arg3[%dma_start3A_804, %dma_start3A_805] : memref<65536x128xf32, #tpu.memory_space<hbm>> -> memref<65536x128xf32, #tpu.memory_space<hbm>>
    tpu.enqueue_indirect_dma source(%dma_start3A_806 : memref<65536x128xf32, #tpu.memory_space<hbm>>) target(%arg13 : memref<128x128xf32, #tpu.memory_space<vmem>>) offsets(%dma_start3A_803 : memref<128xi32, #tpu.memory_space<vmem>>) semaphore(%arg17 : memref<!tpu.dma_semaphore, #tpu.memory_space<semaphore_mem>>)
    %dma_start3A_807 = tpu.memref_slice %arg22[%add3A_802] : memref<2064xi32, #tpu.memory_space<vmem>> -> memref<128xi32, #tpu.memory_space<vmem>>
    %dma_start3A_808 = arith.constant 0 : i32
    %dma_start3A_809 = arith.constant 0 : i32
    %dma_start3A_810 = tpu.memref_slice %arg4[%dma_start3A_808, %dma_start3A_809] : memref<65536x128xf32, #tpu.memory_space<hbm>> -> memref<65536x128xf32, #tpu.memory_space<hbm>>
    tpu.enqueue_indirect_dma source(%dma_start3A_810 : memref<65536x128xf32, #tpu.memory_space<hbm>>) target(%arg16 : memref<128x128xf32, #tpu.memory_space<vmem>>) offsets(%dma_start3A_807 : memref<128xi32, #tpu.memory_space<vmem>>) semaphore(%arg18 : memref<!tpu.dma_semaphore, #tpu.memory_space<semaphore_mem>>)
    %add3A_811 = arith.constant 0 : i32
    %add3A_812 = arith.addi %add3A_802, %add3A_811 : i32
    %get3A_813 = arith.index_cast %add3A_812 : i32 to index
    %get3A_814 = tpu.vector_load %arg21[%get3A_813] {strides = array<i32>} : memref<2064xi32, #tpu.memory_space<vmem>>, vector<16xi32>,
    %shift_right_logical3A_815 = arith.constant 11 : i32
    %shift_right_logical3A_816 = vector.broadcast %shift_right_logical3A_815 : i32 to vector<16xi32>
    %shift_right_logical3A_817 = arith.shrui %get3A_814, %shift_right_logical3A_816 : vector<16xi32>
    %and3A_818 = arith.constant 2047 : i32
    %and3A_819 = vector.broadcast %and3A_818 : i32 to vector<16xi32>
    %and3A_820 = arith.andi %get3A_814, %and3A_819 : vector<16xi32>
    %shift_left3A_821 = arith.constant 12 : i32
    %shift_left3A_822 = vector.broadcast %shift_left3A_821 : i32 to vector<16xi32>
    %shift_left3A_823 = arith.shli %shift_right_logical3A_817, %shift_left3A_822 : vector<16xi32>
    %shift_left3A_824 = arith.constant 11 : i32
    %shift_left3A_825 = vector.broadcast %shift_left3A_824 : i32 to vector<16xi32>
    %shift_left3A_826 = arith.shli %shift_right_logical3A_817, %shift_left3A_825 : vector<16xi32>
    %add3A_827 = arith.addi %shift_left3A_823, %shift_left3A_826 : vector<16xi32>
    %add3A_828 = arith.addi %add3A_827, %and3A_820 : vector<16xi32>
    %gather3A_829 = tpu.vector_load_idx %arg25[%add3A_828] : memref<24576xf32, #tpu.memory_space<vmem>>[vector<16xi32>], vector<16xf32>,
    %add3A_830 = arith.constant 2048 : i32
    %add3A_831 = vector.broadcast %add3A_830 : i32 to vector<16xi32>
    %add3A_832 = arith.addi %add3A_828, %add3A_831 : vector<16xi32>
    %gather3A_833 = tpu.vector_load_idx %arg25[%add3A_832] : memref<24576xf32, #tpu.memory_space<vmem>>[vector<16xi32>], vector<16xf32>,
    %add3A_834 = arith.constant 4096 : i32
    %add3A_835 = vector.broadcast %add3A_834 : i32 to vector<16xi32>
    %add3A_836 = arith.addi %add3A_828, %add3A_835 : vector<16xi32>
    %gather3A_837 = tpu.vector_load_idx %arg25[%add3A_836] : memref<24576xf32, #tpu.memory_space<vmem>>[vector<16xi32>], vector<16xf32>,
    %add3A_838 = arith.constant 0 : i32
    %add3A_839 = vector.broadcast %add3A_838 : i32 to vector<16xi32>
    %add3A_840 = arith.addi %add3A_839, %iota3A : vector<16xi32>
    tpu.vector_store_idx %arg23[%add3A_840, %broadcast_in_dim3A_59], %gather3A_829 : memref<128x3xf32, #tpu.memory_space<vmem>>[vector<16xi32>, vector<16xi32>], vector<16xf32>,
    tpu.vector_store_idx %arg23[%add3A_840, %broadcast_in_dim3A_61], %gather3A_833 : memref<128x3xf32, #tpu.memory_space<vmem>>[vector<16xi32>, vector<16xi32>], vector<16xf32>,
    %add3A_841 = arith.constant 1 : i32
    %add3A_842 = vector.broadcast %add3A_841 : i32 to vector<16xi32>
    %add3A_843 = arith.addi %broadcast_in_dim3A_61, %add3A_842 : vector<16xi32>
    tpu.vector_store_idx %arg23[%add3A_840, %add3A_843], %gather3A_837 : memref<128x3xf32, #tpu.memory_space<vmem>>[vector<16xi32>, vector<16xi32>], vector<16xf32>,
    tpu.vector_store_idx %arg15[%add3A_840, %broadcast_in_dim3A_59], %gather3A_829 : memref<128x131xf32, #tpu.memory_space<vmem>>[vector<16xi32>, vector<16xi32>], vector<16xf32>,
    tpu.vector_store_idx %arg15[%add3A_840, %broadcast_in_dim3A_61], %gather3A_833 : memref<128x131xf32, #tpu.memory_space<vmem>>[vector<16xi32>, vector<16xi32>], vector<16xf32>,
    %add3A_844 = arith.constant 1 : i32
    %add3A_845 = vector.broadcast %add3A_844 : i32 to vector<16xi32>
    %add3A_846 = arith.addi %broadcast_in_dim3A_61, %add3A_845 : vector<16xi32>
    tpu.vector_store_idx %arg15[%add3A_840, %add3A_846], %gather3A_837 : memref<128x131xf32, #tpu.memory_space<vmem>>[vector<16xi32>, vector<16xi32>], vector<16xf32>,
    %add3A_847 = arith.constant 16 : i32
    %add3A_848 = arith.addi %add3A_802, %add3A_847 : i32
    %get3A_849 = arith.index_cast %add3A_848 : i32 to index
    %get3A_850 = tpu.vector_load %arg21[%get3A_849] {strides = array<i32>} : memref<2064xi32, #tpu.memory_space<vmem>>, vector<16xi32>,
    %shift_right_logical3A_851 = arith.constant 11 : i32
    %shift_right_logical3A_852 = vector.broadcast %shift_right_logical3A_851 : i32 to vector<16xi32>
    %shift_right_logical3A_853 = arith.shrui %get3A_850, %shift_right_logical3A_852 : vector<16xi32>
    %and3A_854 = arith.constant 2047 : i32
    %and3A_855 = vector.broadcast %and3A_854 : i32 to vector<16xi32>
    %and3A_856 = arith.andi %get3A_850, %and3A_855 : vector<16xi32>
    %shift_left3A_857 = arith.constant 12 : i32
    %shift_left3A_858 = vector.broadcast %shift_left3A_857 : i32 to vector<16xi32>
    %shift_left3A_859 = arith.shli %shift_right_logical3A_853, %shift_left3A_858 : vector<16xi32>
    %shift_left3A_860 = arith.constant 11 : i32
    %shift_left3A_861 = vector.broadcast %shift_left3A_860 : i32 to vector<16xi32>
    %shift_left3A_862 = arith.shli %shift_right_logical3A_853, %shift_left3A_861 : vector<16xi32>
    %add3A_863 = arith.addi %shift_left3A_859, %shift_left3A_862 : vector<16xi32>
    %add3A_864 = arith.addi %add3A_863, %and3A_856 : vector<16xi32>
    %gather3A_865 = tpu.vector_load_idx %arg25[%add3A_864] : memref<24576xf32, #tpu.memory_space<vmem>>[vector<16xi32>], vector<16xf32>,
    %add3A_866 = arith.constant 2048 : i32
    %add3A_867 = vector.broadcast %add3A_866 : i32 to vector<16xi32>
    %add3A_868 = arith.addi %add3A_864, %add3A_867 : vector<16xi32>
    %gather3A_869 = tpu.vector_load_idx %arg25[%add3A_868] : memref<24576xf32, #tpu.memory_space<vmem>>[vector<16xi32>], vector<16xf32>,
    %add3A_870 = arith.constant 4096 : i32
    %add3A_871 = vector.broadcast %add3A_870 : i32 to vector<16xi32>
    %add3A_872 = arith.addi %add3A_864, %add3A_871 : vector<16xi32>
    %gather3A_873 = tpu.vector_load_idx %arg25[%add3A_872] : memref<24576xf32, #tpu.memory_space<vmem>>[vector<16xi32>], vector<16xf32>,
    %add3A_874 = arith.constant 16 : i32
    %add3A_875 = vector.broadcast %add3A_874 : i32 to vector<16xi32>
    %add3A_876 = arith.addi %add3A_875, %iota3A : vector<16xi32>
    tpu.vector_store_idx %arg23[%add3A_876, %broadcast_in_dim3A_59], %gather3A_865 : memref<128x3xf32, #tpu.memory_space<vmem>>[vector<16xi32>, vector<16xi32>], vector<16xf32>,
    tpu.vector_store_idx %arg23[%add3A_876, %broadcast_in_dim3A_61], %gather3A_869 : memref<128x3xf32, #tpu.memory_space<vmem>>[vector<16xi32>, vector<16xi32>], vector<16xf32>,
    %add3A_877 = arith.constant 1 : i32
    %add3A_878 = vector.broadcast %add3A_877 : i32 to vector<16xi32>
    %add3A_879 = arith.addi %broadcast_in_dim3A_61, %add3A_878 : vector<16xi32>
    tpu.vector_store_idx %arg23[%add3A_876, %add3A_879], %gather3A_873 : memref<128x3xf32, #tpu.memory_space<vmem>>[vector<16xi32>, vector<16xi32>], vector<16xf32>,
    tpu.vector_store_idx %arg15[%add3A_876, %broadcast_in_dim3A_59], %gather3A_865 : memref<128x131xf32, #tpu.memory_space<vmem>>[vector<16xi32>, vector<16xi32>], vector<16xf32>,
    tpu.vector_store_idx %arg15[%add3A_876, %broadcast_in_dim3A_61], %gather3A_869 : memref<128x131xf32, #tpu.memory_space<vmem>>[vector<16xi32>, vector<16xi32>], vector<16xf32>,
    %add3A_880 = arith.constant 1 : i32
    %add3A_881 = vector.broadcast %add3A_880 : i32 to vector<16xi32>
    %add3A_882 = arith.addi %broadcast_in_dim3A_61, %add3A_881 : vector<16xi32>
    tpu.vector_store_idx %arg15[%add3A_876, %add3A_882], %gather3A_873 : memref<128x131xf32, #tpu.memory_space<vmem>>[vector<16xi32>, vector<16xi32>], vector<16xf32>,
    %add3A_883 = arith.constant 32 : i32
    %add3A_884 = arith.addi %add3A_802, %add3A_883 : i32
    %get3A_885 = arith.index_cast %add3A_884 : i32 to index
    %get3A_886 = tpu.vector_load %arg21[%get3A_885] {strides = array<i32>} : memref<2064xi32, #tpu.memory_space<vmem>>, vector<16xi32>,
    %shift_right_logical3A_887 = arith.constant 11 : i32
    %shift_right_logical3A_888 = vector.broadcast %shift_right_logical3A_887 : i32 to vector<16xi32>
    %shift_right_logical3A_889 = arith.shrui %get3A_886, %shift_right_logical3A_888 : vector<16xi32>
    %and3A_890 = arith.constant 2047 : i32
    %and3A_891 = vector.broadcast %and3A_890 : i32 to vector<16xi32>
    %and3A_892 = arith.andi %get3A_886, %and3A_891 : vector<16xi32>
    %shift_left3A_893 = arith.constant 12 : i32
    %shift_left3A_894 = vector.broadcast %shift_left3A_893 : i32 to vector<16xi32>
    %shift_left3A_895 = arith.shli %shift_right_logical3A_889, %shift_left3A_894 : vector<16xi32>
    %shift_left3A_896 = arith.constant 11 : i32
    %shift_left3A_897 = vector.broadcast %shift_left3A_896 : i32 to vector<16xi32>
    %shift_left3A_898 = arith.shli %shift_right_logical3A_889, %shift_left3A_897 : vector<16xi32>
    %add3A_899 = arith.addi %shift_left3A_895, %shift_left3A_898 : vector<16xi32>
    %add3A_900 = arith.addi %add3A_899, %and3A_892 : vector<16xi32>
    %gather3A_901 = tpu.vector_load_idx %arg25[%add3A_900] : memref<24576xf32, #tpu.memory_space<vmem>>[vector<16xi32>], vector<16xf32>,
    %add3A_902 = arith.constant 2048 : i32
    %add3A_903 = vector.broadcast %add3A_902 : i32 to vector<16xi32>
    %add3A_904 = arith.addi %add3A_900, %add3A_903 : vector<16xi32>
    %gather3A_905 = tpu.vector_load_idx %arg25[%add3A_904] : memref<24576xf32, #tpu.memory_space<vmem>>[vector<16xi32>], vector<16xf32>,
    %add3A_906 = arith.constant 4096 : i32
    %add3A_907 = vector.broadcast %add3A_906 : i32 to vector<16xi32>
    %add3A_908 = arith.addi %add3A_900, %add3A_907 : vector<16xi32>
    %gather3A_909 = tpu.vector_load_idx %arg25[%add3A_908] : memref<24576xf32, #tpu.memory_space<vmem>>[vector<16xi32>], vector<16xf32>,
    %add3A_910 = arith.constant 32 : i32
    %add3A_911 = vector.broadcast %add3A_910 : i32 to vector<16xi32>
    %add3A_912 = arith.addi %add3A_911, %iota3A : vector<16xi32>
    tpu.vector_store_idx %arg23[%add3A_912, %broadcast_in_dim3A_59], %gather3A_901 : memref<128x3xf32, #tpu.memory_space<vmem>>[vector<16xi32>, vector<16xi32>], vector<16xf32>,
    tpu.vector_store_idx %arg23[%add3A_912, %broadcast_in_dim3A_61], %gather3A_905 : memref<128x3xf32, #tpu.memory_space<vmem>>[vector<16xi32>, vector<16xi32>], vector<16xf32>,
    %add3A_913 = arith.constant 1 : i32
    %add3A_914 = vector.broadcast %add3A_913 : i32 to vector<16xi32>
    %add3A_915 = arith.addi %broadcast_in_dim3A_61, %add3A_914 : vector<16xi32>
    tpu.vector_store_idx %arg23[%add3A_912, %add3A_915], %gather3A_909 : memref<128x3xf32, #tpu.memory_space<vmem>>[vector<16xi32>, vector<16xi32>], vector<16xf32>,
    tpu.vector_store_idx %arg15[%add3A_912, %broadcast_in_dim3A_59], %gather3A_901 : memref<128x131xf32, #tpu.memory_space<vmem>>[vector<16xi32>, vector<16xi32>], vector<16xf32>,
    tpu.vector_store_idx %arg15[%add3A_912, %broadcast_in_dim3A_61], %gather3A_905 : memref<128x131xf32, #tpu.memory_space<vmem>>[vector<16xi32>, vector<16xi32>], vector<16xf32>,
    %add3A_916 = arith.constant 1 : i32
    %add3A_917 = vector.broadcast %add3A_916 : i32 to vector<16xi32>
    %add3A_918 = arith.addi %broadcast_in_dim3A_61, %add3A_917 : vector<16xi32>
    tpu.vector_store_idx %arg15[%add3A_912, %add3A_918], %gather3A_909 : memref<128x131xf32, #tpu.memory_space<vmem>>[vector<16xi32>, vector<16xi32>], vector<16xf32>,
    %add3A_919 = arith.constant 48 : i32
    %add3A_920 = arith.addi %add3A_802, %add3A_919 : i32
    %get3A_921 = arith.index_cast %add3A_920 : i32 to index
    %get3A_922 = tpu.vector_load %arg21[%get3A_921] {strides = array<i32>} : memref<2064xi32, #tpu.memory_space<vmem>>, vector<16xi32>,
    %shift_right_logical3A_923 = arith.constant 11 : i32
    %shift_right_logical3A_924 = vector.broadcast %shift_right_logical3A_923 : i32 to vector<16xi32>
    %shift_right_logical3A_925 = arith.shrui %get3A_922, %shift_right_logical3A_924 : vector<16xi32>
    %and3A_926 = arith.constant 2047 : i32
    %and3A_927 = vector.broadcast %and3A_926 : i32 to vector<16xi32>
    %and3A_928 = arith.andi %get3A_922, %and3A_927 : vector<16xi32>
    %shift_left3A_929 = arith.constant 12 : i32
    %shift_left3A_930 = vector.broadcast %shift_left3A_929 : i32 to vector<16xi32>
    %shift_left3A_931 = arith.shli %shift_right_logical3A_925, %shift_left3A_930 : vector<16xi32>
    %shift_left3A_932 = arith.constant 11 : i32
    %shift_left3A_933 = vector.broadcast %shift_left3A_932 : i32 to vector<16xi32>
    %shift_left3A_934 = arith.shli %shift_right_logical3A_925, %shift_left3A_933 : vector<16xi32>
    %add3A_935 = arith.addi %shift_left3A_931, %shift_left3A_934 : vector<16xi32>
    %add3A_936 = arith.addi %add3A_935, %and3A_928 : vector<16xi32>
    %gather3A_937 = tpu.vector_load_idx %arg25[%add3A_936] : memref<24576xf32, #tpu.memory_space<vmem>>[vector<16xi32>], vector<16xf32>,
    %add3A_938 = arith.constant 2048 : i32
    %add3A_939 = vector.broadcast %add3A_938 : i32 to vector<16xi32>
    %add3A_940 = arith.addi %add3A_936, %add3A_939 : vector<16xi32>
    %gather3A_941 = tpu.vector_load_idx %arg25[%add3A_940] : memref<24576xf32, #tpu.memory_space<vmem>>[vector<16xi32>], vector<16xf32>,
    %add3A_942 = arith.constant 4096 : i32
    %add3A_943 = vector.broadcast %add3A_942 : i32 to vector<16xi32>
    %add3A_944 = arith.addi %add3A_936, %add3A_943 : vector<16xi32>
    %gather3A_945 = tpu.vector_load_idx %arg25[%add3A_944] : memref<24576xf32, #tpu.memory_space<vmem>>[vector<16xi32>], vector<16xf32>,
    %add3A_946 = arith.constant 48 : i32
    %add3A_947 = vector.broadcast %add3A_946 : i32 to vector<16xi32>
    %add3A_948 = arith.addi %add3A_947, %iota3A : vector<16xi32>
    tpu.vector_store_idx %arg23[%add3A_948, %broadcast_in_dim3A_59], %gather3A_937 : memref<128x3xf32, #tpu.memory_space<vmem>>[vector<16xi32>, vector<16xi32>], vector<16xf32>,
    tpu.vector_store_idx %arg23[%add3A_948, %broadcast_in_dim3A_61], %gather3A_941 : memref<128x3xf32, #tpu.memory_space<vmem>>[vector<16xi32>, vector<16xi32>], vector<16xf32>,
    %add3A_949 = arith.constant 1 : i32
    %add3A_950 = vector.broadcast %add3A_949 : i32 to vector<16xi32>
    %add3A_951 = arith.addi %broadcast_in_dim3A_61, %add3A_950 : vector<16xi32>
    tpu.vector_store_idx %arg23[%add3A_948, %add3A_951], %gather3A_945 : memref<128x3xf32, #tpu.memory_space<vmem>>[vector<16xi32>, vector<16xi32>], vector<16xf32>,
    tpu.vector_store_idx %arg15[%add3A_948, %broadcast_in_dim3A_59], %gather3A_937 : memref<128x131xf32, #tpu.memory_space<vmem>>[vector<16xi32>, vector<16xi32>], vector<16xf32>,
    tpu.vector_store_idx %arg15[%add3A_948, %broadcast_in_dim3A_61], %gather3A_941 : memref<128x131xf32, #tpu.memory_space<vmem>>[vector<16xi32>, vector<16xi32>], vector<16xf32>,
    %add3A_952 = arith.constant 1 : i32
    %add3A_953 = vector.broadcast %add3A_952 : i32 to vector<16xi32>
    %add3A_954 = arith.addi %broadcast_in_dim3A_61, %add3A_953 : vector<16xi32>
    tpu.vector_store_idx %arg15[%add3A_948, %add3A_954], %gather3A_945 : memref<128x131xf32, #tpu.memory_space<vmem>>[vector<16xi32>, vector<16xi32>], vector<16xf32>,
    %add3A_955 = arith.constant 64 : i32
    %add3A_956 = arith.addi %add3A_802, %add3A_955 : i32
    %get3A_957 = arith.index_cast %add3A_956 : i32 to index
    %get3A_958 = tpu.vector_load %arg21[%get3A_957] {strides = array<i32>} : memref<2064xi32, #tpu.memory_space<vmem>>, vector<16xi32>,
    %shift_right_logical3A_959 = arith.constant 11 : i32
    %shift_right_logical3A_960 = vector.broadcast %shift_right_logical3A_959 : i32 to vector<16xi32>
    %shift_right_logical3A_961 = arith.shrui %get3A_958, %shift_right_logical3A_960 : vector<16xi32>
    %and3A_962 = arith.constant 2047 : i32
    %and3A_963 = vector.broadcast %and3A_962 : i32 to vector<16xi32>
    %and3A_964 = arith.andi %get3A_958, %and3A_963 : vector<16xi32>
    %shift_left3A_965 = arith.constant 12 : i32
    %shift_left3A_966 = vector.broadcast %shift_left3A_965 : i32 to vector<16xi32>
    %shift_left3A_967 = arith.shli %shift_right_logical3A_961, %shift_left3A_966 : vector<16xi32>
    %shift_left3A_968 = arith.constant 11 : i32
    %shift_left3A_969 = vector.broadcast %shift_left3A_968 : i32 to vector<16xi32>
    %shift_left3A_970 = arith.shli %shift_right_logical3A_961, %shift_left3A_969 : vector<16xi32>
    %add3A_971 = arith.addi %shift_left3A_967, %shift_left3A_970 : vector<16xi32>
    %add3A_972 = arith.addi %add3A_971, %and3A_964 : vector<16xi32>
    %gather3A_973 = tpu.vector_load_idx %arg25[%add3A_972] : memref<24576xf32, #tpu.memory_space<vmem>>[vector<16xi32>], vector<16xf32>,
    %add3A_974 = arith.constant 2048 : i32
    %add3A_975 = vector.broadcast %add3A_974 : i32 to vector<16xi32>
    %add3A_976 = arith.addi %add3A_972, %add3A_975 : vector<16xi32>
    %gather3A_977 = tpu.vector_load_idx %arg25[%add3A_976] : memref<24576xf32, #tpu.memory_space<vmem>>[vector<16xi32>], vector<16xf32>,
    %add3A_978 = arith.constant 4096 : i32
    %add3A_979 = vector.broadcast %add3A_978 : i32 to vector<16xi32>
    %add3A_980 = arith.addi %add3A_972, %add3A_979 : vector<16xi32>
    %gather3A_981 = tpu.vector_load_idx %arg25[%add3A_980] : memref<24576xf32, #tpu.memory_space<vmem>>[vector<16xi32>], vector<16xf32>,
    %add3A_982 = arith.constant 64 : i32
    %add3A_983 = vector.broadcast %add3A_982 : i32 to vector<16xi32>
    %add3A_984 = arith.addi %add3A_983, %iota3A : vector<16xi32>
    tpu.vector_store_idx %arg23[%add3A_984, %broadcast_in_dim3A_59], %gather3A_973 : memref<128x3xf32, #tpu.memory_space<vmem>>[vector<16xi32>, vector<16xi32>], vector<16xf32>,
    tpu.vector_store_idx %arg23[%add3A_984, %broadcast_in_dim3A_61], %gather3A_977 : memref<128x3xf32, #tpu.memory_space<vmem>>[vector<16xi32>, vector<16xi32>], vector<16xf32>,
    %add3A_985 = arith.constant 1 : i32
    %add3A_986 = vector.broadcast %add3A_985 : i32 to vector<16xi32>
    %add3A_987 = arith.addi %broadcast_in_dim3A_61, %add3A_986 : vector<16xi32>
    tpu.vector_store_idx %arg23[%add3A_984, %add3A_987], %gather3A_981 : memref<128x3xf32, #tpu.memory_space<vmem>>[vector<16xi32>, vector<16xi32>], vector<16xf32>,
    tpu.vector_store_idx %arg15[%add3A_984, %broadcast_in_dim3A_59], %gather3A_973 : memref<128x131xf32, #tpu.memory_space<vmem>>[vector<16xi32>, vector<16xi32>], vector<16xf32>,
    tpu.vector_store_idx %arg15[%add3A_984, %broadcast_in_dim3A_61], %gather3A_977 : memref<128x131xf32, #tpu.memory_space<vmem>>[vector<16xi32>, vector<16xi32>], vector<16xf32>,
    %add3A_988 = arith.constant 1 : i32
    %add3A_989 = vector.broadcast %add3A_988 : i32 to vector<16xi32>
    %add3A_990 = arith.addi %broadcast_in_dim3A_61, %add3A_989 : vector<16xi32>
    tpu.vector_store_idx %arg15[%add3A_984, %add3A_990], %gather3A_981 : memref<128x131xf32, #tpu.memory_space<vmem>>[vector<16xi32>, vector<16xi32>], vector<16xf32>,
    %add3A_991 = arith.constant 80 : i32
    %add3A_992 = arith.addi %add3A_802, %add3A_991 : i32
    %get3A_993 = arith.index_cast %add3A_992 : i32 to index
    %get3A_994 = tpu.vector_load %arg21[%get3A_993] {strides = array<i32>} : memref<2064xi32, #tpu.memory_space<vmem>>, vector<16xi32>,
    %shift_right_logical3A_995 = arith.constant 11 : i32
    %shift_right_logical3A_996 = vector.broadcast %shift_right_logical3A_995 : i32 to vector<16xi32>
    %shift_right_logical3A_997 = arith.shrui %get3A_994, %shift_right_logical3A_996 : vector<16xi32>
    %and3A_998 = arith.constant 2047 : i32
    %and3A_999 = vector.broadcast %and3A_998 : i32 to vector<16xi32>
    %and3A_1000 = arith.andi %get3A_994, %and3A_999 : vector<16xi32>
    %shift_left3A_1001 = arith.constant 12 : i32
    %shift_left3A_1002 = vector.broadcast %shift_left3A_1001 : i32 to vector<16xi32>
    %shift_left3A_1003 = arith.shli %shift_right_logical3A_997, %shift_left3A_1002 : vector<16xi32>
    %shift_left3A_1004 = arith.constant 11 : i32
    %shift_left3A_1005 = vector.broadcast %shift_left3A_1004 : i32 to vector<16xi32>
    %shift_left3A_1006 = arith.shli %shift_right_logical3A_997, %shift_left3A_1005 : vector<16xi32>
    %add3A_1007 = arith.addi %shift_left3A_1003, %shift_left3A_1006 : vector<16xi32>
    %add3A_1008 = arith.addi %add3A_1007, %and3A_1000 : vector<16xi32>
    %gather3A_1009 = tpu.vector_load_idx %arg25[%add3A_1008] : memref<24576xf32, #tpu.memory_space<vmem>>[vector<16xi32>], vector<16xf32>,
    %add3A_1010 = arith.constant 2048 : i32
    %add3A_1011 = vector.broadcast %add3A_1010 : i32 to vector<16xi32>
    %add3A_1012 = arith.addi %add3A_1008, %add3A_1011 : vector<16xi32>
    %gather3A_1013 = tpu.vector_load_idx %arg25[%add3A_1012] : memref<24576xf32, #tpu.memory_space<vmem>>[vector<16xi32>], vector<16xf32>,
    %add3A_1014 = arith.constant 4096 : i32
    %add3A_1015 = vector.broadcast %add3A_1014 : i32 to vector<16xi32>
    %add3A_1016 = arith.addi %add3A_1008, %add3A_1015 : vector<16xi32>
    %gather3A_1017 = tpu.vector_load_idx %arg25[%add3A_1016] : memref<24576xf32, #tpu.memory_space<vmem>>[vector<16xi32>], vector<16xf32>,
    %add3A_1018 = arith.constant 80 : i32
    %add3A_1019 = vector.broadcast %add3A_1018 : i32 to vector<16xi32>
    %add3A_1020 = arith.addi %add3A_1019, %iota3A : vector<16xi32>
    tpu.vector_store_idx %arg23[%add3A_1020, %broadcast_in_dim3A_59], %gather3A_1009 : memref<128x3xf32, #tpu.memory_space<vmem>>[vector<16xi32>, vector<16xi32>], vector<16xf32>,
    tpu.vector_store_idx %arg23[%add3A_1020, %broadcast_in_dim3A_61], %gather3A_1013 : memref<128x3xf32, #tpu.memory_space<vmem>>[vector<16xi32>, vector<16xi32>], vector<16xf32>,
    %add3A_1021 = arith.constant 1 : i32
    %add3A_1022 = vector.broadcast %add3A_1021 : i32 to vector<16xi32>
    %add3A_1023 = arith.addi %broadcast_in_dim3A_61, %add3A_1022 : vector<16xi32>
    tpu.vector_store_idx %arg23[%add3A_1020, %add3A_1023], %gather3A_1017 : memref<128x3xf32, #tpu.memory_space<vmem>>[vector<16xi32>, vector<16xi32>], vector<16xf32>,
    tpu.vector_store_idx %arg15[%add3A_1020, %broadcast_in_dim3A_59], %gather3A_1009 : memref<128x131xf32, #tpu.memory_space<vmem>>[vector<16xi32>, vector<16xi32>], vector<16xf32>,
    tpu.vector_store_idx %arg15[%add3A_1020, %broadcast_in_dim3A_61], %gather3A_1013 : memref<128x131xf32, #tpu.memory_space<vmem>>[vector<16xi32>, vector<16xi32>], vector<16xf32>,
    %add3A_1024 = arith.constant 1 : i32
    %add3A_1025 = vector.broadcast %add3A_1024 : i32 to vector<16xi32>
    %add3A_1026 = arith.addi %broadcast_in_dim3A_61, %add3A_1025 : vector<16xi32>
    tpu.vector_store_idx %arg15[%add3A_1020, %add3A_1026], %gather3A_1017 : memref<128x131xf32, #tpu.memory_space<vmem>>[vector<16xi32>, vector<16xi32>], vector<16xf32>,
    %add3A_1027 = arith.constant 96 : i32
    %add3A_1028 = arith.addi %add3A_802, %add3A_1027 : i32
    %get3A_1029 = arith.index_cast %add3A_1028 : i32 to index
    %get3A_1030 = tpu.vector_load %arg21[%get3A_1029] {strides = array<i32>} : memref<2064xi32, #tpu.memory_space<vmem>>, vector<16xi32>,
    %shift_right_logical3A_1031 = arith.constant 11 : i32
    %shift_right_logical3A_1032 = vector.broadcast %shift_right_logical3A_1031 : i32 to vector<16xi32>
    %shift_right_logical3A_1033 = arith.shrui %get3A_1030, %shift_right_logical3A_1032 : vector<16xi32>
    %and3A_1034 = arith.constant 2047 : i32
    %and3A_1035 = vector.broadcast %and3A_1034 : i32 to vector<16xi32>
    %and3A_1036 = arith.andi %get3A_1030, %and3A_1035 : vector<16xi32>
    %shift_left3A_1037 = arith.constant 12 : i32
    %shift_left3A_1038 = vector.broadcast %shift_left3A_1037 : i32 to vector<16xi32>
    %shift_left3A_1039 = arith.shli %shift_right_logical3A_1033, %shift_left3A_1038 : vector<16xi32>
    %shift_left3A_1040 = arith.constant 11 : i32
    %shift_left3A_1041 = vector.broadcast %shift_left3A_1040 : i32 to vector<16xi32>
    %shift_left3A_1042 = arith.shli %shift_right_logical3A_1033, %shift_left3A_1041 : vector<16xi32>
    %add3A_1043 = arith.addi %shift_left3A_1039, %shift_left3A_1042 : vector<16xi32>
    %add3A_1044 = arith.addi %add3A_1043, %and3A_1036 : vector<16xi32>
    %gather3A_1045 = tpu.vector_load_idx %arg25[%add3A_1044] : memref<24576xf32, #tpu.memory_space<vmem>>[vector<16xi32>], vector<16xf32>,
    %add3A_1046 = arith.constant 2048 : i32
    %add3A_1047 = vector.broadcast %add3A_1046 : i32 to vector<16xi32>
    %add3A_1048 = arith.addi %add3A_1044, %add3A_1047 : vector<16xi32>
    %gather3A_1049 = tpu.vector_load_idx %arg25[%add3A_1048] : memref<24576xf32, #tpu.memory_space<vmem>>[vector<16xi32>], vector<16xf32>,
    %add3A_1050 = arith.constant 4096 : i32
    %add3A_1051 = vector.broadcast %add3A_1050 : i32 to vector<16xi32>
    %add3A_1052 = arith.addi %add3A_1044, %add3A_1051 : vector<16xi32>
    %gather3A_1053 = tpu.vector_load_idx %arg25[%add3A_1052] : memref<24576xf32, #tpu.memory_space<vmem>>[vector<16xi32>], vector<16xf32>,
    %add3A_1054 = arith.constant 96 : i32
    %add3A_1055 = vector.broadcast %add3A_1054 : i32 to vector<16xi32>
    %add3A_1056 = arith.addi %add3A_1055, %iota3A : vector<16xi32>
    tpu.vector_store_idx %arg23[%add3A_1056, %broadcast_in_dim3A_59], %gather3A_1045 : memref<128x3xf32, #tpu.memory_space<vmem>>[vector<16xi32>, vector<16xi32>], vector<16xf32>,
    tpu.vector_store_idx %arg23[%add3A_1056, %broadcast_in_dim3A_61], %gather3A_1049 : memref<128x3xf32, #tpu.memory_space<vmem>>[vector<16xi32>, vector<16xi32>], vector<16xf32>,
    %add3A_1057 = arith.constant 1 : i32
    %add3A_1058 = vector.broadcast %add3A_1057 : i32 to vector<16xi32>
    %add3A_1059 = arith.addi %broadcast_in_dim3A_61, %add3A_1058 : vector<16xi32>
    tpu.vector_store_idx %arg23[%add3A_1056, %add3A_1059], %gather3A_1053 : memref<128x3xf32, #tpu.memory_space<vmem>>[vector<16xi32>, vector<16xi32>], vector<16xf32>,
    tpu.vector_store_idx %arg15[%add3A_1056, %broadcast_in_dim3A_59], %gather3A_1045 : memref<128x131xf32, #tpu.memory_space<vmem>>[vector<16xi32>, vector<16xi32>], vector<16xf32>,
    tpu.vector_store_idx %arg15[%add3A_1056, %broadcast_in_dim3A_61], %gather3A_1049 : memref<128x131xf32, #tpu.memory_space<vmem>>[vector<16xi32>, vector<16xi32>], vector<16xf32>,
    %add3A_1060 = arith.constant 1 : i32
    %add3A_1061 = vector.broadcast %add3A_1060 : i32 to vector<16xi32>
    %add3A_1062 = arith.addi %broadcast_in_dim3A_61, %add3A_1061 : vector<16xi32>
    tpu.vector_store_idx %arg15[%add3A_1056, %add3A_1062], %gather3A_1053 : memref<128x131xf32, #tpu.memory_space<vmem>>[vector<16xi32>, vector<16xi32>], vector<16xf32>,
    %add3A_1063 = arith.constant 112 : i32
    %add3A_1064 = arith.addi %add3A_802, %add3A_1063 : i32
    %get3A_1065 = arith.index_cast %add3A_1064 : i32 to index
    %get3A_1066 = tpu.vector_load %arg21[%get3A_1065] {strides = array<i32>} : memref<2064xi32, #tpu.memory_space<vmem>>, vector<16xi32>,
    %shift_right_logical3A_1067 = arith.constant 11 : i32
    %shift_right_logical3A_1068 = vector.broadcast %shift_right_logical3A_1067 : i32 to vector<16xi32>
    %shift_right_logical3A_1069 = arith.shrui %get3A_1066, %shift_right_logical3A_1068 : vector<16xi32>
    %and3A_1070 = arith.constant 2047 : i32
    %and3A_1071 = vector.broadcast %and3A_1070 : i32 to vector<16xi32>
    %and3A_1072 = arith.andi %get3A_1066, %and3A_1071 : vector<16xi32>
    %shift_left3A_1073 = arith.constant 12 : i32
    %shift_left3A_1074 = vector.broadcast %shift_left3A_1073 : i32 to vector<16xi32>
    %shift_left3A_1075 = arith.shli %shift_right_logical3A_1069, %shift_left3A_1074 : vector<16xi32>
    %shift_left3A_1076 = arith.constant 11 : i32
    %shift_left3A_1077 = vector.broadcast %shift_left3A_1076 : i32 to vector<16xi32>
    %shift_left3A_1078 = arith.shli %shift_right_logical3A_1069, %shift_left3A_1077 : vector<16xi32>
    %add3A_1079 = arith.addi %shift_left3A_1075, %shift_left3A_1078 : vector<16xi32>
    %add3A_1080 = arith.addi %add3A_1079, %and3A_1072 : vector<16xi32>
    %gather3A_1081 = tpu.vector_load_idx %arg25[%add3A_1080] : memref<24576xf32, #tpu.memory_space<vmem>>[vector<16xi32>], vector<16xf32>,
    %add3A_1082 = arith.constant 2048 : i32
    %add3A_1083 = vector.broadcast %add3A_1082 : i32 to vector<16xi32>
    %add3A_1084 = arith.addi %add3A_1080, %add3A_1083 : vector<16xi32>
    %gather3A_1085 = tpu.vector_load_idx %arg25[%add3A_1084] : memref<24576xf32, #tpu.memory_space<vmem>>[vector<16xi32>], vector<16xf32>,
    %add3A_1086 = arith.constant 4096 : i32
    %add3A_1087 = vector.broadcast %add3A_1086 : i32 to vector<16xi32>
    %add3A_1088 = arith.addi %add3A_1080, %add3A_1087 : vector<16xi32>
    %gather3A_1089 = tpu.vector_load_idx %arg25[%add3A_1088] : memref<24576xf32, #tpu.memory_space<vmem>>[vector<16xi32>], vector<16xf32>,
    %add3A_1090 = arith.constant 112 : i32
    %add3A_1091 = vector.broadcast %add3A_1090 : i32 to vector<16xi32>
    %add3A_1092 = arith.addi %add3A_1091, %iota3A : vector<16xi32>
    tpu.vector_store_idx %arg23[%add3A_1092, %broadcast_in_dim3A_59], %gather3A_1081 : memref<128x3xf32, #tpu.memory_space<vmem>>[vector<16xi32>, vector<16xi32>], vector<16xf32>,
    tpu.vector_store_idx %arg23[%add3A_1092, %broadcast_in_dim3A_61], %gather3A_1085 : memref<128x3xf32, #tpu.memory_space<vmem>>[vector<16xi32>, vector<16xi32>], vector<16xf32>,
    %add3A_1093 = arith.constant 1 : i32
    %add3A_1094 = vector.broadcast %add3A_1093 : i32 to vector<16xi32>
    %add3A_1095 = arith.addi %broadcast_in_dim3A_61, %add3A_1094 : vector<16xi32>
    tpu.vector_store_idx %arg23[%add3A_1092, %add3A_1095], %gather3A_1089 : memref<128x3xf32, #tpu.memory_space<vmem>>[vector<16xi32>, vector<16xi32>], vector<16xf32>,
    tpu.vector_store_idx %arg15[%add3A_1092, %broadcast_in_dim3A_59], %gather3A_1081 : memref<128x131xf32, #tpu.memory_space<vmem>>[vector<16xi32>, vector<16xi32>], vector<16xf32>,
    tpu.vector_store_idx %arg15[%add3A_1092, %broadcast_in_dim3A_61], %gather3A_1085 : memref<128x131xf32, #tpu.memory_space<vmem>>[vector<16xi32>, vector<16xi32>], vector<16xf32>,
    %add3A_1096 = arith.constant 1 : i32
    %add3A_1097 = vector.broadcast %add3A_1096 : i32 to vector<16xi32>
    %add3A_1098 = arith.addi %broadcast_in_dim3A_61, %add3A_1097 : vector<16xi32>
    tpu.vector_store_idx %arg15[%add3A_1092, %add3A_1098], %gather3A_1089 : memref<128x131xf32, #tpu.memory_space<vmem>>[vector<16xi32>, vector<16xi32>], vector<16xf32>,
    %dma_wait3A_1099 = tpu.memref_slice %arg22[%add3A_802] : memref<2064xi32, #tpu.memory_space<vmem>> -> memref<128xi32, #tpu.memory_space<vmem>>
    %dma_wait3A_1100 = arith.constant 0 : i32
    %dma_wait3A_1101 = arith.constant 0 : i32
    %dma_wait3A_1102 = tpu.memref_slice %arg3[%dma_wait3A_1100, %dma_wait3A_1101] : memref<65536x128xf32, #tpu.memory_space<hbm>> -> memref<65536x128xf32, #tpu.memory_space<hbm>>
    tpu.wait_indirect_dma semaphore(%arg17 : memref<!tpu.dma_semaphore, #tpu.memory_space<semaphore_mem>>) src(%dma_wait3A_1102 : memref<65536x128xf32, #tpu.memory_space<hbm>>) dst(%arg13 : memref<128x128xf32, #tpu.memory_space<vmem>>)
    %scan3A_1103 = arith.constant 0 : i32
    %scan3A_1104 = arith.constant 0 : i32
    %scan3A_1105 = arith.constant 128 : i32
    %scan3A_1106 = arith.addi %scan3A_1104, %scan3A_1105 : i32
    %scan3A_1107 = arith.constant 1 : i32
    %scan3A_1108 = scf.for %scan3A_1435 = %scan3A_1104 to %scan3A_1106 step %scan3A_1107 iter_args(%scan3A_1436 = %scan3A_1103) -> (i32)  : i32 {
      %broadcast_in_dim3A_1437 = vector.broadcast %scan3A_1435 : i32 to vector<16xi32>
      %add3A_1438 = arith.constant 0 : i32
      %add3A_1439 = vector.broadcast %add3A_1438 : i32 to vector<16xi32>
      %add3A_1440 = arith.addi %add3A_1439, %iota3A : vector<16xi32>
      %gather3A_1441 = tpu.vector_load_idx %arg13[%broadcast_in_dim3A_1437, %add3A_1440] : memref<128x128xf32, #tpu.memory_space<vmem>>[vector<16xi32>, vector<16xi32>], vector<16xf32>,
      %add3A_1442 = arith.constant 3 : i32
      %add3A_1443 = vector.broadcast %add3A_1442 : i32 to vector<16xi32>
      %add3A_1444 = arith.addi %add3A_1440, %add3A_1443 : vector<16xi32>
      tpu.vector_store_idx %arg15[%broadcast_in_dim3A_1437, %add3A_1444], %gather3A_1441 : memref<128x131xf32, #tpu.memory_space<vmem>>[vector<16xi32>, vector<16xi32>], vector<16xf32>,
      %add3A_1445 = arith.constant 16 : i32
      %add3A_1446 = vector.broadcast %add3A_1445 : i32 to vector<16xi32>
      %add3A_1447 = arith.addi %add3A_1446, %iota3A : vector<16xi32>
      %gather3A_1448 = tpu.vector_load_idx %arg13[%broadcast_in_dim3A_1437, %add3A_1447] : memref<128x128xf32, #tpu.memory_space<vmem>>[vector<16xi32>, vector<16xi32>], vector<16xf32>,
      %add3A_1449 = arith.constant 3 : i32
      %add3A_1450 = vector.broadcast %add3A_1449 : i32 to vector<16xi32>
      %add3A_1451 = arith.addi %add3A_1447, %add3A_1450 : vector<16xi32>
      tpu.vector_store_idx %arg15[%broadcast_in_dim3A_1437, %add3A_1451], %gather3A_1448 : memref<128x131xf32, #tpu.memory_space<vmem>>[vector<16xi32>, vector<16xi32>], vector<16xf32>,
      %add3A_1452 = arith.constant 32 : i32
      %add3A_1453 = vector.broadcast %add3A_1452 : i32 to vector<16xi32>
      %add3A_1454 = arith.addi %add3A_1453, %iota3A : vector<16xi32>
      %gather3A_1455 = tpu.vector_load_idx %arg13[%broadcast_in_dim3A_1437, %add3A_1454] : memref<128x128xf32, #tpu.memory_space<vmem>>[vector<16xi32>, vector<16xi32>], vector<16xf32>,
      %add3A_1456 = arith.constant 3 : i32
      %add3A_1457 = vector.broadcast %add3A_1456 : i32 to vector<16xi32>
      %add3A_1458 = arith.addi %add3A_1454, %add3A_1457 : vector<16xi32>
      tpu.vector_store_idx %arg15[%broadcast_in_dim3A_1437, %add3A_1458], %gather3A_1455 : memref<128x131xf32, #tpu.memory_space<vmem>>[vector<16xi32>, vector<16xi32>], vector<16xf32>,
      %add3A_1459 = arith.constant 48 : i32
      %add3A_1460 = vector.broadcast %add3A_1459 : i32 to vector<16xi32>
      %add3A_1461 = arith.addi %add3A_1460, %iota3A : vector<16xi32>
      %gather3A_1462 = tpu.vector_load_idx %arg13[%broadcast_in_dim3A_1437, %add3A_1461] : memref<128x128xf32, #tpu.memory_space<vmem>>[vector<16xi32>, vector<16xi32>], vector<16xf32>,
      %add3A_1463 = arith.constant 3 : i32
      %add3A_1464 = vector.broadcast %add3A_1463 : i32 to vector<16xi32>
      %add3A_1465 = arith.addi %add3A_1461, %add3A_1464 : vector<16xi32>
      tpu.vector_store_idx %arg15[%broadcast_in_dim3A_1437, %add3A_1465], %gather3A_1462 : memref<128x131xf32, #tpu.memory_space<vmem>>[vector<16xi32>, vector<16xi32>], vector<16xf32>,
      %add3A_1466 = arith.constant 64 : i32
      %add3A_1467 = vector.broadcast %add3A_1466 : i32 to vector<16xi32>
      %add3A_1468 = arith.addi %add3A_1467, %iota3A : vector<16xi32>
      %gather3A_1469 = tpu.vector_load_idx %arg13[%broadcast_in_dim3A_1437, %add3A_1468] : memref<128x128xf32, #tpu.memory_space<vmem>>[vector<16xi32>, vector<16xi32>], vector<16xf32>,
      %add3A_1470 = arith.constant 3 : i32
      %add3A_1471 = vector.broadcast %add3A_1470 : i32 to vector<16xi32>
      %add3A_1472 = arith.addi %add3A_1468, %add3A_1471 : vector<16xi32>
      tpu.vector_store_idx %arg15[%broadcast_in_dim3A_1437, %add3A_1472], %gather3A_1469 : memref<128x131xf32, #tpu.memory_space<vmem>>[vector<16xi32>, vector<16xi32>], vector<16xf32>,
      %add3A_1473 = arith.constant 80 : i32
      %add3A_1474 = vector.broadcast %add3A_1473 : i32 to vector<16xi32>
      %add3A_1475 = arith.addi %add3A_1474, %iota3A : vector<16xi32>
      %gather3A_1476 = tpu.vector_load_idx %arg13[%broadcast_in_dim3A_1437, %add3A_1475] : memref<128x128xf32, #tpu.memory_space<vmem>>[vector<16xi32>, vector<16xi32>], vector<16xf32>,
      %add3A_1477 = arith.constant 3 : i32
      %add3A_1478 = vector.broadcast %add3A_1477 : i32 to vector<16xi32>
      %add3A_1479 = arith.addi %add3A_1475, %add3A_1478 : vector<16xi32>
      tpu.vector_store_idx %arg15[%broadcast_in_dim3A_1437, %add3A_1479], %gather3A_1476 : memref<128x131xf32, #tpu.memory_space<vmem>>[vector<16xi32>, vector<16xi32>], vector<16xf32>,
      %add3A_1480 = arith.constant 96 : i32
      %add3A_1481 = vector.broadcast %add3A_1480 : i32 to vector<16xi32>
      %add3A_1482 = arith.addi %add3A_1481, %iota3A : vector<16xi32>
      %gather3A_1483 = tpu.vector_load_idx %arg13[%broadcast_in_dim3A_1437, %add3A_1482] : memref<128x128xf32, #tpu.memory_space<vmem>>[vector<16xi32>, vector<16xi32>], vector<16xf32>,
      %add3A_1484 = arith.constant 3 : i32
      %add3A_1485 = vector.broadcast %add3A_1484 : i32 to vector<16xi32>
      %add3A_1486 = arith.addi %add3A_1482, %add3A_1485 : vector<16xi32>
      tpu.vector_store_idx %arg15[%broadcast_in_dim3A_1437, %add3A_1486], %gather3A_1483 : memref<128x131xf32, #tpu.memory_space<vmem>>[vector<16xi32>, vector<16xi32>], vector<16xf32>,
      %add3A_1487 = arith.constant 112 : i32
      %add3A_1488 = vector.broadcast %add3A_1487 : i32 to vector<16xi32>
      %add3A_1489 = arith.addi %add3A_1488, %iota3A : vector<16xi32>
      %gather3A_1490 = tpu.vector_load_idx %arg13[%broadcast_in_dim3A_1437, %add3A_1489] : memref<128x128xf32, #tpu.memory_space<vmem>>[vector<16xi32>, vector<16xi32>], vector<16xf32>,
      %add3A_1491 = arith.constant 3 : i32
      %add3A_1492 = vector.broadcast %add3A_1491 : i32 to vector<16xi32>
      %add3A_1493 = arith.addi %add3A_1489, %add3A_1492 : vector<16xi32>
      tpu.vector_store_idx %arg15[%broadcast_in_dim3A_1437, %add3A_1493], %gather3A_1490 : memref<128x131xf32, #tpu.memory_space<vmem>>[vector<16xi32>, vector<16xi32>], vector<16xf32>,
      %scan3A_1494 = arith.constant 0 : i32
      scf.yield %scan3A_1494 : i32
    }
    %scan3A_1109 = arith.constant 128 : i32
    %dma_wait3A_1110 = tpu.memref_slice %arg22[%add3A_802] : memref<2064xi32, #tpu.memory_space<vmem>> -> memref<128xi32, #tpu.memory_space<vmem>>
    %dma_wait3A_1111 = arith.constant 0 : i32
    %dma_wait3A_1112 = arith.constant 0 : i32
    %dma_wait3A_1113 = tpu.memref_slice %arg4[%dma_wait3A_1111, %dma_wait3A_1112] : memref<65536x128xf32, #tpu.memory_space<hbm>> -> memref<65536x128xf32, #tpu.memory_space<hbm>>
    tpu.wait_indirect_dma semaphore(%arg18 : memref<!tpu.dma_semaphore, #tpu.memory_space<semaphore_mem>>) src(%dma_wait3A_1113 : memref<65536x128xf32, #tpu.memory_space<hbm>>) dst(%arg16 : memref<128x128xf32, #tpu.memory_space<vmem>>)
    %mul3A_1114 = arith.constant 2048 : i32
    %mul3A_1115 = arith.muli %add3A, %mul3A_1114 : i32
    %add3A_1116 = arith.addi %mul3A_1115, %add3A_802 : i32
    "tpu.region"() ({
      %run_scoped3A = tpu.sem_alloc : memref<!tpu.dma_semaphore, #tpu.memory_space<semaphore_mem>>
      %dma_start3A_1435 = arith.constant 0 : i32
      %dma_start3A_1436 = tpu.memref_slice %arg5[%add3A_1116, %dma_start3A_1435] : memref<16384x3xf32, #tpu.memory_space<hbm>> -> memref<128x3xf32, #tpu.memory_space<hbm>>
      %dma_start3A_1437 = arith.constant 0 : i32
      %dma_start3A_1438 = tpu.memref_slice %arg5[%add3A_1116, %dma_start3A_1437] : memref<16384x3xf32, #tpu.memory_space<hbm>> -> memref<128x3xf32, #tpu.memory_space<hbm>>
      tpu.enqueue_dma source(%arg23 : memref<128x3xf32, #tpu.memory_space<vmem>>) target(%dma_start3A_1438 : memref<128x3xf32, #tpu.memory_space<hbm>>) target_semaphore(%run_scoped3A : memref<!tpu.dma_semaphore, #tpu.memory_space<semaphore_mem>>)
      %dma_wait3A_1439 = arith.constant 0 : i32
      %dma_wait3A_1440 = tpu.memref_slice %arg5[%add3A_1116, %dma_wait3A_1439] : memref<16384x3xf32, #tpu.memory_space<hbm>> -> memref<128x3xf32, #tpu.memory_space<hbm>>
      %dma_wait3A_1441 = arith.constant 0 : i32
      %dma_wait3A_1442 = tpu.memref_slice %arg5[%add3A_1116, %dma_wait3A_1441] : memref<16384x3xf32, #tpu.memory_space<hbm>> -> memref<128x3xf32, #tpu.memory_space<hbm>>
      tpu.wait_dma2 semaphore(%run_scoped3A : memref<!tpu.dma_semaphore, #tpu.memory_space<semaphore_mem>>) src(%arg23 : memref<128x3xf32, #tpu.memory_space<vmem>>) dst(%dma_wait3A_1442 : memref<128x3xf32, #tpu.memory_space<hbm>>)
      tpu.yield
    }) : () -> ()
    "tpu.region"() ({
      %run_scoped3A = tpu.sem_alloc : memref<!tpu.dma_semaphore, #tpu.memory_space<semaphore_mem>>
      %dma_start3A_1435 = arith.constant 0 : i32
      %dma_start3A_1436 = tpu.memref_slice %arg6[%add3A_1116, %dma_start3A_1435] : memref<16384x131xf32, #tpu.memory_space<hbm>> -> memref<128x131xf32, #tpu.memory_space<hbm>>
      %dma_start3A_1437 = arith.constant 0 : i32
      %dma_start3A_1438 = tpu.memref_slice %arg6[%add3A_1116, %dma_start3A_1437] : memref<16384x131xf32, #tpu.memory_space<hbm>> -> memref<128x131xf32, #tpu.memory_space<hbm>>
      tpu.enqueue_dma source(%arg15 : memref<128x131xf32, #tpu.memory_space<vmem>>) target(%dma_start3A_1438 : memref<128x131xf32, #tpu.memory_space<hbm>>) target_semaphore(%run_scoped3A : memref<!tpu.dma_semaphore, #tpu.memory_space<semaphore_mem>>)
      %dma_wait3A_1439 = arith.constant 0 : i32
      %dma_wait3A_1440 = tpu.memref_slice %arg6[%add3A_1116, %dma_wait3A_1439] : memref<16384x131xf32, #tpu.memory_space<hbm>> -> memref<128x131xf32, #tpu.memory_space<hbm>>
      %dma_wait3A_1441 = arith.constant 0 : i32
      %dma_wait3A_1442 = tpu.memref_slice %arg6[%add3A_1116, %dma_wait3A_1441] : memref<16384x131xf32, #tpu.memory_space<hbm>> -> memref<128x131xf32, #tpu.memory_space<hbm>>
      tpu.wait_dma2 semaphore(%run_scoped3A : memref<!tpu.dma_semaphore, #tpu.memory_space<semaphore_mem>>) src(%arg15 : memref<128x131xf32, #tpu.memory_space<vmem>>) dst(%dma_wait3A_1442 : memref<128x131xf32, #tpu.memory_space<hbm>>)
      tpu.yield
    }) : () -> ()
    "tpu.region"() ({
      %run_scoped3A = tpu.sem_alloc : memref<!tpu.dma_semaphore, #tpu.memory_space<semaphore_mem>>
      %dma_start3A_1435 = arith.constant 0 : i32
      %dma_start3A_1436 = tpu.memref_slice %arg7[%add3A_1116, %dma_start3A_1435] : memref<16384x128xf32, #tpu.memory_space<hbm>> -> memref<128x128xf32, #tpu.memory_space<hbm>>
      %dma_start3A_1437 = arith.constant 0 : i32
      %dma_start3A_1438 = tpu.memref_slice %arg7[%add3A_1116, %dma_start3A_1437] : memref<16384x128xf32, #tpu.memory_space<hbm>> -> memref<128x128xf32, #tpu.memory_space<hbm>>
      tpu.enqueue_dma source(%arg16 : memref<128x128xf32, #tpu.memory_space<vmem>>) target(%dma_start3A_1438 : memref<128x128xf32, #tpu.memory_space<hbm>>) target_semaphore(%run_scoped3A : memref<!tpu.dma_semaphore, #tpu.memory_space<semaphore_mem>>)
      %dma_wait3A_1439 = arith.constant 0 : i32
      %dma_wait3A_1440 = tpu.memref_slice %arg7[%add3A_1116, %dma_wait3A_1439] : memref<16384x128xf32, #tpu.memory_space<hbm>> -> memref<128x128xf32, #tpu.memory_space<hbm>>
      %dma_wait3A_1441 = arith.constant 0 : i32
      %dma_wait3A_1442 = tpu.memref_slice %arg7[%add3A_1116, %dma_wait3A_1441] : memref<16384x128xf32, #tpu.memory_space<hbm>> -> memref<128x128xf32, #tpu.memory_space<hbm>>
      tpu.wait_dma2 semaphore(%run_scoped3A : memref<!tpu.dma_semaphore, #tpu.memory_space<semaphore_mem>>) src(%arg16 : memref<128x128xf32, #tpu.memory_space<vmem>>) dst(%dma_wait3A_1442 : memref<128x128xf32, #tpu.memory_space<hbm>>)
      tpu.yield
    }) : () -> ()
    %mul3A_1117 = arith.constant 512 : i32
    %mul3A_1118 = arith.muli %select_n3A_30, %mul3A_1117 : i32
    %add3A_1119 = arith.constant 384 : i32
    %add3A_1120 = arith.addi %mul3A_1118, %add3A_1119 : i32
    %dma_start3A_1121 = tpu.memref_slice %arg22[%add3A_1120] : memref<2064xi32, #tpu.memory_space<vmem>> -> memref<128xi32, #tpu.memory_space<vmem>>
    %dma_start3A_1122 = arith.constant 0 : i32
    %dma_start3A_1123 = arith.constant 0 : i32
    %dma_start3A_1124 = tpu.memref_slice %arg3[%dma_start3A_1122, %dma_start3A_1123] : memref<65536x128xf32, #tpu.memory_space<hbm>> -> memref<65536x128xf32, #tpu.memory_space<hbm>>
    tpu.enqueue_indirect_dma source(%dma_start3A_1124 : memref<65536x128xf32, #tpu.memory_space<hbm>>) target(%arg13 : memref<128x128xf32, #tpu.memory_space<vmem>>) offsets(%dma_start3A_1121 : memref<128xi32, #tpu.memory_space<vmem>>) semaphore(%arg17 : memref<!tpu.dma_semaphore, #tpu.memory_space<semaphore_mem>>)
    %dma_start3A_1125 = tpu.memref_slice %arg22[%add3A_1120] : memref<2064xi32, #tpu.memory_space<vmem>> -> memref<128xi32, #tpu.memory_space<vmem>>
    %dma_start3A_1126 = arith.constant 0 : i32
    %dma_start3A_1127 = arith.constant 0 : i32
    %dma_start3A_1128 = tpu.memref_slice %arg4[%dma_start3A_1126, %dma_start3A_1127] : memref<65536x128xf32, #tpu.memory_space<hbm>> -> memref<65536x128xf32, #tpu.memory_space<hbm>>
    tpu.enqueue_indirect_dma source(%dma_start3A_1128 : memref<65536x128xf32, #tpu.memory_space<hbm>>) target(%arg16 : memref<128x128xf32, #tpu.memory_space<vmem>>) offsets(%dma_start3A_1125 : memref<128xi32, #tpu.memory_space<vmem>>) semaphore(%arg18 : memref<!tpu.dma_semaphore, #tpu.memory_space<semaphore_mem>>)
    %add3A_1129 = arith.constant 0 : i32
    %add3A_1130 = arith.addi %add3A_1120, %add3A_1129 : i32
    %get3A_1131 = arith.index_cast %add3A_1130 : i32 to index
    %get3A_1132 = tpu.vector_load %arg21[%get3A_1131] {strides = array<i32>} : memref<2064xi32, #tpu.memory_space<vmem>>, vector<16xi32>,
    %shift_right_logical3A_1133 = arith.constant 11 : i32
    %shift_right_logical3A_1134 = vector.broadcast %shift_right_logical3A_1133 : i32 to vector<16xi32>
    %shift_right_logical3A_1135 = arith.shrui %get3A_1132, %shift_right_logical3A_1134 : vector<16xi32>
    %and3A_1136 = arith.constant 2047 : i32
    %and3A_1137 = vector.broadcast %and3A_1136 : i32 to vector<16xi32>
    %and3A_1138 = arith.andi %get3A_1132, %and3A_1137 : vector<16xi32>
    %shift_left3A_1139 = arith.constant 12 : i32
    %shift_left3A_1140 = vector.broadcast %shift_left3A_1139 : i32 to vector<16xi32>
    %shift_left3A_1141 = arith.shli %shift_right_logical3A_1135, %shift_left3A_1140 : vector<16xi32>
    %shift_left3A_1142 = arith.constant 11 : i32
    %shift_left3A_1143 = vector.broadcast %shift_left3A_1142 : i32 to vector<16xi32>
    %shift_left3A_1144 = arith.shli %shift_right_logical3A_1135, %shift_left3A_1143 : vector<16xi32>
    %add3A_1145 = arith.addi %shift_left3A_1141, %shift_left3A_1144 : vector<16xi32>
    %add3A_1146 = arith.addi %add3A_1145, %and3A_1138 : vector<16xi32>
    %gather3A_1147 = tpu.vector_load_idx %arg25[%add3A_1146] : memref<24576xf32, #tpu.memory_space<vmem>>[vector<16xi32>], vector<16xf32>,
    %add3A_1148 = arith.constant 2048 : i32
    %add3A_1149 = vector.broadcast %add3A_1148 : i32 to vector<16xi32>
    %add3A_1150 = arith.addi %add3A_1146, %add3A_1149 : vector<16xi32>
    %gather3A_1151 = tpu.vector_load_idx %arg25[%add3A_1150] : memref<24576xf32, #tpu.memory_space<vmem>>[vector<16xi32>], vector<16xf32>,
    %add3A_1152 = arith.constant 4096 : i32
    %add3A_1153 = vector.broadcast %add3A_1152 : i32 to vector<16xi32>
    %add3A_1154 = arith.addi %add3A_1146, %add3A_1153 : vector<16xi32>
    %gather3A_1155 = tpu.vector_load_idx %arg25[%add3A_1154] : memref<24576xf32, #tpu.memory_space<vmem>>[vector<16xi32>], vector<16xf32>,
    %add3A_1156 = arith.constant 0 : i32
    %add3A_1157 = vector.broadcast %add3A_1156 : i32 to vector<16xi32>
    %add3A_1158 = arith.addi %add3A_1157, %iota3A : vector<16xi32>
    tpu.vector_store_idx %arg23[%add3A_1158, %broadcast_in_dim3A_59], %gather3A_1147 : memref<128x3xf32, #tpu.memory_space<vmem>>[vector<16xi32>, vector<16xi32>], vector<16xf32>,
    tpu.vector_store_idx %arg23[%add3A_1158, %broadcast_in_dim3A_61], %gather3A_1151 : memref<128x3xf32, #tpu.memory_space<vmem>>[vector<16xi32>, vector<16xi32>], vector<16xf32>,
    %add3A_1159 = arith.constant 1 : i32
    %add3A_1160 = vector.broadcast %add3A_1159 : i32 to vector<16xi32>
    %add3A_1161 = arith.addi %broadcast_in_dim3A_61, %add3A_1160 : vector<16xi32>
    tpu.vector_store_idx %arg23[%add3A_1158, %add3A_1161], %gather3A_1155 : memref<128x3xf32, #tpu.memory_space<vmem>>[vector<16xi32>, vector<16xi32>], vector<16xf32>,
    tpu.vector_store_idx %arg15[%add3A_1158, %broadcast_in_dim3A_59], %gather3A_1147 : memref<128x131xf32, #tpu.memory_space<vmem>>[vector<16xi32>, vector<16xi32>], vector<16xf32>,
    tpu.vector_store_idx %arg15[%add3A_1158, %broadcast_in_dim3A_61], %gather3A_1151 : memref<128x131xf32, #tpu.memory_space<vmem>>[vector<16xi32>, vector<16xi32>], vector<16xf32>,
    %add3A_1162 = arith.constant 1 : i32
    %add3A_1163 = vector.broadcast %add3A_1162 : i32 to vector<16xi32>
    %add3A_1164 = arith.addi %broadcast_in_dim3A_61, %add3A_1163 : vector<16xi32>
    tpu.vector_store_idx %arg15[%add3A_1158, %add3A_1164], %gather3A_1155 : memref<128x131xf32, #tpu.memory_space<vmem>>[vector<16xi32>, vector<16xi32>], vector<16xf32>,
    %add3A_1165 = arith.constant 16 : i32
    %add3A_1166 = arith.addi %add3A_1120, %add3A_1165 : i32
    %get3A_1167 = arith.index_cast %add3A_1166 : i32 to index
    %get3A_1168 = tpu.vector_load %arg21[%get3A_1167] {strides = array<i32>} : memref<2064xi32, #tpu.memory_space<vmem>>, vector<16xi32>,
    %shift_right_logical3A_1169 = arith.constant 11 : i32
    %shift_right_logical3A_1170 = vector.broadcast %shift_right_logical3A_1169 : i32 to vector<16xi32>
    %shift_right_logical3A_1171 = arith.shrui %get3A_1168, %shift_right_logical3A_1170 : vector<16xi32>
    %and3A_1172 = arith.constant 2047 : i32
    %and3A_1173 = vector.broadcast %and3A_1172 : i32 to vector<16xi32>
    %and3A_1174 = arith.andi %get3A_1168, %and3A_1173 : vector<16xi32>
    %shift_left3A_1175 = arith.constant 12 : i32
    %shift_left3A_1176 = vector.broadcast %shift_left3A_1175 : i32 to vector<16xi32>
    %shift_left3A_1177 = arith.shli %shift_right_logical3A_1171, %shift_left3A_1176 : vector<16xi32>
    %shift_left3A_1178 = arith.constant 11 : i32
    %shift_left3A_1179 = vector.broadcast %shift_left3A_1178 : i32 to vector<16xi32>
    %shift_left3A_1180 = arith.shli %shift_right_logical3A_1171, %shift_left3A_1179 : vector<16xi32>
    %add3A_1181 = arith.addi %shift_left3A_1177, %shift_left3A_1180 : vector<16xi32>
    %add3A_1182 = arith.addi %add3A_1181, %and3A_1174 : vector<16xi32>
    %gather3A_1183 = tpu.vector_load_idx %arg25[%add3A_1182] : memref<24576xf32, #tpu.memory_space<vmem>>[vector<16xi32>], vector<16xf32>,
    %add3A_1184 = arith.constant 2048 : i32
    %add3A_1185 = vector.broadcast %add3A_1184 : i32 to vector<16xi32>
    %add3A_1186 = arith.addi %add3A_1182, %add3A_1185 : vector<16xi32>
    %gather3A_1187 = tpu.vector_load_idx %arg25[%add3A_1186] : memref<24576xf32, #tpu.memory_space<vmem>>[vector<16xi32>], vector<16xf32>,
    %add3A_1188 = arith.constant 4096 : i32
    %add3A_1189 = vector.broadcast %add3A_1188 : i32 to vector<16xi32>
    %add3A_1190 = arith.addi %add3A_1182, %add3A_1189 : vector<16xi32>
    %gather3A_1191 = tpu.vector_load_idx %arg25[%add3A_1190] : memref<24576xf32, #tpu.memory_space<vmem>>[vector<16xi32>], vector<16xf32>,
    %add3A_1192 = arith.constant 16 : i32
    %add3A_1193 = vector.broadcast %add3A_1192 : i32 to vector<16xi32>
    %add3A_1194 = arith.addi %add3A_1193, %iota3A : vector<16xi32>
    tpu.vector_store_idx %arg23[%add3A_1194, %broadcast_in_dim3A_59], %gather3A_1183 : memref<128x3xf32, #tpu.memory_space<vmem>>[vector<16xi32>, vector<16xi32>], vector<16xf32>,
    tpu.vector_store_idx %arg23[%add3A_1194, %broadcast_in_dim3A_61], %gather3A_1187 : memref<128x3xf32, #tpu.memory_space<vmem>>[vector<16xi32>, vector<16xi32>], vector<16xf32>,
    %add3A_1195 = arith.constant 1 : i32
    %add3A_1196 = vector.broadcast %add3A_1195 : i32 to vector<16xi32>
    %add3A_1197 = arith.addi %broadcast_in_dim3A_61, %add3A_1196 : vector<16xi32>
    tpu.vector_store_idx %arg23[%add3A_1194, %add3A_1197], %gather3A_1191 : memref<128x3xf32, #tpu.memory_space<vmem>>[vector<16xi32>, vector<16xi32>], vector<16xf32>,
    tpu.vector_store_idx %arg15[%add3A_1194, %broadcast_in_dim3A_59], %gather3A_1183 : memref<128x131xf32, #tpu.memory_space<vmem>>[vector<16xi32>, vector<16xi32>], vector<16xf32>,
    tpu.vector_store_idx %arg15[%add3A_1194, %broadcast_in_dim3A_61], %gather3A_1187 : memref<128x131xf32, #tpu.memory_space<vmem>>[vector<16xi32>, vector<16xi32>], vector<16xf32>,
    %add3A_1198 = arith.constant 1 : i32
    %add3A_1199 = vector.broadcast %add3A_1198 : i32 to vector<16xi32>
    %add3A_1200 = arith.addi %broadcast_in_dim3A_61, %add3A_1199 : vector<16xi32>
    tpu.vector_store_idx %arg15[%add3A_1194, %add3A_1200], %gather3A_1191 : memref<128x131xf32, #tpu.memory_space<vmem>>[vector<16xi32>, vector<16xi32>], vector<16xf32>,
    %add3A_1201 = arith.constant 32 : i32
    %add3A_1202 = arith.addi %add3A_1120, %add3A_1201 : i32
    %get3A_1203 = arith.index_cast %add3A_1202 : i32 to index
    %get3A_1204 = tpu.vector_load %arg21[%get3A_1203] {strides = array<i32>} : memref<2064xi32, #tpu.memory_space<vmem>>, vector<16xi32>,
    %shift_right_logical3A_1205 = arith.constant 11 : i32
    %shift_right_logical3A_1206 = vector.broadcast %shift_right_logical3A_1205 : i32 to vector<16xi32>
    %shift_right_logical3A_1207 = arith.shrui %get3A_1204, %shift_right_logical3A_1206 : vector<16xi32>
    %and3A_1208 = arith.constant 2047 : i32
    %and3A_1209 = vector.broadcast %and3A_1208 : i32 to vector<16xi32>
    %and3A_1210 = arith.andi %get3A_1204, %and3A_1209 : vector<16xi32>
    %shift_left3A_1211 = arith.constant 12 : i32
    %shift_left3A_1212 = vector.broadcast %shift_left3A_1211 : i32 to vector<16xi32>
    %shift_left3A_1213 = arith.shli %shift_right_logical3A_1207, %shift_left3A_1212 : vector<16xi32>
    %shift_left3A_1214 = arith.constant 11 : i32
    %shift_left3A_1215 = vector.broadcast %shift_left3A_1214 : i32 to vector<16xi32>
    %shift_left3A_1216 = arith.shli %shift_right_logical3A_1207, %shift_left3A_1215 : vector<16xi32>
    %add3A_1217 = arith.addi %shift_left3A_1213, %shift_left3A_1216 : vector<16xi32>
    %add3A_1218 = arith.addi %add3A_1217, %and3A_1210 : vector<16xi32>
    %gather3A_1219 = tpu.vector_load_idx %arg25[%add3A_1218] : memref<24576xf32, #tpu.memory_space<vmem>>[vector<16xi32>], vector<16xf32>,
    %add3A_1220 = arith.constant 2048 : i32
    %add3A_1221 = vector.broadcast %add3A_1220 : i32 to vector<16xi32>
    %add3A_1222 = arith.addi %add3A_1218, %add3A_1221 : vector<16xi32>
    %gather3A_1223 = tpu.vector_load_idx %arg25[%add3A_1222] : memref<24576xf32, #tpu.memory_space<vmem>>[vector<16xi32>], vector<16xf32>,
    %add3A_1224 = arith.constant 4096 : i32
    %add3A_1225 = vector.broadcast %add3A_1224 : i32 to vector<16xi32>
    %add3A_1226 = arith.addi %add3A_1218, %add3A_1225 : vector<16xi32>
    %gather3A_1227 = tpu.vector_load_idx %arg25[%add3A_1226] : memref<24576xf32, #tpu.memory_space<vmem>>[vector<16xi32>], vector<16xf32>,
    %add3A_1228 = arith.constant 32 : i32
    %add3A_1229 = vector.broadcast %add3A_1228 : i32 to vector<16xi32>
    %add3A_1230 = arith.addi %add3A_1229, %iota3A : vector<16xi32>
    tpu.vector_store_idx %arg23[%add3A_1230, %broadcast_in_dim3A_59], %gather3A_1219 : memref<128x3xf32, #tpu.memory_space<vmem>>[vector<16xi32>, vector<16xi32>], vector<16xf32>,
    tpu.vector_store_idx %arg23[%add3A_1230, %broadcast_in_dim3A_61], %gather3A_1223 : memref<128x3xf32, #tpu.memory_space<vmem>>[vector<16xi32>, vector<16xi32>], vector<16xf32>,
    %add3A_1231 = arith.constant 1 : i32
    %add3A_1232 = vector.broadcast %add3A_1231 : i32 to vector<16xi32>
    %add3A_1233 = arith.addi %broadcast_in_dim3A_61, %add3A_1232 : vector<16xi32>
    tpu.vector_store_idx %arg23[%add3A_1230, %add3A_1233], %gather3A_1227 : memref<128x3xf32, #tpu.memory_space<vmem>>[vector<16xi32>, vector<16xi32>], vector<16xf32>,
    tpu.vector_store_idx %arg15[%add3A_1230, %broadcast_in_dim3A_59], %gather3A_1219 : memref<128x131xf32, #tpu.memory_space<vmem>>[vector<16xi32>, vector<16xi32>], vector<16xf32>,
    tpu.vector_store_idx %arg15[%add3A_1230, %broadcast_in_dim3A_61], %gather3A_1223 : memref<128x131xf32, #tpu.memory_space<vmem>>[vector<16xi32>, vector<16xi32>], vector<16xf32>,
    %add3A_1234 = arith.constant 1 : i32
    %add3A_1235 = vector.broadcast %add3A_1234 : i32 to vector<16xi32>
    %add3A_1236 = arith.addi %broadcast_in_dim3A_61, %add3A_1235 : vector<16xi32>
    tpu.vector_store_idx %arg15[%add3A_1230, %add3A_1236], %gather3A_1227 : memref<128x131xf32, #tpu.memory_space<vmem>>[vector<16xi32>, vector<16xi32>], vector<16xf32>,
    %add3A_1237 = arith.constant 48 : i32
    %add3A_1238 = arith.addi %add3A_1120, %add3A_1237 : i32
    %get3A_1239 = arith.index_cast %add3A_1238 : i32 to index
    %get3A_1240 = tpu.vector_load %arg21[%get3A_1239] {strides = array<i32>} : memref<2064xi32, #tpu.memory_space<vmem>>, vector<16xi32>,
    %shift_right_logical3A_1241 = arith.constant 11 : i32
    %shift_right_logical3A_1242 = vector.broadcast %shift_right_logical3A_1241 : i32 to vector<16xi32>
    %shift_right_logical3A_1243 = arith.shrui %get3A_1240, %shift_right_logical3A_1242 : vector<16xi32>
    %and3A_1244 = arith.constant 2047 : i32
    %and3A_1245 = vector.broadcast %and3A_1244 : i32 to vector<16xi32>
    %and3A_1246 = arith.andi %get3A_1240, %and3A_1245 : vector<16xi32>
    %shift_left3A_1247 = arith.constant 12 : i32
    %shift_left3A_1248 = vector.broadcast %shift_left3A_1247 : i32 to vector<16xi32>
    %shift_left3A_1249 = arith.shli %shift_right_logical3A_1243, %shift_left3A_1248 : vector<16xi32>
    %shift_left3A_1250 = arith.constant 11 : i32
    %shift_left3A_1251 = vector.broadcast %shift_left3A_1250 : i32 to vector<16xi32>
    %shift_left3A_1252 = arith.shli %shift_right_logical3A_1243, %shift_left3A_1251 : vector<16xi32>
    %add3A_1253 = arith.addi %shift_left3A_1249, %shift_left3A_1252 : vector<16xi32>
    %add3A_1254 = arith.addi %add3A_1253, %and3A_1246 : vector<16xi32>
    %gather3A_1255 = tpu.vector_load_idx %arg25[%add3A_1254] : memref<24576xf32, #tpu.memory_space<vmem>>[vector<16xi32>], vector<16xf32>,
    %add3A_1256 = arith.constant 2048 : i32
    %add3A_1257 = vector.broadcast %add3A_1256 : i32 to vector<16xi32>
    %add3A_1258 = arith.addi %add3A_1254, %add3A_1257 : vector<16xi32>
    %gather3A_1259 = tpu.vector_load_idx %arg25[%add3A_1258] : memref<24576xf32, #tpu.memory_space<vmem>>[vector<16xi32>], vector<16xf32>,
    %add3A_1260 = arith.constant 4096 : i32
    %add3A_1261 = vector.broadcast %add3A_1260 : i32 to vector<16xi32>
    %add3A_1262 = arith.addi %add3A_1254, %add3A_1261 : vector<16xi32>
    %gather3A_1263 = tpu.vector_load_idx %arg25[%add3A_1262] : memref<24576xf32, #tpu.memory_space<vmem>>[vector<16xi32>], vector<16xf32>,
    %add3A_1264 = arith.constant 48 : i32
    %add3A_1265 = vector.broadcast %add3A_1264 : i32 to vector<16xi32>
    %add3A_1266 = arith.addi %add3A_1265, %iota3A : vector<16xi32>
    tpu.vector_store_idx %arg23[%add3A_1266, %broadcast_in_dim3A_59], %gather3A_1255 : memref<128x3xf32, #tpu.memory_space<vmem>>[vector<16xi32>, vector<16xi32>], vector<16xf32>,
    tpu.vector_store_idx %arg23[%add3A_1266, %broadcast_in_dim3A_61], %gather3A_1259 : memref<128x3xf32, #tpu.memory_space<vmem>>[vector<16xi32>, vector<16xi32>], vector<16xf32>,
    %add3A_1267 = arith.constant 1 : i32
    %add3A_1268 = vector.broadcast %add3A_1267 : i32 to vector<16xi32>
    %add3A_1269 = arith.addi %broadcast_in_dim3A_61, %add3A_1268 : vector<16xi32>
    tpu.vector_store_idx %arg23[%add3A_1266, %add3A_1269], %gather3A_1263 : memref<128x3xf32, #tpu.memory_space<vmem>>[vector<16xi32>, vector<16xi32>], vector<16xf32>,
    tpu.vector_store_idx %arg15[%add3A_1266, %broadcast_in_dim3A_59], %gather3A_1255 : memref<128x131xf32, #tpu.memory_space<vmem>>[vector<16xi32>, vector<16xi32>], vector<16xf32>,
    tpu.vector_store_idx %arg15[%add3A_1266, %broadcast_in_dim3A_61], %gather3A_1259 : memref<128x131xf32, #tpu.memory_space<vmem>>[vector<16xi32>, vector<16xi32>], vector<16xf32>,
    %add3A_1270 = arith.constant 1 : i32
    %add3A_1271 = vector.broadcast %add3A_1270 : i32 to vector<16xi32>
    %add3A_1272 = arith.addi %broadcast_in_dim3A_61, %add3A_1271 : vector<16xi32>
    tpu.vector_store_idx %arg15[%add3A_1266, %add3A_1272], %gather3A_1263 : memref<128x131xf32, #tpu.memory_space<vmem>>[vector<16xi32>, vector<16xi32>], vector<16xf32>,
    %add3A_1273 = arith.constant 64 : i32
    %add3A_1274 = arith.addi %add3A_1120, %add3A_1273 : i32
    %get3A_1275 = arith.index_cast %add3A_1274 : i32 to index
    %get3A_1276 = tpu.vector_load %arg21[%get3A_1275] {strides = array<i32>} : memref<2064xi32, #tpu.memory_space<vmem>>, vector<16xi32>,
    %shift_right_logical3A_1277 = arith.constant 11 : i32
    %shift_right_logical3A_1278 = vector.broadcast %shift_right_logical3A_1277 : i32 to vector<16xi32>
    %shift_right_logical3A_1279 = arith.shrui %get3A_1276, %shift_right_logical3A_1278 : vector<16xi32>
    %and3A_1280 = arith.constant 2047 : i32
    %and3A_1281 = vector.broadcast %and3A_1280 : i32 to vector<16xi32>
    %and3A_1282 = arith.andi %get3A_1276, %and3A_1281 : vector<16xi32>
    %shift_left3A_1283 = arith.constant 12 : i32
    %shift_left3A_1284 = vector.broadcast %shift_left3A_1283 : i32 to vector<16xi32>
    %shift_left3A_1285 = arith.shli %shift_right_logical3A_1279, %shift_left3A_1284 : vector<16xi32>
    %shift_left3A_1286 = arith.constant 11 : i32
    %shift_left3A_1287 = vector.broadcast %shift_left3A_1286 : i32 to vector<16xi32>
    %shift_left3A_1288 = arith.shli %shift_right_logical3A_1279, %shift_left3A_1287 : vector<16xi32>
    %add3A_1289 = arith.addi %shift_left3A_1285, %shift_left3A_1288 : vector<16xi32>
    %add3A_1290 = arith.addi %add3A_1289, %and3A_1282 : vector<16xi32>
    %gather3A_1291 = tpu.vector_load_idx %arg25[%add3A_1290] : memref<24576xf32, #tpu.memory_space<vmem>>[vector<16xi32>], vector<16xf32>,
    %add3A_1292 = arith.constant 2048 : i32
    %add3A_1293 = vector.broadcast %add3A_1292 : i32 to vector<16xi32>
    %add3A_1294 = arith.addi %add3A_1290, %add3A_1293 : vector<16xi32>
    %gather3A_1295 = tpu.vector_load_idx %arg25[%add3A_1294] : memref<24576xf32, #tpu.memory_space<vmem>>[vector<16xi32>], vector<16xf32>,
    %add3A_1296 = arith.constant 4096 : i32
    %add3A_1297 = vector.broadcast %add3A_1296 : i32 to vector<16xi32>
    %add3A_1298 = arith.addi %add3A_1290, %add3A_1297 : vector<16xi32>
    %gather3A_1299 = tpu.vector_load_idx %arg25[%add3A_1298] : memref<24576xf32, #tpu.memory_space<vmem>>[vector<16xi32>], vector<16xf32>,
    %add3A_1300 = arith.constant 64 : i32
    %add3A_1301 = vector.broadcast %add3A_1300 : i32 to vector<16xi32>
    %add3A_1302 = arith.addi %add3A_1301, %iota3A : vector<16xi32>
    tpu.vector_store_idx %arg23[%add3A_1302, %broadcast_in_dim3A_59], %gather3A_1291 : memref<128x3xf32, #tpu.memory_space<vmem>>[vector<16xi32>, vector<16xi32>], vector<16xf32>,
    tpu.vector_store_idx %arg23[%add3A_1302, %broadcast_in_dim3A_61], %gather3A_1295 : memref<128x3xf32, #tpu.memory_space<vmem>>[vector<16xi32>, vector<16xi32>], vector<16xf32>,
    %add3A_1303 = arith.constant 1 : i32
    %add3A_1304 = vector.broadcast %add3A_1303 : i32 to vector<16xi32>
    %add3A_1305 = arith.addi %broadcast_in_dim3A_61, %add3A_1304 : vector<16xi32>
    tpu.vector_store_idx %arg23[%add3A_1302, %add3A_1305], %gather3A_1299 : memref<128x3xf32, #tpu.memory_space<vmem>>[vector<16xi32>, vector<16xi32>], vector<16xf32>,
    tpu.vector_store_idx %arg15[%add3A_1302, %broadcast_in_dim3A_59], %gather3A_1291 : memref<128x131xf32, #tpu.memory_space<vmem>>[vector<16xi32>, vector<16xi32>], vector<16xf32>,
    tpu.vector_store_idx %arg15[%add3A_1302, %broadcast_in_dim3A_61], %gather3A_1295 : memref<128x131xf32, #tpu.memory_space<vmem>>[vector<16xi32>, vector<16xi32>], vector<16xf32>,
    %add3A_1306 = arith.constant 1 : i32
    %add3A_1307 = vector.broadcast %add3A_1306 : i32 to vector<16xi32>
    %add3A_1308 = arith.addi %broadcast_in_dim3A_61, %add3A_1307 : vector<16xi32>
    tpu.vector_store_idx %arg15[%add3A_1302, %add3A_1308], %gather3A_1299 : memref<128x131xf32, #tpu.memory_space<vmem>>[vector<16xi32>, vector<16xi32>], vector<16xf32>,
    %add3A_1309 = arith.constant 80 : i32
    %add3A_1310 = arith.addi %add3A_1120, %add3A_1309 : i32
    %get3A_1311 = arith.index_cast %add3A_1310 : i32 to index
    %get3A_1312 = tpu.vector_load %arg21[%get3A_1311] {strides = array<i32>} : memref<2064xi32, #tpu.memory_space<vmem>>, vector<16xi32>,
    %shift_right_logical3A_1313 = arith.constant 11 : i32
    %shift_right_logical3A_1314 = vector.broadcast %shift_right_logical3A_1313 : i32 to vector<16xi32>
    %shift_right_logical3A_1315 = arith.shrui %get3A_1312, %shift_right_logical3A_1314 : vector<16xi32>
    %and3A_1316 = arith.constant 2047 : i32
    %and3A_1317 = vector.broadcast %and3A_1316 : i32 to vector<16xi32>
    %and3A_1318 = arith.andi %get3A_1312, %and3A_1317 : vector<16xi32>
    %shift_left3A_1319 = arith.constant 12 : i32
    %shift_left3A_1320 = vector.broadcast %shift_left3A_1319 : i32 to vector<16xi32>
    %shift_left3A_1321 = arith.shli %shift_right_logical3A_1315, %shift_left3A_1320 : vector<16xi32>
    %shift_left3A_1322 = arith.constant 11 : i32
    %shift_left3A_1323 = vector.broadcast %shift_left3A_1322 : i32 to vector<16xi32>
    %shift_left3A_1324 = arith.shli %shift_right_logical3A_1315, %shift_left3A_1323 : vector<16xi32>
    %add3A_1325 = arith.addi %shift_left3A_1321, %shift_left3A_1324 : vector<16xi32>
    %add3A_1326 = arith.addi %add3A_1325, %and3A_1318 : vector<16xi32>
    %gather3A_1327 = tpu.vector_load_idx %arg25[%add3A_1326] : memref<24576xf32, #tpu.memory_space<vmem>>[vector<16xi32>], vector<16xf32>,
    %add3A_1328 = arith.constant 2048 : i32
    %add3A_1329 = vector.broadcast %add3A_1328 : i32 to vector<16xi32>
    %add3A_1330 = arith.addi %add3A_1326, %add3A_1329 : vector<16xi32>
    %gather3A_1331 = tpu.vector_load_idx %arg25[%add3A_1330] : memref<24576xf32, #tpu.memory_space<vmem>>[vector<16xi32>], vector<16xf32>,
    %add3A_1332 = arith.constant 4096 : i32
    %add3A_1333 = vector.broadcast %add3A_1332 : i32 to vector<16xi32>
    %add3A_1334 = arith.addi %add3A_1326, %add3A_1333 : vector<16xi32>
    %gather3A_1335 = tpu.vector_load_idx %arg25[%add3A_1334] : memref<24576xf32, #tpu.memory_space<vmem>>[vector<16xi32>], vector<16xf32>,
    %add3A_1336 = arith.constant 80 : i32
    %add3A_1337 = vector.broadcast %add3A_1336 : i32 to vector<16xi32>
    %add3A_1338 = arith.addi %add3A_1337, %iota3A : vector<16xi32>
    tpu.vector_store_idx %arg23[%add3A_1338, %broadcast_in_dim3A_59], %gather3A_1327 : memref<128x3xf32, #tpu.memory_space<vmem>>[vector<16xi32>, vector<16xi32>], vector<16xf32>,
    tpu.vector_store_idx %arg23[%add3A_1338, %broadcast_in_dim3A_61], %gather3A_1331 : memref<128x3xf32, #tpu.memory_space<vmem>>[vector<16xi32>, vector<16xi32>], vector<16xf32>,
    %add3A_1339 = arith.constant 1 : i32
    %add3A_1340 = vector.broadcast %add3A_1339 : i32 to vector<16xi32>
    %add3A_1341 = arith.addi %broadcast_in_dim3A_61, %add3A_1340 : vector<16xi32>
    tpu.vector_store_idx %arg23[%add3A_1338, %add3A_1341], %gather3A_1335 : memref<128x3xf32, #tpu.memory_space<vmem>>[vector<16xi32>, vector<16xi32>], vector<16xf32>,
    tpu.vector_store_idx %arg15[%add3A_1338, %broadcast_in_dim3A_59], %gather3A_1327 : memref<128x131xf32, #tpu.memory_space<vmem>>[vector<16xi32>, vector<16xi32>], vector<16xf32>,
    tpu.vector_store_idx %arg15[%add3A_1338, %broadcast_in_dim3A_61], %gather3A_1331 : memref<128x131xf32, #tpu.memory_space<vmem>>[vector<16xi32>, vector<16xi32>], vector<16xf32>,
    %add3A_1342 = arith.constant 1 : i32
    %add3A_1343 = vector.broadcast %add3A_1342 : i32 to vector<16xi32>
    %add3A_1344 = arith.addi %broadcast_in_dim3A_61, %add3A_1343 : vector<16xi32>
    tpu.vector_store_idx %arg15[%add3A_1338, %add3A_1344], %gather3A_1335 : memref<128x131xf32, #tpu.memory_space<vmem>>[vector<16xi32>, vector<16xi32>], vector<16xf32>,
    %add3A_1345 = arith.constant 96 : i32
    %add3A_1346 = arith.addi %add3A_1120, %add3A_1345 : i32
    %get3A_1347 = arith.index_cast %add3A_1346 : i32 to index
    %get3A_1348 = tpu.vector_load %arg21[%get3A_1347] {strides = array<i32>} : memref<2064xi32, #tpu.memory_space<vmem>>, vector<16xi32>,
    %shift_right_logical3A_1349 = arith.constant 11 : i32
    %shift_right_logical3A_1350 = vector.broadcast %shift_right_logical3A_1349 : i32 to vector<16xi32>
    %shift_right_logical3A_1351 = arith.shrui %get3A_1348, %shift_right_logical3A_1350 : vector<16xi32>
    %and3A_1352 = arith.constant 2047 : i32
    %and3A_1353 = vector.broadcast %and3A_1352 : i32 to vector<16xi32>
    %and3A_1354 = arith.andi %get3A_1348, %and3A_1353 : vector<16xi32>
    %shift_left3A_1355 = arith.constant 12 : i32
    %shift_left3A_1356 = vector.broadcast %shift_left3A_1355 : i32 to vector<16xi32>
    %shift_left3A_1357 = arith.shli %shift_right_logical3A_1351, %shift_left3A_1356 : vector<16xi32>
    %shift_left3A_1358 = arith.constant 11 : i32
    %shift_left3A_1359 = vector.broadcast %shift_left3A_1358 : i32 to vector<16xi32>
    %shift_left3A_1360 = arith.shli %shift_right_logical3A_1351, %shift_left3A_1359 : vector<16xi32>
    %add3A_1361 = arith.addi %shift_left3A_1357, %shift_left3A_1360 : vector<16xi32>
    %add3A_1362 = arith.addi %add3A_1361, %and3A_1354 : vector<16xi32>
    %gather3A_1363 = tpu.vector_load_idx %arg25[%add3A_1362] : memref<24576xf32, #tpu.memory_space<vmem>>[vector<16xi32>], vector<16xf32>,
    %add3A_1364 = arith.constant 2048 : i32
    %add3A_1365 = vector.broadcast %add3A_1364 : i32 to vector<16xi32>
    %add3A_1366 = arith.addi %add3A_1362, %add3A_1365 : vector<16xi32>
    %gather3A_1367 = tpu.vector_load_idx %arg25[%add3A_1366] : memref<24576xf32, #tpu.memory_space<vmem>>[vector<16xi32>], vector<16xf32>,
    %add3A_1368 = arith.constant 4096 : i32
    %add3A_1369 = vector.broadcast %add3A_1368 : i32 to vector<16xi32>
    %add3A_1370 = arith.addi %add3A_1362, %add3A_1369 : vector<16xi32>
    %gather3A_1371 = tpu.vector_load_idx %arg25[%add3A_1370] : memref<24576xf32, #tpu.memory_space<vmem>>[vector<16xi32>], vector<16xf32>,
    %add3A_1372 = arith.constant 96 : i32
    %add3A_1373 = vector.broadcast %add3A_1372 : i32 to vector<16xi32>
    %add3A_1374 = arith.addi %add3A_1373, %iota3A : vector<16xi32>
    tpu.vector_store_idx %arg23[%add3A_1374, %broadcast_in_dim3A_59], %gather3A_1363 : memref<128x3xf32, #tpu.memory_space<vmem>>[vector<16xi32>, vector<16xi32>], vector<16xf32>,
    tpu.vector_store_idx %arg23[%add3A_1374, %broadcast_in_dim3A_61], %gather3A_1367 : memref<128x3xf32, #tpu.memory_space<vmem>>[vector<16xi32>, vector<16xi32>], vector<16xf32>,
    %add3A_1375 = arith.constant 1 : i32
    %add3A_1376 = vector.broadcast %add3A_1375 : i32 to vector<16xi32>
    %add3A_1377 = arith.addi %broadcast_in_dim3A_61, %add3A_1376 : vector<16xi32>
    tpu.vector_store_idx %arg23[%add3A_1374, %add3A_1377], %gather3A_1371 : memref<128x3xf32, #tpu.memory_space<vmem>>[vector<16xi32>, vector<16xi32>], vector<16xf32>,
    tpu.vector_store_idx %arg15[%add3A_1374, %broadcast_in_dim3A_59], %gather3A_1363 : memref<128x131xf32, #tpu.memory_space<vmem>>[vector<16xi32>, vector<16xi32>], vector<16xf32>,
    tpu.vector_store_idx %arg15[%add3A_1374, %broadcast_in_dim3A_61], %gather3A_1367 : memref<128x131xf32, #tpu.memory_space<vmem>>[vector<16xi32>, vector<16xi32>], vector<16xf32>,
    %add3A_1378 = arith.constant 1 : i32
    %add3A_1379 = vector.broadcast %add3A_1378 : i32 to vector<16xi32>
    %add3A_1380 = arith.addi %broadcast_in_dim3A_61, %add3A_1379 : vector<16xi32>
    tpu.vector_store_idx %arg15[%add3A_1374, %add3A_1380], %gather3A_1371 : memref<128x131xf32, #tpu.memory_space<vmem>>[vector<16xi32>, vector<16xi32>], vector<16xf32>,
    %add3A_1381 = arith.constant 112 : i32
    %add3A_1382 = arith.addi %add3A_1120, %add3A_1381 : i32
    %get3A_1383 = arith.index_cast %add3A_1382 : i32 to index
    %get3A_1384 = tpu.vector_load %arg21[%get3A_1383] {strides = array<i32>} : memref<2064xi32, #tpu.memory_space<vmem>>, vector<16xi32>,
    %shift_right_logical3A_1385 = arith.constant 11 : i32
    %shift_right_logical3A_1386 = vector.broadcast %shift_right_logical3A_1385 : i32 to vector<16xi32>
    %shift_right_logical3A_1387 = arith.shrui %get3A_1384, %shift_right_logical3A_1386 : vector<16xi32>
    %and3A_1388 = arith.constant 2047 : i32
    %and3A_1389 = vector.broadcast %and3A_1388 : i32 to vector<16xi32>
    %and3A_1390 = arith.andi %get3A_1384, %and3A_1389 : vector<16xi32>
    %shift_left3A_1391 = arith.constant 12 : i32
    %shift_left3A_1392 = vector.broadcast %shift_left3A_1391 : i32 to vector<16xi32>
    %shift_left3A_1393 = arith.shli %shift_right_logical3A_1387, %shift_left3A_1392 : vector<16xi32>
    %shift_left3A_1394 = arith.constant 11 : i32
    %shift_left3A_1395 = vector.broadcast %shift_left3A_1394 : i32 to vector<16xi32>
    %shift_left3A_1396 = arith.shli %shift_right_logical3A_1387, %shift_left3A_1395 : vector<16xi32>
    %add3A_1397 = arith.addi %shift_left3A_1393, %shift_left3A_1396 : vector<16xi32>
    %add3A_1398 = arith.addi %add3A_1397, %and3A_1390 : vector<16xi32>
    %gather3A_1399 = tpu.vector_load_idx %arg25[%add3A_1398] : memref<24576xf32, #tpu.memory_space<vmem>>[vector<16xi32>], vector<16xf32>,
    %add3A_1400 = arith.constant 2048 : i32
    %add3A_1401 = vector.broadcast %add3A_1400 : i32 to vector<16xi32>
    %add3A_1402 = arith.addi %add3A_1398, %add3A_1401 : vector<16xi32>
    %gather3A_1403 = tpu.vector_load_idx %arg25[%add3A_1402] : memref<24576xf32, #tpu.memory_space<vmem>>[vector<16xi32>], vector<16xf32>,
    %add3A_1404 = arith.constant 4096 : i32
    %add3A_1405 = vector.broadcast %add3A_1404 : i32 to vector<16xi32>
    %add3A_1406 = arith.addi %add3A_1398, %add3A_1405 : vector<16xi32>
    %gather3A_1407 = tpu.vector_load_idx %arg25[%add3A_1406] : memref<24576xf32, #tpu.memory_space<vmem>>[vector<16xi32>], vector<16xf32>,
    %add3A_1408 = arith.constant 112 : i32
    %add3A_1409 = vector.broadcast %add3A_1408 : i32 to vector<16xi32>
    %add3A_1410 = arith.addi %add3A_1409, %iota3A : vector<16xi32>
    tpu.vector_store_idx %arg23[%add3A_1410, %broadcast_in_dim3A_59], %gather3A_1399 : memref<128x3xf32, #tpu.memory_space<vmem>>[vector<16xi32>, vector<16xi32>], vector<16xf32>,
    tpu.vector_store_idx %arg23[%add3A_1410, %broadcast_in_dim3A_61], %gather3A_1403 : memref<128x3xf32, #tpu.memory_space<vmem>>[vector<16xi32>, vector<16xi32>], vector<16xf32>,
    %add3A_1411 = arith.constant 1 : i32
    %add3A_1412 = vector.broadcast %add3A_1411 : i32 to vector<16xi32>
    %add3A_1413 = arith.addi %broadcast_in_dim3A_61, %add3A_1412 : vector<16xi32>
    tpu.vector_store_idx %arg23[%add3A_1410, %add3A_1413], %gather3A_1407 : memref<128x3xf32, #tpu.memory_space<vmem>>[vector<16xi32>, vector<16xi32>], vector<16xf32>,
    tpu.vector_store_idx %arg15[%add3A_1410, %broadcast_in_dim3A_59], %gather3A_1399 : memref<128x131xf32, #tpu.memory_space<vmem>>[vector<16xi32>, vector<16xi32>], vector<16xf32>,
    tpu.vector_store_idx %arg15[%add3A_1410, %broadcast_in_dim3A_61], %gather3A_1403 : memref<128x131xf32, #tpu.memory_space<vmem>>[vector<16xi32>, vector<16xi32>], vector<16xf32>,
    %add3A_1414 = arith.constant 1 : i32
    %add3A_1415 = vector.broadcast %add3A_1414 : i32 to vector<16xi32>
    %add3A_1416 = arith.addi %broadcast_in_dim3A_61, %add3A_1415 : vector<16xi32>
    tpu.vector_store_idx %arg15[%add3A_1410, %add3A_1416], %gather3A_1407 : memref<128x131xf32, #tpu.memory_space<vmem>>[vector<16xi32>, vector<16xi32>], vector<16xf32>,
    %dma_wait3A_1417 = tpu.memref_slice %arg22[%add3A_1120] : memref<2064xi32, #tpu.memory_space<vmem>> -> memref<128xi32, #tpu.memory_space<vmem>>
    %dma_wait3A_1418 = arith.constant 0 : i32
    %dma_wait3A_1419 = arith.constant 0 : i32
    %dma_wait3A_1420 = tpu.memref_slice %arg3[%dma_wait3A_1418, %dma_wait3A_1419] : memref<65536x128xf32, #tpu.memory_space<hbm>> -> memref<65536x128xf32, #tpu.memory_space<hbm>>
    tpu.wait_indirect_dma semaphore(%arg17 : memref<!tpu.dma_semaphore, #tpu.memory_space<semaphore_mem>>) src(%dma_wait3A_1420 : memref<65536x128xf32, #tpu.memory_space<hbm>>) dst(%arg13 : memref<128x128xf32, #tpu.memory_space<vmem>>)
    %scan3A_1421 = arith.constant 0 : i32
    %scan3A_1422 = arith.constant 0 : i32
    %scan3A_1423 = arith.constant 128 : i32
    %scan3A_1424 = arith.addi %scan3A_1422, %scan3A_1423 : i32
    %scan3A_1425 = arith.constant 1 : i32
    %scan3A_1426 = scf.for %scan3A_1435 = %scan3A_1422 to %scan3A_1424 step %scan3A_1425 iter_args(%scan3A_1436 = %scan3A_1421) -> (i32)  : i32 {
      %broadcast_in_dim3A_1437 = vector.broadcast %scan3A_1435 : i32 to vector<16xi32>
      %add3A_1438 = arith.constant 0 : i32
      %add3A_1439 = vector.broadcast %add3A_1438 : i32 to vector<16xi32>
      %add3A_1440 = arith.addi %add3A_1439, %iota3A : vector<16xi32>
      %gather3A_1441 = tpu.vector_load_idx %arg13[%broadcast_in_dim3A_1437, %add3A_1440] : memref<128x128xf32, #tpu.memory_space<vmem>>[vector<16xi32>, vector<16xi32>], vector<16xf32>,
      %add3A_1442 = arith.constant 3 : i32
      %add3A_1443 = vector.broadcast %add3A_1442 : i32 to vector<16xi32>
      %add3A_1444 = arith.addi %add3A_1440, %add3A_1443 : vector<16xi32>
      tpu.vector_store_idx %arg15[%broadcast_in_dim3A_1437, %add3A_1444], %gather3A_1441 : memref<128x131xf32, #tpu.memory_space<vmem>>[vector<16xi32>, vector<16xi32>], vector<16xf32>,
      %add3A_1445 = arith.constant 16 : i32
      %add3A_1446 = vector.broadcast %add3A_1445 : i32 to vector<16xi32>
      %add3A_1447 = arith.addi %add3A_1446, %iota3A : vector<16xi32>
      %gather3A_1448 = tpu.vector_load_idx %arg13[%broadcast_in_dim3A_1437, %add3A_1447] : memref<128x128xf32, #tpu.memory_space<vmem>>[vector<16xi32>, vector<16xi32>], vector<16xf32>,
      %add3A_1449 = arith.constant 3 : i32
      %add3A_1450 = vector.broadcast %add3A_1449 : i32 to vector<16xi32>
      %add3A_1451 = arith.addi %add3A_1447, %add3A_1450 : vector<16xi32>
      tpu.vector_store_idx %arg15[%broadcast_in_dim3A_1437, %add3A_1451], %gather3A_1448 : memref<128x131xf32, #tpu.memory_space<vmem>>[vector<16xi32>, vector<16xi32>], vector<16xf32>,
      %add3A_1452 = arith.constant 32 : i32
      %add3A_1453 = vector.broadcast %add3A_1452 : i32 to vector<16xi32>
      %add3A_1454 = arith.addi %add3A_1453, %iota3A : vector<16xi32>
      %gather3A_1455 = tpu.vector_load_idx %arg13[%broadcast_in_dim3A_1437, %add3A_1454] : memref<128x128xf32, #tpu.memory_space<vmem>>[vector<16xi32>, vector<16xi32>], vector<16xf32>,
      %add3A_1456 = arith.constant 3 : i32
      %add3A_1457 = vector.broadcast %add3A_1456 : i32 to vector<16xi32>
      %add3A_1458 = arith.addi %add3A_1454, %add3A_1457 : vector<16xi32>
      tpu.vector_store_idx %arg15[%broadcast_in_dim3A_1437, %add3A_1458], %gather3A_1455 : memref<128x131xf32, #tpu.memory_space<vmem>>[vector<16xi32>, vector<16xi32>], vector<16xf32>,
      %add3A_1459 = arith.constant 48 : i32
      %add3A_1460 = vector.broadcast %add3A_1459 : i32 to vector<16xi32>
      %add3A_1461 = arith.addi %add3A_1460, %iota3A : vector<16xi32>
      %gather3A_1462 = tpu.vector_load_idx %arg13[%broadcast_in_dim3A_1437, %add3A_1461] : memref<128x128xf32, #tpu.memory_space<vmem>>[vector<16xi32>, vector<16xi32>], vector<16xf32>,
      %add3A_1463 = arith.constant 3 : i32
      %add3A_1464 = vector.broadcast %add3A_1463 : i32 to vector<16xi32>
      %add3A_1465 = arith.addi %add3A_1461, %add3A_1464 : vector<16xi32>
      tpu.vector_store_idx %arg15[%broadcast_in_dim3A_1437, %add3A_1465], %gather3A_1462 : memref<128x131xf32, #tpu.memory_space<vmem>>[vector<16xi32>, vector<16xi32>], vector<16xf32>,
      %add3A_1466 = arith.constant 64 : i32
      %add3A_1467 = vector.broadcast %add3A_1466 : i32 to vector<16xi32>
      %add3A_1468 = arith.addi %add3A_1467, %iota3A : vector<16xi32>
      %gather3A_1469 = tpu.vector_load_idx %arg13[%broadcast_in_dim3A_1437, %add3A_1468] : memref<128x128xf32, #tpu.memory_space<vmem>>[vector<16xi32>, vector<16xi32>], vector<16xf32>,
      %add3A_1470 = arith.constant 3 : i32
      %add3A_1471 = vector.broadcast %add3A_1470 : i32 to vector<16xi32>
      %add3A_1472 = arith.addi %add3A_1468, %add3A_1471 : vector<16xi32>
      tpu.vector_store_idx %arg15[%broadcast_in_dim3A_1437, %add3A_1472], %gather3A_1469 : memref<128x131xf32, #tpu.memory_space<vmem>>[vector<16xi32>, vector<16xi32>], vector<16xf32>,
      %add3A_1473 = arith.constant 80 : i32
      %add3A_1474 = vector.broadcast %add3A_1473 : i32 to vector<16xi32>
      %add3A_1475 = arith.addi %add3A_1474, %iota3A : vector<16xi32>
      %gather3A_1476 = tpu.vector_load_idx %arg13[%broadcast_in_dim3A_1437, %add3A_1475] : memref<128x128xf32, #tpu.memory_space<vmem>>[vector<16xi32>, vector<16xi32>], vector<16xf32>,
      %add3A_1477 = arith.constant 3 : i32
      %add3A_1478 = vector.broadcast %add3A_1477 : i32 to vector<16xi32>
      %add3A_1479 = arith.addi %add3A_1475, %add3A_1478 : vector<16xi32>
      tpu.vector_store_idx %arg15[%broadcast_in_dim3A_1437, %add3A_1479], %gather3A_1476 : memref<128x131xf32, #tpu.memory_space<vmem>>[vector<16xi32>, vector<16xi32>], vector<16xf32>,
      %add3A_1480 = arith.constant 96 : i32
      %add3A_1481 = vector.broadcast %add3A_1480 : i32 to vector<16xi32>
      %add3A_1482 = arith.addi %add3A_1481, %iota3A : vector<16xi32>
      %gather3A_1483 = tpu.vector_load_idx %arg13[%broadcast_in_dim3A_1437, %add3A_1482] : memref<128x128xf32, #tpu.memory_space<vmem>>[vector<16xi32>, vector<16xi32>], vector<16xf32>,
      %add3A_1484 = arith.constant 3 : i32
      %add3A_1485 = vector.broadcast %add3A_1484 : i32 to vector<16xi32>
      %add3A_1486 = arith.addi %add3A_1482, %add3A_1485 : vector<16xi32>
      tpu.vector_store_idx %arg15[%broadcast_in_dim3A_1437, %add3A_1486], %gather3A_1483 : memref<128x131xf32, #tpu.memory_space<vmem>>[vector<16xi32>, vector<16xi32>], vector<16xf32>,
      %add3A_1487 = arith.constant 112 : i32
      %add3A_1488 = vector.broadcast %add3A_1487 : i32 to vector<16xi32>
      %add3A_1489 = arith.addi %add3A_1488, %iota3A : vector<16xi32>
      %gather3A_1490 = tpu.vector_load_idx %arg13[%broadcast_in_dim3A_1437, %add3A_1489] : memref<128x128xf32, #tpu.memory_space<vmem>>[vector<16xi32>, vector<16xi32>], vector<16xf32>,
      %add3A_1491 = arith.constant 3 : i32
      %add3A_1492 = vector.broadcast %add3A_1491 : i32 to vector<16xi32>
      %add3A_1493 = arith.addi %add3A_1489, %add3A_1492 : vector<16xi32>
      tpu.vector_store_idx %arg15[%broadcast_in_dim3A_1437, %add3A_1493], %gather3A_1490 : memref<128x131xf32, #tpu.memory_space<vmem>>[vector<16xi32>, vector<16xi32>], vector<16xf32>,
      %scan3A_1494 = arith.constant 0 : i32
      scf.yield %scan3A_1494 : i32
    }
    %scan3A_1427 = arith.constant 128 : i32
    %dma_wait3A_1428 = tpu.memref_slice %arg22[%add3A_1120] : memref<2064xi32, #tpu.memory_space<vmem>> -> memref<128xi32, #tpu.memory_space<vmem>>
    %dma_wait3A_1429 = arith.constant 0 : i32
    %dma_wait3A_1430 = arith.constant 0 : i32
    %dma_wait3A_1431 = tpu.memref_slice %arg4[%dma_wait3A_1429, %dma_wait3A_1430] : memref<65536x128xf32, #tpu.memory_space<hbm>> -> memref<65536x128xf32, #tpu.memory_space<hbm>>
    tpu.wait_indirect_dma semaphore(%arg18 : memref<!tpu.dma_semaphore, #tpu.memory_space<semaphore_mem>>) src(%dma_wait3A_1431 : memref<65536x128xf32, #tpu.memory_space<hbm>>) dst(%arg16 : memref<128x128xf32, #tpu.memory_space<vmem>>)
    %mul3A_1432 = arith.constant 2048 : i32
    %mul3A_1433 = arith.muli %add3A, %mul3A_1432 : i32
    %add3A_1434 = arith.addi %mul3A_1433, %add3A_1120 : i32
    "tpu.region"() ({
      %run_scoped3A = tpu.sem_alloc : memref<!tpu.dma_semaphore, #tpu.memory_space<semaphore_mem>>
      %dma_start3A_1435 = arith.constant 0 : i32
      %dma_start3A_1436 = tpu.memref_slice %arg5[%add3A_1434, %dma_start3A_1435] : memref<16384x3xf32, #tpu.memory_space<hbm>> -> memref<128x3xf32, #tpu.memory_space<hbm>>
      %dma_start3A_1437 = arith.constant 0 : i32
      %dma_start3A_1438 = tpu.memref_slice %arg5[%add3A_1434, %dma_start3A_1437] : memref<16384x3xf32, #tpu.memory_space<hbm>> -> memref<128x3xf32, #tpu.memory_space<hbm>>
      tpu.enqueue_dma source(%arg23 : memref<128x3xf32, #tpu.memory_space<vmem>>) target(%dma_start3A_1438 : memref<128x3xf32, #tpu.memory_space<hbm>>) target_semaphore(%run_scoped3A : memref<!tpu.dma_semaphore, #tpu.memory_space<semaphore_mem>>)
      %dma_wait3A_1439 = arith.constant 0 : i32
      %dma_wait3A_1440 = tpu.memref_slice %arg5[%add3A_1434, %dma_wait3A_1439] : memref<16384x3xf32, #tpu.memory_space<hbm>> -> memref<128x3xf32, #tpu.memory_space<hbm>>
      %dma_wait3A_1441 = arith.constant 0 : i32
      %dma_wait3A_1442 = tpu.memref_slice %arg5[%add3A_1434, %dma_wait3A_1441] : memref<16384x3xf32, #tpu.memory_space<hbm>> -> memref<128x3xf32, #tpu.memory_space<hbm>>
      tpu.wait_dma2 semaphore(%run_scoped3A : memref<!tpu.dma_semaphore, #tpu.memory_space<semaphore_mem>>) src(%arg23 : memref<128x3xf32, #tpu.memory_space<vmem>>) dst(%dma_wait3A_1442 : memref<128x3xf32, #tpu.memory_space<hbm>>)
      tpu.yield
    }) : () -> ()
    "tpu.region"() ({
      %run_scoped3A = tpu.sem_alloc : memref<!tpu.dma_semaphore, #tpu.memory_space<semaphore_mem>>
      %dma_start3A_1435 = arith.constant 0 : i32
      %dma_start3A_1436 = tpu.memref_slice %arg6[%add3A_1434, %dma_start3A_1435] : memref<16384x131xf32, #tpu.memory_space<hbm>> -> memref<128x131xf32, #tpu.memory_space<hbm>>
      %dma_start3A_1437 = arith.constant 0 : i32
      %dma_start3A_1438 = tpu.memref_slice %arg6[%add3A_1434, %dma_start3A_1437] : memref<16384x131xf32, #tpu.memory_space<hbm>> -> memref<128x131xf32, #tpu.memory_space<hbm>>
      tpu.enqueue_dma source(%arg15 : memref<128x131xf32, #tpu.memory_space<vmem>>) target(%dma_start3A_1438 : memref<128x131xf32, #tpu.memory_space<hbm>>) target_semaphore(%run_scoped3A : memref<!tpu.dma_semaphore, #tpu.memory_space<semaphore_mem>>)
      %dma_wait3A_1439 = arith.constant 0 : i32
      %dma_wait3A_1440 = tpu.memref_slice %arg6[%add3A_1434, %dma_wait3A_1439] : memref<16384x131xf32, #tpu.memory_space<hbm>> -> memref<128x131xf32, #tpu.memory_space<hbm>>
      %dma_wait3A_1441 = arith.constant 0 : i32
      %dma_wait3A_1442 = tpu.memref_slice %arg6[%add3A_1434, %dma_wait3A_1441] : memref<16384x131xf32, #tpu.memory_space<hbm>> -> memref<128x131xf32, #tpu.memory_space<hbm>>
      tpu.wait_dma2 semaphore(%run_scoped3A : memref<!tpu.dma_semaphore, #tpu.memory_space<semaphore_mem>>) src(%arg15 : memref<128x131xf32, #tpu.memory_space<vmem>>) dst(%dma_wait3A_1442 : memref<128x131xf32, #tpu.memory_space<hbm>>)
      tpu.yield
    }) : () -> ()
    "tpu.region"() ({
      %run_scoped3A = tpu.sem_alloc : memref<!tpu.dma_semaphore, #tpu.memory_space<semaphore_mem>>
      %dma_start3A_1435 = arith.constant 0 : i32
      %dma_start3A_1436 = tpu.memref_slice %arg7[%add3A_1434, %dma_start3A_1435] : memref<16384x128xf32, #tpu.memory_space<hbm>> -> memref<128x128xf32, #tpu.memory_space<hbm>>
      %dma_start3A_1437 = arith.constant 0 : i32
      %dma_start3A_1438 = tpu.memref_slice %arg7[%add3A_1434, %dma_start3A_1437] : memref<16384x128xf32, #tpu.memory_space<hbm>> -> memref<128x128xf32, #tpu.memory_space<hbm>>
      tpu.enqueue_dma source(%arg16 : memref<128x128xf32, #tpu.memory_space<vmem>>) target(%dma_start3A_1438 : memref<128x128xf32, #tpu.memory_space<hbm>>) target_semaphore(%run_scoped3A : memref<!tpu.dma_semaphore, #tpu.memory_space<semaphore_mem>>)
      %dma_wait3A_1439 = arith.constant 0 : i32
      %dma_wait3A_1440 = tpu.memref_slice %arg7[%add3A_1434, %dma_wait3A_1439] : memref<16384x128xf32, #tpu.memory_space<hbm>> -> memref<128x128xf32, #tpu.memory_space<hbm>>
      %dma_wait3A_1441 = arith.constant 0 : i32
      %dma_wait3A_1442 = tpu.memref_slice %arg7[%add3A_1434, %dma_wait3A_1441] : memref<16384x128xf32, #tpu.memory_space<hbm>> -> memref<128x128xf32, #tpu.memory_space<hbm>>
      tpu.wait_dma2 semaphore(%run_scoped3A : memref<!tpu.dma_semaphore, #tpu.memory_space<semaphore_mem>>) src(%arg16 : memref<128x128xf32, #tpu.memory_space<vmem>>) dst(%dma_wait3A_1442 : memref<128x128xf32, #tpu.memory_space<hbm>>)
      tpu.yield
    }) : () -> ()
    return
  }
}

</mosaic_0001>

<sc_bundles>
// kernel: kernel.3.cloned.1.call-start
scs
__scs_entry_jumppad:
0x0: {  	(pc) =	sbr.rel $0x88, $3  }
0x1: {  	(tag) =	ssettag $0x0;
	lr =	simm.s32 $0x1  }
0x2: {  	[smem:$0x3F9E] =	sst lr;
	_ =	strace $0xD0000000  }
0x3: {  	_ = 	snop  }
0x4: {  	_ = 	snop  }
0x5: {  	_ = 	snop  }
0x6: {  	_ = 	snop  }
0x7: {  	_ = 	snop  }
__scs_overlays_trampoline_lowered:
0x8: {  	[smem:$0x3FAD] =	sst s0  }
0x9: {  	[smem:$0x3FAE] =	sst s1  }
0xa: {  	[smem:$0x3FAF] =	sst s2  }
0xb: {  	[smem:$0x3FB0] =	sst s3  }
0xc: {  	[smem:$0x3FB1] =	sst s4  }
0xd: {  	[smem:$0x3FB2] =	sst s5  }
0xe: {  	[smem:$0x3FB3] =	sst s6  }
0xf: {  	[smem:$0x3FB4] =	sst s7  }
0x10: {  	[smem:$0x3FB5] =	sst s8  }
0x11: {  	[smem:$0x3FB6] =	sst s9;
	s0 =	simm.s32 @!p0 $0x0  }
0x12: {  	s1 =	sld [smem:$0x3F9C];
	s0 =	simm.s32 @p0 $0x1  }
0x13: {  	[smem:$0x3FB7] =	sst s0;
	s0 =	simm.s32 @!p1 $0x0  }
0x14: {  	s2 =	sld [smem:$0x3F9B];
	s0 =	simm.s32 @p1 $0x1  }
0x15: {  	[smem:$0x3FB8] =	sst s0;
	s0 =	simm.s32 @!p2 $0x0  }
0x16: {  	s3 =	sld [smem:$0x3FDB];
	s0 =	simm.s32 @p2 $0x1  }
0x17: {  	s4 =	simm.s32 $0x1BF5;
	[smem:$0x3FBA] =	sst s0  }
0x18: {  	s0 =	sld [smem:$0x3F9D];
	_ =	swait.ge [sflag:s4], $0x0  }
0x19: {  	s7 =	sld [smem:$0x3F9E]  }
0x1a: {  	s8 =	sadd.s32 $0xFFFFE003, lr  }
0x1b: {  	s9 =	sadd.s32 $0xFFFFFEF7, lr;
	s5 =	simm.s32 $0xFFFFFFFF;
	p2 =	slt.u32 s8, $0xFFFFF086  }
0x1c: {  	p1 =	slt.u32 s9, $0xF7A;
	s5 =	simm.s32 @!p2 $0x0  }
0x1d: {  	s5 =	simm.s32 @p1 $0x1;
	p0 =	seq.s32 s7, s2  }
0x1e: {  	s7 =	smul.u32 @!p0 $0xF7A, s2;
	p2 =	seq.s32 @!p0 s5, $0x0  }
0x1f: {  	s9 =	smul.u32 $0xF7A, s1;
	s8 =	simm.s32 @!p0 $0x1BF5;
	p2 =	por !p2, p0  }
0x20: {  	[sflag:s8] =	ssyncset.s32 @!p0 $0xFFFFF086;
	s6 =	sadd.s32 @!p0 s3, s7;
	s7 =	simm.s32 @!p0 $0x108  }
0x21: {  	s3 =	sadd.s32 s3, s9;
	s6 =	sadd.s32 @!p0 $0x88, s6;
	s7 =	simm.s32 @p2 $0x1082  }
0x22: {  	[simem:s7], [sflag:s8] =	dma.local @!p0 [hbm:s6], $0xF7A  }
0x23: {  	s9 =	sor.u32 $0xD0000000, s2;
	s6 =	simm.s32 $0x108;
	_ =	swait.ge @!p0 [sflag:s8], $0x0  }
0x24: {  	s3 =	sadd.s32 $0x88, s3;
	s6 =	simm.s32 @!p1 $0x1082;
	[sflag:s4] =	ssyncset.s32 $0xFFFFF086  }
0x25: {  	[simem:s6], [sflag:s4] =	dma.local [hbm:s3], $0xF7A  }
0x26: {  	[smem:$0x3F9E] =	sst s1;
	(tag) =	ssettag s2;
	_ =	strace s9  }
0x27: {  	s1 =	sld [smem:$0x3FAE]  }
0x28: {  	s2 =	sld [smem:$0x3FAF]  }
0x29: {  	s4 =	sld [smem:$0x3FB1]  }
0x2a: {  	p0 =	seq.s32 s5, $0x0;
	s5 =	sld [smem:$0x3FB2]  }
0x2b: {  	s6 =	sld [smem:$0x3FB3]  }
0x2c: {  	s7 =	sld [smem:$0x3FB4]  }
0x2d: {  	s3 =	simm.s32 $0x108;
	s8 =	sld [smem:$0x3FB5]  }
0x2e: {  	s3 =	simm.s32 @!p0 $0x1082;
	s9 =	sld [smem:$0x3FB6]  }
0x2f: {  	lr =	sadd.s32 s0, s3;
	s0 =	sld [smem:$0x3FAD]  }
0x30: {  	s3 =	sld [smem:$0x3FB0]  }
0x31: {  	[smem:$0x3FB9] =	sst s10  }
0x32: {  	s10 =	sld [smem:$0x3FB7];
	_ =	sdelay $0x3  }
0x33: {  	p0 =	seq.s32 s10, $0x1;
	s10 =	sld [smem:$0x3FB9];
	_ =	sdelay $0x3  }
0x34: {  	[smem:$0x3FB9] =	sst s10  }
0x35: {  	s10 =	sld [smem:$0x3FB8];
	_ =	sdelay $0x3  }
0x36: {  	p1 =	seq.s32 s10, $0x1;
	s10 =	sld [smem:$0x3FB9];
	_ =	sdelay $0x3  }
0x37: {  	[smem:$0x3FB9] =	sst s10  }
0x38: {  	s10 =	sld [smem:$0x3FBA]  }
0x39: {  	_ = 	snop;
	(pc) =	sbr.ind lr, $3  }
0x3a: {  	_ = 	snop  }
0x3b: {  	_ = 	snop  }
0x3c: {  	p2 =	seq.s32 s10, $0x1;
	s10 =	sld [smem:$0x3FB9]  }
0x3d: {  	_ =	shalt  }
0x3e: {  	_ =	shalt  }
0x3f: {  	_ =	shalt  }
0x40: {  	_ =	shalt  }
0x41: {  	_ =	shalt  }
0x42: {  	_ =	shalt  }
0x43: {  	_ =	shalt  }
0x44: {  	_ =	shalt  }
0x45: {  	_ =	shalt  }
0x46: {  	_ =	shalt  }
0x47: {  	_ =	shalt  }
0x48: {  	_ =	shalt  }
0x49: {  	_ =	shalt  }
0x4a: {  	_ =	shalt  }
0x4b: {  	_ =	shalt  }
0x4c: {  	_ =	shalt  }
0x4d: {  	_ =	shalt  }
0x4e: {  	_ =	shalt  }
0x4f: {  	_ =	shalt  }
0x50: {  	_ =	shalt  }
0x51: {  	_ =	shalt  }
0x52: {  	_ =	shalt  }
0x53: {  	_ =	shalt  }
0x54: {  	_ =	shalt  }
0x55: {  	_ =	shalt  }
0x56: {  	_ =	shalt  }
0x57: {  	_ =	shalt  }
0x58: {  	_ =	shalt  }
0x59: {  	_ =	shalt  }
0x5a: {  	_ =	shalt  }
0x5b: {  	_ =	shalt  }
0x5c: {  	_ =	shalt  }
0x5d: {  	_ =	shalt  }
0x5e: {  	_ =	shalt  }
0x5f: {  	_ =	shalt  }
0x60: {  	_ =	shalt  }
0x61: {  	_ =	shalt  }
0x62: {  	_ =	shalt  }
0x63: {  	_ =	shalt  }
0x64: {  	_ =	shalt  }
0x65: {  	_ =	shalt  }
0x66: {  	_ =	shalt  }
0x67: {  	_ =	shalt  }
0x68: {  	_ =	shalt  }
0x69: {  	_ =	shalt  }
0x6a: {  	_ =	shalt  }
0x6b: {  	_ =	shalt  }
0x6c: {  	_ =	shalt  }
0x6d: {  	_ =	shalt  }
0x6e: {  	_ =	shalt  }
0x6f: {  	_ =	shalt  }
0x70: {  	_ =	shalt  }
0x71: {  	_ =	shalt  }
0x72: {  	_ =	shalt  }
0x73: {  	_ =	shalt  }
0x74: {  	_ =	shalt  }
0x75: {  	_ =	shalt  }
0x76: {  	_ =	shalt  }
0x77: {  	_ =	shalt  }
0x78: {  	_ =	shalt  }
0x79: {  	_ =	shalt  }
0x7a: {  	_ =	shalt  }
0x7b: {  	_ =	shalt  }
0x7c: {  	_ =	shalt  }
0x7d: {  	_ =	shalt  }
0x7e: {  	_ =	shalt  }
0x7f: {  	_ =	shalt  }
0x80: {  	_ =	shalt  }
0x81: {  	_ =	shalt  }
0x82: {  	_ =	shalt  }
0x83: {  	_ =	shalt  }
0x84: {  	_ =	shalt  }
0x85: {  	_ =	shalt  }
0x86: {  	_ =	shalt  }
0x87: {  	_ =	shalt  }
.Lfunc_end0:
.L_simem_size_0:
called_computation_lowered:
.L_overlay_start_0:
0x88: {  	s2 =	sld [smem:$0x3FD9]  }
0x89: {  	s3 =	sld [smem:$0x3FFE];
	_ =	sdelay $0x1  }
0x8a: {  	s1 =	srdreg.scid  }
0x8b: {  	s0 =	sand.u32 $0x1, s1  }
0x8c: {  	s14 =	sshll.u32 s0, $0xA;
	s2 =	sadd.s32 s3, s2  }
0x8d: {  	s2 =	sadd.s32 s2, s14  }
0x8e: {  	[smem:$0x3FC5] =	sst s2  }
0x8f: {  	_ = 	snop  }
0x90: {  	s2 =	sld [smem:$0x3FD0];
	_ =	sdelay $0x1  }
0x91: {  	s15 =	sld [smem:$0x3FC8]  }
0x92: {  	s5 =	simm.s32 $0xA;
	s6 =	simm.s32 $0x10;
	s4 =	sld [smem:$0x3FC7]  }
0x93: {  	[smem:s6], [sflag:s5] =	dma.local [hbm:s2], $0x1  }
0x94: {  	_ =	swait.eq [sflag:s5], $0x1  }
0x95: {  	[sflag:s5] =	ssyncset.done $0x0  }
0x96: {  	s16 =	sld [smem:$0x11];
	[sflag:s5] =	ssyncadd.s32 $0xFFFFFFFF  }
0x97: {  	s17 =	sld [smem:$0x12];
	(tm) =	ssettm $0x1  }
0x98: {  	s18 =	sld [smem:$0x3FFB];
	_ =	sdelay $0x3  }
0x99: {  	_ =	strace s18  }
0x9a: {  	s6 =	sld [smem:$0x3FFC];
	_ =	sdelay $0x3  }
0x9b: {  	_ =	strace s6  }
0x9c: {  	s6 =	sld [smem:$0x3FFD];
	_ =	sdelay $0x3  }
0x9d: {  	_ =	strace s6  }
0x9e: {  	_ =	strace $0x8FFFFFFF  }
0x9f: {  	s19 =	sld [smem:$0x3FDB];
	_ =	sdelay $0x1  }
0xa0: {  	s7 =	simm.s32 $_scs_section_size  }
0xa1: {  	s8 =	simm.s32 $_size__tile_overlayer_lowered;
	s9 =	simm.s32 $_tile_overlayer_lowered  }
0xa2: {  	s22 =	simm.s32 $0x1BFF;
	s21 =	sshll.u32 s9, $0x1;
	s6 =	sadd.s32 s7, s19  }
0xa3: {  	s10 =	simm.s32 $0x0;
	s20 =	sshll.u32 s8, $0x1;
	s8 =	sadd.s32 s21, s6  }
0xa4: {  	[timem:s10], [sflag:s22] =	dma.local [hbm:s8], s20  }
0xa5: {  	_ =	swait.ge [sflag:s22], s20  }
0xa6: {  	s7 =	ssub.s32 $0x0, s20;
	[sflag:s22] =	ssyncset.done $0x0  }
0xa7: {  	[sflag:s22] =	ssyncadd.s32 s7;
	_ =	sdelay $0x1  }
0xa8: {  	s23 =	simm.s32 $0x1B8B  }
0xa9: {  	_ =	swait.ge [sflag:s23], $0x1  }
0xaa: {  	[sflag:s23] =	ssyncset.done $0x0  }
0xab: {  	s25 =	simm.s32 $0x1B8E;
	s24 =	sld [smem:$0x3FFE];
	[sflag:s23] =	ssyncadd.s32 $0xFFFFFFFF  }
0xac: {  	s26 =	simm.s32 $execute0_lowered;
	[smem:$0x3FD2] =	sst s25  }
0xad: {  	s8 =	sshll.u32 s26, $0x1;
	_ =	strace $0x80000046;
	[dreg:$0x1] =	wrdreg $0xFFFFFFFF  }
0xae: {  	s28 =	simm.s32 $_size_execute0_lowered;
	s6 =	sadd.s32 s6, s8;
	[dreg:$0x0] =	wrdreg $0x0  }
0xaf: {  	s8 =	sshll.u32 s28, $0x1;
	[dreg:$0x2] =	wrdreg s6  }
0xb0: {  	[dreg:$0x3] =	wrdreg s8  }
0xb1: {  	[dreg:$0x4] =	wrdreg $0xC0  }
0xb2: {  	_ =	task [dreg:s10], $0x5FFFF  }
0xb3: {  	[dreg:$0x1] =	wrdreg $0xFFFFFFFF  }
0xb4: {  	[dreg:$0x0] =	wrdreg $0x60  }
0xb5: {  	[dreg:$0x2] =	wrdreg s16  }
0xb6: {  	[dreg:$0x3] =	wrdreg s15  }
0xb7: {  	[dreg:$0x4] =	wrdreg s4  }
0xb8: {  	[dreg:$0x5] =	wrdreg s24  }
0xb9: {  	[dreg:$0x6] =	wrdreg s17  }
0xba: {  	[dreg:$0x7] =	wrdreg $0xFF100  }
0xbb: {  	[dreg:$0x8] =	wrdreg $0x2000  }
0xbc: {  	[dreg:$0x9] =	wrdreg $0xF7100  }
0xbd: {  	[dreg:$0xa] =	wrdreg $0x9  }
0xbe: {  	_ =	task.clear_ibuf [dreg:s10], $0xBFFFF;
	_ =	strace $0x90000046  }
0xbf: {  	s29 =	simm.s32 $0x9;
	_ =	strace $0x80000048  }
0xc0: {  	_ =	swait.ge [sflag:s29], $0x1  }
0xc1: {  	[sflag:s29] =	ssyncadd.s32 $0xFFFFFFFF  }
0xc2: {  	_ =	strace $0x90000048  }
0xc3: {  	_ =	sfence  }
0xc4: {  	s30 =	sld [smem:$0x0];
	_ =	sdelay $0x2  }
0xc5: {  	s31 =	sshll.u32 s1, $0xD;
	s1 =	sshrl.u32 s1, $0x2  }
0xc6: {  	s3 =	sand.u32 $0x4000, s31;
	s1 =	sadd.s32 s1, s30  }
0xc7: {  	s0 =	sor.u32 s3, s0;
	s1 =	sshll.u32 s1, $0x11  }
0xc8: {  	s0 =	sor.u32 s1, s0  }
0xc9: {  	s0 =	sadd.s32 $0x8F2B, s0  }
0xca: {  	[sflag:s0] =	ssyncadd.remote.s32 $0x1  }
0xcb: {  	_ =	sfence.sel $0xFFFF  }
0xcc: {  	[dreg:$0x0] =	wrdreg $0xFFFFFFFF;
	(pc) =	sbr.abs _section_cstart, $3  }
0xcd: {  	[dreg:$0x1] =	wrdreg $0xFFFFFFFF  }
0xce: {  	_ =	task.clear_ibuf [dreg:s10], $0x2FFFF;
	_ =	strace $0x9FFFFFFF  }
0xcf: {  	(tm) =	ssettm $0x7FFFFFFF  }
tec
execute0_lowered:
.L_overlay_start_1:
0x0: {  	(tag) =	ssettag $0x1  }
0x1: {  	s4 =	rddreg [dreg:$0x0]  }
0x2: {  	s6 =	rddreg [dreg:$0x3]  }
0x3: {  	s7 =	rddreg [dreg:$0x5]  }
0x4: {  	s0 =	srdreg.scid;
	s5 =	rddreg [dreg:$0x6]  }
0x5: {  	s16 =	stileid.u32;
	s12 =	rddreg [dreg:$0x7]  }
0x6: {  	s2 =	sand.u32 $0x1, s0;
	s0 =	rddreg [dreg:$0x4];
	s10 =	sshrl.u32 s16, $0x2  }
0x7: {  	s8 =	sand.u32 $0x3, s16;
	s15 =	smul.u32 $0x6000, s16;
	s24 =	sshll.u32 s16, $0xB  }
0x8: {  	s1 =	sshll.u32 s2, $0x2;
	s3 =	sshll.u32 s8, $0xB;
	s2 =	ssub.s32 $0x2, s2  }
0x9: {  	s23 =	sshll.u32 s10, $0x9;
	s25 =	sshll.u32 s10, $0xD;
	s8 =	sshll.u32 s8, $0x9  }
0xa: {  	s11 =	sor.u32 s10, s1;
	s1 =	simm.s32 $0x0;
	s13 =	sshrl.u32 s2, $0x1  }
0xb: {  	s10 =	smul.u32 $0x18000, s10;
	s17 =	sor.u32 $0x100, s8;
	s20 =	sor.u32 $0x180, s8  }
0xc: {  	s9 =	smul.u32 $0x6000, s11;
	[smem:$0x7FF] =	sst s1;
	s2 =	ssub.s32 s2, s13  }
0xd: {  	s26 =	sshll.u32 s11, $0xD;
	s11 =	sshll.u32 s11, $0xB;
	[dreg:$0xe] =	wrdreg s17  }
0xe: {  	s13 =	sshrl.u32 s15, $0x2;
	[dreg:$0xf] =	wrdreg s20;
	s17 =	sor.u32 s17, s11  }
0xf: {  	s10 =	sshrl.u32 s10, $0x2;
	s13 =	sadd.s32 s13, s7;
	s9 =	sor.u32 s3, s9  }
0x10: {  	s18 =	smul.u32 $0x11, s17;
	s7 =	sadd.s32 s10, s7;
	s14 =	sshrl.u32 s9, $0x3  }
0x11: {  	[dreg:$0x11] =	wrdreg s7;
	s19 =	sadd.s32 s4, s14;
	s14 =	sadd.s32 s24, s12  }
0x12: {  	s9 =	sadd.s32 $0x4A00, s6;
	s12 =	sadd.s32 s25, s12;
	[dreg:$0xa] =	wrdreg s14  }
0x13: {  	v0 =	vimm.s32 $0xEFCDAB89;
	s22 =	sshll.u32 s16, $0x7;
	s25 =	sadd.s32 s9, s18;
	[dreg:$0xb] =	wrdreg s12  }
0x14: {  	v1 =	vunpack.c.l.s4.s8 v0;
	v0 =	vimm.s32 $0x67452301;
	s6 =	sadd.s32 $0xA00, s6;
	s4 =	sadd.s32 s22, s5;
	[dreg:$0x14] =	wrdreg s25  }
0x15: {  	v2 =	vunpack.c.l.s4.s8 v0;
	s12 =	sor.u32 s8, s11;
	s14 =	sor.u32 $0x80, s8;
	s25 =	rddreg [dreg:$0x1]  }
0x16: {  	v0 =	vlaneseq.u32;
	s16 =	smul.u32 $0x11, s12;
	[dreg:$0xd] =	wrdreg s14;
	s15 =	sor.u32 s14, s11  }
0x17: {  	v3 =	vimm.s32 $0x54761032;
	v5 =	vunpack.c.0.s8.s32 v2;
	v2 =	vor.u32 s26, v0;
	s11 =	sor.u32 s20, s11;
	s26 =	sshll.u32 s12, $0x4;
	s10 =	sadd.s32 s6, s12  }
0x18: {  	v12 =	vimm.s32 $0xEDCBA987;
	v13 =	vimm.s32 $0x65432100;
	s21 =	smul.u32 $0x11, s15;
	[dreg:$0x16] =	wrdreg s10;
	s14 =	sadd.s32 s6, s15  }
0x19: {  	v15 =	vimm.s32 $0x32100000;
	vm0 =	vcmask $0x300;
	vm1 =	vcmask $0x700;
	s12 =	sshll.u32 s15, $0x4;
	s15 =	sadd.s32 s6, s17;
	[dreg:$0x18] =	wrdreg s14  }
0x1a: {  	v7 =	vunpack.c.l.s4.s8 v3;
	v4 =	vunpack.c.0.s8.s32 v1;
	v1 =	vimm.s32 $0xDCFE98BA;
	s5 =	sadd.s32 s23, s5;
	s6 =	sadd.s32 s6, s11;
	[dreg:$0x1a] =	wrdreg s15  }
0x1b: {  	vm3 =	vcmask $0x3F30;
	vm2 =	vcmask $0xF00;
	v6 =	vunpack.c.l.s4.s8 v1;
	s22 =	smul.u32 $0x11, s11;
	s23 =	sadd.s32 s9, s16;
	[dreg:$0x1b] =	wrdreg s6  }
0x1c: {  	v7 =	vunpack.c.0.s8.s32 v7;
	v8 =	vcombine.low v5, v4;
	v5 =	vimm.s32 $0xBA98FEDC;
	[dreg:$0x12] =	wrdreg s23  }
0x1d: {  	v9 =	vunpack.c.0.s8.s32 v6;
	v6 =	vimm.s32 $0x32107654;
	v10 =	vunpack.c.l.s4.s8 v5;
	s24 =	sadd.s32 s9, s21;
	s7 =	sadd.s32 s9, s22;
	s22 =	rddreg [dreg:$0x2]  }
0x1e: {  	v3 =	vimm.f32 $1.000000000e+10;
	v12 =	vunpack.c.l.s4.s8 v12;
	v11 =	vunpack.c.l.s4.s8 v6;
	[dreg:$0x13] =	wrdreg s24  }
0x1f: {  	v6 =	vand.u32 $0xF, v8;
	v7 =	vcombine.low v7, v9;
	v8 =	vunpack.c.0.s8.s32 v10;
	[dreg:$0x15] =	wrdreg s7;
	s7 =	sadd.s32 s0, s26  }
0x20: {  	v9 =	vunpack.c.0.s8.s32 v11;
	v10 =	vimm.s32 $0xFEDCBA98;
	v11 =	vimm.s32 $0x76543210;
	s16 =	sshll.u32 s17, $0x4;
	[dreg:$0x17] =	wrdreg s7;
	s7 =	sadd.s32 s0, s12  }
0x21: {  	v13 =	vunpack.c.l.s4.s8 v13;
	v10 =	vunpack.c.l.s4.s8 v10;
	v11 =	vunpack.c.l.s4.s8 v11;
	s17 =	sshll.u32 s11, $0x4;
	[dreg:$0x19] =	wrdreg s7;
	s7 =	sadd.s32 s0, s16  }
0x22: {  	v14 =	vcombine.low v9, v8;
	v9 =	vunpack.c.0.s8.s32 v12;
	v12 =	vimm.s32 $0xDCBA9876;
	s0 =	sadd.s32 s0, s17;
	[dreg:$0x1c] =	wrdreg s7  }
0x23: {  	s18 =	smax.u32 s2, $0x1;
	v10 =	vunpack.c.0.s8.s32 v10;
	v8 =	vunpack.c.0.s8.s32 v11;
	v11 =	vunpack.c.0.s8.s32 v13;
	[dreg:$0x1d] =	wrdreg s0  }
0x24: {  	s20 =	sadd.s32 $0x400, s19;
	v13 =	vimm.s32 $0x54321000;
	v12 =	vunpack.c.l.s4.s8 v12;
	v9 =	vand.u32 $0xF, v9;
	_ =	strace $0x80000047;
	[dreg:$0x1e] =	wrdreg s18  }
0x25: {  	s28 =	simm.s32 $0x11F20;
	s29 =	simm.s32 $0x3290;
	v10 =	vand.u32 $0xF, v10;
	v9 =	vcombine.low v11, v9;
	v11 =	vunpack.c.l.s4.s8 v13;
	[dreg:$0x1f] =	wrdreg s20  }
0x26: {  	s30 =	simm.s32 $0x7310;
	s21 =	sadd.s32 $0x800, s19;
	v13 =	vimm.s32 $0xE40000;
	v8 =	vcombine.low v10, v8;
	v10 =	vimm.s32 $0xBA987654;
	[dreg:$0x9] =	wrdreg s19  }
0x27: {  	s31 =	simm.s32 $0x2;
	s23 =	sadd.s32 $0x800, s13;
	v12 =	vunpack.c.0.s8.s32 v12;
	v13 =	vunpack.c.l.s2.s4 v13;
	v16 =	vunpack.c.l.s4.s8 v10;
	[smem:$0x7FA] =	sst s21  }
0x28: {  	s10 =	simm.s32 $0x1;
	s14 =	sadd.s32 $0x11FA0, s8;
	v10 =	vand.u32 $0xF, v14;
	v11 =	vunpack.c.0.s8.s32 v11;
	v14 =	vunpack.c.l.s4.s8 v15;
	[smem:$0x7FB] =	sst s23  }
0x29: {  	s15 =	sor.u32 $0x12020, s8;
	s24 =	sadd.s32 $0x1000, s13;
	v12 =	vand.u32 $0xF, v12;
	v13 =	vunpack.c.l.s4.s8 v13;
	[dreg:$0x10] =	wrdreg s13;
	v15 =	vunpack.c.0.s8.s32 v16  }
0x2a: {  	v1 =	vmov s3;
	s9 =	simm.s32 $0xB710;
	s26 =	sadd.s32 $0x11F20, s8;
	[smem:$0x7FC] =	sst s24;
	v11 =	vcombine.low v11, v12;
	v12 =	vunpack.c.0.s8.s32 v14  }
0x2b: {  	s16 =	sor.u32 $0x120A0, s8;
	s17 =	simm.s32 $0x11710;
	[smem:$0x7FD] =	sst s26;
	v16 =	vunpack.c.0.s8.s32 v13;
	v14 =	vand.u32 $0xF, v15;
	v15 =	vimm.s32 $0x7060504  }
0x2c: {  	v4 =	vimm.s32 $0x0;
	s13 =	sshrl.u32 s3, $0x2;
	[dreg:$0xc] =	wrdreg s8;
	s18 =	simm.s32 $0x3;
	v12 =	vcombine.low v12, v14;
	v14 =	vunpack.c.0.s8.s32 v15  }
0x2d: {  	v5 =	vimm.s32 $0x1;
	v7 =	vand.u32 $0xF, v7;
	s21 =	simm.s32 $0x7290;
	s23 =	simm.s32 $0xA80;
	s26 =	simm.s32 $0x13330;
	v15 =	vand.u32 $0x3, v16  }
0x2e: {  	s19 =	simm.s32 $0x80;
	s20 =	simm.s32 $0x12730;
	s24 =	simm.s32 $0x0;
	v13 =	vimm.s32 $0xFFFFFFFF;
	v14 =	vsel vm3, v14, v15;
	v15 =	vimm.s32 $0xF  }
.LBB2_1:
0x2f: {  	s0 =	rddreg [dreg:$0x9];
	s2 =	simm.s32 $0x12B30  }
0x30: {  	[tilespmem:s2], [sflag:$0x3] =	stream.linear.gather [hbm4b:s0+s1], $0x800, $0x38;
	[tilespmem:$0x1A330] =	vst v63  }
0x31: {  	_ =	swait.ge [sflag:s18], $0x800  }
0x32: {  	[sflag:s18] =	ssyncset.done $0x0  }
0x33: {  	s6 =	simm.s32 $0x19330;
	s12 =	rddreg [dreg:$0x1f];
	[sflag:s18] =	ssyncadd.s32 $0xFFFFF800  }
0x34: {  	[tilespmem:s6], [sflag:$0x3] =	stream.linear.gather [hbm4b:s12+s1], $0x800, $0x38;
	[tilespmem:$0x1A330] =	vst v63  }
0x35: {  	_ =	swait.ge [sflag:s18], $0x800  }
0x36: {  	s7 =	smov.u32 s22;
	s22 =	sld [smem:$0x7FA]  }
0x37: {  	[sflag:s18] =	ssyncset.done $0x0  }
0x38: {  	s8 =	simm.s32 $0x19B30;
	[sflag:s18] =	ssyncadd.s32 $0xFFFFF800  }
0x39: {  	[tilespmem:s8], [sflag:$0x3] =	stream.linear.gather [hbm4b:s22+s1], $0x800, $0x38;
	[tilespmem:$0x1A330] =	vst v63  }
0x3a: {  	_ =	swait.ge [sflag:s18], $0x800  }
0x3b: {  	[sflag:s18] =	ssyncset.done $0x0  }
0x3c: {  	s11 =	rddreg [dreg:$0x10];
	[sflag:s18] =	ssyncadd.s32 $0xFFFFF800  }
0x3d: {  	[spmem:s11] =	stream.linear.scatter [tilespmem:s2], [sflag:$0x3], $0x800, $0x38;
	[tilespmem:$0x1A330] =	vst v63  }
0x3e: {  	_ =	swait.ge [sflag:s18], $0x800  }
0x3f: {  	s12 =	sld [smem:$0x7FB]  }
0x40: {  	[sflag:s18] =	ssyncset.done $0x0  }
0x41: {  	[sflag:s18] =	ssyncadd.s32 $0xFFFFF800  }
0x42: {  	[spmem:s12] =	stream.linear.scatter [tilespmem:s6], [sflag:$0x3], $0x800, $0x38;
	[tilespmem:$0x1A330] =	vst v63  }
0x43: {  	_ =	swait.ge [sflag:s18], $0x800  }
0x44: {  	s22 =	sld [smem:$0x7FC]  }
0x45: {  	[sflag:s18] =	ssyncset.done $0x0  }
0x46: {  	[sflag:s18] =	ssyncadd.s32 $0xFFFFF800  }
0x47: {  	[spmem:s22] =	stream.linear.scatter [tilespmem:s8], [sflag:$0x3], $0x800, $0x38;
	[tilespmem:$0x1A330] =	vst v63  }
0x48: {  	_ =	swait.ge [sflag:s18], $0x800  }
0x49: {  	[sflag:s18] =	ssyncset.done $0x0  }
0x4a: {  	s0 =	simm.s32 $0x40;
	s2 =	simm.s32 $0x0;
	[sflag:s18] =	ssyncadd.s32 $0xFFFFF800  }
.LBB2_2:
0x4b: {  	p0 =	sne.s32 s0, $0x1FC0;
	[tilespmem:s2+$0x280] =	vst v3;
	s6 =	smov.u32 s0;
	s0 =	sadd.s32 $0x40, s0  }
.Ltmp0:
0x4c: {  	[tilespmem:s2+$0xA80] =	vst v4;
	(pc) =	sbr.rel @p0 .LBB2_2-.Ltmp0, $2  }
0x4d: {  	_ =	sdelay $0x2  }
0x4e: {  	s2 =	sshra.s32 s6, $0x2  }
0x4f: {  	[tilespmem:s2+$0x280] =	vst v3  }
0x50: {  	[tilespmem:s2+$0xA80] =	vst v4  }
0x51: {  	v17 =	vld [tilespmem:$0x12B30]  }
0x52: {  	v18 =	vld [tilespmem:$0x19330]  }
0x53: {  	v19 =	vld [tilespmem:$0x19B30];
	_ =	sdelay $0x1  }
0x54: {  	v16 =	vimm.s32 $0x0  }
0x55: {  	v17 =	vperm.xlane v17, v16  }
0x56: {  	[tilespmem:$0x1280] =	vst v16;
	v18 =	vperm.xlane v18, v16  }
0x57: {  	v19 =	vperm.xlane v19, v16;
	[tilespmem:$0x72B0] =	vst v17  }
0x58: {  	[tilespmem:$0x72C0] =	vst v18  }
0x59: {  	[tilespmem:$0x72D0] =	vst v19  }
0x5a: {  	[spmem:s4] =	stream.linear.scatter [tilespmem:s21], [sflag:$0x3], $0x80, $0x38;
	[tilespmem:$0x1A330] =	vst v63  }
0x5b: {  	_ =	swait.ge [sflag:s18], $0x80  }
0x5c: {  	[sflag:s18] =	ssyncset.done $0x0  }
0x5d: {  	[sflag:s18] =	ssyncadd.s32 $0xFFFFFF80  }
0x5e: {  	s11 =	simm.s32 $0x0;
	[bflag:$0x0] =	sbarrier.arrive $0xFFFF  }
0x5f: {  	[tilespmem:s11], [sflag:$0x3] =	stream.linear.gather [spmem:s5], $0x200, $0x38;
	[tilespmem:$0x1A330] =	vst v63  }
0x60: {  	_ =	swait.ge [sflag:s18], $0x200  }
0x61: {  	[sflag:s18] =	ssyncset.done $0x0  }
0x62: {  	[sflag:s18] =	ssyncadd.s32 $0xFFFFFE00  }
0x63: {  	[bflag:$0x0] =	sbarrier.arrive $0xFFFF  }
0x64: {  	v23 =	vld [tilespmem:$0x20]  }
0x65: {  	v24 =	vld [tilespmem:$0x30]  }
0x66: {  	v25 =	vld [tilespmem:$0x40]  }
.LBB2_4:
0x67: {  	v16 =	vsub.s32 v16, v1  }
0x68: {  	v16 =	vmin.u32 v16, $0x800;
	_ =	sdelay $0x4  }
0x69: {  	s2 =	simm.s32 $0x0;
	[tilespmem:v16+s23+$0x0] =	vst.idx.msk $0xffff, v5  }
0x6a: {  	v19 =	vld [tilespmem:s2+$0x12B30]  }
0x6b: {  	v27 =	vld [tilespmem:s2+$0x19330];
	_ =	sdelay $0x1  }
0x6c: {  	v26 =	vld [tilespmem:s2+$0x19B30]  }
0x6d: {  	s6 =	simm.s32 $0x10  }
0x6e: {  	v22 =	vld [tilespmem:s6+$0x19B30]  }
0x6f: {  	v21 =	vld [tilespmem:s6+$0x12B30];
	v16 =	vsub.f32 v19, v23;
	v18 =	vsub.f32 v27, v24  }
0x70: {  	v17 =	vld [tilespmem:s6+$0x19330]  }
0x71: {  	s0 =	simm.s32 $0x20;
	v31 =	vld [tilespmem:s2+$0x280];
	v28 =	vsub.f32 v26, v25;
	v16 =	vmul.f32 v16, v16;
	v29 =	vmul.f32 v18, v18  }
0x72: {  	v20 =	vld [tilespmem:s0+$0x19B30]  }
0x73: {  	v28 =	vmul.f32 v28, v28;
	v18 =	vld [tilespmem:s0+$0x12B30];
	v29 =	vadd.f32 v29, v16  }
0x74: {  	v16 =	vld [tilespmem:s0+$0x19330]  }
0x75: {  	v36 =	vimm.s32 $0x0;
	v35 =	vimm.s32 $0x0;
	v28 =	vadd.f32 v28, v29  }
0x76: {  	v37 =	vimm.s32 $0x0;
	v33 =	vsub.f32 v21, v23;
	v30 =	vsub.f32 v22, v25  }
0x77: {  	v32 =	vsub.f32 v17, v24;
	v29 =	vimm.f32 $0.0e+00;
	v31 =	vmin.f32 v31, v28  }
0x78: {  	v39 =	vmul.f32 v33, v33;
	v34 =	vsub.f32 v18, v23;
	v28 =	vmax.f32 v29, v31  }
0x79: {  	v33 =	vsub.f32 v20, v25;
	v38 =	vsub.f32 v16, v24;
	v40 =	vsub.s32 v28, v29  }
0x7a: {  	s12 =	simm.s32 $0xC0;
	[tilespmem:s2+$0x280] =	vst v31;
	s2 =	smov.u32 s3;
	v29 =	vmul.f32 v34, v34;
	v34 =	vimm.s32 $0x0;
	vm3 =	vlt.s32 v40, $0x1;
	v31 =	vmovc v28  }
.LBB2_5:
0x7b: {  	s22 =	smov.u32 s12  }
0x7c: {  	s8 =	sshra.s32 s12, $0x2;
	v41 =	vmul.f32 v32, v32;
	v42 =	vld [tilespmem:s6+$0x280];
	v43 =	vor.u32 s2, v0;
	v40 =	vnsel vm3, $0x1, v40;
	s2 =	sadd.s32 $0x10, s2;
	v32 =	vmovc v38;
	s22 =	sadd.s32 $0x40, s12  }
0x7d: {  	p0 =	sne.s32 s12, $0x1FC0;
	v44 =	vmul.f32 v30, v30;
	v30 =	vmovc v33;
	v45 =	vsub.s32 $0x0, v40;
	v40 =	vadd.s32 $0xFFFFFFFF, v40;
	v38 =	vld [tilespmem:s8+$0x19B30]  }
0x7e: {  	v33 =	vadd.f32 v41, v39;
	v36 =	vand.u32 v36, v40;
	v39 =	vand.u32 v26, v45;
	v26 =	vmovc v22;
	v46 =	vld [tilespmem:s8+$0x12B30]  }
0x7f: {  	v43 =	vand.u32 v45, v43;
	v35 =	vand.u32 v35, v40;
	v37 =	vand.u32 v37, v40;
	v22 =	vmovc v20;
	v41 =	vld [tilespmem:s8+$0x19330]  }
0x80: {  	v34 =	vand.u32 v34, v40;
	v44 =	vadd.f32 v44, v33;
	v33 =	vand.u32 v19, v45;
	v19 =	vmovc v21  }
.Ltmp1:
0x81: {  	v27 =	vand.u32 v27, v45;
	v36 =	vor.u32 v43, v36;
	v21 =	vmovc v18;
	v35 =	vor.u32 v33, v35;
	(pc) =	sbr.rel @p0 .LBB2_5-.Ltmp1, $4  }
0x82: {  	v34 =	vor.u32 v27, v34;
	v43 =	vmin.f32 v42, v44;
	v33 =	vsub.f32 v38, v25;
	v20 =	vmovc v38  }
0x83: {  	v37 =	vor.u32 v39, v37;
	v28 =	vmax.f32 v28, v43;
	v42 =	vsub.f32 v46, v23;
	[tilespmem:s6+$0x280] =	vst v43;
	s6 =	smov.u32 s0;
	s0 =	smov.u32 s8  }
0x84: {  	v27 =	vmovc v17;
	v17 =	vmovc v16;
	v40 =	vsub.s32 v28, v31;
	v18 =	vmov v46;
	v38 =	vsub.f32 v41, v24  }
0x85: {  	s12 =	smov.u32 s22;
	v39 =	vmovc v29;
	v31 =	vmovc v28;
	vm3 =	vlt.s32 v40, $0x1;
	v16 =	vmov v41;
	v29 =	vmul.f32 v42, v42  }
0x86: {  	v23 =	vmul.f32 v32, v32  }
0x87: {  	v24 =	vld [tilespmem:s6+$0x280]  }
0x88: {  	v25 =	vmul.f32 v30, v30;
	v41 =	vmul.f32 v38, v38;
	v23 =	vadd.f32 v23, v39  }
0x89: {  	v33 =	vmul.f32 v33, v33  }
0x8a: {  	v39 =	vnsel vm3, $0x1, v40;
	v29 =	vadd.f32 v41, v29;
	v23 =	vadd.f32 v25, v23  }
0x8b: {  	v40 =	vsub.s32 $0x0, v39;
	v30 =	vadd.s32 $0xFFFFFFFF, v39;
	v25 =	vor.u32 s2, v0  }
0x8c: {  	v36 =	vand.u32 v36, v30;
	v26 =	vand.u32 v26, v40;
	v23 =	vmin.f32 v24, v23  }
0x8d: {  	v35 =	vand.u32 v35, v30;
	v19 =	vand.u32 v19, v40;
	v29 =	vadd.f32 v33, v29;
	[tilespmem:s6+$0x280] =	vst v23  }
0x8e: {  	v25 =	vand.u32 v40, v25;
	v43 =	vor.u32 v19, v35;
	v23 =	vmax.f32 v28, v23;
	v42 =	vld [tilespmem:s0+$0x280]  }
0x8f: {  	v19 =	vand.u32 v27, v40;
	v24 =	vand.u32 v37, v30;
	v31 =	vsub.s32 v23, v31  }
0x90: {  	v30 =	vand.u32 v34, v30;
	v25 =	vor.u32 v25, v36;
	vm3 =	vlt.s32 v31, $0x1  }
0x91: {  	s22 =	sadd.s32 $0x10, s2;
	v27 =	vor.u32 v19, v30;
	v24 =	vor.u32 v26, v24;
	v19 =	vnsel vm3, $0x1, v31  }
0x92: {  	v26 =	vor.u32 s22, v0;
	v44 =	vadd.s32 $0xFFFFFFFF, v19;
	v31 =	vsub.s32 $0x0, v19  }
0x93: {  	v25 =	vand.u32 v25, v44;
	v22 =	vand.u32 v22, v31;
	v19 =	vmin.f32 v42, v29  }
0x94: {  	v26 =	vand.u32 v31, v26;
	v45 =	vand.u32 v43, v44;
	v28 =	vmax.f32 v23, v19  }
0x95: {  	v24 =	vand.u32 v24, v44;
	v21 =	vand.u32 v21, v31;
	v23 =	vsub.s32 v28, v23  }
0x96: {  	v27 =	vand.u32 v27, v44;
	v17 =	vand.u32 v17, v31;
	vm3 =	vlt.s32 v23, $0x1  }
0x97: {  	s2 =	sadd.s32 $0x10, s22;
	v25 =	vor.u32 v26, v25;
	v21 =	vor.u32 v21, v45;
	v23 =	vnsel vm3, $0x1, v23  }
0x98: {  	v26 =	vor.u32 s2, v0;
	v46 =	vsub.s32 $0x0, v23;
	v23 =	vadd.s32 $0xFFFFFFFF, v23  }
0x99: {  	v17 =	vor.u32 v17, v27;
	v25 =	vand.u32 v25, v23;
	v26 =	vand.u32 v46, v26  }
0x9a: {  	v22 =	vor.u32 v22, v24;
	v25 =	vor.u32 v26, v25;
	v26 =	vperm.xlane v28, v6  }
0x9b: {  	v20 =	vand.u32 v20, v46;
	v21 =	vand.u32 v21, v23;
	v24 =	vperm.xlane v25, v6  }
0x9c: {  	v22 =	vand.u32 v22, v23;
	v18 =	vand.u32 v18, v46;
	v27 =	vxor.u32 v28, v26  }
0x9d: {  	v17 =	vand.u32 v17, v23;
	vm3 =	vlt.s32 v27, $0x1;
	v47 =	vsub.s32 v24, v25  }
0x9e: {  	v48 =	vsub.s32 v28, v26;
	v27 =	vnsel vm3, $0x1, v27;
	v30 =	vshrl.u32 v47, $0x1F  }
0x9f: {  	v16 =	vand.u32 v16, v46;
	v23 =	vshrl.u32 v48, $0x1F;
	v27 =	vandn.u32 v30, v27  }
0xa0: {  	v18 =	vor.u32 v18, v21;
	v16 =	vor.u32 v16, v17;
	v21 =	vor.u32 v23, v27  }
0xa1: {  	v17 =	vor.u32 v20, v22;
	v22 =	vperm.xlane v18, v6;
	v20 =	vadd.s32 $0xFFFFFFFF, v21  }
0xa2: {  	v27 =	vperm.xlane v16, v6;
	v21 =	vsub.s32 $0x0, v21;
	v23 =	vand.u32 v28, v20  }
0xa3: {  	v26 =	vand.u32 v26, v21;
	v25 =	vand.u32 v25, v20;
	v24 =	vand.u32 v21, v24  }
0xa4: {  	v18 =	vand.u32 v18, v20;
	v22 =	vand.u32 v22, v21;
	v23 =	vor.u32 v26, v23  }
0xa5: {  	v16 =	vand.u32 v16, v20;
	v24 =	vor.u32 v24, v25;
	v25 =	vperm.xlane v23, v7  }
0xa6: {  	v27 =	vand.u32 v27, v21;
	v18 =	vor.u32 v22, v18;
	v22 =	vperm.xlane v24, v7  }
0xa7: {  	v26 =	vperm.xlane v17, v6;
	v17 =	vand.u32 v17, v20;
	v49 =	vxor.u32 v25, v23  }
0xa8: {  	v16 =	vor.u32 v27, v16;
	v20 =	vsub.s32 v22, v24;
	vm3 =	vlt.s32 v49, $0x1  }
0xa9: {  	v50 =	vsub.s32 v23, v25;
	v20 =	vshrl.u32 v20, $0x1F;
	v28 =	vnsel vm3, $0x1, v49  }
0xaa: {  	v21 =	vand.u32 v21, v26;
	v26 =	vshrl.u32 v50, $0x1F;
	v20 =	vandn.u32 v20, v28  }
0xab: {  	v27 =	vperm.xlane v16, v7;
	v20 =	vor.u32 v26, v20  }
0xac: {  	v17 =	vor.u32 v21, v17;
	v26 =	vsub.s32 $0x0, v20;
	v20 =	vadd.s32 $0xFFFFFFFF, v20  }
0xad: {  	v21 =	vperm.xlane v18, v7;
	v23 =	vand.u32 v23, v20;
	v25 =	vand.u32 v25, v26  }
0xae: {  	v24 =	vand.u32 v24, v20;
	v22 =	vand.u32 v26, v22;
	v18 =	vand.u32 v18, v20  }
0xaf: {  	v21 =	vand.u32 v21, v26;
	v16 =	vand.u32 v16, v20;
	v23 =	vor.u32 v25, v23  }
0xb0: {  	v27 =	vand.u32 v27, v26;
	v22 =	vor.u32 v22, v24;
	v24 =	vperm.xlane v23, v10  }
0xb1: {  	v25 =	vperm.xlane v17, v7;
	v18 =	vor.u32 v21, v18;
	v51 =	vperm.xlane v22, v10  }
0xb2: {  	v16 =	vor.u32 v27, v16;
	v17 =	vand.u32 v17, v20;
	v21 =	vxor.u32 v24, v23  }
0xb3: {  	v20 =	vand.u32 v25, v26;
	v52 =	vsub.s32 v51, v22;
	vm3 =	vlt.s32 v21, $0x1  }
0xb4: {  	v53 =	vsub.s32 v23, v24;
	v29 =	vshrl.u32 v52, $0x1F;
	v21 =	vnsel vm3, $0x1, v21  }
0xb5: {  	v26 =	vperm.xlane v16, v10;
	v27 =	vshrl.u32 v53, $0x1F;
	v21 =	vandn.u32 v29, v21  }
0xb6: {  	v17 =	vor.u32 v20, v17;
	v20 =	vperm.xlane v18, v10;
	v21 =	vor.u32 v27, v21  }
0xb7: {  	v54 =	vperm.xlane v17, v10;
	v25 =	vadd.s32 $0xFFFFFFFF, v21;
	v21 =	vsub.s32 $0x0, v21  }
0xb8: {  	v23 =	vand.u32 v23, v25;
	v24 =	vand.u32 v24, v21;
	v22 =	vand.u32 v22, v25  }
0xb9: {  	v27 =	vand.u32 v21, v51;
	v18 =	vand.u32 v18, v25;
	v23 =	vor.u32 v24, v23  }
0xba: {  	v20 =	vand.u32 v20, v21;
	v22 =	vor.u32 v27, v22;
	v24 =	vperm.xlane v23, v8  }
0xbb: {  	v16 =	vand.u32 v16, v25;
	v26 =	vand.u32 v26, v21;
	v27 =	vperm.xlane v22, v8  }
0xbc: {  	v17 =	vand.u32 v17, v25;
	v18 =	vor.u32 v20, v18;
	v20 =	vxor.u32 v24, v23  }
0xbd: {  	v16 =	vor.u32 v26, v16;
	v25 =	vsub.s32 v27, v22;
	vm3 =	vlt.s32 v20, $0x1  }
0xbe: {  	v26 =	vsub.s32 v23, v24;
	v25 =	vshrl.u32 v25, $0x1F;
	v20 =	vnsel vm3, $0x1, v20  }
0xbf: {  	v21 =	vand.u32 v54, v21;
	v26 =	vshrl.u32 v26, $0x1F;
	v20 =	vandn.u32 v25, v20  }
0xc0: {  	v17 =	vor.u32 v21, v17;
	v21 =	vperm.xlane v18, v8;
	v20 =	vor.u32 v26, v20  }
0xc1: {  	v55 =	vperm.xlane v17, v8;
	v26 =	vsub.s32 $0x0, v20;
	v20 =	vadd.s32 $0xFFFFFFFF, v20  }
0xc2: {  	v25 =	vperm.xlane v16, v8;
	v23 =	vand.u32 v23, v20;
	v24 =	vand.u32 v24, v26  }
0xc3: {  	[tilespmem:s0+$0x280] =	vst v19;
	v18 =	vand.u32 v18, v20;
	v21 =	vand.u32 v21, v26;
	v19 =	vor.u32 v24, v23  }
0xc4: {  	v22 =	vand.u32 v22, v20;
	v23 =	vand.u32 v26, v27;
	v18 =	vor.u32 v21, v18;
	[tilespmem:$0x7290] =	vst v19  }
0xc5: {  	v16 =	vand.u32 v16, v20;
	v22 =	vor.u32 v23, v22;
	v19 =	vand.u32 v25, v26;
	[tilespmem:$0x72B0] =	vst v18  }
0xc6: {  	v17 =	vand.u32 v17, v20;
	[tilespmem:$0x72A0] =	vst v22;
	v16 =	vor.u32 v19, v16;
	v19 =	vand.u32 v55, v26  }
0xc7: {  	v17 =	vor.u32 v19, v17;
	[tilespmem:$0x72C0] =	vst v16  }
0xc8: {  	[tilespmem:$0x72D0] =	vst v17  }
0xc9: {  	[spmem:s4] =	stream.linear.scatter [tilespmem:s21], [sflag:$0x3], $0x80, $0x38;
	[tilespmem:$0x1A330] =	vst v63  }
0xca: {  	_ =	swait.ge [sflag:s18], $0x80  }
0xcb: {  	[sflag:s18] =	ssyncset.done $0x0  }
0xcc: {  	[sflag:s18] =	ssyncadd.s32 $0xFFFFFF80  }
0xcd: {  	[bflag:$0x0] =	sbarrier.arrive $0xFFFF  }
0xce: {  	[tilespmem:s1], [sflag:$0x3] =	stream.linear.gather [spmem:s5], $0x200, $0x38;
	[tilespmem:$0x1A330] =	vst v63  }
0xcf: {  	_ =	swait.ge [sflag:s18], $0x200  }
0xd0: {  	[sflag:s18] =	ssyncset.done $0x0  }
0xd1: {  	[sflag:s18] =	ssyncadd.s32 $0xFFFFFE00  }
0xd2: {  	[bflag:$0x0] =	sbarrier.arrive $0xFFFF  }
0xd3: {  	v16 =	vld [tilespmem:$0x0]  }
0xd4: {  	v17 =	vld [tilespmem:$0x10]  }
0xd5: {  	v18 =	vld [tilespmem:$0x80]  }
0xd6: {  	v19 =	vld [tilespmem:$0x90];
	_ =	sdelay $0x3  }
0xd7: {  	v20 =	vxor.u32 v16, v18  }
0xd8: {  	v21 =	vld [tilespmem:$0x20];
	v22 =	vsub.s32 v19, v17;
	vm3 =	vlt.s32 v20, $0x1  }
0xd9: {  	v23 =	vld [tilespmem:$0x30];
	v24 =	vsub.s32 v16, v18;
	v22 =	vshrl.u32 v22, $0x1F;
	v20 =	vnsel vm3, $0x1, v20  }
0xda: {  	v24 =	vshrl.u32 v24, $0x1F;
	v20 =	vandn.u32 v22, v20;
	v22 =	vld [tilespmem:$0xA0]  }
0xdb: {  	v20 =	vor.u32 v24, v20;
	v24 =	vld [tilespmem:$0x100]  }
0xdc: {  	v26 =	vld [tilespmem:$0x110];
	v25 =	vsub.s32 $0x0, v20;
	v20 =	vadd.s32 $0xFFFFFFFF, v20  }
0xdd: {  	v16 =	vand.u32 v16, v20;
	v18 =	vand.u32 v25, v18  }
0xde: {  	v17 =	vand.u32 v17, v20;
	v16 =	vor.u32 v18, v16;
	v18 =	vld [tilespmem:$0xB0]  }
0xdf: {  	v27 =	vld [tilespmem:$0x40];
	v19 =	vand.u32 v25, v19;
	v21 =	vand.u32 v21, v20;
	v22 =	vand.u32 v25, v22  }
0xe0: {  	v17 =	vor.u32 v19, v17;
	v19 =	vor.u32 v22, v21;
	v21 =	vld [tilespmem:$0xC0];
	v22 =	vxor.u32 v24, v16  }
0xe1: {  	v23 =	vand.u32 v23, v20;
	v56 =	vsub.s32 v26, v17;
	vm3 =	vlt.s32 v22, $0x1  }
0xe2: {  	v58 =	vld [tilespmem:$0x120];
	v57 =	vsub.s32 v16, v24;
	v28 =	vshrl.u32 v56, $0x1F;
	v22 =	vnsel vm3, $0x1, v22  }
0xe3: {  	v59 =	vld [tilespmem:$0x180];
	v29 =	vshrl.u32 v57, $0x1F;
	v18 =	vand.u32 v25, v18;
	v22 =	vandn.u32 v28, v22  }
0xe4: {  	v20 =	vand.u32 v27, v20;
	v18 =	vor.u32 v18, v23;
	v22 =	vor.u32 v29, v22;
	v23 =	vld [tilespmem:$0x190]  }
0xe5: {  	v21 =	vand.u32 v25, v21;
	v25 =	vsub.s32 $0x0, v22;
	v22 =	vadd.s32 $0xFFFFFFFF, v22  }
0xe6: {  	v20 =	vor.u32 v21, v20;
	v16 =	vand.u32 v16, v22;
	v21 =	vand.u32 v25, v24  }
0xe7: {  	v17 =	vand.u32 v17, v22;
	v24 =	vld [tilespmem:$0x130];
	v16 =	vor.u32 v21, v16;
	v21 =	vand.u32 v25, v26  }
0xe8: {  	v19 =	vand.u32 v19, v22;
	v17 =	vor.u32 v21, v17;
	v21 =	vxor.u32 v59, v16  }
0xe9: {  	v27 =	vld [tilespmem:$0x140];
	v26 =	vand.u32 v25, v58;
	vm3 =	vlt.s32 v21, $0x1;
	v60 =	vsub.s32 v23, v17  }
0xea: {  	v62 =	vld [tilespmem:$0x1A0];
	v16 =	vsub.s32 v16, v59;
	v21 =	vnsel vm3, $0x1, v21;
	v61 =	vshrl.u32 v60, $0x1F  }
0xeb: {  	v19 =	vor.u32 v26, v19;
	v26 =	vld [tilespmem:$0x1B0];
	v16 =	vshrl.u32 v16, $0x1F;
	v21 =	vandn.u32 v61, v21  }
0xec: {  	s11 =	sadd.s32 $0x1, s11;
	v18 =	vand.u32 v18, v22;
	v24 =	vand.u32 v25, v24;
	v16 =	vor.u32 v16, v21;
	v21 =	vld [tilespmem:$0x1C0]  }
0xed: {  	p0 =	sne.s32 s11, $0x800;
	v20 =	vand.u32 v20, v22;
	v18 =	vor.u32 v24, v18;
	v63 =	vadd.s32 $0xFFFFFFFF, v16  }
.Ltmp2:
0xee: {  	v22 =	vsub.s32 $0x0, v16;
	v16 =	vand.u32 v25, v27;
	v17 =	vand.u32 v17, v63;
	(pc) =	sbr.rel @p0 .LBB2_4-.Ltmp2, $4  }
0xef: {  	v23 =	vand.u32 v22, v23;
	v20 =	vor.u32 v16, v20;
	v18 =	vand.u32 v18, v63  }
0xf0: {  	v24 =	vand.u32 v22, v26;
	v16 =	vor.u32 v23, v17;
	v17 =	vand.u32 v19, v63  }
0xf1: {  	v19 =	vand.u32 v22, v62;
	v20 =	vand.u32 v20, v63;
	v21 =	vand.u32 v22, v21  }
0xf2: {  	v24 =	vor.u32 v24, v18;
	v23 =	vor.u32 v19, v17;
	v25 =	vor.u32 v21, v20  }
0xf3: {  	s0 =	rddreg [dreg:$0xa]  }
0xf4: {  	[spmem:s0] =	stream.linear.scatter [tilespmem:s23], [sflag:$0x3], $0x800, $0x38;
	[tilespmem:$0x1A330] =	vst v63  }
0xf5: {  	_ =	swait.ge [sflag:s18], $0x800  }
0xf6: {  	[sflag:s18] =	ssyncset.done $0x0  }
0xf7: {  	[sflag:s18] =	ssyncadd.s32 $0xFFFFF800  }
0xf8: {  	[bflag:$0x0] =	sbarrier.arrive $0xFFFF  }
0xf9: {  	s2 =	simm.s32 $0x1290;
	s12 =	rddreg [dreg:$0xb]  }
0xfa: {  	[tilespmem:s2], [sflag:$0x3] =	stream.linear.gather [spmem:s12], $0x2000, $0x38;
	[tilespmem:$0x1A330] =	vst v63  }
0xfb: {  	_ =	swait.ge [sflag:s18], $0x2000  }
0xfc: {  	[sflag:s18] =	ssyncset.done $0x0  }
0xfd: {  	s22 =	rddreg [dreg:$0x11];
	[sflag:s18] =	ssyncadd.s32 $0xFFFFE000  }
0xfe: {  	[tilespmem:s26], [sflag:$0x3] =	stream.linear.gather [spmem:s22], $0x6000, $0x38;
	[tilespmem:$0x1A330] =	vst v63  }
0xff: {  	_ =	swait.ge [sflag:s18], $0x6000  }
0x100: {  	[sflag:s18] =	ssyncset.done $0x0  }
0x101: {  	[sflag:s18] =	ssyncadd.s32 $0xFFFFA000  }
0x102: {  	v17 =	vld [tilespmem:s2+$0x0]  }
0x103: {  	v16 =	vimm.s32 $0x0;
	s6 =	simm.s32 $0x10;
	s0 =	simm.s32 $0x0  }
.LBB2_8:
0x104: {  	p0 =	sne.s32 s6, $0x1FF0;
	_ =	sdelay $0x2  }
0x105: {  	v19 =	vperm.xlane v17, v9  }
0x106: {  	v18 =	vsel vm0, $0x0, v13  }
0x107: {  	v19 =	vand.u32 v18, v19  }
0x108: {  	v20 =	vadd.s32 v17, v19  }
0x109: {  	v21 =	vperm.xlane v20, v11  }
0x10a: {  	v19 =	vsel vm1, $0x0, v13  }
0x10b: {  	v21 =	vand.u32 v19, v21  }
0x10c: {  	v21 =	vadd.s32 v21, v20  }
0x10d: {  	v22 =	vperm.xlane v21, v12  }
0x10e: {  	v20 =	vsel vm2, $0x0, v13  }
0x10f: {  	v22 =	vand.u32 v20, v22  }
0x110: {  	v22 =	vadd.s32 v22, v21;
	v21 =	vshrl.u32 v0, $0x3  }
0x111: {  	v23 =	vperm.xlane v22, v14;
	v21 =	vmul.u32 $0xFFFFFFFF, v21;
	_ =	sdelay $0x1  }
0x112: {  	v23 =	vand.u32 v21, v23  }
0x113: {  	v22 =	vadd.s32 v23, v22  }
0x114: {  	v23 =	vadd.s32 v22, v16;
	v22 =	vperm.xlane v22, v15  }
0x115: {  	v24 =	vsub.s32 $0x0, v17;
	v17 =	vadd.s32 $0xFFFFFFFF, v17;
	v23 =	vadd.s32 $0xFFFFFFFF, v23  }
0x116: {  	v17 =	vand.u32 $0x800, v17;
	v23 =	vand.u32 v24, v23;
	v16 =	vadd.s32 v16, v22  }
0x117: {  	v17 =	vor.u32 v17, v23;
	_ =	sdelay $0x3  }
.Ltmp3:
0x118: {  	v22 =	vor.u32 s0, v0;
	(pc) =	sbr.rel @p0 .LBB2_8-.Ltmp3, $4  }
0x119: {  	[tilespmem:v17+s17+$0x0] =	vst.idx.msk $0xffff, v22;
	v22 =	vor.u32 s0, v2;
	s0 =	smov.u32 s6  }
0x11a: {  	s2 =	sadd.s32 $0x10, s2;
	[tilespmem:v17+s28+$0x0] =	vst.idx.msk $0xffff, v22  }
0x11b: {  	v17 =	vld [tilespmem:s2+$0x0]  }
0x11c: {  	s6 =	sadd.s32 $0x10, s6  }
0x11d: {  	_ =	sdelay $0x2  }
0x11e: {  	v22 =	vperm.xlane v17, v9;
	_ =	sdelay $0x1  }
0x11f: {  	v18 =	vand.u32 v18, v22  }
0x120: {  	v18 =	vadd.s32 v17, v18  }
0x121: {  	v22 =	vperm.xlane v18, v11;
	_ =	sdelay $0x1  }
0x122: {  	v19 =	vand.u32 v19, v22  }
0x123: {  	v18 =	vadd.s32 v19, v18  }
0x124: {  	v19 =	vperm.xlane v18, v12;
	_ =	sdelay $0x1  }
0x125: {  	v19 =	vand.u32 v20, v19  }
0x126: {  	v18 =	vadd.s32 v19, v18  }
0x127: {  	v19 =	vperm.xlane v18, v14;
	_ =	sdelay $0x1  }
0x128: {  	v19 =	vand.u32 v21, v19  }
0x129: {  	v18 =	vadd.s32 v19, v18  }
0x12a: {  	v16 =	vadd.s32 v18, v16  }
0x12b: {  	v18 =	vsub.s32 $0x0, v17;
	v17 =	vadd.s32 $0xFFFFFFFF, v17;
	v16 =	vadd.s32 $0xFFFFFFFF, v16  }
0x12c: {  	v17 =	vand.u32 $0x800, v17;
	v16 =	vand.u32 v18, v16  }
0x12d: {  	v16 =	vor.u32 v17, v16;
	_ =	sdelay $0x3  }
0x12e: {  	s8 =	sld [smem:$0x7FD];
	v17 =	vor.u32 s0, v0  }
0x12f: {  	[tilespmem:v16+s17+$0x0] =	vst.idx.msk $0xffff, v17;
	v17 =	vor.u32 s0, v2  }
0x130: {  	[tilespmem:v16+s28+$0x0] =	vst.idx.msk $0xffff, v17  }
0x131: {  	[tilespmem:s29], [sflag:$0x1] =	stream.indirect.gather [hbm4b:s25+s19], $0x80, s8, s19, $0xb8;
	[tilespmem:$0x1A330] =	vst v63  }
0x132: {  	s11 =	rddreg [dreg:$0xc]  }
0x133: {  	[tilespmem:s9], [sflag:$0x2] =	stream.indirect.gather [hbm4b:s7+s19], $0x80, s8, s19, $0xb8;
	[tilespmem:$0x1A330] =	vst v63  }
0x134: {  	v16 =	vld [tilespmem:s11+$0x11710];
	_ =	sdelay $0x4  }
0x135: {  	v17 =	vshll.u32 v16, $0x1  }
0x136: {  	v18 =	vand.u32 $0xFFFFF800, v16;
	v17 =	vand.u32 $0xFFFFF000, v17  }
0x137: {  	v19 =	vand.u32 $0x7F8, v16;
	v17 =	vadd.s32 v18, v17  }
0x138: {  	v16 =	vand.u32 $0x7, v16;
	v17 =	vor.u32 v19, v17  }
0x139: {  	v16 =	vor.u32 v16, v17  }
0x13a: {  	v17 =	vadd.s32 $0x800, v16  }
0x13b: {  	v18 =	vadd.s32 $0x1000, v16;
	_ =	sdelay $0x1  }
0x13c: {  	v31 =	vmul.u32 $0x8, v0  }
0x13d: {  	v16 =	vld.idx.msk [tilespmem:v16+s26+$0x0], $0xffff  }
0x13e: {  	v19 =	vor.u32 $0x1, v31;
	v17 =	vld.idx.msk [tilespmem:v17+s26+$0x0], $0xffff  }
0x13f: {  	v34 =	vmul.u32 $0x88, v0;
	v20 =	vor.u32 $0x2, v31;
	v18 =	vld.idx.msk [tilespmem:v18+s26+$0x0], $0xffff;
	_ =	sdelay $0x1  }
0x140: {  	v21 =	vor.u32 $0x1, v34  }
0x141: {  	v22 =	vor.u32 $0x2, v34;
	[tilespmem:v31+s20+$0x0] =	vst.idx.msk $0xffff, v16  }
0x142: {  	[tilespmem:v19+s20+$0x0] =	vst.idx.msk $0xffff, v17  }
0x143: {  	[tilespmem:v20+s20+$0x0] =	vst.idx.msk $0xffff, v18  }
0x144: {  	[tilespmem:v34+s30+$0x0] =	vst.idx.msk $0xffff, v16  }
0x145: {  	[tilespmem:v21+s30+$0x0] =	vst.idx.msk $0xffff, v17  }
0x146: {  	[tilespmem:v22+s30+$0x0] =	vst.idx.msk $0xffff, v18  }
0x147: {  	v16 =	vld [tilespmem:s13+$0x11720];
	_ =	sdelay $0x4  }
0x148: {  	v17 =	vshll.u32 v16, $0x1  }
0x149: {  	v18 =	vand.u32 $0xFFFFF800, v16;
	v17 =	vand.u32 $0xFFFFF000, v17  }
0x14a: {  	[tilespmem:$0x1FEB0] =	vst v19;
	v19 =	vand.u32 $0x7F8, v16;
	v17 =	vadd.s32 v18, v17  }
0x14b: {  	v16 =	vand.u32 $0x7, v16;
	v17 =	vor.u32 v19, v17  }
0x14c: {  	v16 =	vor.u32 v16, v17  }
0x14d: {  	v17 =	vadd.s32 $0x800, v16  }
0x14e: {  	v18 =	vadd.s32 $0x1000, v16;
	_ =	sdelay $0x2  }
0x14f: {  	v19 =	vor.u32 $0x80, v31;
	v16 =	vld.idx.msk [tilespmem:v16+s26+$0x0], $0xffff  }
0x150: {  	[tilespmem:$0x1FEC0] =	vst v20;
	v20 =	vor.u32 $0x81, v31;
	v17 =	vld.idx.msk [tilespmem:v17+s26+$0x0], $0xffff  }
0x151: {  	[tilespmem:$0x1FED0] =	vst v21;
	v21 =	vor.u32 $0x82, v31;
	v18 =	vld.idx.msk [tilespmem:v18+s26+$0x0], $0xffff  }
0x152: {  	[tilespmem:$0x1FEE0] =	vst v22;
	v22 =	vadd.s32 $0x880, v34  }
0x153: {  	v23 =	vadd.s32 $0x881, v34;
	[tilespmem:$0x1FEF0] =	vst v19  }
0x154: {  	[tilespmem:v19+s20+$0x0] =	vst.idx.msk $0xffff, v16;
	v19 =	vadd.s32 $0x882, v34  }
0x155: {  	[tilespmem:v20+s20+$0x0] =	vst.idx.msk $0xffff, v17  }
0x156: {  	[tilespmem:v21+s20+$0x0] =	vst.idx.msk $0xffff, v18  }
0x157: {  	[tilespmem:v22+s30+$0x0] =	vst.idx.msk $0xffff, v16  }
0x158: {  	[tilespmem:v23+s30+$0x0] =	vst.idx.msk $0xffff, v17  }
0x159: {  	[tilespmem:v19+s30+$0x0] =	vst.idx.msk $0xffff, v18  }
0x15a: {  	v16 =	vld [tilespmem:s13+$0x11730];
	_ =	sdelay $0x4  }
0x15b: {  	v17 =	vshll.u32 v16, $0x1  }
0x15c: {  	v18 =	vand.u32 $0xFFFFF800, v16;
	v17 =	vand.u32 $0xFFFFF000, v17  }
0x15d: {  	[tilespmem:$0x1FF40] =	vst v19;
	v19 =	vand.u32 $0x7F8, v16;
	v17 =	vadd.s32 v18, v17  }
0x15e: {  	v16 =	vand.u32 $0x7, v16;
	v17 =	vor.u32 v19, v17  }
0x15f: {  	v16 =	vor.u32 v16, v17  }
0x160: {  	v17 =	vadd.s32 $0x800, v16  }
0x161: {  	v18 =	vadd.s32 $0x1000, v16;
	_ =	sdelay $0x2  }
0x162: {  	[tilespmem:$0x1FF30] =	vst v23;
	v19 =	vor.u32 $0x100, v31;
	v16 =	vld.idx.msk [tilespmem:v16+s26+$0x0], $0xffff  }
0x163: {  	[tilespmem:$0x1FF00] =	vst v20;
	v20 =	vor.u32 $0x101, v31;
	v17 =	vld.idx.msk [tilespmem:v17+s26+$0x0], $0xffff  }
0x164: {  	[tilespmem:$0x1FF10] =	vst v21;
	v21 =	vor.u32 $0x102, v31;
	v18 =	vld.idx.msk [tilespmem:v18+s26+$0x0], $0xffff  }
0x165: {  	[tilespmem:$0x1FF20] =	vst v22;
	v22 =	vadd.s32 $0x1100, v34  }
0x166: {  	v23 =	vadd.s32 $0x1101, v34;
	[tilespmem:$0x1FF50] =	vst v19  }
0x167: {  	[tilespmem:v19+s20+$0x0] =	vst.idx.msk $0xffff, v16;
	v19 =	vadd.s32 $0x1102, v34  }
0x168: {  	[tilespmem:v20+s20+$0x0] =	vst.idx.msk $0xffff, v17  }
0x169: {  	[tilespmem:v21+s20+$0x0] =	vst.idx.msk $0xffff, v18  }
0x16a: {  	[tilespmem:v22+s30+$0x0] =	vst.idx.msk $0xffff, v16  }
0x16b: {  	[tilespmem:v23+s30+$0x0] =	vst.idx.msk $0xffff, v17  }
0x16c: {  	[tilespmem:v19+s30+$0x0] =	vst.idx.msk $0xffff, v18  }
0x16d: {  	v16 =	vld [tilespmem:s13+$0x11740];
	_ =	sdelay $0x4  }
0x16e: {  	v17 =	vshll.u32 v16, $0x1  }
0x16f: {  	v18 =	vand.u32 $0xFFFFF800, v16;
	v17 =	vand.u32 $0xFFFFF000, v17  }
0x170: {  	[tilespmem:$0x1FFA0] =	vst v19;
	v19 =	vand.u32 $0x7F8, v16;
	v17 =	vadd.s32 v18, v17  }
0x171: {  	v16 =	vand.u32 $0x7, v16;
	v17 =	vor.u32 v19, v17  }
0x172: {  	v16 =	vor.u32 v16, v17  }
0x173: {  	v17 =	vadd.s32 $0x800, v16  }
0x174: {  	v18 =	vadd.s32 $0x1000, v16;
	_ =	sdelay $0x2  }
0x175: {  	v19 =	vor.u32 $0x180, v31;
	v16 =	vld.idx.msk [tilespmem:v16+s26+$0x0], $0xffff  }
0x176: {  	[tilespmem:$0x1FF60] =	vst v20;
	v20 =	vor.u32 $0x181, v31;
	v17 =	vld.idx.msk [tilespmem:v17+s26+$0x0], $0xffff  }
0x177: {  	[tilespmem:$0x1FF70] =	vst v21;
	v21 =	vor.u32 $0x182, v31;
	v18 =	vld.idx.msk [tilespmem:v18+s26+$0x0], $0xffff  }
0x178: {  	[tilespmem:$0x1FF80] =	vst v22;
	v22 =	vadd.s32 $0x1980, v34  }
0x179: {  	[tilespmem:$0x1FF90] =	vst v23;
	v23 =	vadd.s32 $0x1981, v34  }
0x17a: {  	v54 =	vadd.s32 $0x1982, v34;
	[tilespmem:v19+s20+$0x0] =	vst.idx.msk $0xffff, v16  }
0x17b: {  	[tilespmem:v20+s20+$0x0] =	vst.idx.msk $0xffff, v17  }
0x17c: {  	[tilespmem:v21+s20+$0x0] =	vst.idx.msk $0xffff, v18  }
0x17d: {  	[tilespmem:v22+s30+$0x0] =	vst.idx.msk $0xffff, v16  }
0x17e: {  	[tilespmem:v23+s30+$0x0] =	vst.idx.msk $0xffff, v17  }
0x17f: {  	[tilespmem:v54+s30+$0x0] =	vst.idx.msk $0xffff, v18  }
0x180: {  	v16 =	vld [tilespmem:s13+$0x11750];
	_ =	sdelay $0x4  }
0x181: {  	v17 =	vshll.u32 v16, $0x1  }
0x182: {  	v18 =	vand.u32 $0xFFFFF800, v16;
	v17 =	vand.u32 $0xFFFFF000, v17  }
0x183: {  	[tilespmem:$0x1FFB0] =	vst v19;
	v19 =	vand.u32 $0x7F8, v16;
	v17 =	vadd.s32 v18, v17  }
0x184: {  	v16 =	vand.u32 $0x7, v16;
	v17 =	vor.u32 v19, v17  }
0x185: {  	v16 =	vor.u32 v16, v17  }
0x186: {  	v17 =	vadd.s32 $0x800, v16  }
0x187: {  	v18 =	vadd.s32 $0x1000, v16;
	_ =	sdelay $0x2  }
0x188: {  	v55 =	vor.u32 $0x200, v31;
	v16 =	vld.idx.msk [tilespmem:v16+s26+$0x0], $0xffff  }
0x189: {  	v56 =	vor.u32 $0x201, v31;
	v17 =	vld.idx.msk [tilespmem:v17+s26+$0x0], $0xffff  }
0x18a: {  	v57 =	vor.u32 $0x202, v31;
	v18 =	vld.idx.msk [tilespmem:v18+s26+$0x0], $0xffff  }
0x18b: {  	v58 =	vadd.s32 $0x2200, v34  }
0x18c: {  	v59 =	vadd.s32 $0x2201, v34  }
0x18d: {  	v60 =	vadd.s32 $0x2202, v34;
	[tilespmem:v55+s20+$0x0] =	vst.idx.msk $0xffff, v16  }
0x18e: {  	[tilespmem:v56+s20+$0x0] =	vst.idx.msk $0xffff, v17  }
0x18f: {  	[tilespmem:v57+s20+$0x0] =	vst.idx.msk $0xffff, v18  }
0x190: {  	[tilespmem:v58+s30+$0x0] =	vst.idx.msk $0xffff, v16  }
0x191: {  	[tilespmem:v59+s30+$0x0] =	vst.idx.msk $0xffff, v17  }
0x192: {  	[tilespmem:v60+s30+$0x0] =	vst.idx.msk $0xffff, v18  }
0x193: {  	v16 =	vld [tilespmem:s13+$0x11760];
	_ =	sdelay $0x4  }
0x194: {  	v17 =	vshll.u32 v16, $0x1  }
0x195: {  	v18 =	vand.u32 $0xFFFFF800, v16;
	v17 =	vand.u32 $0xFFFFF000, v17  }
0x196: {  	v19 =	vand.u32 $0x7F8, v16;
	v17 =	vadd.s32 v18, v17  }
0x197: {  	v16 =	vand.u32 $0x7, v16;
	v17 =	vor.u32 v19, v17  }
0x198: {  	v16 =	vor.u32 v16, v17  }
0x199: {  	v17 =	vadd.s32 $0x800, v16  }
0x19a: {  	v18 =	vadd.s32 $0x1000, v16;
	_ =	sdelay $0x2  }
0x19b: {  	v61 =	vor.u32 $0x280, v31;
	v16 =	vld.idx.msk [tilespmem:v16+s26+$0x0], $0xffff  }
0x19c: {  	v62 =	vor.u32 $0x281, v31;
	v17 =	vld.idx.msk [tilespmem:v17+s26+$0x0], $0xffff  }
0x19d: {  	v63 =	vor.u32 $0x282, v31;
	v18 =	vld.idx.msk [tilespmem:v18+s26+$0x0], $0xffff  }
0x19e: {  	v32 =	vadd.s32 $0x2A80, v34  }
0x19f: {  	v33 =	vadd.s32 $0x2A81, v34  }
0x1a0: {  	v35 =	vadd.s32 $0x2A82, v34;
	[tilespmem:v61+s20+$0x0] =	vst.idx.msk $0xffff, v16  }
0x1a1: {  	[tilespmem:v62+s20+$0x0] =	vst.idx.msk $0xffff, v17  }
0x1a2: {  	[tilespmem:v63+s20+$0x0] =	vst.idx.msk $0xffff, v18  }
0x1a3: {  	[tilespmem:v32+s30+$0x0] =	vst.idx.msk $0xffff, v16  }
0x1a4: {  	[tilespmem:v33+s30+$0x0] =	vst.idx.msk $0xffff, v17  }
0x1a5: {  	[tilespmem:v35+s30+$0x0] =	vst.idx.msk $0xffff, v18  }
0x1a6: {  	v16 =	vld [tilespmem:s13+$0x11770];
	_ =	sdelay $0x4  }
0x1a7: {  	v17 =	vshll.u32 v16, $0x1  }
0x1a8: {  	v18 =	vand.u32 $0xFFFFF800, v16;
	v17 =	vand.u32 $0xFFFFF000, v17  }
0x1a9: {  	v19 =	vand.u32 $0x7F8, v16;
	v17 =	vadd.s32 v18, v17  }
0x1aa: {  	v16 =	vand.u32 $0x7, v16;
	v17 =	vor.u32 v19, v17  }
0x1ab: {  	v16 =	vor.u32 v16, v17  }
0x1ac: {  	v17 =	vadd.s32 $0x800, v16  }
0x1ad: {  	v18 =	vadd.s32 $0x1000, v16;
	_ =	sdelay $0x2  }
0x1ae: {  	v36 =	vor.u32 $0x300, v31;
	v16 =	vld.idx.msk [tilespmem:v16+s26+$0x0], $0xffff  }
0x1af: {  	v37 =	vor.u32 $0x301, v31;
	v17 =	vld.idx.msk [tilespmem:v17+s26+$0x0], $0xffff  }
0x1b0: {  	v38 =	vor.u32 $0x302, v31;
	v18 =	vld.idx.msk [tilespmem:v18+s26+$0x0], $0xffff  }
0x1b1: {  	v39 =	vadd.s32 $0x3300, v34  }
0x1b2: {  	v40 =	vadd.s32 $0x3301, v34  }
0x1b3: {  	v41 =	vadd.s32 $0x3302, v34;
	[tilespmem:v36+s20+$0x0] =	vst.idx.msk $0xffff, v16  }
0x1b4: {  	[tilespmem:v37+s20+$0x0] =	vst.idx.msk $0xffff, v17  }
0x1b5: {  	[tilespmem:v38+s20+$0x0] =	vst.idx.msk $0xffff, v18  }
0x1b6: {  	[tilespmem:v39+s30+$0x0] =	vst.idx.msk $0xffff, v16  }
0x1b7: {  	[tilespmem:v40+s30+$0x0] =	vst.idx.msk $0xffff, v17  }
0x1b8: {  	[tilespmem:v41+s30+$0x0] =	vst.idx.msk $0xffff, v18  }
0x1b9: {  	v16 =	vld [tilespmem:s13+$0x11780];
	_ =	sdelay $0x4  }
0x1ba: {  	v17 =	vshll.u32 v16, $0x1  }
0x1bb: {  	v18 =	vand.u32 $0xFFFFF800, v16;
	v17 =	vand.u32 $0xFFFFF000, v17  }
0x1bc: {  	v19 =	vand.u32 $0x7F8, v16;
	v17 =	vadd.s32 v18, v17  }
0x1bd: {  	v16 =	vand.u32 $0x7, v16;
	v17 =	vor.u32 v19, v17  }
0x1be: {  	v16 =	vor.u32 v16, v17  }
0x1bf: {  	v17 =	vadd.s32 $0x800, v16  }
0x1c0: {  	v18 =	vadd.s32 $0x1000, v16;
	_ =	sdelay $0x2  }
0x1c1: {  	v42 =	vor.u32 $0x380, v31;
	v16 =	vld.idx.msk [tilespmem:v16+s26+$0x0], $0xffff  }
0x1c2: {  	v45 =	vor.u32 $0x381, v31;
	[tilespmem:$0x1FFC0] =	vst v20;
	v17 =	vld.idx.msk [tilespmem:v17+s26+$0x0], $0xffff  }
0x1c3: {  	v47 =	vor.u32 $0x382, v31;
	[tilespmem:$0x1FFD0] =	vst v21;
	v18 =	vld.idx.msk [tilespmem:v18+s26+$0x0], $0xffff  }
0x1c4: {  	v46 =	vadd.s32 $0x3B80, v34;
	[tilespmem:$0x1FFE0] =	vst v22  }
0x1c5: {  	v43 =	vadd.s32 $0x3B81, v34;
	[tilespmem:$0x1FFF0] =	vst v23  }
0x1c6: {  	v44 =	vadd.s32 $0x3B82, v34;
	[tilespmem:v42+s20+$0x0] =	vst.idx.msk $0xffff, v16  }
0x1c7: {  	s12 =	simm.s32 $0x0;
	[tilespmem:v45+s20+$0x0] =	vst.idx.msk $0xffff, v17  }
0x1c8: {  	v19 =	vmov s12;
	[tilespmem:v47+s20+$0x0] =	vst.idx.msk $0xffff, v18  }
0x1c9: {  	v30 =	vshll.u32 v19, $0x7;
	[tilespmem:v46+s30+$0x0] =	vst.idx.msk $0xffff, v16  }
0x1ca: {  	[tilespmem:v43+s30+$0x0] =	vst.idx.msk $0xffff, v17;
	v17 =	vor.u32 v0, v30  }
0x1cb: {  	[tilespmem:v44+s30+$0x0] =	vst.idx.msk $0xffff, v18  }
0x1cc: {  	_ =	swait.ge [sflag:s10], $0x4000  }
0x1cd: {  	v48 =	vmul.u32 $0x88, v19;
	[sflag:s10] =	ssyncset.done $0x0  }
0x1ce: {  	v16 =	vadd.s32 $0x3, v0;
	[sflag:s10] =	ssyncadd.s32 $0xFFFFC000  }
0x1cf: {  	v19 =	vadd.s32 v16, v48;
	v18 =	vld.idx.msk [tilespmem:v17+s29+$0x0], $0xffff;
	v17 =	vor.u32 $0x10, v0  }
0x1d0: {  	v20 =	vor.u32 v17, v30;
	_ =	sdelay $0x3  }
0x1d1: {  	[tilespmem:v19+s30+$0x0] =	vst.idx.msk $0xffff, v18;
	v18 =	vadd.s32 $0x13, v0  }
0x1d2: {  	v19 =	vor.u32 $0x20, v0;
	v20 =	vld.idx.msk [tilespmem:v20+s29+$0x0], $0xffff;
	v21 =	vadd.s32 v18, v48  }
0x1d3: {  	v22 =	vor.u32 v19, v30;
	_ =	sdelay $0x3  }
0x1d4: {  	[tilespmem:v21+s30+$0x0] =	vst.idx.msk $0xffff, v20;
	v20 =	vadd.s32 $0x23, v0  }
0x1d5: {  	v21 =	vor.u32 $0x30, v0;
	v22 =	vld.idx.msk [tilespmem:v22+s29+$0x0], $0xffff;
	v23 =	vadd.s32 v20, v48  }
0x1d6: {  	v24 =	vor.u32 v21, v30;
	_ =	sdelay $0x3  }
0x1d7: {  	[tilespmem:v23+s30+$0x0] =	vst.idx.msk $0xffff, v22;
	v22 =	vadd.s32 $0x33, v0  }
0x1d8: {  	v23 =	vor.u32 $0x40, v0;
	v24 =	vld.idx.msk [tilespmem:v24+s29+$0x0], $0xffff;
	v25 =	vadd.s32 v22, v48  }
0x1d9: {  	v26 =	vor.u32 v23, v30;
	_ =	sdelay $0x3  }
0x1da: {  	[tilespmem:v25+s30+$0x0] =	vst.idx.msk $0xffff, v24;
	v24 =	vadd.s32 $0x43, v0  }
0x1db: {  	v25 =	vor.u32 $0x50, v0;
	v26 =	vld.idx.msk [tilespmem:v26+s29+$0x0], $0xffff;
	v27 =	vadd.s32 v24, v48  }
0x1dc: {  	v28 =	vor.u32 v25, v30;
	_ =	sdelay $0x3  }
0x1dd: {  	[tilespmem:v27+s30+$0x0] =	vst.idx.msk $0xffff, v26;
	v26 =	vadd.s32 $0x53, v0  }
0x1de: {  	v27 =	vor.u32 $0x60, v0;
	v28 =	vld.idx.msk [tilespmem:v28+s29+$0x0], $0xffff;
	v29 =	vadd.s32 v26, v48  }
0x1df: {  	v49 =	vor.u32 v27, v30;
	_ =	sdelay $0x3  }
0x1e0: {  	[tilespmem:v29+s30+$0x0] =	vst.idx.msk $0xffff, v28;
	v28 =	vadd.s32 $0x63, v0  }
0x1e1: {  	v29 =	vor.u32 $0x70, v0;
	v49 =	vld.idx.msk [tilespmem:v49+s29+$0x0], $0xffff;
	v50 =	vadd.s32 v28, v48  }
0x1e2: {  	v30 =	vor.u32 v29, v30;
	_ =	sdelay $0x3  }
0x1e3: {  	s2 =	simm.s32 $0x1;
	[tilespmem:v50+s30+$0x0] =	vst.idx.msk $0xffff, v49  }
0x1e4: {  	s22 =	smov.u32 s7;
	s0 =	simm.s32 $0x2;
	v50 =	vmov s2;
	v49 =	vld.idx.msk [tilespmem:v30+s29+$0x0], $0xffff;
	v30 =	vadd.s32 $0x73, v0  }
.LBB2_10:
0x1e5: {  	p0 =	sne.s32 s0, $0x7F;
	v51 =	vshll.u32 v50, $0x7;
	v52 =	vadd.s32 v30, v48  }
0x1e6: {  	v53 =	vor.u32 v0, v51;
	_ =	sdelay $0x3  }
0x1e7: {  	v48 =	vmul.u32 $0x88, v50;
	[tilespmem:v52+s30+$0x0] =	vst.idx.msk $0xffff, v49  }
0x1e8: {  	v49 =	vld.idx.msk [tilespmem:v53+s29+$0x0], $0xffff  }
0x1e9: {  	v50 =	vadd.s32 v16, v48  }
0x1ea: {  	v52 =	vor.u32 v17, v51;
	_ =	sdelay $0x3  }
0x1eb: {  	[tilespmem:v50+s30+$0x0] =	vst.idx.msk $0xffff, v49  }
0x1ec: {  	v49 =	vld.idx.msk [tilespmem:v52+s29+$0x0], $0xffff  }
0x1ed: {  	v50 =	vadd.s32 v18, v48  }
0x1ee: {  	v52 =	vor.u32 v19, v51;
	_ =	sdelay $0x3  }
0x1ef: {  	[tilespmem:v50+s30+$0x0] =	vst.idx.msk $0xffff, v49  }
0x1f0: {  	v49 =	vld.idx.msk [tilespmem:v52+s29+$0x0], $0xffff  }
0x1f1: {  	v50 =	vadd.s32 v20, v48  }
0x1f2: {  	v52 =	vor.u32 v21, v51;
	_ =	sdelay $0x3  }
0x1f3: {  	[tilespmem:v50+s30+$0x0] =	vst.idx.msk $0xffff, v49  }
0x1f4: {  	v49 =	vld.idx.msk [tilespmem:v52+s29+$0x0], $0xffff  }
0x1f5: {  	v50 =	vadd.s32 v22, v48  }
0x1f6: {  	v52 =	vor.u32 v23, v51;
	_ =	sdelay $0x3  }
0x1f7: {  	[tilespmem:v50+s30+$0x0] =	vst.idx.msk $0xffff, v49  }
0x1f8: {  	v49 =	vld.idx.msk [tilespmem:v52+s29+$0x0], $0xffff  }
0x1f9: {  	v50 =	vadd.s32 v24, v48  }
0x1fa: {  	v52 =	vor.u32 v25, v51;
	_ =	sdelay $0x3  }
0x1fb: {  	[tilespmem:v50+s30+$0x0] =	vst.idx.msk $0xffff, v49  }
0x1fc: {  	v49 =	vld.idx.msk [tilespmem:v52+s29+$0x0], $0xffff  }
0x1fd: {  	v50 =	vadd.s32 v26, v48  }
0x1fe: {  	v52 =	vor.u32 v27, v51;
	_ =	sdelay $0x3  }
0x1ff: {  	[tilespmem:v50+s30+$0x0] =	vst.idx.msk $0xffff, v49  }
0x200: {  	v49 =	vld.idx.msk [tilespmem:v52+s29+$0x0], $0xffff  }
0x201: {  	v50 =	vadd.s32 v28, v48  }
0x202: {  	v51 =	vor.u32 v29, v51  }
.Ltmp4:
0x203: {  	(pc) =	sbr.rel @p0 .LBB2_10-.Ltmp4, $3  }
0x204: {  	_ =	sdelay $0x1  }
0x205: {  	[tilespmem:v50+s30+$0x0] =	vst.idx.msk $0xffff, v49  }
0x206: {  	v50 =	vmov s0;
	s0 =	sadd.s32 $0x1, s0;
	v49 =	vld.idx.msk [tilespmem:v51+s29+$0x0], $0xffff  }
0x207: {  	v51 =	vshll.u32 v50, $0x7;
	v48 =	vadd.s32 v30, v48  }
0x208: {  	v52 =	vor.u32 v0, v51;
	_ =	sdelay $0x2  }
0x209: {  	v50 =	vmul.u32 $0x88, v50  }
0x20a: {  	[tilespmem:v48+s30+$0x0] =	vst.idx.msk $0xffff, v49  }
0x20b: {  	v49 =	vadd.s32 v16, v50;
	v48 =	vld.idx.msk [tilespmem:v52+s29+$0x0], $0xffff  }
0x20c: {  	v52 =	vor.u32 v17, v51;
	_ =	sdelay $0x3  }
0x20d: {  	[tilespmem:v49+s30+$0x0] =	vst.idx.msk $0xffff, v48  }
0x20e: {  	v49 =	vadd.s32 v18, v50;
	v48 =	vld.idx.msk [tilespmem:v52+s29+$0x0], $0xffff  }
0x20f: {  	v52 =	vor.u32 v19, v51;
	_ =	sdelay $0x3  }
0x210: {  	[tilespmem:v49+s30+$0x0] =	vst.idx.msk $0xffff, v48  }
0x211: {  	v49 =	vadd.s32 v20, v50;
	v48 =	vld.idx.msk [tilespmem:v52+s29+$0x0], $0xffff  }
0x212: {  	v52 =	vor.u32 v21, v51;
	_ =	sdelay $0x3  }
0x213: {  	[tilespmem:v49+s30+$0x0] =	vst.idx.msk $0xffff, v48  }
0x214: {  	v49 =	vadd.s32 v22, v50;
	v48 =	vld.idx.msk [tilespmem:v52+s29+$0x0], $0xffff  }
0x215: {  	v52 =	vor.u32 v23, v51;
	_ =	sdelay $0x3  }
0x216: {  	[tilespmem:v49+s30+$0x0] =	vst.idx.msk $0xffff, v48  }
0x217: {  	v49 =	vadd.s32 v24, v50;
	v48 =	vld.idx.msk [tilespmem:v52+s29+$0x0], $0xffff  }
0x218: {  	v52 =	vor.u32 v25, v51;
	_ =	sdelay $0x3  }
0x219: {  	[tilespmem:v49+s30+$0x0] =	vst.idx.msk $0xffff, v48  }
0x21a: {  	v49 =	vadd.s32 v26, v50;
	v48 =	vld.idx.msk [tilespmem:v52+s29+$0x0], $0xffff  }
0x21b: {  	v52 =	vor.u32 v27, v51;
	_ =	sdelay $0x3  }
0x21c: {  	[tilespmem:v49+s30+$0x0] =	vst.idx.msk $0xffff, v48  }
0x21d: {  	v49 =	vadd.s32 v28, v50;
	v48 =	vld.idx.msk [tilespmem:v52+s29+$0x0], $0xffff  }
0x21e: {  	v51 =	vor.u32 v29, v51;
	_ =	sdelay $0x3  }
0x21f: {  	[tilespmem:v49+s30+$0x0] =	vst.idx.msk $0xffff, v48  }
0x220: {  	v53 =	vadd.s32 v30, v50;
	v48 =	vld.idx.msk [tilespmem:v51+s29+$0x0], $0xffff;
	_ =	sdelay $0x4  }
0x221: {  	[tilespmem:v53+s30+$0x0] =	vst.idx.msk $0xffff, v48  }
0x222: {  	_ =	swait.ge [sflag:s31], $0x4000  }
0x223: {  	[sflag:s31] =	ssyncset.done $0x0  }
0x224: {  	s0 =	simm.s32 $0x0;
	s2 =	rddreg [dreg:$0x16];
	[sflag:s31] =	ssyncadd.s32 $0xFFFFC000  }
0x225: {  	[hbm4b:s2+s0] =	stream.linear.scatter [tilespmem:s20], [sflag:$0x3], $0x400, $0x38;
	[tilespmem:$0x1A330] =	vst v63  }
0x226: {  	_ =	swait.ge [sflag:s18], $0x400  }
0x227: {  	[sflag:s18] =	ssyncset.done $0x0  }
0x228: {  	s7 =	rddreg [dreg:$0x12];
	[sflag:s18] =	ssyncadd.s32 $0xFFFFFC00  }
0x229: {  	[hbm4b:s7+s0] =	stream.linear.scatter [tilespmem:s30], [sflag:$0x3], $0x4400, $0x38;
	[tilespmem:$0x1A330] =	vst v63  }
0x22a: {  	_ =	swait.ge [sflag:s18], $0x4400  }
0x22b: {  	[sflag:s18] =	ssyncset.done $0x0  }
0x22c: {  	s8 =	rddreg [dreg:$0x17];
	[sflag:s18] =	ssyncadd.s32 $0xFFFFBC00  }
0x22d: {  	[hbm4b:s8+s0] =	stream.linear.scatter [tilespmem:s9], [sflag:$0x3], $0x4000, $0x38;
	[tilespmem:$0x1A330] =	vst v63  }
0x22e: {  	_ =	swait.ge [sflag:s18], $0x4000  }
0x22f: {  	[sflag:s18] =	ssyncset.done $0x0  }
0x230: {  	[sflag:s18] =	ssyncadd.s32 $0xFFFFC000  }
0x231: {  	[tilespmem:s29], [sflag:$0x1] =	stream.indirect.gather [hbm4b:s25+s19], $0x80, s14, s19, $0xb8;
	[tilespmem:$0x1A330] =	vst v63  }
0x232: {  	s11 =	rddreg [dreg:$0xd]  }
0x233: {  	[tilespmem:s9], [sflag:$0x2] =	stream.indirect.gather [hbm4b:s22+s19], $0x80, s14, s19, $0xb8;
	[tilespmem:$0x1A330] =	vst v63  }
0x234: {  	v48 =	vld [tilespmem:s11+$0x11710];
	_ =	sdelay $0x4  }
0x235: {  	v52 =	vshll.u32 v48, $0x1  }
0x236: {  	v50 =	vand.u32 $0xFFFFF800, v48;
	v49 =	vand.u32 $0xFFFFF000, v52  }
0x237: {  	v51 =	vand.u32 $0x7F8, v48;
	v49 =	vadd.s32 v50, v49  }
0x238: {  	v48 =	vand.u32 $0x7, v48;
	v49 =	vor.u32 v51, v49  }
0x239: {  	v48 =	vor.u32 v48, v49  }
0x23a: {  	v49 =	vadd.s32 $0x800, v48;
	_ =	sdelay $0x1  }
0x23b: {  	v51 =	vld [tilespmem:$0x1FEB0];
	_ =	sdelay $0x1  }
0x23c: {  	v53 =	vadd.s32 $0x1000, v48;
	v48 =	vld.idx.msk [tilespmem:v48+s26+$0x0], $0xffff  }
0x23d: {  	v49 =	vld.idx.msk [tilespmem:v49+s26+$0x0], $0xffff;
	_ =	sdelay $0x3  }
0x23e: {  	v50 =	vld.idx.msk [tilespmem:v53+s26+$0x0], $0xffff;
	[tilespmem:v31+s20+$0x0] =	vst.idx.msk $0xffff, v48  }
0x23f: {  	[tilespmem:v51+s20+$0x0] =	vst.idx.msk $0xffff, v49;
	v51 =	vld [tilespmem:$0x1FEC0];
	_ =	sdelay $0x1  }
0x240: {  	v52 =	vld [tilespmem:$0x1FED0]  }
0x241: {  	v53 =	vld [tilespmem:$0x1FEE0];
	_ =	sdelay $0x4  }
0x242: {  	[tilespmem:v51+s20+$0x0] =	vst.idx.msk $0xffff, v50  }
0x243: {  	[tilespmem:v34+s30+$0x0] =	vst.idx.msk $0xffff, v48  }
0x244: {  	[tilespmem:v52+s30+$0x0] =	vst.idx.msk $0xffff, v49  }
0x245: {  	[tilespmem:v53+s30+$0x0] =	vst.idx.msk $0xffff, v50  }
0x246: {  	v48 =	vld [tilespmem:s13+$0x117A0];
	_ =	sdelay $0x4  }
0x247: {  	v52 =	vshll.u32 v48, $0x1  }
0x248: {  	v50 =	vand.u32 $0xFFFFF800, v48;
	v49 =	vand.u32 $0xFFFFF000, v52  }
0x249: {  	v51 =	vand.u32 $0x7F8, v48;
	v49 =	vadd.s32 v50, v49  }
0x24a: {  	v48 =	vand.u32 $0x7, v48;
	v49 =	vor.u32 v51, v49  }
0x24b: {  	v48 =	vor.u32 v48, v49;
	_ =	sdelay $0x1  }
0x24c: {  	v51 =	vld [tilespmem:$0x1FEF0]  }
0x24d: {  	v49 =	vadd.s32 $0x800, v48  }
0x24e: {  	v53 =	vadd.s32 $0x1000, v48  }
0x24f: {  	v48 =	vld.idx.msk [tilespmem:v48+s26+$0x0], $0xffff;
	_ =	sdelay $0x2  }
0x250: {  	v49 =	vld.idx.msk [tilespmem:v49+s26+$0x0], $0xffff  }
0x251: {  	v50 =	vld.idx.msk [tilespmem:v53+s26+$0x0], $0xffff  }
0x252: {  	[tilespmem:v51+s20+$0x0] =	vst.idx.msk $0xffff, v48;
	v51 =	vld [tilespmem:$0x1FF00];
	_ =	sdelay $0x7  }
0x253: {  	[tilespmem:v51+s20+$0x0] =	vst.idx.msk $0xffff, v49;
	v51 =	vld [tilespmem:$0x1FF10];
	_ =	sdelay $0x7  }
0x254: {  	[tilespmem:v51+s20+$0x0] =	vst.idx.msk $0xffff, v50;
	v51 =	vld [tilespmem:$0x1FF20]  }
0x255: {  	v52 =	vld [tilespmem:$0x1FF30]  }
0x256: {  	v53 =	vld [tilespmem:$0x1FF40];
	_ =	sdelay $0x5  }
0x257: {  	[tilespmem:v51+s30+$0x0] =	vst.idx.msk $0xffff, v48  }
0x258: {  	[tilespmem:v52+s30+$0x0] =	vst.idx.msk $0xffff, v49  }
0x259: {  	[tilespmem:v53+s30+$0x0] =	vst.idx.msk $0xffff, v50  }
0x25a: {  	v48 =	vld [tilespmem:s13+$0x117B0];
	_ =	sdelay $0x4  }
0x25b: {  	v52 =	vshll.u32 v48, $0x1  }
0x25c: {  	v50 =	vand.u32 $0xFFFFF800, v48;
	v49 =	vand.u32 $0xFFFFF000, v52  }
0x25d: {  	v51 =	vand.u32 $0x7F8, v48;
	v49 =	vadd.s32 v50, v49  }
0x25e: {  	v48 =	vand.u32 $0x7, v48;
	v49 =	vor.u32 v51, v49  }
0x25f: {  	v48 =	vor.u32 v48, v49;
	_ =	sdelay $0x1  }
0x260: {  	v51 =	vld [tilespmem:$0x1FF50]  }
0x261: {  	v49 =	vadd.s32 $0x800, v48  }
0x262: {  	v53 =	vadd.s32 $0x1000, v48  }
0x263: {  	v48 =	vld.idx.msk [tilespmem:v48+s26+$0x0], $0xffff;
	_ =	sdelay $0x2  }
0x264: {  	v49 =	vld.idx.msk [tilespmem:v49+s26+$0x0], $0xffff  }
0x265: {  	v50 =	vld.idx.msk [tilespmem:v53+s26+$0x0], $0xffff  }
0x266: {  	[tilespmem:v51+s20+$0x0] =	vst.idx.msk $0xffff, v48;
	v51 =	vld [tilespmem:$0x1FF60];
	_ =	sdelay $0x7  }
0x267: {  	[tilespmem:v51+s20+$0x0] =	vst.idx.msk $0xffff, v49;
	v51 =	vld [tilespmem:$0x1FF70];
	_ =	sdelay $0x7  }
0x268: {  	[tilespmem:v51+s20+$0x0] =	vst.idx.msk $0xffff, v50;
	v51 =	vld [tilespmem:$0x1FF80]  }
0x269: {  	v52 =	vld [tilespmem:$0x1FF90]  }
0x26a: {  	v53 =	vld [tilespmem:$0x1FFA0];
	_ =	sdelay $0x5  }
0x26b: {  	[tilespmem:v51+s30+$0x0] =	vst.idx.msk $0xffff, v48  }
0x26c: {  	[tilespmem:v52+s30+$0x0] =	vst.idx.msk $0xffff, v49  }
0x26d: {  	[tilespmem:v53+s30+$0x0] =	vst.idx.msk $0xffff, v50  }
0x26e: {  	v48 =	vld [tilespmem:s13+$0x117C0];
	_ =	sdelay $0x4  }
0x26f: {  	v52 =	vshll.u32 v48, $0x1  }
0x270: {  	v50 =	vand.u32 $0xFFFFF800, v48;
	v49 =	vand.u32 $0xFFFFF000, v52  }
0x271: {  	v51 =	vand.u32 $0x7F8, v48;
	v49 =	vadd.s32 v50, v49  }
0x272: {  	v48 =	vand.u32 $0x7, v48;
	v49 =	vor.u32 v51, v49  }
0x273: {  	v48 =	vor.u32 v48, v49;
	_ =	sdelay $0x1  }
0x274: {  	v51 =	vld [tilespmem:$0x1FFB0]  }
0x275: {  	v49 =	vadd.s32 $0x800, v48  }
0x276: {  	v53 =	vadd.s32 $0x1000, v48  }
0x277: {  	v48 =	vld.idx.msk [tilespmem:v48+s26+$0x0], $0xffff;
	_ =	sdelay $0x2  }
0x278: {  	v49 =	vld.idx.msk [tilespmem:v49+s26+$0x0], $0xffff  }
0x279: {  	v50 =	vld.idx.msk [tilespmem:v53+s26+$0x0], $0xffff  }
0x27a: {  	[tilespmem:v51+s20+$0x0] =	vst.idx.msk $0xffff, v48;
	v51 =	vld [tilespmem:$0x1FFC0];
	_ =	sdelay $0x7  }
0x27b: {  	[tilespmem:v51+s20+$0x0] =	vst.idx.msk $0xffff, v49;
	v51 =	vld [tilespmem:$0x1FFD0];
	_ =	sdelay $0x7  }
0x27c: {  	[tilespmem:v51+s20+$0x0] =	vst.idx.msk $0xffff, v50;
	v51 =	vld [tilespmem:$0x1FFE0]  }
0x27d: {  	v52 =	vld [tilespmem:$0x1FFF0];
	_ =	sdelay $0x6  }
0x27e: {  	[tilespmem:v51+s30+$0x0] =	vst.idx.msk $0xffff, v48  }
0x27f: {  	[tilespmem:v52+s30+$0x0] =	vst.idx.msk $0xffff, v49  }
0x280: {  	[tilespmem:v54+s30+$0x0] =	vst.idx.msk $0xffff, v50  }
0x281: {  	v48 =	vld [tilespmem:s13+$0x117D0];
	_ =	sdelay $0x4  }
0x282: {  	v53 =	vshll.u32 v48, $0x1  }
0x283: {  	v50 =	vand.u32 $0xFFFFF800, v48;
	v49 =	vand.u32 $0xFFFFF000, v53  }
0x284: {  	v51 =	vand.u32 $0x7F8, v48;
	v49 =	vadd.s32 v50, v49  }
0x285: {  	v48 =	vand.u32 $0x7, v48;
	v49 =	vor.u32 v51, v49  }
0x286: {  	v48 =	vor.u32 v48, v49  }
0x287: {  	v49 =	vadd.s32 $0x800, v48  }
0x288: {  	v52 =	vadd.s32 $0x1000, v48;
	_ =	sdelay $0x2  }
0x289: {  	v48 =	vld.idx.msk [tilespmem:v48+s26+$0x0], $0xffff  }
0x28a: {  	v49 =	vld.idx.msk [tilespmem:v49+s26+$0x0], $0xffff  }
0x28b: {  	v50 =	vld.idx.msk [tilespmem:v52+s26+$0x0], $0xffff;
	_ =	sdelay $0x2  }
0x28c: {  	[tilespmem:v55+s20+$0x0] =	vst.idx.msk $0xffff, v48  }
0x28d: {  	[tilespmem:v56+s20+$0x0] =	vst.idx.msk $0xffff, v49  }
0x28e: {  	[tilespmem:v57+s20+$0x0] =	vst.idx.msk $0xffff, v50  }
0x28f: {  	[tilespmem:v58+s30+$0x0] =	vst.idx.msk $0xffff, v48  }
0x290: {  	[tilespmem:v59+s30+$0x0] =	vst.idx.msk $0xffff, v49  }
0x291: {  	[tilespmem:v60+s30+$0x0] =	vst.idx.msk $0xffff, v50  }
0x292: {  	v48 =	vld [tilespmem:s13+$0x117E0];
	_ =	sdelay $0x4  }
0x293: {  	v53 =	vshll.u32 v48, $0x1  }
0x294: {  	v50 =	vand.u32 $0xFFFFF800, v48;
	v49 =	vand.u32 $0xFFFFF000, v53  }
0x295: {  	v51 =	vand.u32 $0x7F8, v48;
	v49 =	vadd.s32 v50, v49  }
0x296: {  	v48 =	vand.u32 $0x7, v48;
	v49 =	vor.u32 v51, v49  }
0x297: {  	v48 =	vor.u32 v48, v49  }
0x298: {  	v49 =	vadd.s32 $0x800, v48  }
0x299: {  	v52 =	vadd.s32 $0x1000, v48;
	_ =	sdelay $0x2  }
0x29a: {  	v48 =	vld.idx.msk [tilespmem:v48+s26+$0x0], $0xffff  }
0x29b: {  	v49 =	vld.idx.msk [tilespmem:v49+s26+$0x0], $0xffff  }
0x29c: {  	v50 =	vld.idx.msk [tilespmem:v52+s26+$0x0], $0xffff;
	_ =	sdelay $0x2  }
0x29d: {  	[tilespmem:v61+s20+$0x0] =	vst.idx.msk $0xffff, v48  }
0x29e: {  	[tilespmem:v62+s20+$0x0] =	vst.idx.msk $0xffff, v49  }
0x29f: {  	[tilespmem:v63+s20+$0x0] =	vst.idx.msk $0xffff, v50  }
0x2a0: {  	[tilespmem:v32+s30+$0x0] =	vst.idx.msk $0xffff, v48  }
0x2a1: {  	[tilespmem:v33+s30+$0x0] =	vst.idx.msk $0xffff, v49  }
0x2a2: {  	[tilespmem:v35+s30+$0x0] =	vst.idx.msk $0xffff, v50  }
0x2a3: {  	v48 =	vld [tilespmem:s13+$0x117F0];
	_ =	sdelay $0x4  }
0x2a4: {  	v53 =	vshll.u32 v48, $0x1  }
0x2a5: {  	v50 =	vand.u32 $0xFFFFF800, v48;
	v49 =	vand.u32 $0xFFFFF000, v53  }
0x2a6: {  	v51 =	vand.u32 $0x7F8, v48;
	v49 =	vadd.s32 v50, v49  }
0x2a7: {  	v48 =	vand.u32 $0x7, v48;
	v49 =	vor.u32 v51, v49  }
0x2a8: {  	v48 =	vor.u32 v48, v49  }
0x2a9: {  	v49 =	vadd.s32 $0x800, v48  }
0x2aa: {  	v52 =	vadd.s32 $0x1000, v48;
	_ =	sdelay $0x2  }
0x2ab: {  	v48 =	vld.idx.msk [tilespmem:v48+s26+$0x0], $0xffff  }
0x2ac: {  	v49 =	vld.idx.msk [tilespmem:v49+s26+$0x0], $0xffff  }
0x2ad: {  	v50 =	vld.idx.msk [tilespmem:v52+s26+$0x0], $0xffff;
	_ =	sdelay $0x2  }
0x2ae: {  	[tilespmem:v36+s20+$0x0] =	vst.idx.msk $0xffff, v48  }
0x2af: {  	[tilespmem:v37+s20+$0x0] =	vst.idx.msk $0xffff, v49  }
0x2b0: {  	[tilespmem:v38+s20+$0x0] =	vst.idx.msk $0xffff, v50  }
0x2b1: {  	[tilespmem:v39+s30+$0x0] =	vst.idx.msk $0xffff, v48  }
0x2b2: {  	[tilespmem:v40+s30+$0x0] =	vst.idx.msk $0xffff, v49  }
0x2b3: {  	[tilespmem:v41+s30+$0x0] =	vst.idx.msk $0xffff, v50  }
0x2b4: {  	v48 =	vld [tilespmem:s13+$0x11800];
	_ =	sdelay $0x4  }
0x2b5: {  	v53 =	vshll.u32 v48, $0x1  }
0x2b6: {  	v50 =	vand.u32 $0xFFFFF800, v48;
	v49 =	vand.u32 $0xFFFFF000, v53  }
0x2b7: {  	v51 =	vand.u32 $0x7F8, v48;
	v49 =	vadd.s32 v50, v49  }
0x2b8: {  	v48 =	vand.u32 $0x7, v48;
	v49 =	vor.u32 v51, v49  }
0x2b9: {  	v48 =	vor.u32 v48, v49  }
0x2ba: {  	v49 =	vadd.s32 $0x800, v48  }
0x2bb: {  	v52 =	vadd.s32 $0x1000, v48;
	_ =	sdelay $0x2  }
0x2bc: {  	v48 =	vld.idx.msk [tilespmem:v48+s26+$0x0], $0xffff  }
0x2bd: {  	v49 =	vld.idx.msk [tilespmem:v49+s26+$0x0], $0xffff  }
0x2be: {  	v50 =	vld.idx.msk [tilespmem:v52+s26+$0x0], $0xffff;
	_ =	sdelay $0x2  }
0x2bf: {  	[tilespmem:v42+s20+$0x0] =	vst.idx.msk $0xffff, v48  }
0x2c0: {  	[tilespmem:v45+s20+$0x0] =	vst.idx.msk $0xffff, v49  }
0x2c1: {  	v51 =	vmov s0;
	[tilespmem:v47+s20+$0x0] =	vst.idx.msk $0xffff, v50  }
0x2c2: {  	v52 =	vshll.u32 v51, $0x7;
	[tilespmem:v46+s30+$0x0] =	vst.idx.msk $0xffff, v48  }
0x2c3: {  	v53 =	vor.u32 v0, v52;
	[tilespmem:v43+s30+$0x0] =	vst.idx.msk $0xffff, v49  }
0x2c4: {  	[tilespmem:v44+s30+$0x0] =	vst.idx.msk $0xffff, v50  }
0x2c5: {  	_ =	swait.ge [sflag:s10], $0x4000  }
0x2c6: {  	v48 =	vmul.u32 $0x88, v51;
	[sflag:s10] =	ssyncset.done $0x0  }
0x2c7: {  	[sflag:s10] =	ssyncadd.s32 $0xFFFFC000  }
0x2c8: {  	v50 =	vadd.s32 v16, v48;
	v49 =	vld.idx.msk [tilespmem:v53+s29+$0x0], $0xffff  }
0x2c9: {  	v51 =	vor.u32 v17, v52;
	_ =	sdelay $0x3  }
0x2ca: {  	[tilespmem:v50+s30+$0x0] =	vst.idx.msk $0xffff, v49  }
0x2cb: {  	v50 =	vadd.s32 v18, v48;
	v49 =	vld.idx.msk [tilespmem:v51+s29+$0x0], $0xffff  }
0x2cc: {  	v51 =	vor.u32 v19, v52;
	_ =	sdelay $0x3  }
0x2cd: {  	[tilespmem:v50+s30+$0x0] =	vst.idx.msk $0xffff, v49  }
0x2ce: {  	v50 =	vadd.s32 v20, v48;
	v49 =	vld.idx.msk [tilespmem:v51+s29+$0x0], $0xffff  }
0x2cf: {  	v51 =	vor.u32 v21, v52;
	_ =	sdelay $0x3  }
0x2d0: {  	[tilespmem:v50+s30+$0x0] =	vst.idx.msk $0xffff, v49  }
0x2d1: {  	v50 =	vadd.s32 v22, v48;
	v49 =	vld.idx.msk [tilespmem:v51+s29+$0x0], $0xffff  }
0x2d2: {  	v51 =	vor.u32 v23, v52;
	_ =	sdelay $0x3  }
0x2d3: {  	[tilespmem:v50+s30+$0x0] =	vst.idx.msk $0xffff, v49  }
0x2d4: {  	v50 =	vadd.s32 v24, v48;
	v49 =	vld.idx.msk [tilespmem:v51+s29+$0x0], $0xffff  }
0x2d5: {  	v51 =	vor.u32 v25, v52;
	_ =	sdelay $0x3  }
0x2d6: {  	[tilespmem:v50+s30+$0x0] =	vst.idx.msk $0xffff, v49  }
0x2d7: {  	v50 =	vadd.s32 v26, v48;
	v49 =	vld.idx.msk [tilespmem:v51+s29+$0x0], $0xffff  }
0x2d8: {  	v51 =	vor.u32 v27, v52;
	_ =	sdelay $0x3  }
0x2d9: {  	[tilespmem:v50+s30+$0x0] =	vst.idx.msk $0xffff, v49  }
0x2da: {  	v50 =	vadd.s32 v28, v48;
	v49 =	vld.idx.msk [tilespmem:v51+s29+$0x0], $0xffff  }
0x2db: {  	v51 =	vor.u32 v29, v52;
	_ =	sdelay $0x3  }
0x2dc: {  	s12 =	simm.s32 $0x1;
	[tilespmem:v50+s30+$0x0] =	vst.idx.msk $0xffff, v49  }
0x2dd: {  	s0 =	simm.s32 $0x2;
	v49 =	vmov s12;
	v50 =	vld.idx.msk [tilespmem:v51+s29+$0x0], $0xffff  }
.LBB2_12:
0x2de: {  	p0 =	sne.s32 s0, $0x7F;
	v51 =	vshll.u32 v49, $0x7;
	v52 =	vadd.s32 v30, v48  }
0x2df: {  	v53 =	vor.u32 v0, v51;
	_ =	sdelay $0x3  }
0x2e0: {  	v48 =	vmul.u32 $0x88, v49;
	[tilespmem:v52+s30+$0x0] =	vst.idx.msk $0xffff, v50  }
0x2e1: {  	v49 =	vld.idx.msk [tilespmem:v53+s29+$0x0], $0xffff  }
0x2e2: {  	v50 =	vadd.s32 v16, v48  }
0x2e3: {  	v52 =	vor.u32 v17, v51;
	_ =	sdelay $0x3  }
0x2e4: {  	[tilespmem:v50+s30+$0x0] =	vst.idx.msk $0xffff, v49  }
0x2e5: {  	v49 =	vld.idx.msk [tilespmem:v52+s29+$0x0], $0xffff  }
0x2e6: {  	v50 =	vadd.s32 v18, v48  }
0x2e7: {  	v52 =	vor.u32 v19, v51;
	_ =	sdelay $0x3  }
0x2e8: {  	[tilespmem:v50+s30+$0x0] =	vst.idx.msk $0xffff, v49  }
0x2e9: {  	v49 =	vld.idx.msk [tilespmem:v52+s29+$0x0], $0xffff  }
0x2ea: {  	v50 =	vadd.s32 v20, v48  }
0x2eb: {  	v52 =	vor.u32 v21, v51;
	_ =	sdelay $0x3  }
0x2ec: {  	[tilespmem:v50+s30+$0x0] =	vst.idx.msk $0xffff, v49  }
0x2ed: {  	v49 =	vld.idx.msk [tilespmem:v52+s29+$0x0], $0xffff  }
0x2ee: {  	v50 =	vadd.s32 v22, v48  }
0x2ef: {  	v52 =	vor.u32 v23, v51;
	_ =	sdelay $0x3  }
0x2f0: {  	[tilespmem:v50+s30+$0x0] =	vst.idx.msk $0xffff, v49  }
0x2f1: {  	v49 =	vld.idx.msk [tilespmem:v52+s29+$0x0], $0xffff  }
0x2f2: {  	v50 =	vadd.s32 v24, v48  }
0x2f3: {  	v52 =	vor.u32 v25, v51;
	_ =	sdelay $0x3  }
0x2f4: {  	[tilespmem:v50+s30+$0x0] =	vst.idx.msk $0xffff, v49  }
0x2f5: {  	v49 =	vld.idx.msk [tilespmem:v52+s29+$0x0], $0xffff  }
0x2f6: {  	v50 =	vadd.s32 v26, v48  }
0x2f7: {  	v52 =	vor.u32 v27, v51;
	_ =	sdelay $0x3  }
0x2f8: {  	[tilespmem:v50+s30+$0x0] =	vst.idx.msk $0xffff, v49  }
0x2f9: {  	v49 =	vld.idx.msk [tilespmem:v52+s29+$0x0], $0xffff  }
0x2fa: {  	v50 =	vadd.s32 v28, v48  }
0x2fb: {  	v51 =	vor.u32 v29, v51  }
.Ltmp5:
0x2fc: {  	(pc) =	sbr.rel @p0 .LBB2_12-.Ltmp5, $3  }
0x2fd: {  	_ =	sdelay $0x1  }
0x2fe: {  	[tilespmem:v50+s30+$0x0] =	vst.idx.msk $0xffff, v49  }
0x2ff: {  	v49 =	vmov s0;
	s0 =	sadd.s32 $0x1, s0;
	v50 =	vld.idx.msk [tilespmem:v51+s29+$0x0], $0xffff  }
0x300: {  	v51 =	vshll.u32 v49, $0x7;
	v48 =	vadd.s32 v30, v48  }
0x301: {  	v52 =	vor.u32 v0, v51;
	_ =	sdelay $0x2  }
0x302: {  	v49 =	vmul.u32 $0x88, v49  }
0x303: {  	[tilespmem:v48+s30+$0x0] =	vst.idx.msk $0xffff, v50  }
0x304: {  	v50 =	vadd.s32 v16, v49;
	v48 =	vld.idx.msk [tilespmem:v52+s29+$0x0], $0xffff  }
0x305: {  	v52 =	vor.u32 v17, v51;
	_ =	sdelay $0x3  }
0x306: {  	[tilespmem:v50+s30+$0x0] =	vst.idx.msk $0xffff, v48  }
0x307: {  	v50 =	vadd.s32 v18, v49;
	v48 =	vld.idx.msk [tilespmem:v52+s29+$0x0], $0xffff  }
0x308: {  	v52 =	vor.u32 v19, v51;
	_ =	sdelay $0x3  }
0x309: {  	[tilespmem:v50+s30+$0x0] =	vst.idx.msk $0xffff, v48  }
0x30a: {  	v50 =	vadd.s32 v20, v49;
	v48 =	vld.idx.msk [tilespmem:v52+s29+$0x0], $0xffff  }
0x30b: {  	v52 =	vor.u32 v21, v51;
	_ =	sdelay $0x3  }
0x30c: {  	[tilespmem:v50+s30+$0x0] =	vst.idx.msk $0xffff, v48  }
0x30d: {  	v50 =	vadd.s32 v22, v49;
	v48 =	vld.idx.msk [tilespmem:v52+s29+$0x0], $0xffff  }
0x30e: {  	v52 =	vor.u32 v23, v51;
	_ =	sdelay $0x3  }
0x30f: {  	[tilespmem:v50+s30+$0x0] =	vst.idx.msk $0xffff, v48  }
0x310: {  	v50 =	vadd.s32 v24, v49;
	v48 =	vld.idx.msk [tilespmem:v52+s29+$0x0], $0xffff  }
0x311: {  	v52 =	vor.u32 v25, v51;
	_ =	sdelay $0x3  }
0x312: {  	[tilespmem:v50+s30+$0x0] =	vst.idx.msk $0xffff, v48  }
0x313: {  	v50 =	vadd.s32 v26, v49;
	v48 =	vld.idx.msk [tilespmem:v52+s29+$0x0], $0xffff  }
0x314: {  	v52 =	vor.u32 v27, v51;
	_ =	sdelay $0x3  }
0x315: {  	[tilespmem:v50+s30+$0x0] =	vst.idx.msk $0xffff, v48  }
0x316: {  	v50 =	vadd.s32 v28, v49;
	v48 =	vld.idx.msk [tilespmem:v52+s29+$0x0], $0xffff  }
0x317: {  	v51 =	vor.u32 v29, v51;
	_ =	sdelay $0x3  }
0x318: {  	[tilespmem:v50+s30+$0x0] =	vst.idx.msk $0xffff, v48  }
0x319: {  	v49 =	vadd.s32 v30, v49;
	v48 =	vld.idx.msk [tilespmem:v51+s29+$0x0], $0xffff;
	_ =	sdelay $0x4  }
0x31a: {  	[tilespmem:v49+s30+$0x0] =	vst.idx.msk $0xffff, v48  }
0x31b: {  	_ =	swait.ge [sflag:s31], $0x4000  }
0x31c: {  	[sflag:s31] =	ssyncset.done $0x0  }
0x31d: {  	s0 =	simm.s32 $0x0;
	s2 =	rddreg [dreg:$0x18];
	[sflag:s31] =	ssyncadd.s32 $0xFFFFC000  }
0x31e: {  	[hbm4b:s2+s0] =	stream.linear.scatter [tilespmem:s20], [sflag:$0x3], $0x400, $0x38;
	[tilespmem:$0x1A330] =	vst v63  }
0x31f: {  	_ =	swait.ge [sflag:s18], $0x400  }
0x320: {  	[sflag:s18] =	ssyncset.done $0x0  }
0x321: {  	s7 =	rddreg [dreg:$0x13];
	[sflag:s18] =	ssyncadd.s32 $0xFFFFFC00  }
0x322: {  	[hbm4b:s7+s0] =	stream.linear.scatter [tilespmem:s30], [sflag:$0x3], $0x4400, $0x38;
	[tilespmem:$0x1A330] =	vst v63  }
0x323: {  	_ =	swait.ge [sflag:s18], $0x4400  }
0x324: {  	[sflag:s18] =	ssyncset.done $0x0  }
0x325: {  	s8 =	rddreg [dreg:$0x19];
	[sflag:s18] =	ssyncadd.s32 $0xFFFFBC00  }
0x326: {  	[hbm4b:s8+s0] =	stream.linear.scatter [tilespmem:s9], [sflag:$0x3], $0x4000, $0x38;
	[tilespmem:$0x1A330] =	vst v63  }
0x327: {  	_ =	swait.ge [sflag:s18], $0x4000  }
0x328: {  	[sflag:s18] =	ssyncset.done $0x0  }
0x329: {  	[sflag:s18] =	ssyncadd.s32 $0xFFFFC000  }
0x32a: {  	[tilespmem:s29], [sflag:$0x1] =	stream.indirect.gather [hbm4b:s25+s19], $0x80, s15, s19, $0xb8;
	[tilespmem:$0x1A330] =	vst v63  }
0x32b: {  	s11 =	rddreg [dreg:$0xe]  }
0x32c: {  	[tilespmem:s9], [sflag:$0x2] =	stream.indirect.gather [hbm4b:s22+s19], $0x80, s15, s19, $0xb8;
	[tilespmem:$0x1A330] =	vst v63  }
0x32d: {  	v48 =	vld [tilespmem:s11+$0x11710];
	_ =	sdelay $0x4  }
0x32e: {  	v52 =	vshll.u32 v48, $0x1  }
0x32f: {  	v50 =	vand.u32 $0xFFFFF800, v48;
	v49 =	vand.u32 $0xFFFFF000, v52  }
0x330: {  	v51 =	vand.u32 $0x7F8, v48;
	v49 =	vadd.s32 v50, v49  }
0x331: {  	v48 =	vand.u32 $0x7, v48;
	v49 =	vor.u32 v51, v49  }
0x332: {  	v48 =	vor.u32 v48, v49  }
0x333: {  	v49 =	vadd.s32 $0x800, v48;
	_ =	sdelay $0x1  }
0x334: {  	v51 =	vld [tilespmem:$0x1FEB0];
	_ =	sdelay $0x1  }
0x335: {  	v53 =	vadd.s32 $0x1000, v48;
	v48 =	vld.idx.msk [tilespmem:v48+s26+$0x0], $0xffff  }
0x336: {  	v49 =	vld.idx.msk [tilespmem:v49+s26+$0x0], $0xffff;
	_ =	sdelay $0x3  }
0x337: {  	v50 =	vld.idx.msk [tilespmem:v53+s26+$0x0], $0xffff;
	[tilespmem:v31+s20+$0x0] =	vst.idx.msk $0xffff, v48  }
0x338: {  	[tilespmem:v51+s20+$0x0] =	vst.idx.msk $0xffff, v49;
	v51 =	vld [tilespmem:$0x1FEC0];
	_ =	sdelay $0x1  }
0x339: {  	v52 =	vld [tilespmem:$0x1FED0]  }
0x33a: {  	v53 =	vld [tilespmem:$0x1FEE0];
	_ =	sdelay $0x4  }
0x33b: {  	[tilespmem:v51+s20+$0x0] =	vst.idx.msk $0xffff, v50  }
0x33c: {  	[tilespmem:v34+s30+$0x0] =	vst.idx.msk $0xffff, v48  }
0x33d: {  	[tilespmem:v52+s30+$0x0] =	vst.idx.msk $0xffff, v49  }
0x33e: {  	[tilespmem:v53+s30+$0x0] =	vst.idx.msk $0xffff, v50  }
0x33f: {  	v48 =	vld [tilespmem:s13+$0x11820];
	_ =	sdelay $0x4  }
0x340: {  	v52 =	vshll.u32 v48, $0x1  }
0x341: {  	v50 =	vand.u32 $0xFFFFF800, v48;
	v49 =	vand.u32 $0xFFFFF000, v52  }
0x342: {  	v51 =	vand.u32 $0x7F8, v48;
	v49 =	vadd.s32 v50, v49  }
0x343: {  	v48 =	vand.u32 $0x7, v48;
	v49 =	vor.u32 v51, v49  }
0x344: {  	v48 =	vor.u32 v48, v49;
	_ =	sdelay $0x1  }
0x345: {  	v51 =	vld [tilespmem:$0x1FEF0]  }
0x346: {  	v49 =	vadd.s32 $0x800, v48  }
0x347: {  	v53 =	vadd.s32 $0x1000, v48  }
0x348: {  	v48 =	vld.idx.msk [tilespmem:v48+s26+$0x0], $0xffff;
	_ =	sdelay $0x2  }
0x349: {  	v49 =	vld.idx.msk [tilespmem:v49+s26+$0x0], $0xffff  }
0x34a: {  	v50 =	vld.idx.msk [tilespmem:v53+s26+$0x0], $0xffff  }
0x34b: {  	[tilespmem:v51+s20+$0x0] =	vst.idx.msk $0xffff, v48;
	v51 =	vld [tilespmem:$0x1FF00];
	_ =	sdelay $0x7  }
0x34c: {  	[tilespmem:v51+s20+$0x0] =	vst.idx.msk $0xffff, v49;
	v51 =	vld [tilespmem:$0x1FF10];
	_ =	sdelay $0x7  }
0x34d: {  	[tilespmem:v51+s20+$0x0] =	vst.idx.msk $0xffff, v50;
	v51 =	vld [tilespmem:$0x1FF20]  }
0x34e: {  	v52 =	vld [tilespmem:$0x1FF30]  }
0x34f: {  	v53 =	vld [tilespmem:$0x1FF40];
	_ =	sdelay $0x5  }
0x350: {  	[tilespmem:v51+s30+$0x0] =	vst.idx.msk $0xffff, v48  }
0x351: {  	[tilespmem:v52+s30+$0x0] =	vst.idx.msk $0xffff, v49  }
0x352: {  	[tilespmem:v53+s30+$0x0] =	vst.idx.msk $0xffff, v50  }
0x353: {  	v48 =	vld [tilespmem:s13+$0x11830];
	_ =	sdelay $0x4  }
0x354: {  	v52 =	vshll.u32 v48, $0x1  }
0x355: {  	v50 =	vand.u32 $0xFFFFF800, v48;
	v49 =	vand.u32 $0xFFFFF000, v52  }
0x356: {  	v51 =	vand.u32 $0x7F8, v48;
	v49 =	vadd.s32 v50, v49  }
0x357: {  	v48 =	vand.u32 $0x7, v48;
	v49 =	vor.u32 v51, v49  }
0x358: {  	v48 =	vor.u32 v48, v49;
	_ =	sdelay $0x1  }
0x359: {  	v51 =	vld [tilespmem:$0x1FF50]  }
0x35a: {  	v49 =	vadd.s32 $0x800, v48  }
0x35b: {  	v53 =	vadd.s32 $0x1000, v48  }
0x35c: {  	v48 =	vld.idx.msk [tilespmem:v48+s26+$0x0], $0xffff;
	_ =	sdelay $0x2  }
0x35d: {  	v49 =	vld.idx.msk [tilespmem:v49+s26+$0x0], $0xffff  }
0x35e: {  	v50 =	vld.idx.msk [tilespmem:v53+s26+$0x0], $0xffff  }
0x35f: {  	[tilespmem:v51+s20+$0x0] =	vst.idx.msk $0xffff, v48;
	v51 =	vld [tilespmem:$0x1FF60];
	_ =	sdelay $0x7  }
0x360: {  	[tilespmem:v51+s20+$0x0] =	vst.idx.msk $0xffff, v49;
	v51 =	vld [tilespmem:$0x1FF70];
	_ =	sdelay $0x7  }
0x361: {  	[tilespmem:v51+s20+$0x0] =	vst.idx.msk $0xffff, v50;
	v51 =	vld [tilespmem:$0x1FF80]  }
0x362: {  	v52 =	vld [tilespmem:$0x1FF90]  }
0x363: {  	v53 =	vld [tilespmem:$0x1FFA0];
	_ =	sdelay $0x5  }
0x364: {  	[tilespmem:v51+s30+$0x0] =	vst.idx.msk $0xffff, v48  }
0x365: {  	[tilespmem:v52+s30+$0x0] =	vst.idx.msk $0xffff, v49  }
0x366: {  	[tilespmem:v53+s30+$0x0] =	vst.idx.msk $0xffff, v50  }
0x367: {  	v48 =	vld [tilespmem:s13+$0x11840];
	_ =	sdelay $0x4  }
0x368: {  	v52 =	vshll.u32 v48, $0x1  }
0x369: {  	v50 =	vand.u32 $0xFFFFF800, v48;
	v49 =	vand.u32 $0xFFFFF000, v52  }
0x36a: {  	v51 =	vand.u32 $0x7F8, v48;
	v49 =	vadd.s32 v50, v49  }
0x36b: {  	v48 =	vand.u32 $0x7, v48;
	v49 =	vor.u32 v51, v49  }
0x36c: {  	v48 =	vor.u32 v48, v49;
	_ =	sdelay $0x1  }
0x36d: {  	v51 =	vld [tilespmem:$0x1FFB0]  }
0x36e: {  	v49 =	vadd.s32 $0x800, v48  }
0x36f: {  	v53 =	vadd.s32 $0x1000, v48  }
0x370: {  	v48 =	vld.idx.msk [tilespmem:v48+s26+$0x0], $0xffff;
	_ =	sdelay $0x2  }
0x371: {  	v49 =	vld.idx.msk [tilespmem:v49+s26+$0x0], $0xffff  }
0x372: {  	v50 =	vld.idx.msk [tilespmem:v53+s26+$0x0], $0xffff  }
0x373: {  	[tilespmem:v51+s20+$0x0] =	vst.idx.msk $0xffff, v48;
	v51 =	vld [tilespmem:$0x1FFC0];
	_ =	sdelay $0x7  }
0x374: {  	[tilespmem:v51+s20+$0x0] =	vst.idx.msk $0xffff, v49;
	v51 =	vld [tilespmem:$0x1FFD0];
	_ =	sdelay $0x7  }
0x375: {  	[tilespmem:v51+s20+$0x0] =	vst.idx.msk $0xffff, v50;
	v51 =	vld [tilespmem:$0x1FFE0]  }
0x376: {  	v52 =	vld [tilespmem:$0x1FFF0];
	_ =	sdelay $0x6  }
0x377: {  	[tilespmem:v51+s30+$0x0] =	vst.idx.msk $0xffff, v48  }
0x378: {  	[tilespmem:v52+s30+$0x0] =	vst.idx.msk $0xffff, v49  }
0x379: {  	[tilespmem:v54+s30+$0x0] =	vst.idx.msk $0xffff, v50  }
0x37a: {  	v48 =	vld [tilespmem:s13+$0x11850];
	_ =	sdelay $0x4  }
0x37b: {  	v53 =	vshll.u32 v48, $0x1  }
0x37c: {  	v50 =	vand.u32 $0xFFFFF800, v48;
	v49 =	vand.u32 $0xFFFFF000, v53  }
0x37d: {  	v51 =	vand.u32 $0x7F8, v48;
	v49 =	vadd.s32 v50, v49  }
0x37e: {  	v48 =	vand.u32 $0x7, v48;
	v49 =	vor.u32 v51, v49  }
0x37f: {  	v48 =	vor.u32 v48, v49  }
0x380: {  	v49 =	vadd.s32 $0x800, v48  }
0x381: {  	v52 =	vadd.s32 $0x1000, v48;
	_ =	sdelay $0x2  }
0x382: {  	v48 =	vld.idx.msk [tilespmem:v48+s26+$0x0], $0xffff  }
0x383: {  	v49 =	vld.idx.msk [tilespmem:v49+s26+$0x0], $0xffff  }
0x384: {  	v50 =	vld.idx.msk [tilespmem:v52+s26+$0x0], $0xffff;
	_ =	sdelay $0x2  }
0x385: {  	[tilespmem:v55+s20+$0x0] =	vst.idx.msk $0xffff, v48  }
0x386: {  	[tilespmem:v56+s20+$0x0] =	vst.idx.msk $0xffff, v49  }
0x387: {  	[tilespmem:v57+s20+$0x0] =	vst.idx.msk $0xffff, v50  }
0x388: {  	[tilespmem:v58+s30+$0x0] =	vst.idx.msk $0xffff, v48  }
0x389: {  	[tilespmem:v59+s30+$0x0] =	vst.idx.msk $0xffff, v49  }
0x38a: {  	[tilespmem:v60+s30+$0x0] =	vst.idx.msk $0xffff, v50  }
0x38b: {  	v48 =	vld [tilespmem:s13+$0x11860];
	_ =	sdelay $0x4  }
0x38c: {  	v53 =	vshll.u32 v48, $0x1  }
0x38d: {  	v50 =	vand.u32 $0xFFFFF800, v48;
	v49 =	vand.u32 $0xFFFFF000, v53  }
0x38e: {  	v51 =	vand.u32 $0x7F8, v48;
	v49 =	vadd.s32 v50, v49  }
0x38f: {  	v48 =	vand.u32 $0x7, v48;
	v49 =	vor.u32 v51, v49  }
0x390: {  	v48 =	vor.u32 v48, v49  }
0x391: {  	v49 =	vadd.s32 $0x800, v48  }
0x392: {  	v52 =	vadd.s32 $0x1000, v48;
	_ =	sdelay $0x2  }
0x393: {  	v48 =	vld.idx.msk [tilespmem:v48+s26+$0x0], $0xffff  }
0x394: {  	v49 =	vld.idx.msk [tilespmem:v49+s26+$0x0], $0xffff  }
0x395: {  	v50 =	vld.idx.msk [tilespmem:v52+s26+$0x0], $0xffff;
	_ =	sdelay $0x2  }
0x396: {  	[tilespmem:v61+s20+$0x0] =	vst.idx.msk $0xffff, v48  }
0x397: {  	[tilespmem:v62+s20+$0x0] =	vst.idx.msk $0xffff, v49  }
0x398: {  	[tilespmem:v63+s20+$0x0] =	vst.idx.msk $0xffff, v50  }
0x399: {  	[tilespmem:v32+s30+$0x0] =	vst.idx.msk $0xffff, v48  }
0x39a: {  	[tilespmem:v33+s30+$0x0] =	vst.idx.msk $0xffff, v49  }
0x39b: {  	[tilespmem:v35+s30+$0x0] =	vst.idx.msk $0xffff, v50  }
0x39c: {  	v48 =	vld [tilespmem:s13+$0x11870];
	_ =	sdelay $0x4  }
0x39d: {  	v53 =	vshll.u32 v48, $0x1  }
0x39e: {  	v50 =	vand.u32 $0xFFFFF800, v48;
	v49 =	vand.u32 $0xFFFFF000, v53  }
0x39f: {  	v51 =	vand.u32 $0x7F8, v48;
	v49 =	vadd.s32 v50, v49  }
0x3a0: {  	v48 =	vand.u32 $0x7, v48;
	v49 =	vor.u32 v51, v49  }
0x3a1: {  	v48 =	vor.u32 v48, v49  }
0x3a2: {  	v49 =	vadd.s32 $0x800, v48  }
0x3a3: {  	v52 =	vadd.s32 $0x1000, v48;
	_ =	sdelay $0x2  }
0x3a4: {  	v48 =	vld.idx.msk [tilespmem:v48+s26+$0x0], $0xffff  }
0x3a5: {  	v49 =	vld.idx.msk [tilespmem:v49+s26+$0x0], $0xffff  }
0x3a6: {  	v50 =	vld.idx.msk [tilespmem:v52+s26+$0x0], $0xffff;
	_ =	sdelay $0x2  }
0x3a7: {  	[tilespmem:v36+s20+$0x0] =	vst.idx.msk $0xffff, v48  }
0x3a8: {  	[tilespmem:v37+s20+$0x0] =	vst.idx.msk $0xffff, v49  }
0x3a9: {  	[tilespmem:v38+s20+$0x0] =	vst.idx.msk $0xffff, v50  }
0x3aa: {  	[tilespmem:v39+s30+$0x0] =	vst.idx.msk $0xffff, v48  }
0x3ab: {  	[tilespmem:v40+s30+$0x0] =	vst.idx.msk $0xffff, v49  }
0x3ac: {  	[tilespmem:v41+s30+$0x0] =	vst.idx.msk $0xffff, v50  }
0x3ad: {  	v48 =	vld [tilespmem:s13+$0x11880];
	_ =	sdelay $0x4  }
0x3ae: {  	v53 =	vshll.u32 v48, $0x1  }
0x3af: {  	v50 =	vand.u32 $0xFFFFF800, v48;
	v49 =	vand.u32 $0xFFFFF000, v53  }
0x3b0: {  	v51 =	vand.u32 $0x7F8, v48;
	v49 =	vadd.s32 v50, v49  }
0x3b1: {  	v48 =	vand.u32 $0x7, v48;
	v49 =	vor.u32 v51, v49  }
0x3b2: {  	v48 =	vor.u32 v48, v49  }
0x3b3: {  	v49 =	vadd.s32 $0x800, v48  }
0x3b4: {  	v52 =	vadd.s32 $0x1000, v48;
	_ =	sdelay $0x2  }
0x3b5: {  	v48 =	vld.idx.msk [tilespmem:v48+s26+$0x0], $0xffff  }
0x3b6: {  	v49 =	vld.idx.msk [tilespmem:v49+s26+$0x0], $0xffff  }
0x3b7: {  	v50 =	vld.idx.msk [tilespmem:v52+s26+$0x0], $0xffff;
	_ =	sdelay $0x2  }
0x3b8: {  	[tilespmem:v42+s20+$0x0] =	vst.idx.msk $0xffff, v48  }
0x3b9: {  	[tilespmem:v45+s20+$0x0] =	vst.idx.msk $0xffff, v49  }
0x3ba: {  	v51 =	vmov s0;
	[tilespmem:v47+s20+$0x0] =	vst.idx.msk $0xffff, v50  }
0x3bb: {  	v52 =	vshll.u32 v51, $0x7;
	[tilespmem:v46+s30+$0x0] =	vst.idx.msk $0xffff, v48  }
0x3bc: {  	v53 =	vor.u32 v0, v52;
	[tilespmem:v43+s30+$0x0] =	vst.idx.msk $0xffff, v49  }
0x3bd: {  	[tilespmem:v44+s30+$0x0] =	vst.idx.msk $0xffff, v50  }
0x3be: {  	_ =	swait.ge [sflag:s10], $0x4000  }
0x3bf: {  	v48 =	vmul.u32 $0x88, v51;
	[sflag:s10] =	ssyncset.done $0x0  }
0x3c0: {  	[sflag:s10] =	ssyncadd.s32 $0xFFFFC000  }
0x3c1: {  	v50 =	vadd.s32 v16, v48;
	v49 =	vld.idx.msk [tilespmem:v53+s29+$0x0], $0xffff  }
0x3c2: {  	v51 =	vor.u32 v17, v52;
	_ =	sdelay $0x3  }
0x3c3: {  	[tilespmem:v50+s30+$0x0] =	vst.idx.msk $0xffff, v49  }
0x3c4: {  	v50 =	vadd.s32 v18, v48;
	v49 =	vld.idx.msk [tilespmem:v51+s29+$0x0], $0xffff  }
0x3c5: {  	v51 =	vor.u32 v19, v52;
	_ =	sdelay $0x3  }
0x3c6: {  	[tilespmem:v50+s30+$0x0] =	vst.idx.msk $0xffff, v49  }
0x3c7: {  	v50 =	vadd.s32 v20, v48;
	v49 =	vld.idx.msk [tilespmem:v51+s29+$0x0], $0xffff  }
0x3c8: {  	v51 =	vor.u32 v21, v52;
	_ =	sdelay $0x3  }
0x3c9: {  	[tilespmem:v50+s30+$0x0] =	vst.idx.msk $0xffff, v49  }
0x3ca: {  	v50 =	vadd.s32 v22, v48;
	v49 =	vld.idx.msk [tilespmem:v51+s29+$0x0], $0xffff  }
0x3cb: {  	v51 =	vor.u32 v23, v52;
	_ =	sdelay $0x3  }
0x3cc: {  	[tilespmem:v50+s30+$0x0] =	vst.idx.msk $0xffff, v49  }
0x3cd: {  	v50 =	vadd.s32 v24, v48;
	v49 =	vld.idx.msk [tilespmem:v51+s29+$0x0], $0xffff  }
0x3ce: {  	v51 =	vor.u32 v25, v52;
	_ =	sdelay $0x3  }
0x3cf: {  	[tilespmem:v50+s30+$0x0] =	vst.idx.msk $0xffff, v49  }
0x3d0: {  	v50 =	vadd.s32 v26, v48;
	v49 =	vld.idx.msk [tilespmem:v51+s29+$0x0], $0xffff  }
0x3d1: {  	v51 =	vor.u32 v27, v52;
	_ =	sdelay $0x3  }
0x3d2: {  	[tilespmem:v50+s30+$0x0] =	vst.idx.msk $0xffff, v49  }
0x3d3: {  	v50 =	vadd.s32 v28, v48;
	v49 =	vld.idx.msk [tilespmem:v51+s29+$0x0], $0xffff  }
0x3d4: {  	v51 =	vor.u32 v29, v52;
	_ =	sdelay $0x3  }
0x3d5: {  	s12 =	simm.s32 $0x1;
	[tilespmem:v50+s30+$0x0] =	vst.idx.msk $0xffff, v49  }
0x3d6: {  	s0 =	simm.s32 $0x2;
	v49 =	vmov s12;
	v50 =	vld.idx.msk [tilespmem:v51+s29+$0x0], $0xffff  }
.LBB2_14:
0x3d7: {  	p0 =	sne.s32 s0, $0x7F;
	v51 =	vshll.u32 v49, $0x7;
	v52 =	vadd.s32 v30, v48  }
0x3d8: {  	v53 =	vor.u32 v0, v51;
	_ =	sdelay $0x3  }
0x3d9: {  	v48 =	vmul.u32 $0x88, v49;
	[tilespmem:v52+s30+$0x0] =	vst.idx.msk $0xffff, v50  }
0x3da: {  	v49 =	vld.idx.msk [tilespmem:v53+s29+$0x0], $0xffff  }
0x3db: {  	v50 =	vadd.s32 v16, v48  }
0x3dc: {  	v52 =	vor.u32 v17, v51;
	_ =	sdelay $0x3  }
0x3dd: {  	[tilespmem:v50+s30+$0x0] =	vst.idx.msk $0xffff, v49  }
0x3de: {  	v49 =	vld.idx.msk [tilespmem:v52+s29+$0x0], $0xffff  }
0x3df: {  	v50 =	vadd.s32 v18, v48  }
0x3e0: {  	v52 =	vor.u32 v19, v51;
	_ =	sdelay $0x3  }
0x3e1: {  	[tilespmem:v50+s30+$0x0] =	vst.idx.msk $0xffff, v49  }
0x3e2: {  	v49 =	vld.idx.msk [tilespmem:v52+s29+$0x0], $0xffff  }
0x3e3: {  	v50 =	vadd.s32 v20, v48  }
0x3e4: {  	v52 =	vor.u32 v21, v51;
	_ =	sdelay $0x3  }
0x3e5: {  	[tilespmem:v50+s30+$0x0] =	vst.idx.msk $0xffff, v49  }
0x3e6: {  	v49 =	vld.idx.msk [tilespmem:v52+s29+$0x0], $0xffff  }
0x3e7: {  	v50 =	vadd.s32 v22, v48  }
0x3e8: {  	v52 =	vor.u32 v23, v51;
	_ =	sdelay $0x3  }
0x3e9: {  	[tilespmem:v50+s30+$0x0] =	vst.idx.msk $0xffff, v49  }
0x3ea: {  	v49 =	vld.idx.msk [tilespmem:v52+s29+$0x0], $0xffff  }
0x3eb: {  	v50 =	vadd.s32 v24, v48  }
0x3ec: {  	v52 =	vor.u32 v25, v51;
	_ =	sdelay $0x3  }
0x3ed: {  	[tilespmem:v50+s30+$0x0] =	vst.idx.msk $0xffff, v49  }
0x3ee: {  	v49 =	vld.idx.msk [tilespmem:v52+s29+$0x0], $0xffff  }
0x3ef: {  	v50 =	vadd.s32 v26, v48  }
0x3f0: {  	v52 =	vor.u32 v27, v51;
	_ =	sdelay $0x3  }
0x3f1: {  	[tilespmem:v50+s30+$0x0] =	vst.idx.msk $0xffff, v49  }
0x3f2: {  	v49 =	vld.idx.msk [tilespmem:v52+s29+$0x0], $0xffff  }
0x3f3: {  	v50 =	vadd.s32 v28, v48  }
0x3f4: {  	v51 =	vor.u32 v29, v51  }
.Ltmp6:
0x3f5: {  	(pc) =	sbr.rel @p0 .LBB2_14-.Ltmp6, $3  }
0x3f6: {  	_ =	sdelay $0x1  }
0x3f7: {  	[tilespmem:v50+s30+$0x0] =	vst.idx.msk $0xffff, v49  }
0x3f8: {  	v49 =	vmov s0;
	s0 =	sadd.s32 $0x1, s0;
	v50 =	vld.idx.msk [tilespmem:v51+s29+$0x0], $0xffff  }
0x3f9: {  	v51 =	vshll.u32 v49, $0x7;
	v48 =	vadd.s32 v30, v48  }
0x3fa: {  	v52 =	vor.u32 v0, v51;
	_ =	sdelay $0x2  }
0x3fb: {  	v49 =	vmul.u32 $0x88, v49  }
0x3fc: {  	[tilespmem:v48+s30+$0x0] =	vst.idx.msk $0xffff, v50  }
0x3fd: {  	v50 =	vadd.s32 v16, v49;
	v48 =	vld.idx.msk [tilespmem:v52+s29+$0x0], $0xffff  }
0x3fe: {  	v52 =	vor.u32 v17, v51;
	_ =	sdelay $0x3  }
0x3ff: {  	[tilespmem:v50+s30+$0x0] =	vst.idx.msk $0xffff, v48  }
0x400: {  	v50 =	vadd.s32 v18, v49;
	v48 =	vld.idx.msk [tilespmem:v52+s29+$0x0], $0xffff  }
0x401: {  	v52 =	vor.u32 v19, v51;
	_ =	sdelay $0x3  }
0x402: {  	[tilespmem:v50+s30+$0x0] =	vst.idx.msk $0xffff, v48  }
0x403: {  	v50 =	vadd.s32 v20, v49;
	v48 =	vld.idx.msk [tilespmem:v52+s29+$0x0], $0xffff  }
0x404: {  	v52 =	vor.u32 v21, v51;
	_ =	sdelay $0x3  }
0x405: {  	[tilespmem:v50+s30+$0x0] =	vst.idx.msk $0xffff, v48  }
0x406: {  	v50 =	vadd.s32 v22, v49;
	v48 =	vld.idx.msk [tilespmem:v52+s29+$0x0], $0xffff  }
0x407: {  	v52 =	vor.u32 v23, v51;
	_ =	sdelay $0x3  }
0x408: {  	[tilespmem:v50+s30+$0x0] =	vst.idx.msk $0xffff, v48  }
0x409: {  	v50 =	vadd.s32 v24, v49;
	v48 =	vld.idx.msk [tilespmem:v52+s29+$0x0], $0xffff  }
0x40a: {  	v52 =	vor.u32 v25, v51;
	_ =	sdelay $0x3  }
0x40b: {  	[tilespmem:v50+s30+$0x0] =	vst.idx.msk $0xffff, v48  }
0x40c: {  	v50 =	vadd.s32 v26, v49;
	v48 =	vld.idx.msk [tilespmem:v52+s29+$0x0], $0xffff  }
0x40d: {  	v52 =	vor.u32 v27, v51;
	_ =	sdelay $0x3  }
0x40e: {  	[tilespmem:v50+s30+$0x0] =	vst.idx.msk $0xffff, v48  }
0x40f: {  	v50 =	vadd.s32 v28, v49;
	v48 =	vld.idx.msk [tilespmem:v52+s29+$0x0], $0xffff  }
0x410: {  	v51 =	vor.u32 v29, v51;
	_ =	sdelay $0x3  }
0x411: {  	[tilespmem:v50+s30+$0x0] =	vst.idx.msk $0xffff, v48  }
0x412: {  	v49 =	vadd.s32 v30, v49;
	v48 =	vld.idx.msk [tilespmem:v51+s29+$0x0], $0xffff;
	_ =	sdelay $0x4  }
0x413: {  	[tilespmem:v49+s30+$0x0] =	vst.idx.msk $0xffff, v48  }
0x414: {  	_ =	swait.ge [sflag:s31], $0x4000  }
0x415: {  	[sflag:s31] =	ssyncset.done $0x0  }
0x416: {  	s0 =	simm.s32 $0x0;
	s2 =	rddreg [dreg:$0x1a];
	[sflag:s31] =	ssyncadd.s32 $0xFFFFC000  }
0x417: {  	[hbm4b:s2+s0] =	stream.linear.scatter [tilespmem:s20], [sflag:$0x3], $0x400, $0x38;
	[tilespmem:$0x1A330] =	vst v63  }
0x418: {  	_ =	swait.ge [sflag:s18], $0x400  }
0x419: {  	[sflag:s18] =	ssyncset.done $0x0  }
0x41a: {  	s7 =	rddreg [dreg:$0x14];
	[sflag:s18] =	ssyncadd.s32 $0xFFFFFC00  }
0x41b: {  	[hbm4b:s7+s0] =	stream.linear.scatter [tilespmem:s30], [sflag:$0x3], $0x4400, $0x38;
	[tilespmem:$0x1A330] =	vst v63  }
0x41c: {  	_ =	swait.ge [sflag:s18], $0x4400  }
0x41d: {  	[sflag:s18] =	ssyncset.done $0x0  }
0x41e: {  	s8 =	rddreg [dreg:$0x1c];
	[sflag:s18] =	ssyncadd.s32 $0xFFFFBC00  }
0x41f: {  	[hbm4b:s8+s0] =	stream.linear.scatter [tilespmem:s9], [sflag:$0x3], $0x4000, $0x38;
	[tilespmem:$0x1A330] =	vst v63  }
0x420: {  	_ =	swait.ge [sflag:s18], $0x4000  }
0x421: {  	[sflag:s18] =	ssyncset.done $0x0  }
0x422: {  	[sflag:s18] =	ssyncadd.s32 $0xFFFFC000  }
0x423: {  	[tilespmem:s29], [sflag:$0x1] =	stream.indirect.gather [hbm4b:s25+s19], $0x80, s16, s19, $0xb8;
	[tilespmem:$0x1A330] =	vst v63  }
0x424: {  	s11 =	rddreg [dreg:$0xf]  }
0x425: {  	[tilespmem:s9], [sflag:$0x2] =	stream.indirect.gather [hbm4b:s22+s19], $0x80, s16, s19, $0xb8;
	[tilespmem:$0x1A330] =	vst v63  }
0x426: {  	v48 =	vld [tilespmem:s11+$0x11710];
	_ =	sdelay $0x4  }
0x427: {  	v52 =	vshll.u32 v48, $0x1  }
0x428: {  	v53 =	vand.u32 $0xFFFFF800, v48;
	v49 =	vand.u32 $0xFFFFF000, v52  }
0x429: {  	v52 =	vand.u32 $0x7F8, v48;
	v49 =	vadd.s32 v53, v49  }
0x42a: {  	v48 =	vand.u32 $0x7, v48;
	v49 =	vor.u32 v52, v49  }
0x42b: {  	v48 =	vor.u32 v48, v49;
	_ =	sdelay $0x2  }
0x42c: {  	v49 =	vadd.s32 $0x800, v48  }
0x42d: {  	v53 =	vadd.s32 $0x1000, v48  }
0x42e: {  	v48 =	vld.idx.msk [tilespmem:v48+s26+$0x0], $0xffff;
	_ =	sdelay $0x2  }
0x42f: {  	v49 =	vld.idx.msk [tilespmem:v49+s26+$0x0], $0xffff  }
0x430: {  	v50 =	vld.idx.msk [tilespmem:v53+s26+$0x0], $0xffff  }
0x431: {  	[tilespmem:v31+s20+$0x0] =	vst.idx.msk $0xffff, v48;
	v31 =	vld [tilespmem:$0x1FEB0];
	_ =	sdelay $0x7  }
0x432: {  	[tilespmem:v31+s20+$0x0] =	vst.idx.msk $0xffff, v49;
	v31 =	vld [tilespmem:$0x1FEC0];
	_ =	sdelay $0x7  }
0x433: {  	[tilespmem:v31+s20+$0x0] =	vst.idx.msk $0xffff, v50;
	v31 =	vld [tilespmem:$0x1FED0];
	_ =	sdelay $0x6  }
0x434: {  	[tilespmem:v34+s30+$0x0] =	vst.idx.msk $0xffff, v48  }
0x435: {  	[tilespmem:v31+s30+$0x0] =	vst.idx.msk $0xffff, v49;
	v31 =	vld [tilespmem:$0x1FEE0];
	_ =	sdelay $0x7  }
0x436: {  	[tilespmem:v31+s30+$0x0] =	vst.idx.msk $0xffff, v50  }
0x437: {  	v31 =	vld [tilespmem:s13+$0x118A0];
	_ =	sdelay $0x4  }
0x438: {  	v52 =	vshll.u32 v31, $0x1  }
0x439: {  	v53 =	vand.u32 $0xFFFFF800, v31;
	v34 =	vand.u32 $0xFFFFF000, v52  }
0x43a: {  	v52 =	vand.u32 $0x7F8, v31;
	v34 =	vadd.s32 v53, v34  }
0x43b: {  	v31 =	vand.u32 $0x7, v31;
	v34 =	vor.u32 v52, v34  }
0x43c: {  	v31 =	vor.u32 v31, v34  }
0x43d: {  	v53 =	vadd.s32 $0x1000, v31;
	_ =	sdelay $0x3  }
0x43e: {  	v52 =	vld [tilespmem:$0x1FEF0];
	v34 =	vadd.s32 $0x800, v31  }
0x43f: {  	v48 =	vld.idx.msk [tilespmem:v53+s26+$0x0], $0xffff  }
0x440: {  	v53 =	vld [tilespmem:$0x1FF00];
	_ =	sdelay $0x1  }
0x441: {  	v31 =	vld.idx.msk [tilespmem:v31+s26+$0x0], $0xffff  }
0x442: {  	v34 =	vld.idx.msk [tilespmem:v34+s26+$0x0], $0xffff;
	_ =	sdelay $0x3  }
0x443: {  	[tilespmem:v52+s20+$0x0] =	vst.idx.msk $0xffff, v31;
	v52 =	vld [tilespmem:$0x1FF10]  }
0x444: {  	[tilespmem:v53+s20+$0x0] =	vst.idx.msk $0xffff, v34;
	v53 =	vld [tilespmem:$0x1FF20];
	_ =	sdelay $0x6  }
0x445: {  	[tilespmem:v52+s20+$0x0] =	vst.idx.msk $0xffff, v48  }
0x446: {  	[tilespmem:v53+s30+$0x0] =	vst.idx.msk $0xffff, v31;
	v31 =	vld [tilespmem:$0x1FF30];
	_ =	sdelay $0x7  }
0x447: {  	[tilespmem:v31+s30+$0x0] =	vst.idx.msk $0xffff, v34;
	v31 =	vld [tilespmem:$0x1FF40];
	_ =	sdelay $0x7  }
0x448: {  	[tilespmem:v31+s30+$0x0] =	vst.idx.msk $0xffff, v48  }
0x449: {  	v31 =	vld [tilespmem:s13+$0x118B0];
	_ =	sdelay $0x4  }
0x44a: {  	v52 =	vshll.u32 v31, $0x1  }
0x44b: {  	v53 =	vand.u32 $0xFFFFF800, v31;
	v34 =	vand.u32 $0xFFFFF000, v52  }
0x44c: {  	v52 =	vand.u32 $0x7F8, v31;
	v34 =	vadd.s32 v53, v34  }
0x44d: {  	v31 =	vand.u32 $0x7, v31;
	v34 =	vor.u32 v52, v34  }
0x44e: {  	v31 =	vor.u32 v31, v34  }
0x44f: {  	v53 =	vadd.s32 $0x1000, v31;
	_ =	sdelay $0x3  }
0x450: {  	v52 =	vld [tilespmem:$0x1FF50];
	v34 =	vadd.s32 $0x800, v31  }
0x451: {  	v48 =	vld.idx.msk [tilespmem:v53+s26+$0x0], $0xffff  }
0x452: {  	v53 =	vld [tilespmem:$0x1FF60];
	_ =	sdelay $0x1  }
0x453: {  	v31 =	vld.idx.msk [tilespmem:v31+s26+$0x0], $0xffff  }
0x454: {  	v34 =	vld.idx.msk [tilespmem:v34+s26+$0x0], $0xffff;
	_ =	sdelay $0x3  }
0x455: {  	[tilespmem:v52+s20+$0x0] =	vst.idx.msk $0xffff, v31;
	v52 =	vld [tilespmem:$0x1FF70]  }
0x456: {  	[tilespmem:v53+s20+$0x0] =	vst.idx.msk $0xffff, v34;
	v53 =	vld [tilespmem:$0x1FF80];
	_ =	sdelay $0x6  }
0x457: {  	[tilespmem:v52+s20+$0x0] =	vst.idx.msk $0xffff, v48  }
0x458: {  	[tilespmem:v53+s30+$0x0] =	vst.idx.msk $0xffff, v31;
	v31 =	vld [tilespmem:$0x1FF90];
	_ =	sdelay $0x7  }
0x459: {  	[tilespmem:v31+s30+$0x0] =	vst.idx.msk $0xffff, v34;
	v31 =	vld [tilespmem:$0x1FFA0];
	_ =	sdelay $0x7  }
0x45a: {  	[tilespmem:v31+s30+$0x0] =	vst.idx.msk $0xffff, v48  }
0x45b: {  	v31 =	vld [tilespmem:s13+$0x118C0];
	_ =	sdelay $0x4  }
0x45c: {  	v52 =	vshll.u32 v31, $0x1  }
0x45d: {  	v53 =	vand.u32 $0xFFFFF800, v31;
	v34 =	vand.u32 $0xFFFFF000, v52  }
0x45e: {  	v52 =	vand.u32 $0x7F8, v31;
	v34 =	vadd.s32 v53, v34  }
0x45f: {  	v31 =	vand.u32 $0x7, v31;
	v34 =	vor.u32 v52, v34  }
0x460: {  	v31 =	vor.u32 v31, v34  }
0x461: {  	v53 =	vadd.s32 $0x1000, v31;
	_ =	sdelay $0x3  }
0x462: {  	v52 =	vld [tilespmem:$0x1FFB0];
	v34 =	vadd.s32 $0x800, v31  }
0x463: {  	v48 =	vld.idx.msk [tilespmem:v53+s26+$0x0], $0xffff  }
0x464: {  	v53 =	vld [tilespmem:$0x1FFC0];
	_ =	sdelay $0x1  }
0x465: {  	v31 =	vld.idx.msk [tilespmem:v31+s26+$0x0], $0xffff  }
0x466: {  	v34 =	vld.idx.msk [tilespmem:v34+s26+$0x0], $0xffff;
	_ =	sdelay $0x3  }
0x467: {  	[tilespmem:v52+s20+$0x0] =	vst.idx.msk $0xffff, v31;
	v52 =	vld [tilespmem:$0x1FFD0]  }
0x468: {  	[tilespmem:v53+s20+$0x0] =	vst.idx.msk $0xffff, v34;
	v53 =	vld [tilespmem:$0x1FFE0];
	_ =	sdelay $0x6  }
0x469: {  	[tilespmem:v52+s20+$0x0] =	vst.idx.msk $0xffff, v48  }
0x46a: {  	[tilespmem:v53+s30+$0x0] =	vst.idx.msk $0xffff, v31;
	v31 =	vld [tilespmem:$0x1FFF0];
	_ =	sdelay $0x7  }
0x46b: {  	[tilespmem:v31+s30+$0x0] =	vst.idx.msk $0xffff, v34  }
0x46c: {  	[tilespmem:v54+s30+$0x0] =	vst.idx.msk $0xffff, v48  }
0x46d: {  	v31 =	vld [tilespmem:s13+$0x118D0];
	_ =	sdelay $0x4  }
0x46e: {  	v51 =	vshll.u32 v31, $0x1  }
0x46f: {  	v52 =	vand.u32 $0xFFFFF800, v31;
	v34 =	vand.u32 $0xFFFFF000, v51  }
0x470: {  	v53 =	vand.u32 $0x7F8, v31;
	v34 =	vadd.s32 v52, v34  }
0x471: {  	v31 =	vand.u32 $0x7, v31;
	v34 =	vor.u32 v53, v34  }
0x472: {  	v31 =	vor.u32 v31, v34  }
0x473: {  	v34 =	vadd.s32 $0x800, v31  }
0x474: {  	v54 =	vadd.s32 $0x1000, v31;
	_ =	sdelay $0x2  }
0x475: {  	v31 =	vld.idx.msk [tilespmem:v31+s26+$0x0], $0xffff  }
0x476: {  	v34 =	vld.idx.msk [tilespmem:v34+s26+$0x0], $0xffff  }
0x477: {  	v48 =	vld.idx.msk [tilespmem:v54+s26+$0x0], $0xffff;
	_ =	sdelay $0x2  }
0x478: {  	[tilespmem:v55+s20+$0x0] =	vst.idx.msk $0xffff, v31  }
0x479: {  	[tilespmem:v56+s20+$0x0] =	vst.idx.msk $0xffff, v34  }
0x47a: {  	[tilespmem:v57+s20+$0x0] =	vst.idx.msk $0xffff, v48  }
0x47b: {  	[tilespmem:v58+s30+$0x0] =	vst.idx.msk $0xffff, v31  }
0x47c: {  	[tilespmem:v59+s30+$0x0] =	vst.idx.msk $0xffff, v34  }
0x47d: {  	[tilespmem:v60+s30+$0x0] =	vst.idx.msk $0xffff, v48  }
0x47e: {  	v31 =	vld [tilespmem:s13+$0x118E0];
	_ =	sdelay $0x4  }
0x47f: {  	v56 =	vshll.u32 v31, $0x1  }
0x480: {  	v57 =	vand.u32 $0xFFFFF800, v31;
	v34 =	vand.u32 $0xFFFFF000, v56  }
0x481: {  	v58 =	vand.u32 $0x7F8, v31;
	v34 =	vadd.s32 v57, v34  }
0x482: {  	v31 =	vand.u32 $0x7, v31;
	v34 =	vor.u32 v58, v34  }
0x483: {  	v31 =	vor.u32 v31, v34  }
0x484: {  	v34 =	vadd.s32 $0x800, v31  }
0x485: {  	v59 =	vadd.s32 $0x1000, v31;
	_ =	sdelay $0x2  }
0x486: {  	v31 =	vld.idx.msk [tilespmem:v31+s26+$0x0], $0xffff  }
0x487: {  	v34 =	vld.idx.msk [tilespmem:v34+s26+$0x0], $0xffff  }
0x488: {  	v48 =	vld.idx.msk [tilespmem:v59+s26+$0x0], $0xffff;
	_ =	sdelay $0x2  }
0x489: {  	[tilespmem:v61+s20+$0x0] =	vst.idx.msk $0xffff, v31  }
0x48a: {  	[tilespmem:v62+s20+$0x0] =	vst.idx.msk $0xffff, v34  }
0x48b: {  	[tilespmem:v63+s20+$0x0] =	vst.idx.msk $0xffff, v48  }
0x48c: {  	[tilespmem:v32+s30+$0x0] =	vst.idx.msk $0xffff, v31  }
0x48d: {  	[tilespmem:v33+s30+$0x0] =	vst.idx.msk $0xffff, v34  }
0x48e: {  	[tilespmem:v35+s30+$0x0] =	vst.idx.msk $0xffff, v48  }
0x48f: {  	v31 =	vld [tilespmem:s13+$0x118F0];
	_ =	sdelay $0x4  }
0x490: {  	v60 =	vshll.u32 v31, $0x1  }
0x491: {  	v61 =	vand.u32 $0xFFFFF800, v31;
	v32 =	vand.u32 $0xFFFFF000, v60  }
0x492: {  	v62 =	vand.u32 $0x7F8, v31;
	v32 =	vadd.s32 v61, v32  }
0x493: {  	v31 =	vand.u32 $0x7, v31;
	v32 =	vor.u32 v62, v32  }
0x494: {  	v31 =	vor.u32 v31, v32  }
0x495: {  	v32 =	vadd.s32 $0x800, v31  }
0x496: {  	v63 =	vadd.s32 $0x1000, v31;
	_ =	sdelay $0x2  }
0x497: {  	v31 =	vld.idx.msk [tilespmem:v31+s26+$0x0], $0xffff  }
0x498: {  	v32 =	vld.idx.msk [tilespmem:v32+s26+$0x0], $0xffff  }
0x499: {  	v33 =	vld.idx.msk [tilespmem:v63+s26+$0x0], $0xffff;
	_ =	sdelay $0x2  }
0x49a: {  	[tilespmem:v36+s20+$0x0] =	vst.idx.msk $0xffff, v31  }
0x49b: {  	[tilespmem:v37+s20+$0x0] =	vst.idx.msk $0xffff, v32  }
0x49c: {  	[tilespmem:v38+s20+$0x0] =	vst.idx.msk $0xffff, v33  }
0x49d: {  	[tilespmem:v39+s30+$0x0] =	vst.idx.msk $0xffff, v31  }
0x49e: {  	[tilespmem:v40+s30+$0x0] =	vst.idx.msk $0xffff, v32  }
0x49f: {  	[tilespmem:v41+s30+$0x0] =	vst.idx.msk $0xffff, v33  }
0x4a0: {  	v31 =	vld [tilespmem:s13+$0x11900];
	_ =	sdelay $0x4  }
0x4a1: {  	v38 =	vshll.u32 v31, $0x1  }
0x4a2: {  	v39 =	vand.u32 $0xFFFFF800, v31;
	v32 =	vand.u32 $0xFFFFF000, v38  }
0x4a3: {  	v40 =	vand.u32 $0x7F8, v31;
	v32 =	vadd.s32 v39, v32  }
0x4a4: {  	v31 =	vand.u32 $0x7, v31;
	v32 =	vor.u32 v40, v32  }
0x4a5: {  	v31 =	vor.u32 v31, v32  }
0x4a6: {  	v32 =	vadd.s32 $0x800, v31  }
0x4a7: {  	v41 =	vadd.s32 $0x1000, v31;
	_ =	sdelay $0x2  }
0x4a8: {  	v31 =	vld.idx.msk [tilespmem:v31+s26+$0x0], $0xffff  }
0x4a9: {  	v32 =	vld.idx.msk [tilespmem:v32+s26+$0x0], $0xffff  }
0x4aa: {  	v33 =	vld.idx.msk [tilespmem:v41+s26+$0x0], $0xffff;
	_ =	sdelay $0x2  }
0x4ab: {  	[tilespmem:v42+s20+$0x0] =	vst.idx.msk $0xffff, v31  }
0x4ac: {  	[tilespmem:v45+s20+$0x0] =	vst.idx.msk $0xffff, v32  }
0x4ad: {  	[tilespmem:v47+s20+$0x0] =	vst.idx.msk $0xffff, v33;
	v47 =	vmov s0  }
0x4ae: {  	[tilespmem:v46+s30+$0x0] =	vst.idx.msk $0xffff, v31;
	v48 =	vshll.u32 v47, $0x7  }
0x4af: {  	[tilespmem:v43+s30+$0x0] =	vst.idx.msk $0xffff, v32;
	v49 =	vor.u32 v0, v48  }
0x4b0: {  	[tilespmem:v44+s30+$0x0] =	vst.idx.msk $0xffff, v33  }
0x4b1: {  	_ =	swait.ge [sflag:s10], $0x4000  }
0x4b2: {  	v31 =	vmul.u32 $0x88, v47;
	[sflag:s10] =	ssyncset.done $0x0  }
0x4b3: {  	[sflag:s10] =	ssyncadd.s32 $0xFFFFC000  }
0x4b4: {  	v50 =	vadd.s32 v16, v31;
	v32 =	vld.idx.msk [tilespmem:v49+s29+$0x0], $0xffff  }
0x4b5: {  	v51 =	vor.u32 v17, v48;
	_ =	sdelay $0x3  }
0x4b6: {  	[tilespmem:v50+s30+$0x0] =	vst.idx.msk $0xffff, v32  }
0x4b7: {  	v52 =	vadd.s32 v18, v31;
	v32 =	vld.idx.msk [tilespmem:v51+s29+$0x0], $0xffff  }
0x4b8: {  	v53 =	vor.u32 v19, v48;
	_ =	sdelay $0x3  }
0x4b9: {  	[tilespmem:v52+s30+$0x0] =	vst.idx.msk $0xffff, v32  }
0x4ba: {  	v54 =	vadd.s32 v20, v31;
	v32 =	vld.idx.msk [tilespmem:v53+s29+$0x0], $0xffff  }
0x4bb: {  	v55 =	vor.u32 v21, v48;
	_ =	sdelay $0x3  }
0x4bc: {  	[tilespmem:v54+s30+$0x0] =	vst.idx.msk $0xffff, v32  }
0x4bd: {  	v56 =	vadd.s32 v22, v31;
	v32 =	vld.idx.msk [tilespmem:v55+s29+$0x0], $0xffff  }
0x4be: {  	v57 =	vor.u32 v23, v48;
	_ =	sdelay $0x3  }
0x4bf: {  	[tilespmem:v56+s30+$0x0] =	vst.idx.msk $0xffff, v32  }
0x4c0: {  	v58 =	vadd.s32 v24, v31;
	v32 =	vld.idx.msk [tilespmem:v57+s29+$0x0], $0xffff  }
0x4c1: {  	v59 =	vor.u32 v25, v48;
	_ =	sdelay $0x3  }
0x4c2: {  	[tilespmem:v58+s30+$0x0] =	vst.idx.msk $0xffff, v32  }
0x4c3: {  	v60 =	vadd.s32 v26, v31;
	v32 =	vld.idx.msk [tilespmem:v59+s29+$0x0], $0xffff  }
0x4c4: {  	v61 =	vor.u32 v27, v48;
	_ =	sdelay $0x3  }
0x4c5: {  	[tilespmem:v60+s30+$0x0] =	vst.idx.msk $0xffff, v32  }
0x4c6: {  	v62 =	vadd.s32 v28, v31;
	v32 =	vld.idx.msk [tilespmem:v61+s29+$0x0], $0xffff  }
0x4c7: {  	v63 =	vor.u32 v29, v48;
	_ =	sdelay $0x3  }
0x4c8: {  	s12 =	simm.s32 $0x1;
	[tilespmem:v62+s30+$0x0] =	vst.idx.msk $0xffff, v32  }
0x4c9: {  	s0 =	simm.s32 $0x2;
	v32 =	vmov s12;
	v33 =	vld.idx.msk [tilespmem:v63+s29+$0x0], $0xffff  }
.LBB2_16:
0x4ca: {  	p0 =	sne.s32 s0, $0x7F;
	v34 =	vshll.u32 v32, $0x7;
	v35 =	vadd.s32 v30, v31  }
0x4cb: {  	v36 =	vor.u32 v0, v34;
	_ =	sdelay $0x3  }
0x4cc: {  	v31 =	vmul.u32 $0x88, v32;
	[tilespmem:v35+s30+$0x0] =	vst.idx.msk $0xffff, v33  }
0x4cd: {  	v32 =	vld.idx.msk [tilespmem:v36+s29+$0x0], $0xffff  }
0x4ce: {  	v33 =	vadd.s32 v16, v31  }
0x4cf: {  	v35 =	vor.u32 v17, v34;
	_ =	sdelay $0x3  }
0x4d0: {  	[tilespmem:v33+s30+$0x0] =	vst.idx.msk $0xffff, v32  }
0x4d1: {  	v32 =	vld.idx.msk [tilespmem:v35+s29+$0x0], $0xffff  }
0x4d2: {  	v33 =	vadd.s32 v18, v31  }
0x4d3: {  	v35 =	vor.u32 v19, v34;
	_ =	sdelay $0x3  }
0x4d4: {  	[tilespmem:v33+s30+$0x0] =	vst.idx.msk $0xffff, v32  }
0x4d5: {  	v32 =	vld.idx.msk [tilespmem:v35+s29+$0x0], $0xffff  }
0x4d6: {  	v33 =	vadd.s32 v20, v31  }
0x4d7: {  	v35 =	vor.u32 v21, v34;
	_ =	sdelay $0x3  }
0x4d8: {  	[tilespmem:v33+s30+$0x0] =	vst.idx.msk $0xffff, v32  }
0x4d9: {  	v32 =	vld.idx.msk [tilespmem:v35+s29+$0x0], $0xffff  }
0x4da: {  	v33 =	vadd.s32 v22, v31  }
0x4db: {  	v35 =	vor.u32 v23, v34;
	_ =	sdelay $0x3  }
0x4dc: {  	[tilespmem:v33+s30+$0x0] =	vst.idx.msk $0xffff, v32  }
0x4dd: {  	v32 =	vld.idx.msk [tilespmem:v35+s29+$0x0], $0xffff  }
0x4de: {  	v33 =	vadd.s32 v24, v31  }
0x4df: {  	v35 =	vor.u32 v25, v34;
	_ =	sdelay $0x3  }
0x4e0: {  	[tilespmem:v33+s30+$0x0] =	vst.idx.msk $0xffff, v32  }
0x4e1: {  	v32 =	vld.idx.msk [tilespmem:v35+s29+$0x0], $0xffff  }
0x4e2: {  	v33 =	vadd.s32 v26, v31  }
0x4e3: {  	v35 =	vor.u32 v27, v34;
	_ =	sdelay $0x3  }
0x4e4: {  	[tilespmem:v33+s30+$0x0] =	vst.idx.msk $0xffff, v32  }
0x4e5: {  	v32 =	vld.idx.msk [tilespmem:v35+s29+$0x0], $0xffff  }
0x4e6: {  	v33 =	vadd.s32 v28, v31  }
0x4e7: {  	v34 =	vor.u32 v29, v34  }
.Ltmp7:
0x4e8: {  	(pc) =	sbr.rel @p0 .LBB2_16-.Ltmp7, $3  }
0x4e9: {  	_ =	sdelay $0x1  }
0x4ea: {  	[tilespmem:v33+s30+$0x0] =	vst.idx.msk $0xffff, v32  }
0x4eb: {  	v32 =	vmov s0;
	s0 =	sadd.s32 $0x1, s0;
	v33 =	vld.idx.msk [tilespmem:v34+s29+$0x0], $0xffff  }
0x4ec: {  	v34 =	vshll.u32 v32, $0x7;
	v31 =	vadd.s32 v30, v31  }
0x4ed: {  	v35 =	vor.u32 v0, v34;
	_ =	sdelay $0x2  }
0x4ee: {  	v57 =	vmul.u32 $0x88, v32  }
0x4ef: {  	[tilespmem:v31+s30+$0x0] =	vst.idx.msk $0xffff, v33  }
0x4f0: {  	v16 =	vadd.s32 v16, v57;
	v31 =	vld.idx.msk [tilespmem:v35+s29+$0x0], $0xffff  }
0x4f1: {  	v17 =	vor.u32 v17, v34;
	_ =	sdelay $0x3  }
0x4f2: {  	[tilespmem:v16+s30+$0x0] =	vst.idx.msk $0xffff, v31  }
0x4f3: {  	v16 =	vld.idx.msk [tilespmem:v17+s29+$0x0], $0xffff;
	v17 =	vadd.s32 v18, v57  }
0x4f4: {  	v58 =	vor.u32 v19, v34;
	_ =	sdelay $0x3  }
0x4f5: {  	[tilespmem:v17+s30+$0x0] =	vst.idx.msk $0xffff, v16  }
0x4f6: {  	v17 =	vadd.s32 v20, v57;
	v16 =	vld.idx.msk [tilespmem:v58+s29+$0x0], $0xffff  }
0x4f7: {  	v59 =	vor.u32 v21, v34;
	_ =	sdelay $0x3  }
0x4f8: {  	[tilespmem:v17+s30+$0x0] =	vst.idx.msk $0xffff, v16  }
0x4f9: {  	v17 =	vadd.s32 v22, v57;
	v16 =	vld.idx.msk [tilespmem:v59+s29+$0x0], $0xffff  }
0x4fa: {  	v60 =	vor.u32 v23, v34;
	_ =	sdelay $0x3  }
0x4fb: {  	[tilespmem:v17+s30+$0x0] =	vst.idx.msk $0xffff, v16  }
0x4fc: {  	v17 =	vadd.s32 v24, v57;
	v16 =	vld.idx.msk [tilespmem:v60+s29+$0x0], $0xffff  }
0x4fd: {  	v61 =	vor.u32 v25, v34;
	_ =	sdelay $0x3  }
0x4fe: {  	[tilespmem:v17+s30+$0x0] =	vst.idx.msk $0xffff, v16  }
0x4ff: {  	v17 =	vadd.s32 v26, v57;
	v16 =	vld.idx.msk [tilespmem:v61+s29+$0x0], $0xffff  }
0x500: {  	v62 =	vor.u32 v27, v34;
	_ =	sdelay $0x3  }
0x501: {  	[tilespmem:v17+s30+$0x0] =	vst.idx.msk $0xffff, v16  }
0x502: {  	v17 =	vadd.s32 v28, v57;
	v16 =	vld.idx.msk [tilespmem:v62+s29+$0x0], $0xffff  }
0x503: {  	v63 =	vor.u32 v29, v34;
	_ =	sdelay $0x3  }
0x504: {  	[tilespmem:v17+s30+$0x0] =	vst.idx.msk $0xffff, v16  }
0x505: {  	v17 =	vadd.s32 v30, v57;
	v16 =	vld.idx.msk [tilespmem:v63+s29+$0x0], $0xffff;
	_ =	sdelay $0x4  }
0x506: {  	[tilespmem:v17+s30+$0x0] =	vst.idx.msk $0xffff, v16  }
0x507: {  	_ =	swait.ge [sflag:s31], $0x4000  }
0x508: {  	[sflag:s31] =	ssyncset.done $0x0  }
0x509: {  	s0 =	rddreg [dreg:$0x1b];
	[sflag:s31] =	ssyncadd.s32 $0xFFFFC000  }
0x50a: {  	[hbm4b:s0+s1] =	stream.linear.scatter [tilespmem:s20], [sflag:$0x3], $0x400, $0x38;
	[tilespmem:$0x1A330] =	vst v63  }
0x50b: {  	_ =	swait.ge [sflag:s18], $0x400  }
0x50c: {  	[sflag:s18] =	ssyncset.done $0x0  }
0x50d: {  	s8 =	rddreg [dreg:$0x15];
	[sflag:s18] =	ssyncadd.s32 $0xFFFFFC00  }
0x50e: {  	[hbm4b:s8+s1] =	stream.linear.scatter [tilespmem:s30], [sflag:$0x3], $0x4400, $0x38;
	[tilespmem:$0x1A330] =	vst v63  }
0x50f: {  	_ =	swait.ge [sflag:s18], $0x4400  }
0x510: {  	[sflag:s18] =	ssyncset.done $0x0  }
0x511: {  	s11 =	rddreg [dreg:$0x1d];
	[sflag:s18] =	ssyncadd.s32 $0xFFFFBC00  }
0x512: {  	[hbm4b:s11+s1] =	stream.linear.scatter [tilespmem:s9], [sflag:$0x3], $0x4000, $0x38;
	[tilespmem:$0x1A330] =	vst v63  }
0x513: {  	_ =	swait.ge [sflag:s18], $0x4000  }
0x514: {  	s24 =	sadd.s32 $0x1, s24;
	s12 =	rddreg [dreg:$0x1e]  }
0x515: {  	p0 =	sne.s32 s24, s12  }
.Ltmp8:
0x516: {  	_ = 	snop;
	(pc) =	sbr.rel @p0 .LBB2_1-.Ltmp8, $3  }
0x517: {  	_ =	sdelay $0x1  }
0x518: {  	[sflag:s18] =	ssyncset.done $0x0  }
0x519: {  	[sflag:s18] =	ssyncadd.s32 $0xFFFFC000  }
0x51a: {  	_ =	sfence.sel $0x180000  }
0x51b: {  	[bflag:$0x0] =	sbarrier.arrive $0xFFFF  }
0x51c: {  	_ =	strace $0x90000047  }
0x51d: {  	s0 =	stileid.u32;
	[bflag:$0x2] =	sbarrier.arrive $0xFFFF  }
0x51e: {  	p0 =	sne.s32 s0, $0x0;
	s0 =	rddreg [dreg:$0x8]  }
0x51f: {  	s0 =	sadd.s32 @!p0 $0x100000, s0  }
0x520: {  	[sflag:s0] =	ssyncadd.tile.s32 @!p0 $0x1;
	_ =	shalt  }
.Lfunc_end2:
_tile_overlayer_lowered:
.L_overlay_start_2:
0x521: {  	(tag) =	ssettag $0x2  }
0x522: {  	s0 =	rddreg [dreg:$0x0];
	s2 =	stileid.u32  }
0x523: {  	s1 =	rddreg [dreg:$0x1];
	p0 =	sne.s32 s2, $0x0  }
0x524: {  	s3 =	rddreg [dreg:$0x2];
	[bflag:$0x3] =	sbarrier.arrive $0xFFFF;
	s2 =	simm.s32 @!p0 $0x1C03  }
0x525: {  	[timem:s3], [sflag:s2] =	dma.local @!p0 [hbm:s0], s1  }
0x526: {  	s0 =	simm.s32 @!p0 $0x3  }
0x527: {  	_ =	swait.ge @!p0 [sflag:s0], s1  }
0x528: {  	s1 =	ssub.s32 @!p0 $0x0, s1;
	[sflag:s0] =	ssyncset.done @!p0 $0x0  }
0x529: {  	[sflag:s0] =	ssyncadd.s32 @!p0 s1  }
0x52a: {  	[bflag:$0x3] =	sbarrier.arrive $0xFFFF  }
0x52b: {  	_ =	shalt  }

</sc_bundles>
